<compile_context>
chip_gen: v7x
topology: tpu7x:2x2x1
jax: 0.10.2.dev20260603
libtpu: 0.0.44.dev20260713+nightly
codegen_flags: <defaults>
</compile_context>

<pallas_src>
import jax
import jax.numpy as jnp
from jax import lax
from jax.experimental import pallas as pl
from jax.experimental.pallas import tpu as pltpu
from jax.experimental.pallas import tpu_sc as plsc

_N = 2097152
_NW = 32
_RW = _N // _NW
_CH = 1024
_NCH = _RW // _CH
_NG = _CH // 16


def _sc_body(xf, wt_hbm, tokspl_hbm, b_hbm, wspl_hbm, bspl_hbm, of,
             xia, xp, op, ola, fill,
             wt_buf, tokspl_buf, b_buf, wspl_buf, bspl_buf):
    c = lax.axis_index("c")
    s = lax.axis_index("s")
    wid = s * 2 + c

    pltpu.sync_copy(wt_hbm, wt_buf)
    pltpu.sync_copy(tokspl_hbm, tokspl_buf)
    pltpu.sync_copy(b_hbm, b_buf)
    pltpu.sync_copy(wspl_hbm, wspl_buf)
    pltpu.sync_copy(bspl_hbm, bspl_buf)

    iota = lax.iota(jnp.int32, 16)
    rows2 = iota // 8
    cols8 = iota - rows2 * 8
    pad9 = rows2 * 9 + cols8
    iota9 = iota * 9
    iota17 = iota * 17

    crow = b_buf[pl.ds(0, 16)]
    for k in range(8):
        crow = crow + tokspl_buf[pl.ds(16 * k, 16)] * wt_buf[pl.ds(16 * k, 16)]

    @plsc.parallel_loop(0, _CH, unroll=4)
    def _fill_body(r):
        fill[pl.ds(r * 16, 16)] = crow

    xbase = wid * (_RW * 8)
    obase = wid * (_RW * 16)

    def xsrc(ci):
        return xf.at[1, pl.ds(xbase + ci * (_CH * 8), _CH * 8)]

    def odst(ci):
        return of.at[1, pl.ds(obase + ci * (_CH * 16), _CH * 16)]

    def fdst(ci):
        return of.at[0, pl.ds(obase + ci * (_CH * 16), _CH * 16)]

    def repack_in(xi):
        @plsc.parallel_loop(0, _NG, unroll=2)
        def _body(g):
            for u in range(8):
                t = 8 * g + u
                v = xi[pl.ds(t * 16, 16)]
                plsc.store_scatter(xp, [pad9 + t * 18], v)

    def compute():
        for q in range(4):
            js = [4 * q + jj for jj in range(4)]
            wsp = [[wspl_buf[pl.ds((16 * k + j) * 16, 16)] for k in range(8)]
                   for j in js]
            bsp = [bspl_buf[pl.ds(16 * j, 16)] for j in js]

            @plsc.parallel_loop(0, _NG, unroll=2)
            def _gbody(g):
                xb = iota9 + g * 144
                xv = [plsc.load_gather(xp, [xb + k]) for k in range(8)]
                ob = iota17 + g * 272
                for jj in range(4):
                    acc = bsp[jj]
                    for k in range(8):
                        acc = acc + xv[k] * wsp[jj][k]
                    plsc.store_scatter(op, [ob + js[jj]], acc)

    def repack_out(ol):
        @plsc.parallel_loop(0, _NG, unroll=2)
        def _body(g):
            for u in range(16):
                r = g * 16 + u
                ol[pl.ds(r * 16, 16)] = plsc.load_gather(op, [iota + r * 17])

    def chunk_body(ci, carry):
        pltpu.sync_copy(xsrc(ci), xia)
        repack_in(xia)
        compute()
        repack_out(ola)
        pltpu.sync_copy(ola, odst(ci))
        pltpu.sync_copy(fill, fdst(ci))
        return carry

    lax.fori_loop(0, _NCH, chunk_body, 0)


def kernel(x, token, W, b):
    xf = x.reshape(2, _N * 8)
    wt = W.T.reshape(128)
    tokspl = jnp.repeat(token, 16)
    b128 = jnp.concatenate([b, jnp.zeros((112,), jnp.float32)])
    wspl = jnp.repeat(wt, 16)
    bspl = jnp.repeat(b, 16)
    mesh = plsc.VectorSubcoreMesh(core_axis_name="c", subcore_axis_name="s")
    out = pl.kernel(
        _sc_body,
        out_type=jax.ShapeDtypeStruct((2, _N * 16), jnp.float32),
        mesh=mesh,
        compiler_params=pltpu.CompilerParams(needs_layout_passes=False),
        scratch_types=[
            pltpu.VMEM((_CH * 8,), jnp.float32),
            pltpu.VMEM((_CH * 9,), jnp.float32),
            pltpu.VMEM((_CH * 17,), jnp.float32),
            pltpu.VMEM((_CH * 16,), jnp.float32),
            pltpu.VMEM((_CH * 16,), jnp.float32),
            pltpu.VMEM((128,), jnp.float32),
            pltpu.VMEM((128,), jnp.float32),
            pltpu.VMEM((128,), jnp.float32),
            pltpu.VMEM((2048,), jnp.float32),
            pltpu.VMEM((256,), jnp.float32),
        ],
    )(xf, wt, tokspl, b128, wspl, bspl)
    return out.reshape(2, _N, 16)

# --- scband reference (transcript-rebuilt; emitter-appended) ---
"""Pipeline reference for scband-model-11879879541666 (READ-ONLY COPY).

The authoritative reference and input builder live on the scoring server;
editing this copy changes nothing except your own understanding.
"""

import jax, jax.numpy as jnp
import numpy as np


def setup_inputs(seed: int = 0) -> dict:
    key = jax.random.key(seed)
    k1, k2, k3 = jax.random.split(key, 3)
    x = jax.random.normal(k1, (2, 2097152, 8), dtype=jnp.float32)
    # learned parameters per module __init__
    token = jnp.zeros((8,), dtype=jnp.float32)  # nn.Parameter(torch.zeros(8))
    W = jax.random.normal(k2, (16, 8), dtype=jnp.float32) * (1.0 / np.sqrt(8.0))  # Linear(8,16) weight
    b = jax.random.normal(k3, (16,), dtype=jnp.float32) * 0.01  # Linear bias
    return {"x": x, "token": token, "W": W, "b": b}


def reference(x, token, W, b):
    # x[[True, False]] = self.token  -> overwrite slice x[0] with broadcast token
    x = x.at[0].set(jnp.broadcast_to(token, x.shape[1:]))
    # x = self.layer(x)  (Linear: x @ W.T + b)
    out = x @ W.T + b
    return out

if __name__ == "__main__":
    import jax
    _d = setup_inputs()
    print(jax.jit(kernel)(*tuple(_d.values())))

</pallas_src>

<mosaic_0001>
#map = affine_map<(d0, d1) -> (0, 0)>
#map1 = affine_map<(d0, d1) -> (0)>
module attributes {stable_mosaic.version = 14 : i64} {
  func.func @_sc_body(%arg0: i32, %arg1: i32, %arg2: memref<2x16777216xf32, #tpu.memory_space<hbm>>, %arg3: memref<128xf32, #tpu.memory_space<hbm>>, %arg4: memref<128xf32, #tpu.memory_space<hbm>>, %arg5: memref<128xf32, #tpu.memory_space<hbm>>, %arg6: memref<2048xf32, #tpu.memory_space<hbm>>, %arg7: memref<256xf32, #tpu.memory_space<hbm>>, %arg8: memref<2x33554432xf32, #tpu.memory_space<hbm>>, %arg9: memref<8192xf32, #tpu.memory_space<vmem>>, %arg10: memref<9216xf32, #tpu.memory_space<vmem>>, %arg11: memref<17408xf32, #tpu.memory_space<vmem>>, %arg12: memref<16384xf32, #tpu.memory_space<vmem>>, %arg13: memref<16384xf32, #tpu.memory_space<vmem>>, %arg14: memref<128xf32, #tpu.memory_space<vmem>>, %arg15: memref<128xf32, #tpu.memory_space<vmem>>, %arg16: memref<128xf32, #tpu.memory_space<vmem>>, %arg17: memref<2048xf32, #tpu.memory_space<vmem>>, %arg18: memref<256xf32, #tpu.memory_space<vmem>>) attributes {dimension_semantics = [#tpu.dimension_semantics<core_parallel>, #tpu.dimension_semantics<subcore_parallel>], iteration_bounds = array<i64: 2, 16>, scalar_prefetch = 0 : i64, scratch_operands = 10 : i64, tpu.core_type = #tpu.core_type<sc_vector_subcore>, window_params = [{transform_indices = #map}, {transform_indices = #map1}, {transform_indices = #map1}, {transform_indices = #map1}, {transform_indices = #map1}, {transform_indices = #map1}, {transform_indices = #map}]} {
    %mul3A = arith.constant 2 : i32
    %mul3A_0 = arith.muli %arg1, %mul3A : i32
    %add3A = arith.addi %mul3A_0, %arg0 : i32
    "tpu.region"() ({
      %run_scoped3A = tpu.sem_alloc : memref<!tpu.dma_semaphore, #tpu.memory_space<semaphore_mem>>
      tpu.enqueue_dma source(%arg3 : memref<128xf32, #tpu.memory_space<hbm>>) target(%arg14 : memref<128xf32, #tpu.memory_space<vmem>>) target_semaphore(%run_scoped3A : memref<!tpu.dma_semaphore, #tpu.memory_space<semaphore_mem>>)
      tpu.wait_dma2 semaphore(%run_scoped3A : memref<!tpu.dma_semaphore, #tpu.memory_space<semaphore_mem>>) src(%arg3 : memref<128xf32, #tpu.memory_space<hbm>>) dst(%arg14 : memref<128xf32, #tpu.memory_space<vmem>>)
      tpu.yield
    }) : () -> ()
    "tpu.region"() ({
      %run_scoped3A = tpu.sem_alloc : memref<!tpu.dma_semaphore, #tpu.memory_space<semaphore_mem>>
      tpu.enqueue_dma source(%arg4 : memref<128xf32, #tpu.memory_space<hbm>>) target(%arg15 : memref<128xf32, #tpu.memory_space<vmem>>) target_semaphore(%run_scoped3A : memref<!tpu.dma_semaphore, #tpu.memory_space<semaphore_mem>>)
      tpu.wait_dma2 semaphore(%run_scoped3A : memref<!tpu.dma_semaphore, #tpu.memory_space<semaphore_mem>>) src(%arg4 : memref<128xf32, #tpu.memory_space<hbm>>) dst(%arg15 : memref<128xf32, #tpu.memory_space<vmem>>)
      tpu.yield
    }) : () -> ()
    "tpu.region"() ({
      %run_scoped3A = tpu.sem_alloc : memref<!tpu.dma_semaphore, #tpu.memory_space<semaphore_mem>>
      tpu.enqueue_dma source(%arg5 : memref<128xf32, #tpu.memory_space<hbm>>) target(%arg16 : memref<128xf32, #tpu.memory_space<vmem>>) target_semaphore(%run_scoped3A : memref<!tpu.dma_semaphore, #tpu.memory_space<semaphore_mem>>)
      tpu.wait_dma2 semaphore(%run_scoped3A : memref<!tpu.dma_semaphore, #tpu.memory_space<semaphore_mem>>) src(%arg5 : memref<128xf32, #tpu.memory_space<hbm>>) dst(%arg16 : memref<128xf32, #tpu.memory_space<vmem>>)
      tpu.yield
    }) : () -> ()
    "tpu.region"() ({
      %run_scoped3A = tpu.sem_alloc : memref<!tpu.dma_semaphore, #tpu.memory_space<semaphore_mem>>
      tpu.enqueue_dma source(%arg6 : memref<2048xf32, #tpu.memory_space<hbm>>) target(%arg17 : memref<2048xf32, #tpu.memory_space<vmem>>) target_semaphore(%run_scoped3A : memref<!tpu.dma_semaphore, #tpu.memory_space<semaphore_mem>>)
      tpu.wait_dma2 semaphore(%run_scoped3A : memref<!tpu.dma_semaphore, #tpu.memory_space<semaphore_mem>>) src(%arg6 : memref<2048xf32, #tpu.memory_space<hbm>>) dst(%arg17 : memref<2048xf32, #tpu.memory_space<vmem>>)
      tpu.yield
    }) : () -> ()
    "tpu.region"() ({
      %run_scoped3A = tpu.sem_alloc : memref<!tpu.dma_semaphore, #tpu.memory_space<semaphore_mem>>
      tpu.enqueue_dma source(%arg7 : memref<256xf32, #tpu.memory_space<hbm>>) target(%arg18 : memref<256xf32, #tpu.memory_space<vmem>>) target_semaphore(%run_scoped3A : memref<!tpu.dma_semaphore, #tpu.memory_space<semaphore_mem>>)
      tpu.wait_dma2 semaphore(%run_scoped3A : memref<!tpu.dma_semaphore, #tpu.memory_space<semaphore_mem>>) src(%arg7 : memref<256xf32, #tpu.memory_space<hbm>>) dst(%arg18 : memref<256xf32, #tpu.memory_space<vmem>>)
      tpu.yield
    }) : () -> ()
    %iota3A = tpu.iota {dimensions = array<i32: 0>} : vector<16xi32>
    %jit3A = arith.constant 8 : i32
    %div3A = vector.broadcast %jit3A : i32 to vector<16xi32>
    %div3A_1 = arith.divsi %iota3A, %div3A : vector<16xi32>
    %sign3A = arith.constant 0 : i32
    %sign3A_2 = vector.broadcast %sign3A : i32 to vector<16xi32>
    %sign3A_3 = arith.cmpi sgt, %iota3A, %sign3A_2 : vector<16xi32>
    %sign3A_4 = arith.extui %sign3A_3 : vector<16xi1> to vector<16xi32>
    %sign3A_5 = arith.constant 0 : i32
    %sign3A_6 = vector.broadcast %sign3A_5 : i32 to vector<16xi32>
    %sign3A_7 = arith.cmpi slt, %iota3A, %sign3A_6 : vector<16xi32>
    %sign3A_8 = arith.extui %sign3A_7 : vector<16xi1> to vector<16xi32>
    %sign3A_9 = arith.subi %sign3A_4, %sign3A_8 : vector<16xi32>
    %sign3A_10 = arith.constant 0 : i32
    %sign3A_11 = arith.cmpi sgt, %jit3A, %sign3A_10 : i32
    %sign3A_12 = arith.extui %sign3A_11 : i1 to i32
    %sign3A_13 = arith.constant 0 : i32
    %sign3A_14 = arith.cmpi slt, %jit3A, %sign3A_13 : i32
    %sign3A_15 = arith.extui %sign3A_14 : i1 to i32
    %sign3A_16 = arith.subi %sign3A_12, %sign3A_15 : i32
    %ne3A = vector.broadcast %sign3A_16 : i32 to vector<16xi32>
    %ne3A_17 = arith.cmpi ne, %sign3A_9, %ne3A : vector<16xi32>
    %rem3A = vector.broadcast %jit3A : i32 to vector<16xi32>
    %rem3A_18 = arith.remsi %iota3A, %rem3A : vector<16xi32>
    %ne3A_19 = arith.constant 0 : i32
    %ne3A_20 = vector.broadcast %ne3A_19 : i32 to vector<16xi32>
    %ne3A_21 = arith.cmpi ne, %rem3A_18, %ne3A_20 : vector<16xi32>
    %and3A = arith.andi %ne3A_17, %ne3A_21 : vector<16xi1>
    %sub3A = arith.constant 1 : i32
    %sub3A_22 = vector.broadcast %sub3A : i32 to vector<16xi32>
    %sub3A_23 = arith.subi %div3A_1, %sub3A_22 : vector<16xi32>
    %select_n3A = arith.select %and3A, %sub3A_23, %div3A_1 : vector<16xi1>, vector<16xi32>
    %mul3A_24 = arith.constant 8 : i32
    %mul3A_25 = vector.broadcast %mul3A_24 : i32 to vector<16xi32>
    %mul3A_26 = arith.muli %select_n3A, %mul3A_25 : vector<16xi32>
    %sub3A_27 = arith.subi %iota3A, %mul3A_26 : vector<16xi32>
    %mul3A_28 = arith.constant 9 : i32
    %mul3A_29 = vector.broadcast %mul3A_28 : i32 to vector<16xi32>
    %mul3A_30 = arith.muli %select_n3A, %mul3A_29 : vector<16xi32>
    %add3A_31 = arith.addi %mul3A_30, %sub3A_27 : vector<16xi32>
    %mul3A_32 = arith.constant 9 : i32
    %mul3A_33 = vector.broadcast %mul3A_32 : i32 to vector<16xi32>
    %mul3A_34 = arith.muli %iota3A, %mul3A_33 : vector<16xi32>
    %mul3A_35 = arith.constant 17 : i32
    %mul3A_36 = vector.broadcast %mul3A_35 : i32 to vector<16xi32>
    %mul3A_37 = arith.muli %iota3A, %mul3A_36 : vector<16xi32>
    %get3A = arith.constant 0 : index
    %get3A_38 = tpu.vector_load %arg16[%get3A] {strides = array<i32>} : memref<128xf32, #tpu.memory_space<vmem>>, vector<16xf32>,
    %get3A_39 = arith.constant 0 : index
    %get3A_40 = tpu.vector_load %arg15[%get3A_39] {strides = array<i32>} : memref<128xf32, #tpu.memory_space<vmem>>, vector<16xf32>,
    %get3A_41 = arith.constant 0 : index
    %get3A_42 = tpu.vector_load %arg14[%get3A_41] {strides = array<i32>} : memref<128xf32, #tpu.memory_space<vmem>>, vector<16xf32>,
    %mul3A_43 = arith.mulf %get3A_40, %get3A_42 : vector<16xf32>
    %add3A_44 = arith.addf %get3A_38, %mul3A_43 : vector<16xf32>
    %get3A_45 = arith.constant 16 : index
    %get3A_46 = tpu.vector_load %arg15[%get3A_45] {strides = array<i32>} : memref<128xf32, #tpu.memory_space<vmem>>, vector<16xf32>,
    %get3A_47 = arith.constant 16 : index
    %get3A_48 = tpu.vector_load %arg14[%get3A_47] {strides = array<i32>} : memref<128xf32, #tpu.memory_space<vmem>>, vector<16xf32>,
    %mul3A_49 = arith.mulf %get3A_46, %get3A_48 : vector<16xf32>
    %add3A_50 = arith.addf %add3A_44, %mul3A_49 : vector<16xf32>
    %get3A_51 = arith.constant 32 : index
    %get3A_52 = tpu.vector_load %arg15[%get3A_51] {strides = array<i32>} : memref<128xf32, #tpu.memory_space<vmem>>, vector<16xf32>,
    %get3A_53 = arith.constant 32 : index
    %get3A_54 = tpu.vector_load %arg14[%get3A_53] {strides = array<i32>} : memref<128xf32, #tpu.memory_space<vmem>>, vector<16xf32>,
    %mul3A_55 = arith.mulf %get3A_52, %get3A_54 : vector<16xf32>
    %add3A_56 = arith.addf %add3A_50, %mul3A_55 : vector<16xf32>
    %get3A_57 = arith.constant 48 : index
    %get3A_58 = tpu.vector_load %arg15[%get3A_57] {strides = array<i32>} : memref<128xf32, #tpu.memory_space<vmem>>, vector<16xf32>,
    %get3A_59 = arith.constant 48 : index
    %get3A_60 = tpu.vector_load %arg14[%get3A_59] {strides = array<i32>} : memref<128xf32, #tpu.memory_space<vmem>>, vector<16xf32>,
    %mul3A_61 = arith.mulf %get3A_58, %get3A_60 : vector<16xf32>
    %add3A_62 = arith.addf %add3A_56, %mul3A_61 : vector<16xf32>
    %get3A_63 = arith.constant 64 : index
    %get3A_64 = tpu.vector_load %arg15[%get3A_63] {strides = array<i32>} : memref<128xf32, #tpu.memory_space<vmem>>, vector<16xf32>,
    %get3A_65 = arith.constant 64 : index
    %get3A_66 = tpu.vector_load %arg14[%get3A_65] {strides = array<i32>} : memref<128xf32, #tpu.memory_space<vmem>>, vector<16xf32>,
    %mul3A_67 = arith.mulf %get3A_64, %get3A_66 : vector<16xf32>
    %add3A_68 = arith.addf %add3A_62, %mul3A_67 : vector<16xf32>
    %get3A_69 = arith.constant 80 : index
    %get3A_70 = tpu.vector_load %arg15[%get3A_69] {strides = array<i32>} : memref<128xf32, #tpu.memory_space<vmem>>, vector<16xf32>,
    %get3A_71 = arith.constant 80 : index
    %get3A_72 = tpu.vector_load %arg14[%get3A_71] {strides = array<i32>} : memref<128xf32, #tpu.memory_space<vmem>>, vector<16xf32>,
    %mul3A_73 = arith.mulf %get3A_70, %get3A_72 : vector<16xf32>
    %add3A_74 = arith.addf %add3A_68, %mul3A_73 : vector<16xf32>
    %get3A_75 = arith.constant 96 : index
    %get3A_76 = tpu.vector_load %arg15[%get3A_75] {strides = array<i32>} : memref<128xf32, #tpu.memory_space<vmem>>, vector<16xf32>,
    %get3A_77 = arith.constant 96 : index
    %get3A_78 = tpu.vector_load %arg14[%get3A_77] {strides = array<i32>} : memref<128xf32, #tpu.memory_space<vmem>>, vector<16xf32>,
    %mul3A_79 = arith.mulf %get3A_76, %get3A_78 : vector<16xf32>
    %add3A_80 = arith.addf %add3A_74, %mul3A_79 : vector<16xf32>
    %get3A_81 = arith.constant 112 : index
    %get3A_82 = tpu.vector_load %arg15[%get3A_81] {strides = array<i32>} : memref<128xf32, #tpu.memory_space<vmem>>, vector<16xf32>,
    %get3A_83 = arith.constant 112 : index
    %get3A_84 = tpu.vector_load %arg14[%get3A_83] {strides = array<i32>} : memref<128xf32, #tpu.memory_space<vmem>>, vector<16xf32>,
    %mul3A_85 = arith.mulf %get3A_82, %get3A_84 : vector<16xf32>
    %add3A_86 = arith.addf %add3A_80, %mul3A_85 : vector<16xf32>
    %parallel_loop3A = arith.constant 0 : i32
    %parallel_loop3A_87 = arith.constant 1024 : i32
    %parallel_loop3A_88 = arith.constant 1 : i32
    scf.for %parallel_loop3A_98 = %parallel_loop3A to %parallel_loop3A_87 step %parallel_loop3A_88  : i32 {
      %parallel_loop3A_99 = arith.constant 16 : i32
      %parallel_loop3A_100 = arith.muli %parallel_loop3A_98, %parallel_loop3A_99 : i32
      %parallel_loop3A_101 = arith.index_cast %parallel_loop3A_100 : i32 to index
      %parallel_loop3A_102 = tpu.vector_load %arg13[%parallel_loop3A_101] {strides = array<i32>} : memref<16384xf32, #tpu.memory_space<vmem>>, vector<16xf32>,
      tpu.vector_store %arg13[%parallel_loop3A_101], %add3A_86 {strides = array<i32>} : memref<16384xf32, #tpu.memory_space<vmem>>, vector<16xf32>,
    } {sc.loop_unroll_factor = 4 : i64, sc.parallel_access}
    %mul3A_89 = arith.constant 524288 : i32
    %mul3A_90 = arith.muli %add3A, %mul3A_89 : i32
    %mul3A_91 = arith.constant 1048576 : i32
    %mul3A_92 = arith.muli %add3A, %mul3A_91 : i32
    %scan3A = arith.constant 0 : i32
    %scan3A_93 = arith.constant 0 : i32
    %scan3A_94 = arith.constant 64 : i32
    %scan3A_95 = arith.addi %scan3A_93, %scan3A_94 : i32
    %scan3A_96 = arith.constant 1 : i32
    scf.for %scan3A_98 = %scan3A_93 to %scan3A_95 step %scan3A_96  : i32 {
      %mul3A_99 = arith.constant 8192 : i32
      %mul3A_100 = arith.muli %scan3A_98, %mul3A_99 : i32
      %add3A_101 = arith.addi %mul3A_90, %mul3A_100 : i32
      %run_scoped3A = arith.constant 1 : i32
      "tpu.region"() ({
        %run_scoped3A_416 = tpu.sem_alloc : memref<!tpu.dma_semaphore, #tpu.memory_space<semaphore_mem>>
        %dma_start3A = tpu.memref_slice %arg2[%run_scoped3A, %add3A_101] : memref<2x16777216xf32, #tpu.memory_space<hbm>> -> memref<1x8192xf32, #tpu.memory_space<hbm>>
        %dma_start3A_417 = tpu.memref_squeeze %dma_start3A : memref<1x8192xf32, #tpu.memory_space<hbm>> -> memref<8192xf32, #tpu.memory_space<hbm>>
        %dma_start3A_418 = tpu.memref_slice %arg2[%run_scoped3A, %add3A_101] : memref<2x16777216xf32, #tpu.memory_space<hbm>> -> memref<1x8192xf32, #tpu.memory_space<hbm>>
        %dma_start3A_419 = tpu.memref_squeeze %dma_start3A_418 : memref<1x8192xf32, #tpu.memory_space<hbm>> -> memref<8192xf32, #tpu.memory_space<hbm>>
        tpu.enqueue_dma source(%dma_start3A_419 : memref<8192xf32, #tpu.memory_space<hbm>>) target(%arg9 : memref<8192xf32, #tpu.memory_space<vmem>>) target_semaphore(%run_scoped3A_416 : memref<!tpu.dma_semaphore, #tpu.memory_space<semaphore_mem>>)
        %dma_wait3A = tpu.memref_slice %arg2[%run_scoped3A, %add3A_101] : memref<2x16777216xf32, #tpu.memory_space<hbm>> -> memref<1x8192xf32, #tpu.memory_space<hbm>>
        %dma_wait3A_420 = tpu.memref_squeeze %dma_wait3A : memref<1x8192xf32, #tpu.memory_space<hbm>> -> memref<8192xf32, #tpu.memory_space<hbm>>
        %dma_wait3A_421 = tpu.memref_slice %arg2[%run_scoped3A, %add3A_101] : memref<2x16777216xf32, #tpu.memory_space<hbm>> -> memref<1x8192xf32, #tpu.memory_space<hbm>>
        %dma_wait3A_422 = tpu.memref_squeeze %dma_wait3A_421 : memref<1x8192xf32, #tpu.memory_space<hbm>> -> memref<8192xf32, #tpu.memory_space<hbm>>
        tpu.wait_dma2 semaphore(%run_scoped3A_416 : memref<!tpu.dma_semaphore, #tpu.memory_space<semaphore_mem>>) src(%dma_wait3A_422 : memref<8192xf32, #tpu.memory_space<hbm>>) dst(%arg9 : memref<8192xf32, #tpu.memory_space<vmem>>)
        tpu.yield
      }) : () -> ()
      %parallel_loop3A_102 = arith.constant 0 : i32
      %parallel_loop3A_103 = arith.constant 64 : i32
      %parallel_loop3A_104 = arith.constant 1 : i32
      scf.for %parallel_loop3A_416 = %parallel_loop3A_102 to %parallel_loop3A_103 step %parallel_loop3A_104  : i32 {
        %parallel_loop3A_417 = arith.constant 8 : i32
        %parallel_loop3A_418 = arith.muli %parallel_loop3A_417, %parallel_loop3A_416 : i32
        %parallel_loop3A_419 = arith.constant 0 : i32
        %parallel_loop3A_420 = arith.addi %parallel_loop3A_418, %parallel_loop3A_419 : i32
        %parallel_loop3A_421 = arith.constant 16 : i32
        %parallel_loop3A_422 = arith.muli %parallel_loop3A_420, %parallel_loop3A_421 : i32
        %parallel_loop3A_423 = arith.index_cast %parallel_loop3A_422 : i32 to index
        %parallel_loop3A_424 = tpu.vector_load %arg9[%parallel_loop3A_423] {strides = array<i32>} : memref<8192xf32, #tpu.memory_space<vmem>>, vector<16xf32>,
        %parallel_loop3A_425 = arith.constant 18 : i32
        %parallel_loop3A_426 = arith.muli %parallel_loop3A_420, %parallel_loop3A_425 : i32
        %parallel_loop3A_427 = vector.broadcast %parallel_loop3A_426 : i32 to vector<16xi32>
        %parallel_loop3A_428 = arith.addi %add3A_31, %parallel_loop3A_427 : vector<16xi32>
        tpu.vector_store_idx %arg10[%parallel_loop3A_428], %parallel_loop3A_424 : memref<9216xf32, #tpu.memory_space<vmem>>[vector<16xi32>], vector<16xf32>,
        %parallel_loop3A_429 = arith.constant 8 : i32
        %parallel_loop3A_430 = arith.muli %parallel_loop3A_429, %parallel_loop3A_416 : i32
        %parallel_loop3A_431 = arith.constant 1 : i32
        %parallel_loop3A_432 = arith.addi %parallel_loop3A_430, %parallel_loop3A_431 : i32
        %parallel_loop3A_433 = arith.constant 16 : i32
        %parallel_loop3A_434 = arith.muli %parallel_loop3A_432, %parallel_loop3A_433 : i32
        %parallel_loop3A_435 = arith.index_cast %parallel_loop3A_434 : i32 to index
        %parallel_loop3A_436 = tpu.vector_load %arg9[%parallel_loop3A_435] {strides = array<i32>} : memref<8192xf32, #tpu.memory_space<vmem>>, vector<16xf32>,
        %parallel_loop3A_437 = arith.constant 18 : i32
        %parallel_loop3A_438 = arith.muli %parallel_loop3A_432, %parallel_loop3A_437 : i32
        %parallel_loop3A_439 = vector.broadcast %parallel_loop3A_438 : i32 to vector<16xi32>
        %parallel_loop3A_440 = arith.addi %add3A_31, %parallel_loop3A_439 : vector<16xi32>
        tpu.vector_store_idx %arg10[%parallel_loop3A_440], %parallel_loop3A_436 : memref<9216xf32, #tpu.memory_space<vmem>>[vector<16xi32>], vector<16xf32>,
        %parallel_loop3A_441 = arith.constant 8 : i32
        %parallel_loop3A_442 = arith.muli %parallel_loop3A_441, %parallel_loop3A_416 : i32
        %parallel_loop3A_443 = arith.constant 2 : i32
        %parallel_loop3A_444 = arith.addi %parallel_loop3A_442, %parallel_loop3A_443 : i32
        %parallel_loop3A_445 = arith.constant 16 : i32
        %parallel_loop3A_446 = arith.muli %parallel_loop3A_444, %parallel_loop3A_445 : i32
        %parallel_loop3A_447 = arith.index_cast %parallel_loop3A_446 : i32 to index
        %parallel_loop3A_448 = tpu.vector_load %arg9[%parallel_loop3A_447] {strides = array<i32>} : memref<8192xf32, #tpu.memory_space<vmem>>, vector<16xf32>,
        %parallel_loop3A_449 = arith.constant 18 : i32
        %parallel_loop3A_450 = arith.muli %parallel_loop3A_444, %parallel_loop3A_449 : i32
        %parallel_loop3A_451 = vector.broadcast %parallel_loop3A_450 : i32 to vector<16xi32>
        %parallel_loop3A_452 = arith.addi %add3A_31, %parallel_loop3A_451 : vector<16xi32>
        tpu.vector_store_idx %arg10[%parallel_loop3A_452], %parallel_loop3A_448 : memref<9216xf32, #tpu.memory_space<vmem>>[vector<16xi32>], vector<16xf32>,
        %parallel_loop3A_453 = arith.constant 8 : i32
        %parallel_loop3A_454 = arith.muli %parallel_loop3A_453, %parallel_loop3A_416 : i32
        %parallel_loop3A_455 = arith.constant 3 : i32
        %parallel_loop3A_456 = arith.addi %parallel_loop3A_454, %parallel_loop3A_455 : i32
        %parallel_loop3A_457 = arith.constant 16 : i32
        %parallel_loop3A_458 = arith.muli %parallel_loop3A_456, %parallel_loop3A_457 : i32
        %parallel_loop3A_459 = arith.index_cast %parallel_loop3A_458 : i32 to index
        %parallel_loop3A_460 = tpu.vector_load %arg9[%parallel_loop3A_459] {strides = array<i32>} : memref<8192xf32, #tpu.memory_space<vmem>>, vector<16xf32>,
        %parallel_loop3A_461 = arith.constant 18 : i32
        %parallel_loop3A_462 = arith.muli %parallel_loop3A_456, %parallel_loop3A_461 : i32
        %parallel_loop3A_463 = vector.broadcast %parallel_loop3A_462 : i32 to vector<16xi32>
        %parallel_loop3A_464 = arith.addi %add3A_31, %parallel_loop3A_463 : vector<16xi32>
        tpu.vector_store_idx %arg10[%parallel_loop3A_464], %parallel_loop3A_460 : memref<9216xf32, #tpu.memory_space<vmem>>[vector<16xi32>], vector<16xf32>,
        %parallel_loop3A_465 = arith.constant 8 : i32
        %parallel_loop3A_466 = arith.muli %parallel_loop3A_465, %parallel_loop3A_416 : i32
        %parallel_loop3A_467 = arith.constant 4 : i32
        %parallel_loop3A_468 = arith.addi %parallel_loop3A_466, %parallel_loop3A_467 : i32
        %parallel_loop3A_469 = arith.constant 16 : i32
        %parallel_loop3A_470 = arith.muli %parallel_loop3A_468, %parallel_loop3A_469 : i32
        %parallel_loop3A_471 = arith.index_cast %parallel_loop3A_470 : i32 to index
        %parallel_loop3A_472 = tpu.vector_load %arg9[%parallel_loop3A_471] {strides = array<i32>} : memref<8192xf32, #tpu.memory_space<vmem>>, vector<16xf32>,
        %parallel_loop3A_473 = arith.constant 18 : i32
        %parallel_loop3A_474 = arith.muli %parallel_loop3A_468, %parallel_loop3A_473 : i32
        %parallel_loop3A_475 = vector.broadcast %parallel_loop3A_474 : i32 to vector<16xi32>
        %parallel_loop3A_476 = arith.addi %add3A_31, %parallel_loop3A_475 : vector<16xi32>
        tpu.vector_store_idx %arg10[%parallel_loop3A_476], %parallel_loop3A_472 : memref<9216xf32, #tpu.memory_space<vmem>>[vector<16xi32>], vector<16xf32>,
        %parallel_loop3A_477 = arith.constant 8 : i32
        %parallel_loop3A_478 = arith.muli %parallel_loop3A_477, %parallel_loop3A_416 : i32
        %parallel_loop3A_479 = arith.constant 5 : i32
        %parallel_loop3A_480 = arith.addi %parallel_loop3A_478, %parallel_loop3A_479 : i32
        %parallel_loop3A_481 = arith.constant 16 : i32
        %parallel_loop3A_482 = arith.muli %parallel_loop3A_480, %parallel_loop3A_481 : i32
        %parallel_loop3A_483 = arith.index_cast %parallel_loop3A_482 : i32 to index
        %parallel_loop3A_484 = tpu.vector_load %arg9[%parallel_loop3A_483] {strides = array<i32>} : memref<8192xf32, #tpu.memory_space<vmem>>, vector<16xf32>,
        %parallel_loop3A_485 = arith.constant 18 : i32
        %parallel_loop3A_486 = arith.muli %parallel_loop3A_480, %parallel_loop3A_485 : i32
        %parallel_loop3A_487 = vector.broadcast %parallel_loop3A_486 : i32 to vector<16xi32>
        %parallel_loop3A_488 = arith.addi %add3A_31, %parallel_loop3A_487 : vector<16xi32>
        tpu.vector_store_idx %arg10[%parallel_loop3A_488], %parallel_loop3A_484 : memref<9216xf32, #tpu.memory_space<vmem>>[vector<16xi32>], vector<16xf32>,
        %parallel_loop3A_489 = arith.constant 8 : i32
        %parallel_loop3A_490 = arith.muli %parallel_loop3A_489, %parallel_loop3A_416 : i32
        %parallel_loop3A_491 = arith.constant 6 : i32
        %parallel_loop3A_492 = arith.addi %parallel_loop3A_490, %parallel_loop3A_491 : i32
        %parallel_loop3A_493 = arith.constant 16 : i32
        %parallel_loop3A_494 = arith.muli %parallel_loop3A_492, %parallel_loop3A_493 : i32
        %parallel_loop3A_495 = arith.index_cast %parallel_loop3A_494 : i32 to index
        %parallel_loop3A_496 = tpu.vector_load %arg9[%parallel_loop3A_495] {strides = array<i32>} : memref<8192xf32, #tpu.memory_space<vmem>>, vector<16xf32>,
        %parallel_loop3A_497 = arith.constant 18 : i32
        %parallel_loop3A_498 = arith.muli %parallel_loop3A_492, %parallel_loop3A_497 : i32
        %parallel_loop3A_499 = vector.broadcast %parallel_loop3A_498 : i32 to vector<16xi32>
        %parallel_loop3A_500 = arith.addi %add3A_31, %parallel_loop3A_499 : vector<16xi32>
        tpu.vector_store_idx %arg10[%parallel_loop3A_500], %parallel_loop3A_496 : memref<9216xf32, #tpu.memory_space<vmem>>[vector<16xi32>], vector<16xf32>,
        %parallel_loop3A_501 = arith.constant 8 : i32
        %parallel_loop3A_502 = arith.muli %parallel_loop3A_501, %parallel_loop3A_416 : i32
        %parallel_loop3A_503 = arith.constant 7 : i32
        %parallel_loop3A_504 = arith.addi %parallel_loop3A_502, %parallel_loop3A_503 : i32
        %parallel_loop3A_505 = arith.constant 16 : i32
        %parallel_loop3A_506 = arith.muli %parallel_loop3A_504, %parallel_loop3A_505 : i32
        %parallel_loop3A_507 = arith.index_cast %parallel_loop3A_506 : i32 to index
        %parallel_loop3A_508 = tpu.vector_load %arg9[%parallel_loop3A_507] {strides = array<i32>} : memref<8192xf32, #tpu.memory_space<vmem>>, vector<16xf32>,
        %parallel_loop3A_509 = arith.constant 18 : i32
        %parallel_loop3A_510 = arith.muli %parallel_loop3A_504, %parallel_loop3A_509 : i32
        %parallel_loop3A_511 = vector.broadcast %parallel_loop3A_510 : i32 to vector<16xi32>
        %parallel_loop3A_512 = arith.addi %add3A_31, %parallel_loop3A_511 : vector<16xi32>
        tpu.vector_store_idx %arg10[%parallel_loop3A_512], %parallel_loop3A_508 : memref<9216xf32, #tpu.memory_space<vmem>>[vector<16xi32>], vector<16xf32>,
      } {sc.loop_unroll_factor = 2 : i64, sc.parallel_access}
      %get3A_105 = arith.constant 0 : index
      %get3A_106 = tpu.vector_load %arg17[%get3A_105] {strides = array<i32>} : memref<2048xf32, #tpu.memory_space<vmem>>, vector<16xf32>,
      %get3A_107 = arith.constant 256 : index
      %get3A_108 = tpu.vector_load %arg17[%get3A_107] {strides = array<i32>} : memref<2048xf32, #tpu.memory_space<vmem>>, vector<16xf32>,
      %get3A_109 = arith.constant 512 : index
      %get3A_110 = tpu.vector_load %arg17[%get3A_109] {strides = array<i32>} : memref<2048xf32, #tpu.memory_space<vmem>>, vector<16xf32>,
      %get3A_111 = arith.constant 768 : index
      %get3A_112 = tpu.vector_load %arg17[%get3A_111] {strides = array<i32>} : memref<2048xf32, #tpu.memory_space<vmem>>, vector<16xf32>,
      %get3A_113 = arith.constant 1024 : index
      %get3A_114 = tpu.vector_load %arg17[%get3A_113] {strides = array<i32>} : memref<2048xf32, #tpu.memory_space<vmem>>, vector<16xf32>,
      %get3A_115 = arith.constant 1280 : index
      %get3A_116 = tpu.vector_load %arg17[%get3A_115] {strides = array<i32>} : memref<2048xf32, #tpu.memory_space<vmem>>, vector<16xf32>,
      %get3A_117 = arith.constant 1536 : index
      %get3A_118 = tpu.vector_load %arg17[%get3A_117] {strides = array<i32>} : memref<2048xf32, #tpu.memory_space<vmem>>, vector<16xf32>,
      %get3A_119 = arith.constant 1792 : index
      %get3A_120 = tpu.vector_load %arg17[%get3A_119] {strides = array<i32>} : memref<2048xf32, #tpu.memory_space<vmem>>, vector<16xf32>,
      %get3A_121 = arith.constant 16 : index
      %get3A_122 = tpu.vector_load %arg17[%get3A_121] {strides = array<i32>} : memref<2048xf32, #tpu.memory_space<vmem>>, vector<16xf32>,
      %get3A_123 = arith.constant 272 : index
      %get3A_124 = tpu.vector_load %arg17[%get3A_123] {strides = array<i32>} : memref<2048xf32, #tpu.memory_space<vmem>>, vector<16xf32>,
      %get3A_125 = arith.constant 528 : index
      %get3A_126 = tpu.vector_load %arg17[%get3A_125] {strides = array<i32>} : memref<2048xf32, #tpu.memory_space<vmem>>, vector<16xf32>,
      %get3A_127 = arith.constant 784 : index
      %get3A_128 = tpu.vector_load %arg17[%get3A_127] {strides = array<i32>} : memref<2048xf32, #tpu.memory_space<vmem>>, vector<16xf32>,
      %get3A_129 = arith.constant 1040 : index
      %get3A_130 = tpu.vector_load %arg17[%get3A_129] {strides = array<i32>} : memref<2048xf32, #tpu.memory_space<vmem>>, vector<16xf32>,
      %get3A_131 = arith.constant 1296 : index
      %get3A_132 = tpu.vector_load %arg17[%get3A_131] {strides = array<i32>} : memref<2048xf32, #tpu.memory_space<vmem>>, vector<16xf32>,
      %get3A_133 = arith.constant 1552 : index
      %get3A_134 = tpu.vector_load %arg17[%get3A_133] {strides = array<i32>} : memref<2048xf32, #tpu.memory_space<vmem>>, vector<16xf32>,
      %get3A_135 = arith.constant 1808 : index
      %get3A_136 = tpu.vector_load %arg17[%get3A_135] {strides = array<i32>} : memref<2048xf32, #tpu.memory_space<vmem>>, vector<16xf32>,
      %get3A_137 = arith.constant 32 : index
      %get3A_138 = tpu.vector_load %arg17[%get3A_137] {strides = array<i32>} : memref<2048xf32, #tpu.memory_space<vmem>>, vector<16xf32>,
      %get3A_139 = arith.constant 288 : index
      %get3A_140 = tpu.vector_load %arg17[%get3A_139] {strides = array<i32>} : memref<2048xf32, #tpu.memory_space<vmem>>, vector<16xf32>,
      %get3A_141 = arith.constant 544 : index
      %get3A_142 = tpu.vector_load %arg17[%get3A_141] {strides = array<i32>} : memref<2048xf32, #tpu.memory_space<vmem>>, vector<16xf32>,
      %get3A_143 = arith.constant 800 : index
      %get3A_144 = tpu.vector_load %arg17[%get3A_143] {strides = array<i32>} : memref<2048xf32, #tpu.memory_space<vmem>>, vector<16xf32>,
      %get3A_145 = arith.constant 1056 : index
      %get3A_146 = tpu.vector_load %arg17[%get3A_145] {strides = array<i32>} : memref<2048xf32, #tpu.memory_space<vmem>>, vector<16xf32>,
      %get3A_147 = arith.constant 1312 : index
      %get3A_148 = tpu.vector_load %arg17[%get3A_147] {strides = array<i32>} : memref<2048xf32, #tpu.memory_space<vmem>>, vector<16xf32>,
      %get3A_149 = arith.constant 1568 : index
      %get3A_150 = tpu.vector_load %arg17[%get3A_149] {strides = array<i32>} : memref<2048xf32, #tpu.memory_space<vmem>>, vector<16xf32>,
      %get3A_151 = arith.constant 1824 : index
      %get3A_152 = tpu.vector_load %arg17[%get3A_151] {strides = array<i32>} : memref<2048xf32, #tpu.memory_space<vmem>>, vector<16xf32>,
      %get3A_153 = arith.constant 48 : index
      %get3A_154 = tpu.vector_load %arg17[%get3A_153] {strides = array<i32>} : memref<2048xf32, #tpu.memory_space<vmem>>, vector<16xf32>,
      %get3A_155 = arith.constant 304 : index
      %get3A_156 = tpu.vector_load %arg17[%get3A_155] {strides = array<i32>} : memref<2048xf32, #tpu.memory_space<vmem>>, vector<16xf32>,
      %get3A_157 = arith.constant 560 : index
      %get3A_158 = tpu.vector_load %arg17[%get3A_157] {strides = array<i32>} : memref<2048xf32, #tpu.memory_space<vmem>>, vector<16xf32>,
      %get3A_159 = arith.constant 816 : index
      %get3A_160 = tpu.vector_load %arg17[%get3A_159] {strides = array<i32>} : memref<2048xf32, #tpu.memory_space<vmem>>, vector<16xf32>,
      %get3A_161 = arith.constant 1072 : index
      %get3A_162 = tpu.vector_load %arg17[%get3A_161] {strides = array<i32>} : memref<2048xf32, #tpu.memory_space<vmem>>, vector<16xf32>,
      %get3A_163 = arith.constant 1328 : index
      %get3A_164 = tpu.vector_load %arg17[%get3A_163] {strides = array<i32>} : memref<2048xf32, #tpu.memory_space<vmem>>, vector<16xf32>,
      %get3A_165 = arith.constant 1584 : index
      %get3A_166 = tpu.vector_load %arg17[%get3A_165] {strides = array<i32>} : memref<2048xf32, #tpu.memory_space<vmem>>, vector<16xf32>,
      %get3A_167 = arith.constant 1840 : index
      %get3A_168 = tpu.vector_load %arg17[%get3A_167] {strides = array<i32>} : memref<2048xf32, #tpu.memory_space<vmem>>, vector<16xf32>,
      %get3A_169 = arith.constant 0 : index
      %get3A_170 = tpu.vector_load %arg18[%get3A_169] {strides = array<i32>} : memref<256xf32, #tpu.memory_space<vmem>>, vector<16xf32>,
      %get3A_171 = arith.constant 16 : index
      %get3A_172 = tpu.vector_load %arg18[%get3A_171] {strides = array<i32>} : memref<256xf32, #tpu.memory_space<vmem>>, vector<16xf32>,
      %get3A_173 = arith.constant 32 : index
      %get3A_174 = tpu.vector_load %arg18[%get3A_173] {strides = array<i32>} : memref<256xf32, #tpu.memory_space<vmem>>, vector<16xf32>,
      %get3A_175 = arith.constant 48 : index
      %get3A_176 = tpu.vector_load %arg18[%get3A_175] {strides = array<i32>} : memref<256xf32, #tpu.memory_space<vmem>>, vector<16xf32>,
      %parallel_loop3A_177 = arith.constant 0 : i32
      %parallel_loop3A_178 = arith.constant 64 : i32
      %parallel_loop3A_179 = arith.constant 1 : i32
      scf.for %parallel_loop3A_416 = %parallel_loop3A_177 to %parallel_loop3A_178 step %parallel_loop3A_179  : i32 {
        %parallel_loop3A_417 = arith.constant 144 : i32
        %parallel_loop3A_418 = arith.muli %parallel_loop3A_416, %parallel_loop3A_417 : i32
        %parallel_loop3A_419 = vector.broadcast %parallel_loop3A_418 : i32 to vector<16xi32>
        %parallel_loop3A_420 = arith.addi %mul3A_34, %parallel_loop3A_419 : vector<16xi32>
        %parallel_loop3A_421 = arith.constant 0 : i32
        %parallel_loop3A_422 = vector.broadcast %parallel_loop3A_421 : i32 to vector<16xi32>
        %parallel_loop3A_423 = arith.addi %parallel_loop3A_420, %parallel_loop3A_422 : vector<16xi32>
        %parallel_loop3A_424 = tpu.vector_load_idx %arg10[%parallel_loop3A_423] : memref<9216xf32, #tpu.memory_space<vmem>>[vector<16xi32>], vector<16xf32>,
        %parallel_loop3A_425 = arith.constant 1 : i32
        %parallel_loop3A_426 = vector.broadcast %parallel_loop3A_425 : i32 to vector<16xi32>
        %parallel_loop3A_427 = arith.addi %parallel_loop3A_420, %parallel_loop3A_426 : vector<16xi32>
        %parallel_loop3A_428 = tpu.vector_load_idx %arg10[%parallel_loop3A_427] : memref<9216xf32, #tpu.memory_space<vmem>>[vector<16xi32>], vector<16xf32>,
        %parallel_loop3A_429 = arith.constant 2 : i32
        %parallel_loop3A_430 = vector.broadcast %parallel_loop3A_429 : i32 to vector<16xi32>
        %parallel_loop3A_431 = arith.addi %parallel_loop3A_420, %parallel_loop3A_430 : vector<16xi32>
        %parallel_loop3A_432 = tpu.vector_load_idx %arg10[%parallel_loop3A_431] : memref<9216xf32, #tpu.memory_space<vmem>>[vector<16xi32>], vector<16xf32>,
        %parallel_loop3A_433 = arith.constant 3 : i32
        %parallel_loop3A_434 = vector.broadcast %parallel_loop3A_433 : i32 to vector<16xi32>
        %parallel_loop3A_435 = arith.addi %parallel_loop3A_420, %parallel_loop3A_434 : vector<16xi32>
        %parallel_loop3A_436 = tpu.vector_load_idx %arg10[%parallel_loop3A_435] : memref<9216xf32, #tpu.memory_space<vmem>>[vector<16xi32>], vector<16xf32>,
        %parallel_loop3A_437 = arith.constant 4 : i32
        %parallel_loop3A_438 = vector.broadcast %parallel_loop3A_437 : i32 to vector<16xi32>
        %parallel_loop3A_439 = arith.addi %parallel_loop3A_420, %parallel_loop3A_438 : vector<16xi32>
        %parallel_loop3A_440 = tpu.vector_load_idx %arg10[%parallel_loop3A_439] : memref<9216xf32, #tpu.memory_space<vmem>>[vector<16xi32>], vector<16xf32>,
        %parallel_loop3A_441 = arith.constant 5 : i32
        %parallel_loop3A_442 = vector.broadcast %parallel_loop3A_441 : i32 to vector<16xi32>
        %parallel_loop3A_443 = arith.addi %parallel_loop3A_420, %parallel_loop3A_442 : vector<16xi32>
        %parallel_loop3A_444 = tpu.vector_load_idx %arg10[%parallel_loop3A_443] : memref<9216xf32, #tpu.memory_space<vmem>>[vector<16xi32>], vector<16xf32>,
        %parallel_loop3A_445 = arith.constant 6 : i32
        %parallel_loop3A_446 = vector.broadcast %parallel_loop3A_445 : i32 to vector<16xi32>
        %parallel_loop3A_447 = arith.addi %parallel_loop3A_420, %parallel_loop3A_446 : vector<16xi32>
        %parallel_loop3A_448 = tpu.vector_load_idx %arg10[%parallel_loop3A_447] : memref<9216xf32, #tpu.memory_space<vmem>>[vector<16xi32>], vector<16xf32>,
        %parallel_loop3A_449 = arith.constant 7 : i32
        %parallel_loop3A_450 = vector.broadcast %parallel_loop3A_449 : i32 to vector<16xi32>
        %parallel_loop3A_451 = arith.addi %parallel_loop3A_420, %parallel_loop3A_450 : vector<16xi32>
        %parallel_loop3A_452 = tpu.vector_load_idx %arg10[%parallel_loop3A_451] : memref<9216xf32, #tpu.memory_space<vmem>>[vector<16xi32>], vector<16xf32>,
        %parallel_loop3A_453 = arith.constant 272 : i32
        %parallel_loop3A_454 = arith.muli %parallel_loop3A_416, %parallel_loop3A_453 : i32
        %parallel_loop3A_455 = vector.broadcast %parallel_loop3A_454 : i32 to vector<16xi32>
        %parallel_loop3A_456 = arith.addi %mul3A_37, %parallel_loop3A_455 : vector<16xi32>
        %parallel_loop3A_457 = arith.mulf %parallel_loop3A_424, %get3A_106 : vector<16xf32>
        %parallel_loop3A_458 = arith.addf %get3A_170, %parallel_loop3A_457 : vector<16xf32>
        %parallel_loop3A_459 = arith.mulf %parallel_loop3A_428, %get3A_108 : vector<16xf32>
        %parallel_loop3A_460 = arith.addf %parallel_loop3A_458, %parallel_loop3A_459 : vector<16xf32>
        %parallel_loop3A_461 = arith.mulf %parallel_loop3A_432, %get3A_110 : vector<16xf32>
        %parallel_loop3A_462 = arith.addf %parallel_loop3A_460, %parallel_loop3A_461 : vector<16xf32>
        %parallel_loop3A_463 = arith.mulf %parallel_loop3A_436, %get3A_112 : vector<16xf32>
        %parallel_loop3A_464 = arith.addf %parallel_loop3A_462, %parallel_loop3A_463 : vector<16xf32>
        %parallel_loop3A_465 = arith.mulf %parallel_loop3A_440, %get3A_114 : vector<16xf32>
        %parallel_loop3A_466 = arith.addf %parallel_loop3A_464, %parallel_loop3A_465 : vector<16xf32>
        %parallel_loop3A_467 = arith.mulf %parallel_loop3A_444, %get3A_116 : vector<16xf32>
        %parallel_loop3A_468 = arith.addf %parallel_loop3A_466, %parallel_loop3A_467 : vector<16xf32>
        %parallel_loop3A_469 = arith.mulf %parallel_loop3A_448, %get3A_118 : vector<16xf32>
        %parallel_loop3A_470 = arith.addf %parallel_loop3A_468, %parallel_loop3A_469 : vector<16xf32>
        %parallel_loop3A_471 = arith.mulf %parallel_loop3A_452, %get3A_120 : vector<16xf32>
        %parallel_loop3A_472 = arith.addf %parallel_loop3A_470, %parallel_loop3A_471 : vector<16xf32>
        %parallel_loop3A_473 = arith.constant 0 : i32
        %parallel_loop3A_474 = vector.broadcast %parallel_loop3A_473 : i32 to vector<16xi32>
        %parallel_loop3A_475 = arith.addi %parallel_loop3A_456, %parallel_loop3A_474 : vector<16xi32>
        tpu.vector_store_idx %arg11[%parallel_loop3A_475], %parallel_loop3A_472 : memref<17408xf32, #tpu.memory_space<vmem>>[vector<16xi32>], vector<16xf32>,
        %parallel_loop3A_476 = arith.mulf %parallel_loop3A_424, %get3A_122 : vector<16xf32>
        %parallel_loop3A_477 = arith.addf %get3A_172, %parallel_loop3A_476 : vector<16xf32>
        %parallel_loop3A_478 = arith.mulf %parallel_loop3A_428, %get3A_124 : vector<16xf32>
        %parallel_loop3A_479 = arith.addf %parallel_loop3A_477, %parallel_loop3A_478 : vector<16xf32>
        %parallel_loop3A_480 = arith.mulf %parallel_loop3A_432, %get3A_126 : vector<16xf32>
        %parallel_loop3A_481 = arith.addf %parallel_loop3A_479, %parallel_loop3A_480 : vector<16xf32>
        %parallel_loop3A_482 = arith.mulf %parallel_loop3A_436, %get3A_128 : vector<16xf32>
        %parallel_loop3A_483 = arith.addf %parallel_loop3A_481, %parallel_loop3A_482 : vector<16xf32>
        %parallel_loop3A_484 = arith.mulf %parallel_loop3A_440, %get3A_130 : vector<16xf32>
        %parallel_loop3A_485 = arith.addf %parallel_loop3A_483, %parallel_loop3A_484 : vector<16xf32>
        %parallel_loop3A_486 = arith.mulf %parallel_loop3A_444, %get3A_132 : vector<16xf32>
        %parallel_loop3A_487 = arith.addf %parallel_loop3A_485, %parallel_loop3A_486 : vector<16xf32>
        %parallel_loop3A_488 = arith.mulf %parallel_loop3A_448, %get3A_134 : vector<16xf32>
        %parallel_loop3A_489 = arith.addf %parallel_loop3A_487, %parallel_loop3A_488 : vector<16xf32>
        %parallel_loop3A_490 = arith.mulf %parallel_loop3A_452, %get3A_136 : vector<16xf32>
        %parallel_loop3A_491 = arith.addf %parallel_loop3A_489, %parallel_loop3A_490 : vector<16xf32>
        %parallel_loop3A_492 = arith.constant 1 : i32
        %parallel_loop3A_493 = vector.broadcast %parallel_loop3A_492 : i32 to vector<16xi32>
        %parallel_loop3A_494 = arith.addi %parallel_loop3A_456, %parallel_loop3A_493 : vector<16xi32>
        tpu.vector_store_idx %arg11[%parallel_loop3A_494], %parallel_loop3A_491 : memref<17408xf32, #tpu.memory_space<vmem>>[vector<16xi32>], vector<16xf32>,
        %parallel_loop3A_495 = arith.mulf %parallel_loop3A_424, %get3A_138 : vector<16xf32>
        %parallel_loop3A_496 = arith.addf %get3A_174, %parallel_loop3A_495 : vector<16xf32>
        %parallel_loop3A_497 = arith.mulf %parallel_loop3A_428, %get3A_140 : vector<16xf32>
        %parallel_loop3A_498 = arith.addf %parallel_loop3A_496, %parallel_loop3A_497 : vector<16xf32>
        %parallel_loop3A_499 = arith.mulf %parallel_loop3A_432, %get3A_142 : vector<16xf32>
        %parallel_loop3A_500 = arith.addf %parallel_loop3A_498, %parallel_loop3A_499 : vector<16xf32>
        %parallel_loop3A_501 = arith.mulf %parallel_loop3A_436, %get3A_144 : vector<16xf32>
        %parallel_loop3A_502 = arith.addf %parallel_loop3A_500, %parallel_loop3A_501 : vector<16xf32>
        %parallel_loop3A_503 = arith.mulf %parallel_loop3A_440, %get3A_146 : vector<16xf32>
        %parallel_loop3A_504 = arith.addf %parallel_loop3A_502, %parallel_loop3A_503 : vector<16xf32>
        %parallel_loop3A_505 = arith.mulf %parallel_loop3A_444, %get3A_148 : vector<16xf32>
        %parallel_loop3A_506 = arith.addf %parallel_loop3A_504, %parallel_loop3A_505 : vector<16xf32>
        %parallel_loop3A_507 = arith.mulf %parallel_loop3A_448, %get3A_150 : vector<16xf32>
        %parallel_loop3A_508 = arith.addf %parallel_loop3A_506, %parallel_loop3A_507 : vector<16xf32>
        %parallel_loop3A_509 = arith.mulf %parallel_loop3A_452, %get3A_152 : vector<16xf32>
        %parallel_loop3A_510 = arith.addf %parallel_loop3A_508, %parallel_loop3A_509 : vector<16xf32>
        %parallel_loop3A_511 = arith.constant 2 : i32
        %parallel_loop3A_512 = vector.broadcast %parallel_loop3A_511 : i32 to vector<16xi32>
        %parallel_loop3A_513 = arith.addi %parallel_loop3A_456, %parallel_loop3A_512 : vector<16xi32>
        tpu.vector_store_idx %arg11[%parallel_loop3A_513], %parallel_loop3A_510 : memref<17408xf32, #tpu.memory_space<vmem>>[vector<16xi32>], vector<16xf32>,
        %parallel_loop3A_514 = arith.mulf %parallel_loop3A_424, %get3A_154 : vector<16xf32>
        %parallel_loop3A_515 = arith.addf %get3A_176, %parallel_loop3A_514 : vector<16xf32>
        %parallel_loop3A_516 = arith.mulf %parallel_loop3A_428, %get3A_156 : vector<16xf32>
        %parallel_loop3A_517 = arith.addf %parallel_loop3A_515, %parallel_loop3A_516 : vector<16xf32>
        %parallel_loop3A_518 = arith.mulf %parallel_loop3A_432, %get3A_158 : vector<16xf32>
        %parallel_loop3A_519 = arith.addf %parallel_loop3A_517, %parallel_loop3A_518 : vector<16xf32>
        %parallel_loop3A_520 = arith.mulf %parallel_loop3A_436, %get3A_160 : vector<16xf32>
        %parallel_loop3A_521 = arith.addf %parallel_loop3A_519, %parallel_loop3A_520 : vector<16xf32>
        %parallel_loop3A_522 = arith.mulf %parallel_loop3A_440, %get3A_162 : vector<16xf32>
        %parallel_loop3A_523 = arith.addf %parallel_loop3A_521, %parallel_loop3A_522 : vector<16xf32>
        %parallel_loop3A_524 = arith.mulf %parallel_loop3A_444, %get3A_164 : vector<16xf32>
        %parallel_loop3A_525 = arith.addf %parallel_loop3A_523, %parallel_loop3A_524 : vector<16xf32>
        %parallel_loop3A_526 = arith.mulf %parallel_loop3A_448, %get3A_166 : vector<16xf32>
        %parallel_loop3A_527 = arith.addf %parallel_loop3A_525, %parallel_loop3A_526 : vector<16xf32>
        %parallel_loop3A_528 = arith.mulf %parallel_loop3A_452, %get3A_168 : vector<16xf32>
        %parallel_loop3A_529 = arith.addf %parallel_loop3A_527, %parallel_loop3A_528 : vector<16xf32>
        %parallel_loop3A_530 = arith.constant 3 : i32
        %parallel_loop3A_531 = vector.broadcast %parallel_loop3A_530 : i32 to vector<16xi32>
        %parallel_loop3A_532 = arith.addi %parallel_loop3A_456, %parallel_loop3A_531 : vector<16xi32>
        tpu.vector_store_idx %arg11[%parallel_loop3A_532], %parallel_loop3A_529 : memref<17408xf32, #tpu.memory_space<vmem>>[vector<16xi32>], vector<16xf32>,
      } {sc.loop_unroll_factor = 2 : i64, sc.parallel_access}
      %get3A_180 = arith.constant 64 : index
      %get3A_181 = tpu.vector_load %arg17[%get3A_180] {strides = array<i32>} : memref<2048xf32, #tpu.memory_space<vmem>>, vector<16xf32>,
      %get3A_182 = arith.constant 320 : index
      %get3A_183 = tpu.vector_load %arg17[%get3A_182] {strides = array<i32>} : memref<2048xf32, #tpu.memory_space<vmem>>, vector<16xf32>,
      %get3A_184 = arith.constant 576 : index
      %get3A_185 = tpu.vector_load %arg17[%get3A_184] {strides = array<i32>} : memref<2048xf32, #tpu.memory_space<vmem>>, vector<16xf32>,
      %get3A_186 = arith.constant 832 : index
      %get3A_187 = tpu.vector_load %arg17[%get3A_186] {strides = array<i32>} : memref<2048xf32, #tpu.memory_space<vmem>>, vector<16xf32>,
      %get3A_188 = arith.constant 1088 : index
      %get3A_189 = tpu.vector_load %arg17[%get3A_188] {strides = array<i32>} : memref<2048xf32, #tpu.memory_space<vmem>>, vector<16xf32>,
      %get3A_190 = arith.constant 1344 : index
      %get3A_191 = tpu.vector_load %arg17[%get3A_190] {strides = array<i32>} : memref<2048xf32, #tpu.memory_space<vmem>>, vector<16xf32>,
      %get3A_192 = arith.constant 1600 : index
      %get3A_193 = tpu.vector_load %arg17[%get3A_192] {strides = array<i32>} : memref<2048xf32, #tpu.memory_space<vmem>>, vector<16xf32>,
      %get3A_194 = arith.constant 1856 : index
      %get3A_195 = tpu.vector_load %arg17[%get3A_194] {strides = array<i32>} : memref<2048xf32, #tpu.memory_space<vmem>>, vector<16xf32>,
      %get3A_196 = arith.constant 80 : index
      %get3A_197 = tpu.vector_load %arg17[%get3A_196] {strides = array<i32>} : memref<2048xf32, #tpu.memory_space<vmem>>, vector<16xf32>,
      %get3A_198 = arith.constant 336 : index
      %get3A_199 = tpu.vector_load %arg17[%get3A_198] {strides = array<i32>} : memref<2048xf32, #tpu.memory_space<vmem>>, vector<16xf32>,
      %get3A_200 = arith.constant 592 : index
      %get3A_201 = tpu.vector_load %arg17[%get3A_200] {strides = array<i32>} : memref<2048xf32, #tpu.memory_space<vmem>>, vector<16xf32>,
      %get3A_202 = arith.constant 848 : index
      %get3A_203 = tpu.vector_load %arg17[%get3A_202] {strides = array<i32>} : memref<2048xf32, #tpu.memory_space<vmem>>, vector<16xf32>,
      %get3A_204 = arith.constant 1104 : index
      %get3A_205 = tpu.vector_load %arg17[%get3A_204] {strides = array<i32>} : memref<2048xf32, #tpu.memory_space<vmem>>, vector<16xf32>,
      %get3A_206 = arith.constant 1360 : index
      %get3A_207 = tpu.vector_load %arg17[%get3A_206] {strides = array<i32>} : memref<2048xf32, #tpu.memory_space<vmem>>, vector<16xf32>,
      %get3A_208 = arith.constant 1616 : index
      %get3A_209 = tpu.vector_load %arg17[%get3A_208] {strides = array<i32>} : memref<2048xf32, #tpu.memory_space<vmem>>, vector<16xf32>,
      %get3A_210 = arith.constant 1872 : index
      %get3A_211 = tpu.vector_load %arg17[%get3A_210] {strides = array<i32>} : memref<2048xf32, #tpu.memory_space<vmem>>, vector<16xf32>,
      %get3A_212 = arith.constant 96 : index
      %get3A_213 = tpu.vector_load %arg17[%get3A_212] {strides = array<i32>} : memref<2048xf32, #tpu.memory_space<vmem>>, vector<16xf32>,
      %get3A_214 = arith.constant 352 : index
      %get3A_215 = tpu.vector_load %arg17[%get3A_214] {strides = array<i32>} : memref<2048xf32, #tpu.memory_space<vmem>>, vector<16xf32>,
      %get3A_216 = arith.constant 608 : index
      %get3A_217 = tpu.vector_load %arg17[%get3A_216] {strides = array<i32>} : memref<2048xf32, #tpu.memory_space<vmem>>, vector<16xf32>,
      %get3A_218 = arith.constant 864 : index
      %get3A_219 = tpu.vector_load %arg17[%get3A_218] {strides = array<i32>} : memref<2048xf32, #tpu.memory_space<vmem>>, vector<16xf32>,
      %get3A_220 = arith.constant 1120 : index
      %get3A_221 = tpu.vector_load %arg17[%get3A_220] {strides = array<i32>} : memref<2048xf32, #tpu.memory_space<vmem>>, vector<16xf32>,
      %get3A_222 = arith.constant 1376 : index
      %get3A_223 = tpu.vector_load %arg17[%get3A_222] {strides = array<i32>} : memref<2048xf32, #tpu.memory_space<vmem>>, vector<16xf32>,
      %get3A_224 = arith.constant 1632 : index
      %get3A_225 = tpu.vector_load %arg17[%get3A_224] {strides = array<i32>} : memref<2048xf32, #tpu.memory_space<vmem>>, vector<16xf32>,
      %get3A_226 = arith.constant 1888 : index
      %get3A_227 = tpu.vector_load %arg17[%get3A_226] {strides = array<i32>} : memref<2048xf32, #tpu.memory_space<vmem>>, vector<16xf32>,
      %get3A_228 = arith.constant 112 : index
      %get3A_229 = tpu.vector_load %arg17[%get3A_228] {strides = array<i32>} : memref<2048xf32, #tpu.memory_space<vmem>>, vector<16xf32>,
      %get3A_230 = arith.constant 368 : index
      %get3A_231 = tpu.vector_load %arg17[%get3A_230] {strides = array<i32>} : memref<2048xf32, #tpu.memory_space<vmem>>, vector<16xf32>,
      %get3A_232 = arith.constant 624 : index
      %get3A_233 = tpu.vector_load %arg17[%get3A_232] {strides = array<i32>} : memref<2048xf32, #tpu.memory_space<vmem>>, vector<16xf32>,
      %get3A_234 = arith.constant 880 : index
      %get3A_235 = tpu.vector_load %arg17[%get3A_234] {strides = array<i32>} : memref<2048xf32, #tpu.memory_space<vmem>>, vector<16xf32>,
      %get3A_236 = arith.constant 1136 : index
      %get3A_237 = tpu.vector_load %arg17[%get3A_236] {strides = array<i32>} : memref<2048xf32, #tpu.memory_space<vmem>>, vector<16xf32>,
      %get3A_238 = arith.constant 1392 : index
      %get3A_239 = tpu.vector_load %arg17[%get3A_238] {strides = array<i32>} : memref<2048xf32, #tpu.memory_space<vmem>>, vector<16xf32>,
      %get3A_240 = arith.constant 1648 : index
      %get3A_241 = tpu.vector_load %arg17[%get3A_240] {strides = array<i32>} : memref<2048xf32, #tpu.memory_space<vmem>>, vector<16xf32>,
      %get3A_242 = arith.constant 1904 : index
      %get3A_243 = tpu.vector_load %arg17[%get3A_242] {strides = array<i32>} : memref<2048xf32, #tpu.memory_space<vmem>>, vector<16xf32>,
      %get3A_244 = arith.constant 64 : index
      %get3A_245 = tpu.vector_load %arg18[%get3A_244] {strides = array<i32>} : memref<256xf32, #tpu.memory_space<vmem>>, vector<16xf32>,
      %get3A_246 = arith.constant 80 : index
      %get3A_247 = tpu.vector_load %arg18[%get3A_246] {strides = array<i32>} : memref<256xf32, #tpu.memory_space<vmem>>, vector<16xf32>,
      %get3A_248 = arith.constant 96 : index
      %get3A_249 = tpu.vector_load %arg18[%get3A_248] {strides = array<i32>} : memref<256xf32, #tpu.memory_space<vmem>>, vector<16xf32>,
      %get3A_250 = arith.constant 112 : index
      %get3A_251 = tpu.vector_load %arg18[%get3A_250] {strides = array<i32>} : memref<256xf32, #tpu.memory_space<vmem>>, vector<16xf32>,
      %parallel_loop3A_252 = arith.constant 0 : i32
      %parallel_loop3A_253 = arith.constant 64 : i32
      %parallel_loop3A_254 = arith.constant 1 : i32
      scf.for %parallel_loop3A_416 = %parallel_loop3A_252 to %parallel_loop3A_253 step %parallel_loop3A_254  : i32 {
        %parallel_loop3A_417 = arith.constant 144 : i32
        %parallel_loop3A_418 = arith.muli %parallel_loop3A_416, %parallel_loop3A_417 : i32
        %parallel_loop3A_419 = vector.broadcast %parallel_loop3A_418 : i32 to vector<16xi32>
        %parallel_loop3A_420 = arith.addi %mul3A_34, %parallel_loop3A_419 : vector<16xi32>
        %parallel_loop3A_421 = arith.constant 0 : i32
        %parallel_loop3A_422 = vector.broadcast %parallel_loop3A_421 : i32 to vector<16xi32>
        %parallel_loop3A_423 = arith.addi %parallel_loop3A_420, %parallel_loop3A_422 : vector<16xi32>
        %parallel_loop3A_424 = tpu.vector_load_idx %arg10[%parallel_loop3A_423] : memref<9216xf32, #tpu.memory_space<vmem>>[vector<16xi32>], vector<16xf32>,
        %parallel_loop3A_425 = arith.constant 1 : i32
        %parallel_loop3A_426 = vector.broadcast %parallel_loop3A_425 : i32 to vector<16xi32>
        %parallel_loop3A_427 = arith.addi %parallel_loop3A_420, %parallel_loop3A_426 : vector<16xi32>
        %parallel_loop3A_428 = tpu.vector_load_idx %arg10[%parallel_loop3A_427] : memref<9216xf32, #tpu.memory_space<vmem>>[vector<16xi32>], vector<16xf32>,
        %parallel_loop3A_429 = arith.constant 2 : i32
        %parallel_loop3A_430 = vector.broadcast %parallel_loop3A_429 : i32 to vector<16xi32>
        %parallel_loop3A_431 = arith.addi %parallel_loop3A_420, %parallel_loop3A_430 : vector<16xi32>
        %parallel_loop3A_432 = tpu.vector_load_idx %arg10[%parallel_loop3A_431] : memref<9216xf32, #tpu.memory_space<vmem>>[vector<16xi32>], vector<16xf32>,
        %parallel_loop3A_433 = arith.constant 3 : i32
        %parallel_loop3A_434 = vector.broadcast %parallel_loop3A_433 : i32 to vector<16xi32>
        %parallel_loop3A_435 = arith.addi %parallel_loop3A_420, %parallel_loop3A_434 : vector<16xi32>
        %parallel_loop3A_436 = tpu.vector_load_idx %arg10[%parallel_loop3A_435] : memref<9216xf32, #tpu.memory_space<vmem>>[vector<16xi32>], vector<16xf32>,
        %parallel_loop3A_437 = arith.constant 4 : i32
        %parallel_loop3A_438 = vector.broadcast %parallel_loop3A_437 : i32 to vector<16xi32>
        %parallel_loop3A_439 = arith.addi %parallel_loop3A_420, %parallel_loop3A_438 : vector<16xi32>
        %parallel_loop3A_440 = tpu.vector_load_idx %arg10[%parallel_loop3A_439] : memref<9216xf32, #tpu.memory_space<vmem>>[vector<16xi32>], vector<16xf32>,
        %parallel_loop3A_441 = arith.constant 5 : i32
        %parallel_loop3A_442 = vector.broadcast %parallel_loop3A_441 : i32 to vector<16xi32>
        %parallel_loop3A_443 = arith.addi %parallel_loop3A_420, %parallel_loop3A_442 : vector<16xi32>
        %parallel_loop3A_444 = tpu.vector_load_idx %arg10[%parallel_loop3A_443] : memref<9216xf32, #tpu.memory_space<vmem>>[vector<16xi32>], vector<16xf32>,
        %parallel_loop3A_445 = arith.constant 6 : i32
        %parallel_loop3A_446 = vector.broadcast %parallel_loop3A_445 : i32 to vector<16xi32>
        %parallel_loop3A_447 = arith.addi %parallel_loop3A_420, %parallel_loop3A_446 : vector<16xi32>
        %parallel_loop3A_448 = tpu.vector_load_idx %arg10[%parallel_loop3A_447] : memref<9216xf32, #tpu.memory_space<vmem>>[vector<16xi32>], vector<16xf32>,
        %parallel_loop3A_449 = arith.constant 7 : i32
        %parallel_loop3A_450 = vector.broadcast %parallel_loop3A_449 : i32 to vector<16xi32>
        %parallel_loop3A_451 = arith.addi %parallel_loop3A_420, %parallel_loop3A_450 : vector<16xi32>
        %parallel_loop3A_452 = tpu.vector_load_idx %arg10[%parallel_loop3A_451] : memref<9216xf32, #tpu.memory_space<vmem>>[vector<16xi32>], vector<16xf32>,
        %parallel_loop3A_453 = arith.constant 272 : i32
        %parallel_loop3A_454 = arith.muli %parallel_loop3A_416, %parallel_loop3A_453 : i32
        %parallel_loop3A_455 = vector.broadcast %parallel_loop3A_454 : i32 to vector<16xi32>
        %parallel_loop3A_456 = arith.addi %mul3A_37, %parallel_loop3A_455 : vector<16xi32>
        %parallel_loop3A_457 = arith.mulf %parallel_loop3A_424, %get3A_181 : vector<16xf32>
        %parallel_loop3A_458 = arith.addf %get3A_245, %parallel_loop3A_457 : vector<16xf32>
        %parallel_loop3A_459 = arith.mulf %parallel_loop3A_428, %get3A_183 : vector<16xf32>
        %parallel_loop3A_460 = arith.addf %parallel_loop3A_458, %parallel_loop3A_459 : vector<16xf32>
        %parallel_loop3A_461 = arith.mulf %parallel_loop3A_432, %get3A_185 : vector<16xf32>
        %parallel_loop3A_462 = arith.addf %parallel_loop3A_460, %parallel_loop3A_461 : vector<16xf32>
        %parallel_loop3A_463 = arith.mulf %parallel_loop3A_436, %get3A_187 : vector<16xf32>
        %parallel_loop3A_464 = arith.addf %parallel_loop3A_462, %parallel_loop3A_463 : vector<16xf32>
        %parallel_loop3A_465 = arith.mulf %parallel_loop3A_440, %get3A_189 : vector<16xf32>
        %parallel_loop3A_466 = arith.addf %parallel_loop3A_464, %parallel_loop3A_465 : vector<16xf32>
        %parallel_loop3A_467 = arith.mulf %parallel_loop3A_444, %get3A_191 : vector<16xf32>
        %parallel_loop3A_468 = arith.addf %parallel_loop3A_466, %parallel_loop3A_467 : vector<16xf32>
        %parallel_loop3A_469 = arith.mulf %parallel_loop3A_448, %get3A_193 : vector<16xf32>
        %parallel_loop3A_470 = arith.addf %parallel_loop3A_468, %parallel_loop3A_469 : vector<16xf32>
        %parallel_loop3A_471 = arith.mulf %parallel_loop3A_452, %get3A_195 : vector<16xf32>
        %parallel_loop3A_472 = arith.addf %parallel_loop3A_470, %parallel_loop3A_471 : vector<16xf32>
        %parallel_loop3A_473 = arith.constant 4 : i32
        %parallel_loop3A_474 = vector.broadcast %parallel_loop3A_473 : i32 to vector<16xi32>
        %parallel_loop3A_475 = arith.addi %parallel_loop3A_456, %parallel_loop3A_474 : vector<16xi32>
        tpu.vector_store_idx %arg11[%parallel_loop3A_475], %parallel_loop3A_472 : memref<17408xf32, #tpu.memory_space<vmem>>[vector<16xi32>], vector<16xf32>,
        %parallel_loop3A_476 = arith.mulf %parallel_loop3A_424, %get3A_197 : vector<16xf32>
        %parallel_loop3A_477 = arith.addf %get3A_247, %parallel_loop3A_476 : vector<16xf32>
        %parallel_loop3A_478 = arith.mulf %parallel_loop3A_428, %get3A_199 : vector<16xf32>
        %parallel_loop3A_479 = arith.addf %parallel_loop3A_477, %parallel_loop3A_478 : vector<16xf32>
        %parallel_loop3A_480 = arith.mulf %parallel_loop3A_432, %get3A_201 : vector<16xf32>
        %parallel_loop3A_481 = arith.addf %parallel_loop3A_479, %parallel_loop3A_480 : vector<16xf32>
        %parallel_loop3A_482 = arith.mulf %parallel_loop3A_436, %get3A_203 : vector<16xf32>
        %parallel_loop3A_483 = arith.addf %parallel_loop3A_481, %parallel_loop3A_482 : vector<16xf32>
        %parallel_loop3A_484 = arith.mulf %parallel_loop3A_440, %get3A_205 : vector<16xf32>
        %parallel_loop3A_485 = arith.addf %parallel_loop3A_483, %parallel_loop3A_484 : vector<16xf32>
        %parallel_loop3A_486 = arith.mulf %parallel_loop3A_444, %get3A_207 : vector<16xf32>
        %parallel_loop3A_487 = arith.addf %parallel_loop3A_485, %parallel_loop3A_486 : vector<16xf32>
        %parallel_loop3A_488 = arith.mulf %parallel_loop3A_448, %get3A_209 : vector<16xf32>
        %parallel_loop3A_489 = arith.addf %parallel_loop3A_487, %parallel_loop3A_488 : vector<16xf32>
        %parallel_loop3A_490 = arith.mulf %parallel_loop3A_452, %get3A_211 : vector<16xf32>
        %parallel_loop3A_491 = arith.addf %parallel_loop3A_489, %parallel_loop3A_490 : vector<16xf32>
        %parallel_loop3A_492 = arith.constant 5 : i32
        %parallel_loop3A_493 = vector.broadcast %parallel_loop3A_492 : i32 to vector<16xi32>
        %parallel_loop3A_494 = arith.addi %parallel_loop3A_456, %parallel_loop3A_493 : vector<16xi32>
        tpu.vector_store_idx %arg11[%parallel_loop3A_494], %parallel_loop3A_491 : memref<17408xf32, #tpu.memory_space<vmem>>[vector<16xi32>], vector<16xf32>,
        %parallel_loop3A_495 = arith.mulf %parallel_loop3A_424, %get3A_213 : vector<16xf32>
        %parallel_loop3A_496 = arith.addf %get3A_249, %parallel_loop3A_495 : vector<16xf32>
        %parallel_loop3A_497 = arith.mulf %parallel_loop3A_428, %get3A_215 : vector<16xf32>
        %parallel_loop3A_498 = arith.addf %parallel_loop3A_496, %parallel_loop3A_497 : vector<16xf32>
        %parallel_loop3A_499 = arith.mulf %parallel_loop3A_432, %get3A_217 : vector<16xf32>
        %parallel_loop3A_500 = arith.addf %parallel_loop3A_498, %parallel_loop3A_499 : vector<16xf32>
        %parallel_loop3A_501 = arith.mulf %parallel_loop3A_436, %get3A_219 : vector<16xf32>
        %parallel_loop3A_502 = arith.addf %parallel_loop3A_500, %parallel_loop3A_501 : vector<16xf32>
        %parallel_loop3A_503 = arith.mulf %parallel_loop3A_440, %get3A_221 : vector<16xf32>
        %parallel_loop3A_504 = arith.addf %parallel_loop3A_502, %parallel_loop3A_503 : vector<16xf32>
        %parallel_loop3A_505 = arith.mulf %parallel_loop3A_444, %get3A_223 : vector<16xf32>
        %parallel_loop3A_506 = arith.addf %parallel_loop3A_504, %parallel_loop3A_505 : vector<16xf32>
        %parallel_loop3A_507 = arith.mulf %parallel_loop3A_448, %get3A_225 : vector<16xf32>
        %parallel_loop3A_508 = arith.addf %parallel_loop3A_506, %parallel_loop3A_507 : vector<16xf32>
        %parallel_loop3A_509 = arith.mulf %parallel_loop3A_452, %get3A_227 : vector<16xf32>
        %parallel_loop3A_510 = arith.addf %parallel_loop3A_508, %parallel_loop3A_509 : vector<16xf32>
        %parallel_loop3A_511 = arith.constant 6 : i32
        %parallel_loop3A_512 = vector.broadcast %parallel_loop3A_511 : i32 to vector<16xi32>
        %parallel_loop3A_513 = arith.addi %parallel_loop3A_456, %parallel_loop3A_512 : vector<16xi32>
        tpu.vector_store_idx %arg11[%parallel_loop3A_513], %parallel_loop3A_510 : memref<17408xf32, #tpu.memory_space<vmem>>[vector<16xi32>], vector<16xf32>,
        %parallel_loop3A_514 = arith.mulf %parallel_loop3A_424, %get3A_229 : vector<16xf32>
        %parallel_loop3A_515 = arith.addf %get3A_251, %parallel_loop3A_514 : vector<16xf32>
        %parallel_loop3A_516 = arith.mulf %parallel_loop3A_428, %get3A_231 : vector<16xf32>
        %parallel_loop3A_517 = arith.addf %parallel_loop3A_515, %parallel_loop3A_516 : vector<16xf32>
        %parallel_loop3A_518 = arith.mulf %parallel_loop3A_432, %get3A_233 : vector<16xf32>
        %parallel_loop3A_519 = arith.addf %parallel_loop3A_517, %parallel_loop3A_518 : vector<16xf32>
        %parallel_loop3A_520 = arith.mulf %parallel_loop3A_436, %get3A_235 : vector<16xf32>
        %parallel_loop3A_521 = arith.addf %parallel_loop3A_519, %parallel_loop3A_520 : vector<16xf32>
        %parallel_loop3A_522 = arith.mulf %parallel_loop3A_440, %get3A_237 : vector<16xf32>
        %parallel_loop3A_523 = arith.addf %parallel_loop3A_521, %parallel_loop3A_522 : vector<16xf32>
        %parallel_loop3A_524 = arith.mulf %parallel_loop3A_444, %get3A_239 : vector<16xf32>
        %parallel_loop3A_525 = arith.addf %parallel_loop3A_523, %parallel_loop3A_524 : vector<16xf32>
        %parallel_loop3A_526 = arith.mulf %parallel_loop3A_448, %get3A_241 : vector<16xf32>
        %parallel_loop3A_527 = arith.addf %parallel_loop3A_525, %parallel_loop3A_526 : vector<16xf32>
        %parallel_loop3A_528 = arith.mulf %parallel_loop3A_452, %get3A_243 : vector<16xf32>
        %parallel_loop3A_529 = arith.addf %parallel_loop3A_527, %parallel_loop3A_528 : vector<16xf32>
        %parallel_loop3A_530 = arith.constant 7 : i32
        %parallel_loop3A_531 = vector.broadcast %parallel_loop3A_530 : i32 to vector<16xi32>
        %parallel_loop3A_532 = arith.addi %parallel_loop3A_456, %parallel_loop3A_531 : vector<16xi32>
        tpu.vector_store_idx %arg11[%parallel_loop3A_532], %parallel_loop3A_529 : memref<17408xf32, #tpu.memory_space<vmem>>[vector<16xi32>], vector<16xf32>,
      } {sc.loop_unroll_factor = 2 : i64, sc.parallel_access}
      %get3A_255 = arith.constant 128 : index
      %get3A_256 = tpu.vector_load %arg17[%get3A_255] {strides = array<i32>} : memref<2048xf32, #tpu.memory_space<vmem>>, vector<16xf32>,
      %get3A_257 = arith.constant 384 : index
      %get3A_258 = tpu.vector_load %arg17[%get3A_257] {strides = array<i32>} : memref<2048xf32, #tpu.memory_space<vmem>>, vector<16xf32>,
      %get3A_259 = arith.constant 640 : index
      %get3A_260 = tpu.vector_load %arg17[%get3A_259] {strides = array<i32>} : memref<2048xf32, #tpu.memory_space<vmem>>, vector<16xf32>,
      %get3A_261 = arith.constant 896 : index
      %get3A_262 = tpu.vector_load %arg17[%get3A_261] {strides = array<i32>} : memref<2048xf32, #tpu.memory_space<vmem>>, vector<16xf32>,
      %get3A_263 = arith.constant 1152 : index
      %get3A_264 = tpu.vector_load %arg17[%get3A_263] {strides = array<i32>} : memref<2048xf32, #tpu.memory_space<vmem>>, vector<16xf32>,
      %get3A_265 = arith.constant 1408 : index
      %get3A_266 = tpu.vector_load %arg17[%get3A_265] {strides = array<i32>} : memref<2048xf32, #tpu.memory_space<vmem>>, vector<16xf32>,
      %get3A_267 = arith.constant 1664 : index
      %get3A_268 = tpu.vector_load %arg17[%get3A_267] {strides = array<i32>} : memref<2048xf32, #tpu.memory_space<vmem>>, vector<16xf32>,
      %get3A_269 = arith.constant 1920 : index
      %get3A_270 = tpu.vector_load %arg17[%get3A_269] {strides = array<i32>} : memref<2048xf32, #tpu.memory_space<vmem>>, vector<16xf32>,
      %get3A_271 = arith.constant 144 : index
      %get3A_272 = tpu.vector_load %arg17[%get3A_271] {strides = array<i32>} : memref<2048xf32, #tpu.memory_space<vmem>>, vector<16xf32>,
      %get3A_273 = arith.constant 400 : index
      %get3A_274 = tpu.vector_load %arg17[%get3A_273] {strides = array<i32>} : memref<2048xf32, #tpu.memory_space<vmem>>, vector<16xf32>,
      %get3A_275 = arith.constant 656 : index
      %get3A_276 = tpu.vector_load %arg17[%get3A_275] {strides = array<i32>} : memref<2048xf32, #tpu.memory_space<vmem>>, vector<16xf32>,
      %get3A_277 = arith.constant 912 : index
      %get3A_278 = tpu.vector_load %arg17[%get3A_277] {strides = array<i32>} : memref<2048xf32, #tpu.memory_space<vmem>>, vector<16xf32>,
      %get3A_279 = arith.constant 1168 : index
      %get3A_280 = tpu.vector_load %arg17[%get3A_279] {strides = array<i32>} : memref<2048xf32, #tpu.memory_space<vmem>>, vector<16xf32>,
      %get3A_281 = arith.constant 1424 : index
      %get3A_282 = tpu.vector_load %arg17[%get3A_281] {strides = array<i32>} : memref<2048xf32, #tpu.memory_space<vmem>>, vector<16xf32>,
      %get3A_283 = arith.constant 1680 : index
      %get3A_284 = tpu.vector_load %arg17[%get3A_283] {strides = array<i32>} : memref<2048xf32, #tpu.memory_space<vmem>>, vector<16xf32>,
      %get3A_285 = arith.constant 1936 : index
      %get3A_286 = tpu.vector_load %arg17[%get3A_285] {strides = array<i32>} : memref<2048xf32, #tpu.memory_space<vmem>>, vector<16xf32>,
      %get3A_287 = arith.constant 160 : index
      %get3A_288 = tpu.vector_load %arg17[%get3A_287] {strides = array<i32>} : memref<2048xf32, #tpu.memory_space<vmem>>, vector<16xf32>,
      %get3A_289 = arith.constant 416 : index
      %get3A_290 = tpu.vector_load %arg17[%get3A_289] {strides = array<i32>} : memref<2048xf32, #tpu.memory_space<vmem>>, vector<16xf32>,
      %get3A_291 = arith.constant 672 : index
      %get3A_292 = tpu.vector_load %arg17[%get3A_291] {strides = array<i32>} : memref<2048xf32, #tpu.memory_space<vmem>>, vector<16xf32>,
      %get3A_293 = arith.constant 928 : index
      %get3A_294 = tpu.vector_load %arg17[%get3A_293] {strides = array<i32>} : memref<2048xf32, #tpu.memory_space<vmem>>, vector<16xf32>,
      %get3A_295 = arith.constant 1184 : index
      %get3A_296 = tpu.vector_load %arg17[%get3A_295] {strides = array<i32>} : memref<2048xf32, #tpu.memory_space<vmem>>, vector<16xf32>,
      %get3A_297 = arith.constant 1440 : index
      %get3A_298 = tpu.vector_load %arg17[%get3A_297] {strides = array<i32>} : memref<2048xf32, #tpu.memory_space<vmem>>, vector<16xf32>,
      %get3A_299 = arith.constant 1696 : index
      %get3A_300 = tpu.vector_load %arg17[%get3A_299] {strides = array<i32>} : memref<2048xf32, #tpu.memory_space<vmem>>, vector<16xf32>,
      %get3A_301 = arith.constant 1952 : index
      %get3A_302 = tpu.vector_load %arg17[%get3A_301] {strides = array<i32>} : memref<2048xf32, #tpu.memory_space<vmem>>, vector<16xf32>,
      %get3A_303 = arith.constant 176 : index
      %get3A_304 = tpu.vector_load %arg17[%get3A_303] {strides = array<i32>} : memref<2048xf32, #tpu.memory_space<vmem>>, vector<16xf32>,
      %get3A_305 = arith.constant 432 : index
      %get3A_306 = tpu.vector_load %arg17[%get3A_305] {strides = array<i32>} : memref<2048xf32, #tpu.memory_space<vmem>>, vector<16xf32>,
      %get3A_307 = arith.constant 688 : index
      %get3A_308 = tpu.vector_load %arg17[%get3A_307] {strides = array<i32>} : memref<2048xf32, #tpu.memory_space<vmem>>, vector<16xf32>,
      %get3A_309 = arith.constant 944 : index
      %get3A_310 = tpu.vector_load %arg17[%get3A_309] {strides = array<i32>} : memref<2048xf32, #tpu.memory_space<vmem>>, vector<16xf32>,
      %get3A_311 = arith.constant 1200 : index
      %get3A_312 = tpu.vector_load %arg17[%get3A_311] {strides = array<i32>} : memref<2048xf32, #tpu.memory_space<vmem>>, vector<16xf32>,
      %get3A_313 = arith.constant 1456 : index
      %get3A_314 = tpu.vector_load %arg17[%get3A_313] {strides = array<i32>} : memref<2048xf32, #tpu.memory_space<vmem>>, vector<16xf32>,
      %get3A_315 = arith.constant 1712 : index
      %get3A_316 = tpu.vector_load %arg17[%get3A_315] {strides = array<i32>} : memref<2048xf32, #tpu.memory_space<vmem>>, vector<16xf32>,
      %get3A_317 = arith.constant 1968 : index
      %get3A_318 = tpu.vector_load %arg17[%get3A_317] {strides = array<i32>} : memref<2048xf32, #tpu.memory_space<vmem>>, vector<16xf32>,
      %get3A_319 = arith.constant 128 : index
      %get3A_320 = tpu.vector_load %arg18[%get3A_319] {strides = array<i32>} : memref<256xf32, #tpu.memory_space<vmem>>, vector<16xf32>,
      %get3A_321 = arith.constant 144 : index
      %get3A_322 = tpu.vector_load %arg18[%get3A_321] {strides = array<i32>} : memref<256xf32, #tpu.memory_space<vmem>>, vector<16xf32>,
      %get3A_323 = arith.constant 160 : index
      %get3A_324 = tpu.vector_load %arg18[%get3A_323] {strides = array<i32>} : memref<256xf32, #tpu.memory_space<vmem>>, vector<16xf32>,
      %get3A_325 = arith.constant 176 : index
      %get3A_326 = tpu.vector_load %arg18[%get3A_325] {strides = array<i32>} : memref<256xf32, #tpu.memory_space<vmem>>, vector<16xf32>,
      %parallel_loop3A_327 = arith.constant 0 : i32
      %parallel_loop3A_328 = arith.constant 64 : i32
      %parallel_loop3A_329 = arith.constant 1 : i32
      scf.for %parallel_loop3A_416 = %parallel_loop3A_327 to %parallel_loop3A_328 step %parallel_loop3A_329  : i32 {
        %parallel_loop3A_417 = arith.constant 144 : i32
        %parallel_loop3A_418 = arith.muli %parallel_loop3A_416, %parallel_loop3A_417 : i32
        %parallel_loop3A_419 = vector.broadcast %parallel_loop3A_418 : i32 to vector<16xi32>
        %parallel_loop3A_420 = arith.addi %mul3A_34, %parallel_loop3A_419 : vector<16xi32>
        %parallel_loop3A_421 = arith.constant 0 : i32
        %parallel_loop3A_422 = vector.broadcast %parallel_loop3A_421 : i32 to vector<16xi32>
        %parallel_loop3A_423 = arith.addi %parallel_loop3A_420, %parallel_loop3A_422 : vector<16xi32>
        %parallel_loop3A_424 = tpu.vector_load_idx %arg10[%parallel_loop3A_423] : memref<9216xf32, #tpu.memory_space<vmem>>[vector<16xi32>], vector<16xf32>,
        %parallel_loop3A_425 = arith.constant 1 : i32
        %parallel_loop3A_426 = vector.broadcast %parallel_loop3A_425 : i32 to vector<16xi32>
        %parallel_loop3A_427 = arith.addi %parallel_loop3A_420, %parallel_loop3A_426 : vector<16xi32>
        %parallel_loop3A_428 = tpu.vector_load_idx %arg10[%parallel_loop3A_427] : memref<9216xf32, #tpu.memory_space<vmem>>[vector<16xi32>], vector<16xf32>,
        %parallel_loop3A_429 = arith.constant 2 : i32
        %parallel_loop3A_430 = vector.broadcast %parallel_loop3A_429 : i32 to vector<16xi32>
        %parallel_loop3A_431 = arith.addi %parallel_loop3A_420, %parallel_loop3A_430 : vector<16xi32>
        %parallel_loop3A_432 = tpu.vector_load_idx %arg10[%parallel_loop3A_431] : memref<9216xf32, #tpu.memory_space<vmem>>[vector<16xi32>], vector<16xf32>,
        %parallel_loop3A_433 = arith.constant 3 : i32
        %parallel_loop3A_434 = vector.broadcast %parallel_loop3A_433 : i32 to vector<16xi32>
        %parallel_loop3A_435 = arith.addi %parallel_loop3A_420, %parallel_loop3A_434 : vector<16xi32>
        %parallel_loop3A_436 = tpu.vector_load_idx %arg10[%parallel_loop3A_435] : memref<9216xf32, #tpu.memory_space<vmem>>[vector<16xi32>], vector<16xf32>,
        %parallel_loop3A_437 = arith.constant 4 : i32
        %parallel_loop3A_438 = vector.broadcast %parallel_loop3A_437 : i32 to vector<16xi32>
        %parallel_loop3A_439 = arith.addi %parallel_loop3A_420, %parallel_loop3A_438 : vector<16xi32>
        %parallel_loop3A_440 = tpu.vector_load_idx %arg10[%parallel_loop3A_439] : memref<9216xf32, #tpu.memory_space<vmem>>[vector<16xi32>], vector<16xf32>,
        %parallel_loop3A_441 = arith.constant 5 : i32
        %parallel_loop3A_442 = vector.broadcast %parallel_loop3A_441 : i32 to vector<16xi32>
        %parallel_loop3A_443 = arith.addi %parallel_loop3A_420, %parallel_loop3A_442 : vector<16xi32>
        %parallel_loop3A_444 = tpu.vector_load_idx %arg10[%parallel_loop3A_443] : memref<9216xf32, #tpu.memory_space<vmem>>[vector<16xi32>], vector<16xf32>,
        %parallel_loop3A_445 = arith.constant 6 : i32
        %parallel_loop3A_446 = vector.broadcast %parallel_loop3A_445 : i32 to vector<16xi32>
        %parallel_loop3A_447 = arith.addi %parallel_loop3A_420, %parallel_loop3A_446 : vector<16xi32>
        %parallel_loop3A_448 = tpu.vector_load_idx %arg10[%parallel_loop3A_447] : memref<9216xf32, #tpu.memory_space<vmem>>[vector<16xi32>], vector<16xf32>,
        %parallel_loop3A_449 = arith.constant 7 : i32
        %parallel_loop3A_450 = vector.broadcast %parallel_loop3A_449 : i32 to vector<16xi32>
        %parallel_loop3A_451 = arith.addi %parallel_loop3A_420, %parallel_loop3A_450 : vector<16xi32>
        %parallel_loop3A_452 = tpu.vector_load_idx %arg10[%parallel_loop3A_451] : memref<9216xf32, #tpu.memory_space<vmem>>[vector<16xi32>], vector<16xf32>,
        %parallel_loop3A_453 = arith.constant 272 : i32
        %parallel_loop3A_454 = arith.muli %parallel_loop3A_416, %parallel_loop3A_453 : i32
        %parallel_loop3A_455 = vector.broadcast %parallel_loop3A_454 : i32 to vector<16xi32>
        %parallel_loop3A_456 = arith.addi %mul3A_37, %parallel_loop3A_455 : vector<16xi32>
        %parallel_loop3A_457 = arith.mulf %parallel_loop3A_424, %get3A_256 : vector<16xf32>
        %parallel_loop3A_458 = arith.addf %get3A_320, %parallel_loop3A_457 : vector<16xf32>
        %parallel_loop3A_459 = arith.mulf %parallel_loop3A_428, %get3A_258 : vector<16xf32>
        %parallel_loop3A_460 = arith.addf %parallel_loop3A_458, %parallel_loop3A_459 : vector<16xf32>
        %parallel_loop3A_461 = arith.mulf %parallel_loop3A_432, %get3A_260 : vector<16xf32>
        %parallel_loop3A_462 = arith.addf %parallel_loop3A_460, %parallel_loop3A_461 : vector<16xf32>
        %parallel_loop3A_463 = arith.mulf %parallel_loop3A_436, %get3A_262 : vector<16xf32>
        %parallel_loop3A_464 = arith.addf %parallel_loop3A_462, %parallel_loop3A_463 : vector<16xf32>
        %parallel_loop3A_465 = arith.mulf %parallel_loop3A_440, %get3A_264 : vector<16xf32>
        %parallel_loop3A_466 = arith.addf %parallel_loop3A_464, %parallel_loop3A_465 : vector<16xf32>
        %parallel_loop3A_467 = arith.mulf %parallel_loop3A_444, %get3A_266 : vector<16xf32>
        %parallel_loop3A_468 = arith.addf %parallel_loop3A_466, %parallel_loop3A_467 : vector<16xf32>
        %parallel_loop3A_469 = arith.mulf %parallel_loop3A_448, %get3A_268 : vector<16xf32>
        %parallel_loop3A_470 = arith.addf %parallel_loop3A_468, %parallel_loop3A_469 : vector<16xf32>
        %parallel_loop3A_471 = arith.mulf %parallel_loop3A_452, %get3A_270 : vector<16xf32>
        %parallel_loop3A_472 = arith.addf %parallel_loop3A_470, %parallel_loop3A_471 : vector<16xf32>
        %parallel_loop3A_473 = arith.constant 8 : i32
        %parallel_loop3A_474 = vector.broadcast %parallel_loop3A_473 : i32 to vector<16xi32>
        %parallel_loop3A_475 = arith.addi %parallel_loop3A_456, %parallel_loop3A_474 : vector<16xi32>
        tpu.vector_store_idx %arg11[%parallel_loop3A_475], %parallel_loop3A_472 : memref<17408xf32, #tpu.memory_space<vmem>>[vector<16xi32>], vector<16xf32>,
        %parallel_loop3A_476 = arith.mulf %parallel_loop3A_424, %get3A_272 : vector<16xf32>
        %parallel_loop3A_477 = arith.addf %get3A_322, %parallel_loop3A_476 : vector<16xf32>
        %parallel_loop3A_478 = arith.mulf %parallel_loop3A_428, %get3A_274 : vector<16xf32>
        %parallel_loop3A_479 = arith.addf %parallel_loop3A_477, %parallel_loop3A_478 : vector<16xf32>
        %parallel_loop3A_480 = arith.mulf %parallel_loop3A_432, %get3A_276 : vector<16xf32>
        %parallel_loop3A_481 = arith.addf %parallel_loop3A_479, %parallel_loop3A_480 : vector<16xf32>
        %parallel_loop3A_482 = arith.mulf %parallel_loop3A_436, %get3A_278 : vector<16xf32>
        %parallel_loop3A_483 = arith.addf %parallel_loop3A_481, %parallel_loop3A_482 : vector<16xf32>
        %parallel_loop3A_484 = arith.mulf %parallel_loop3A_440, %get3A_280 : vector<16xf32>
        %parallel_loop3A_485 = arith.addf %parallel_loop3A_483, %parallel_loop3A_484 : vector<16xf32>
        %parallel_loop3A_486 = arith.mulf %parallel_loop3A_444, %get3A_282 : vector<16xf32>
        %parallel_loop3A_487 = arith.addf %parallel_loop3A_485, %parallel_loop3A_486 : vector<16xf32>
        %parallel_loop3A_488 = arith.mulf %parallel_loop3A_448, %get3A_284 : vector<16xf32>
        %parallel_loop3A_489 = arith.addf %parallel_loop3A_487, %parallel_loop3A_488 : vector<16xf32>
        %parallel_loop3A_490 = arith.mulf %parallel_loop3A_452, %get3A_286 : vector<16xf32>
        %parallel_loop3A_491 = arith.addf %parallel_loop3A_489, %parallel_loop3A_490 : vector<16xf32>
        %parallel_loop3A_492 = arith.constant 9 : i32
        %parallel_loop3A_493 = vector.broadcast %parallel_loop3A_492 : i32 to vector<16xi32>
        %parallel_loop3A_494 = arith.addi %parallel_loop3A_456, %parallel_loop3A_493 : vector<16xi32>
        tpu.vector_store_idx %arg11[%parallel_loop3A_494], %parallel_loop3A_491 : memref<17408xf32, #tpu.memory_space<vmem>>[vector<16xi32>], vector<16xf32>,
        %parallel_loop3A_495 = arith.mulf %parallel_loop3A_424, %get3A_288 : vector<16xf32>
        %parallel_loop3A_496 = arith.addf %get3A_324, %parallel_loop3A_495 : vector<16xf32>
        %parallel_loop3A_497 = arith.mulf %parallel_loop3A_428, %get3A_290 : vector<16xf32>
        %parallel_loop3A_498 = arith.addf %parallel_loop3A_496, %parallel_loop3A_497 : vector<16xf32>
        %parallel_loop3A_499 = arith.mulf %parallel_loop3A_432, %get3A_292 : vector<16xf32>
        %parallel_loop3A_500 = arith.addf %parallel_loop3A_498, %parallel_loop3A_499 : vector<16xf32>
        %parallel_loop3A_501 = arith.mulf %parallel_loop3A_436, %get3A_294 : vector<16xf32>
        %parallel_loop3A_502 = arith.addf %parallel_loop3A_500, %parallel_loop3A_501 : vector<16xf32>
        %parallel_loop3A_503 = arith.mulf %parallel_loop3A_440, %get3A_296 : vector<16xf32>
        %parallel_loop3A_504 = arith.addf %parallel_loop3A_502, %parallel_loop3A_503 : vector<16xf32>
        %parallel_loop3A_505 = arith.mulf %parallel_loop3A_444, %get3A_298 : vector<16xf32>
        %parallel_loop3A_506 = arith.addf %parallel_loop3A_504, %parallel_loop3A_505 : vector<16xf32>
        %parallel_loop3A_507 = arith.mulf %parallel_loop3A_448, %get3A_300 : vector<16xf32>
        %parallel_loop3A_508 = arith.addf %parallel_loop3A_506, %parallel_loop3A_507 : vector<16xf32>
        %parallel_loop3A_509 = arith.mulf %parallel_loop3A_452, %get3A_302 : vector<16xf32>
        %parallel_loop3A_510 = arith.addf %parallel_loop3A_508, %parallel_loop3A_509 : vector<16xf32>
        %parallel_loop3A_511 = arith.constant 10 : i32
        %parallel_loop3A_512 = vector.broadcast %parallel_loop3A_511 : i32 to vector<16xi32>
        %parallel_loop3A_513 = arith.addi %parallel_loop3A_456, %parallel_loop3A_512 : vector<16xi32>
        tpu.vector_store_idx %arg11[%parallel_loop3A_513], %parallel_loop3A_510 : memref<17408xf32, #tpu.memory_space<vmem>>[vector<16xi32>], vector<16xf32>,
        %parallel_loop3A_514 = arith.mulf %parallel_loop3A_424, %get3A_304 : vector<16xf32>
        %parallel_loop3A_515 = arith.addf %get3A_326, %parallel_loop3A_514 : vector<16xf32>
        %parallel_loop3A_516 = arith.mulf %parallel_loop3A_428, %get3A_306 : vector<16xf32>
        %parallel_loop3A_517 = arith.addf %parallel_loop3A_515, %parallel_loop3A_516 : vector<16xf32>
        %parallel_loop3A_518 = arith.mulf %parallel_loop3A_432, %get3A_308 : vector<16xf32>
        %parallel_loop3A_519 = arith.addf %parallel_loop3A_517, %parallel_loop3A_518 : vector<16xf32>
        %parallel_loop3A_520 = arith.mulf %parallel_loop3A_436, %get3A_310 : vector<16xf32>
        %parallel_loop3A_521 = arith.addf %parallel_loop3A_519, %parallel_loop3A_520 : vector<16xf32>
        %parallel_loop3A_522 = arith.mulf %parallel_loop3A_440, %get3A_312 : vector<16xf32>
        %parallel_loop3A_523 = arith.addf %parallel_loop3A_521, %parallel_loop3A_522 : vector<16xf32>
        %parallel_loop3A_524 = arith.mulf %parallel_loop3A_444, %get3A_314 : vector<16xf32>
        %parallel_loop3A_525 = arith.addf %parallel_loop3A_523, %parallel_loop3A_524 : vector<16xf32>
        %parallel_loop3A_526 = arith.mulf %parallel_loop3A_448, %get3A_316 : vector<16xf32>
        %parallel_loop3A_527 = arith.addf %parallel_loop3A_525, %parallel_loop3A_526 : vector<16xf32>
        %parallel_loop3A_528 = arith.mulf %parallel_loop3A_452, %get3A_318 : vector<16xf32>
        %parallel_loop3A_529 = arith.addf %parallel_loop3A_527, %parallel_loop3A_528 : vector<16xf32>
        %parallel_loop3A_530 = arith.constant 11 : i32
        %parallel_loop3A_531 = vector.broadcast %parallel_loop3A_530 : i32 to vector<16xi32>
        %parallel_loop3A_532 = arith.addi %parallel_loop3A_456, %parallel_loop3A_531 : vector<16xi32>
        tpu.vector_store_idx %arg11[%parallel_loop3A_532], %parallel_loop3A_529 : memref<17408xf32, #tpu.memory_space<vmem>>[vector<16xi32>], vector<16xf32>,
      } {sc.loop_unroll_factor = 2 : i64, sc.parallel_access}
      %get3A_330 = arith.constant 192 : index
      %get3A_331 = tpu.vector_load %arg17[%get3A_330] {strides = array<i32>} : memref<2048xf32, #tpu.memory_space<vmem>>, vector<16xf32>,
      %get3A_332 = arith.constant 448 : index
      %get3A_333 = tpu.vector_load %arg17[%get3A_332] {strides = array<i32>} : memref<2048xf32, #tpu.memory_space<vmem>>, vector<16xf32>,
      %get3A_334 = arith.constant 704 : index
      %get3A_335 = tpu.vector_load %arg17[%get3A_334] {strides = array<i32>} : memref<2048xf32, #tpu.memory_space<vmem>>, vector<16xf32>,
      %get3A_336 = arith.constant 960 : index
      %get3A_337 = tpu.vector_load %arg17[%get3A_336] {strides = array<i32>} : memref<2048xf32, #tpu.memory_space<vmem>>, vector<16xf32>,
      %get3A_338 = arith.constant 1216 : index
      %get3A_339 = tpu.vector_load %arg17[%get3A_338] {strides = array<i32>} : memref<2048xf32, #tpu.memory_space<vmem>>, vector<16xf32>,
      %get3A_340 = arith.constant 1472 : index
      %get3A_341 = tpu.vector_load %arg17[%get3A_340] {strides = array<i32>} : memref<2048xf32, #tpu.memory_space<vmem>>, vector<16xf32>,
      %get3A_342 = arith.constant 1728 : index
      %get3A_343 = tpu.vector_load %arg17[%get3A_342] {strides = array<i32>} : memref<2048xf32, #tpu.memory_space<vmem>>, vector<16xf32>,
      %get3A_344 = arith.constant 1984 : index
      %get3A_345 = tpu.vector_load %arg17[%get3A_344] {strides = array<i32>} : memref<2048xf32, #tpu.memory_space<vmem>>, vector<16xf32>,
      %get3A_346 = arith.constant 208 : index
      %get3A_347 = tpu.vector_load %arg17[%get3A_346] {strides = array<i32>} : memref<2048xf32, #tpu.memory_space<vmem>>, vector<16xf32>,
      %get3A_348 = arith.constant 464 : index
      %get3A_349 = tpu.vector_load %arg17[%get3A_348] {strides = array<i32>} : memref<2048xf32, #tpu.memory_space<vmem>>, vector<16xf32>,
      %get3A_350 = arith.constant 720 : index
      %get3A_351 = tpu.vector_load %arg17[%get3A_350] {strides = array<i32>} : memref<2048xf32, #tpu.memory_space<vmem>>, vector<16xf32>,
      %get3A_352 = arith.constant 976 : index
      %get3A_353 = tpu.vector_load %arg17[%get3A_352] {strides = array<i32>} : memref<2048xf32, #tpu.memory_space<vmem>>, vector<16xf32>,
      %get3A_354 = arith.constant 1232 : index
      %get3A_355 = tpu.vector_load %arg17[%get3A_354] {strides = array<i32>} : memref<2048xf32, #tpu.memory_space<vmem>>, vector<16xf32>,
      %get3A_356 = arith.constant 1488 : index
      %get3A_357 = tpu.vector_load %arg17[%get3A_356] {strides = array<i32>} : memref<2048xf32, #tpu.memory_space<vmem>>, vector<16xf32>,
      %get3A_358 = arith.constant 1744 : index
      %get3A_359 = tpu.vector_load %arg17[%get3A_358] {strides = array<i32>} : memref<2048xf32, #tpu.memory_space<vmem>>, vector<16xf32>,
      %get3A_360 = arith.constant 2000 : index
      %get3A_361 = tpu.vector_load %arg17[%get3A_360] {strides = array<i32>} : memref<2048xf32, #tpu.memory_space<vmem>>, vector<16xf32>,
      %get3A_362 = arith.constant 224 : index
      %get3A_363 = tpu.vector_load %arg17[%get3A_362] {strides = array<i32>} : memref<2048xf32, #tpu.memory_space<vmem>>, vector<16xf32>,
      %get3A_364 = arith.constant 480 : index
      %get3A_365 = tpu.vector_load %arg17[%get3A_364] {strides = array<i32>} : memref<2048xf32, #tpu.memory_space<vmem>>, vector<16xf32>,
      %get3A_366 = arith.constant 736 : index
      %get3A_367 = tpu.vector_load %arg17[%get3A_366] {strides = array<i32>} : memref<2048xf32, #tpu.memory_space<vmem>>, vector<16xf32>,
      %get3A_368 = arith.constant 992 : index
      %get3A_369 = tpu.vector_load %arg17[%get3A_368] {strides = array<i32>} : memref<2048xf32, #tpu.memory_space<vmem>>, vector<16xf32>,
      %get3A_370 = arith.constant 1248 : index
      %get3A_371 = tpu.vector_load %arg17[%get3A_370] {strides = array<i32>} : memref<2048xf32, #tpu.memory_space<vmem>>, vector<16xf32>,
      %get3A_372 = arith.constant 1504 : index
      %get3A_373 = tpu.vector_load %arg17[%get3A_372] {strides = array<i32>} : memref<2048xf32, #tpu.memory_space<vmem>>, vector<16xf32>,
      %get3A_374 = arith.constant 1760 : index
      %get3A_375 = tpu.vector_load %arg17[%get3A_374] {strides = array<i32>} : memref<2048xf32, #tpu.memory_space<vmem>>, vector<16xf32>,
      %get3A_376 = arith.constant 2016 : index
      %get3A_377 = tpu.vector_load %arg17[%get3A_376] {strides = array<i32>} : memref<2048xf32, #tpu.memory_space<vmem>>, vector<16xf32>,
      %get3A_378 = arith.constant 240 : index
      %get3A_379 = tpu.vector_load %arg17[%get3A_378] {strides = array<i32>} : memref<2048xf32, #tpu.memory_space<vmem>>, vector<16xf32>,
      %get3A_380 = arith.constant 496 : index
      %get3A_381 = tpu.vector_load %arg17[%get3A_380] {strides = array<i32>} : memref<2048xf32, #tpu.memory_space<vmem>>, vector<16xf32>,
      %get3A_382 = arith.constant 752 : index
      %get3A_383 = tpu.vector_load %arg17[%get3A_382] {strides = array<i32>} : memref<2048xf32, #tpu.memory_space<vmem>>, vector<16xf32>,
      %get3A_384 = arith.constant 1008 : index
      %get3A_385 = tpu.vector_load %arg17[%get3A_384] {strides = array<i32>} : memref<2048xf32, #tpu.memory_space<vmem>>, vector<16xf32>,
      %get3A_386 = arith.constant 1264 : index
      %get3A_387 = tpu.vector_load %arg17[%get3A_386] {strides = array<i32>} : memref<2048xf32, #tpu.memory_space<vmem>>, vector<16xf32>,
      %get3A_388 = arith.constant 1520 : index
      %get3A_389 = tpu.vector_load %arg17[%get3A_388] {strides = array<i32>} : memref<2048xf32, #tpu.memory_space<vmem>>, vector<16xf32>,
      %get3A_390 = arith.constant 1776 : index
      %get3A_391 = tpu.vector_load %arg17[%get3A_390] {strides = array<i32>} : memref<2048xf32, #tpu.memory_space<vmem>>, vector<16xf32>,
      %get3A_392 = arith.constant 2032 : index
      %get3A_393 = tpu.vector_load %arg17[%get3A_392] {strides = array<i32>} : memref<2048xf32, #tpu.memory_space<vmem>>, vector<16xf32>,
      %get3A_394 = arith.constant 192 : index
      %get3A_395 = tpu.vector_load %arg18[%get3A_394] {strides = array<i32>} : memref<256xf32, #tpu.memory_space<vmem>>, vector<16xf32>,
      %get3A_396 = arith.constant 208 : index
      %get3A_397 = tpu.vector_load %arg18[%get3A_396] {strides = array<i32>} : memref<256xf32, #tpu.memory_space<vmem>>, vector<16xf32>,
      %get3A_398 = arith.constant 224 : index
      %get3A_399 = tpu.vector_load %arg18[%get3A_398] {strides = array<i32>} : memref<256xf32, #tpu.memory_space<vmem>>, vector<16xf32>,
      %get3A_400 = arith.constant 240 : index
      %get3A_401 = tpu.vector_load %arg18[%get3A_400] {strides = array<i32>} : memref<256xf32, #tpu.memory_space<vmem>>, vector<16xf32>,
      %parallel_loop3A_402 = arith.constant 0 : i32
      %parallel_loop3A_403 = arith.constant 64 : i32
      %parallel_loop3A_404 = arith.constant 1 : i32
      scf.for %parallel_loop3A_416 = %parallel_loop3A_402 to %parallel_loop3A_403 step %parallel_loop3A_404  : i32 {
        %parallel_loop3A_417 = arith.constant 144 : i32
        %parallel_loop3A_418 = arith.muli %parallel_loop3A_416, %parallel_loop3A_417 : i32
        %parallel_loop3A_419 = vector.broadcast %parallel_loop3A_418 : i32 to vector<16xi32>
        %parallel_loop3A_420 = arith.addi %mul3A_34, %parallel_loop3A_419 : vector<16xi32>
        %parallel_loop3A_421 = arith.constant 0 : i32
        %parallel_loop3A_422 = vector.broadcast %parallel_loop3A_421 : i32 to vector<16xi32>
        %parallel_loop3A_423 = arith.addi %parallel_loop3A_420, %parallel_loop3A_422 : vector<16xi32>
        %parallel_loop3A_424 = tpu.vector_load_idx %arg10[%parallel_loop3A_423] : memref<9216xf32, #tpu.memory_space<vmem>>[vector<16xi32>], vector<16xf32>,
        %parallel_loop3A_425 = arith.constant 1 : i32
        %parallel_loop3A_426 = vector.broadcast %parallel_loop3A_425 : i32 to vector<16xi32>
        %parallel_loop3A_427 = arith.addi %parallel_loop3A_420, %parallel_loop3A_426 : vector<16xi32>
        %parallel_loop3A_428 = tpu.vector_load_idx %arg10[%parallel_loop3A_427] : memref<9216xf32, #tpu.memory_space<vmem>>[vector<16xi32>], vector<16xf32>,
        %parallel_loop3A_429 = arith.constant 2 : i32
        %parallel_loop3A_430 = vector.broadcast %parallel_loop3A_429 : i32 to vector<16xi32>
        %parallel_loop3A_431 = arith.addi %parallel_loop3A_420, %parallel_loop3A_430 : vector<16xi32>
        %parallel_loop3A_432 = tpu.vector_load_idx %arg10[%parallel_loop3A_431] : memref<9216xf32, #tpu.memory_space<vmem>>[vector<16xi32>], vector<16xf32>,
        %parallel_loop3A_433 = arith.constant 3 : i32
        %parallel_loop3A_434 = vector.broadcast %parallel_loop3A_433 : i32 to vector<16xi32>
        %parallel_loop3A_435 = arith.addi %parallel_loop3A_420, %parallel_loop3A_434 : vector<16xi32>
        %parallel_loop3A_436 = tpu.vector_load_idx %arg10[%parallel_loop3A_435] : memref<9216xf32, #tpu.memory_space<vmem>>[vector<16xi32>], vector<16xf32>,
        %parallel_loop3A_437 = arith.constant 4 : i32
        %parallel_loop3A_438 = vector.broadcast %parallel_loop3A_437 : i32 to vector<16xi32>
        %parallel_loop3A_439 = arith.addi %parallel_loop3A_420, %parallel_loop3A_438 : vector<16xi32>
        %parallel_loop3A_440 = tpu.vector_load_idx %arg10[%parallel_loop3A_439] : memref<9216xf32, #tpu.memory_space<vmem>>[vector<16xi32>], vector<16xf32>,
        %parallel_loop3A_441 = arith.constant 5 : i32
        %parallel_loop3A_442 = vector.broadcast %parallel_loop3A_441 : i32 to vector<16xi32>
        %parallel_loop3A_443 = arith.addi %parallel_loop3A_420, %parallel_loop3A_442 : vector<16xi32>
        %parallel_loop3A_444 = tpu.vector_load_idx %arg10[%parallel_loop3A_443] : memref<9216xf32, #tpu.memory_space<vmem>>[vector<16xi32>], vector<16xf32>,
        %parallel_loop3A_445 = arith.constant 6 : i32
        %parallel_loop3A_446 = vector.broadcast %parallel_loop3A_445 : i32 to vector<16xi32>
        %parallel_loop3A_447 = arith.addi %parallel_loop3A_420, %parallel_loop3A_446 : vector<16xi32>
        %parallel_loop3A_448 = tpu.vector_load_idx %arg10[%parallel_loop3A_447] : memref<9216xf32, #tpu.memory_space<vmem>>[vector<16xi32>], vector<16xf32>,
        %parallel_loop3A_449 = arith.constant 7 : i32
        %parallel_loop3A_450 = vector.broadcast %parallel_loop3A_449 : i32 to vector<16xi32>
        %parallel_loop3A_451 = arith.addi %parallel_loop3A_420, %parallel_loop3A_450 : vector<16xi32>
        %parallel_loop3A_452 = tpu.vector_load_idx %arg10[%parallel_loop3A_451] : memref<9216xf32, #tpu.memory_space<vmem>>[vector<16xi32>], vector<16xf32>,
        %parallel_loop3A_453 = arith.constant 272 : i32
        %parallel_loop3A_454 = arith.muli %parallel_loop3A_416, %parallel_loop3A_453 : i32
        %parallel_loop3A_455 = vector.broadcast %parallel_loop3A_454 : i32 to vector<16xi32>
        %parallel_loop3A_456 = arith.addi %mul3A_37, %parallel_loop3A_455 : vector<16xi32>
        %parallel_loop3A_457 = arith.mulf %parallel_loop3A_424, %get3A_331 : vector<16xf32>
        %parallel_loop3A_458 = arith.addf %get3A_395, %parallel_loop3A_457 : vector<16xf32>
        %parallel_loop3A_459 = arith.mulf %parallel_loop3A_428, %get3A_333 : vector<16xf32>
        %parallel_loop3A_460 = arith.addf %parallel_loop3A_458, %parallel_loop3A_459 : vector<16xf32>
        %parallel_loop3A_461 = arith.mulf %parallel_loop3A_432, %get3A_335 : vector<16xf32>
        %parallel_loop3A_462 = arith.addf %parallel_loop3A_460, %parallel_loop3A_461 : vector<16xf32>
        %parallel_loop3A_463 = arith.mulf %parallel_loop3A_436, %get3A_337 : vector<16xf32>
        %parallel_loop3A_464 = arith.addf %parallel_loop3A_462, %parallel_loop3A_463 : vector<16xf32>
        %parallel_loop3A_465 = arith.mulf %parallel_loop3A_440, %get3A_339 : vector<16xf32>
        %parallel_loop3A_466 = arith.addf %parallel_loop3A_464, %parallel_loop3A_465 : vector<16xf32>
        %parallel_loop3A_467 = arith.mulf %parallel_loop3A_444, %get3A_341 : vector<16xf32>
        %parallel_loop3A_468 = arith.addf %parallel_loop3A_466, %parallel_loop3A_467 : vector<16xf32>
        %parallel_loop3A_469 = arith.mulf %parallel_loop3A_448, %get3A_343 : vector<16xf32>
        %parallel_loop3A_470 = arith.addf %parallel_loop3A_468, %parallel_loop3A_469 : vector<16xf32>
        %parallel_loop3A_471 = arith.mulf %parallel_loop3A_452, %get3A_345 : vector<16xf32>
        %parallel_loop3A_472 = arith.addf %parallel_loop3A_470, %parallel_loop3A_471 : vector<16xf32>
        %parallel_loop3A_473 = arith.constant 12 : i32
        %parallel_loop3A_474 = vector.broadcast %parallel_loop3A_473 : i32 to vector<16xi32>
        %parallel_loop3A_475 = arith.addi %parallel_loop3A_456, %parallel_loop3A_474 : vector<16xi32>
        tpu.vector_store_idx %arg11[%parallel_loop3A_475], %parallel_loop3A_472 : memref<17408xf32, #tpu.memory_space<vmem>>[vector<16xi32>], vector<16xf32>,
        %parallel_loop3A_476 = arith.mulf %parallel_loop3A_424, %get3A_347 : vector<16xf32>
        %parallel_loop3A_477 = arith.addf %get3A_397, %parallel_loop3A_476 : vector<16xf32>
        %parallel_loop3A_478 = arith.mulf %parallel_loop3A_428, %get3A_349 : vector<16xf32>
        %parallel_loop3A_479 = arith.addf %parallel_loop3A_477, %parallel_loop3A_478 : vector<16xf32>
        %parallel_loop3A_480 = arith.mulf %parallel_loop3A_432, %get3A_351 : vector<16xf32>
        %parallel_loop3A_481 = arith.addf %parallel_loop3A_479, %parallel_loop3A_480 : vector<16xf32>
        %parallel_loop3A_482 = arith.mulf %parallel_loop3A_436, %get3A_353 : vector<16xf32>
        %parallel_loop3A_483 = arith.addf %parallel_loop3A_481, %parallel_loop3A_482 : vector<16xf32>
        %parallel_loop3A_484 = arith.mulf %parallel_loop3A_440, %get3A_355 : vector<16xf32>
        %parallel_loop3A_485 = arith.addf %parallel_loop3A_483, %parallel_loop3A_484 : vector<16xf32>
        %parallel_loop3A_486 = arith.mulf %parallel_loop3A_444, %get3A_357 : vector<16xf32>
        %parallel_loop3A_487 = arith.addf %parallel_loop3A_485, %parallel_loop3A_486 : vector<16xf32>
        %parallel_loop3A_488 = arith.mulf %parallel_loop3A_448, %get3A_359 : vector<16xf32>
        %parallel_loop3A_489 = arith.addf %parallel_loop3A_487, %parallel_loop3A_488 : vector<16xf32>
        %parallel_loop3A_490 = arith.mulf %parallel_loop3A_452, %get3A_361 : vector<16xf32>
        %parallel_loop3A_491 = arith.addf %parallel_loop3A_489, %parallel_loop3A_490 : vector<16xf32>
        %parallel_loop3A_492 = arith.constant 13 : i32
        %parallel_loop3A_493 = vector.broadcast %parallel_loop3A_492 : i32 to vector<16xi32>
        %parallel_loop3A_494 = arith.addi %parallel_loop3A_456, %parallel_loop3A_493 : vector<16xi32>
        tpu.vector_store_idx %arg11[%parallel_loop3A_494], %parallel_loop3A_491 : memref<17408xf32, #tpu.memory_space<vmem>>[vector<16xi32>], vector<16xf32>,
        %parallel_loop3A_495 = arith.mulf %parallel_loop3A_424, %get3A_363 : vector<16xf32>
        %parallel_loop3A_496 = arith.addf %get3A_399, %parallel_loop3A_495 : vector<16xf32>
        %parallel_loop3A_497 = arith.mulf %parallel_loop3A_428, %get3A_365 : vector<16xf32>
        %parallel_loop3A_498 = arith.addf %parallel_loop3A_496, %parallel_loop3A_497 : vector<16xf32>
        %parallel_loop3A_499 = arith.mulf %parallel_loop3A_432, %get3A_367 : vector<16xf32>
        %parallel_loop3A_500 = arith.addf %parallel_loop3A_498, %parallel_loop3A_499 : vector<16xf32>
        %parallel_loop3A_501 = arith.mulf %parallel_loop3A_436, %get3A_369 : vector<16xf32>
        %parallel_loop3A_502 = arith.addf %parallel_loop3A_500, %parallel_loop3A_501 : vector<16xf32>
        %parallel_loop3A_503 = arith.mulf %parallel_loop3A_440, %get3A_371 : vector<16xf32>
        %parallel_loop3A_504 = arith.addf %parallel_loop3A_502, %parallel_loop3A_503 : vector<16xf32>
        %parallel_loop3A_505 = arith.mulf %parallel_loop3A_444, %get3A_373 : vector<16xf32>
        %parallel_loop3A_506 = arith.addf %parallel_loop3A_504, %parallel_loop3A_505 : vector<16xf32>
        %parallel_loop3A_507 = arith.mulf %parallel_loop3A_448, %get3A_375 : vector<16xf32>
        %parallel_loop3A_508 = arith.addf %parallel_loop3A_506, %parallel_loop3A_507 : vector<16xf32>
        %parallel_loop3A_509 = arith.mulf %parallel_loop3A_452, %get3A_377 : vector<16xf32>
        %parallel_loop3A_510 = arith.addf %parallel_loop3A_508, %parallel_loop3A_509 : vector<16xf32>
        %parallel_loop3A_511 = arith.constant 14 : i32
        %parallel_loop3A_512 = vector.broadcast %parallel_loop3A_511 : i32 to vector<16xi32>
        %parallel_loop3A_513 = arith.addi %parallel_loop3A_456, %parallel_loop3A_512 : vector<16xi32>
        tpu.vector_store_idx %arg11[%parallel_loop3A_513], %parallel_loop3A_510 : memref<17408xf32, #tpu.memory_space<vmem>>[vector<16xi32>], vector<16xf32>,
        %parallel_loop3A_514 = arith.mulf %parallel_loop3A_424, %get3A_379 : vector<16xf32>
        %parallel_loop3A_515 = arith.addf %get3A_401, %parallel_loop3A_514 : vector<16xf32>
        %parallel_loop3A_516 = arith.mulf %parallel_loop3A_428, %get3A_381 : vector<16xf32>
        %parallel_loop3A_517 = arith.addf %parallel_loop3A_515, %parallel_loop3A_516 : vector<16xf32>
        %parallel_loop3A_518 = arith.mulf %parallel_loop3A_432, %get3A_383 : vector<16xf32>
        %parallel_loop3A_519 = arith.addf %parallel_loop3A_517, %parallel_loop3A_518 : vector<16xf32>
        %parallel_loop3A_520 = arith.mulf %parallel_loop3A_436, %get3A_385 : vector<16xf32>
        %parallel_loop3A_521 = arith.addf %parallel_loop3A_519, %parallel_loop3A_520 : vector<16xf32>
        %parallel_loop3A_522 = arith.mulf %parallel_loop3A_440, %get3A_387 : vector<16xf32>
        %parallel_loop3A_523 = arith.addf %parallel_loop3A_521, %parallel_loop3A_522 : vector<16xf32>
        %parallel_loop3A_524 = arith.mulf %parallel_loop3A_444, %get3A_389 : vector<16xf32>
        %parallel_loop3A_525 = arith.addf %parallel_loop3A_523, %parallel_loop3A_524 : vector<16xf32>
        %parallel_loop3A_526 = arith.mulf %parallel_loop3A_448, %get3A_391 : vector<16xf32>
        %parallel_loop3A_527 = arith.addf %parallel_loop3A_525, %parallel_loop3A_526 : vector<16xf32>
        %parallel_loop3A_528 = arith.mulf %parallel_loop3A_452, %get3A_393 : vector<16xf32>
        %parallel_loop3A_529 = arith.addf %parallel_loop3A_527, %parallel_loop3A_528 : vector<16xf32>
        %parallel_loop3A_530 = arith.constant 15 : i32
        %parallel_loop3A_531 = vector.broadcast %parallel_loop3A_530 : i32 to vector<16xi32>
        %parallel_loop3A_532 = arith.addi %parallel_loop3A_456, %parallel_loop3A_531 : vector<16xi32>
        tpu.vector_store_idx %arg11[%parallel_loop3A_532], %parallel_loop3A_529 : memref<17408xf32, #tpu.memory_space<vmem>>[vector<16xi32>], vector<16xf32>,
      } {sc.loop_unroll_factor = 2 : i64, sc.parallel_access}
      %parallel_loop3A_405 = arith.constant 0 : i32
      %parallel_loop3A_406 = arith.constant 64 : i32
      %parallel_loop3A_407 = arith.constant 1 : i32
      scf.for %parallel_loop3A_416 = %parallel_loop3A_405 to %parallel_loop3A_406 step %parallel_loop3A_407  : i32 {
        %parallel_loop3A_417 = arith.constant 16 : i32
        %parallel_loop3A_418 = arith.muli %parallel_loop3A_416, %parallel_loop3A_417 : i32
        %parallel_loop3A_419 = arith.constant 0 : i32
        %parallel_loop3A_420 = arith.addi %parallel_loop3A_418, %parallel_loop3A_419 : i32
        %parallel_loop3A_421 = arith.constant 17 : i32
        %parallel_loop3A_422 = arith.muli %parallel_loop3A_420, %parallel_loop3A_421 : i32
        %parallel_loop3A_423 = vector.broadcast %parallel_loop3A_422 : i32 to vector<16xi32>
        %parallel_loop3A_424 = arith.addi %iota3A, %parallel_loop3A_423 : vector<16xi32>
        %parallel_loop3A_425 = tpu.vector_load_idx %arg11[%parallel_loop3A_424] : memref<17408xf32, #tpu.memory_space<vmem>>[vector<16xi32>], vector<16xf32>,
        %parallel_loop3A_426 = arith.constant 16 : i32
        %parallel_loop3A_427 = arith.muli %parallel_loop3A_420, %parallel_loop3A_426 : i32
        %parallel_loop3A_428 = arith.index_cast %parallel_loop3A_427 : i32 to index
        %parallel_loop3A_429 = tpu.vector_load %arg12[%parallel_loop3A_428] {strides = array<i32>} : memref<16384xf32, #tpu.memory_space<vmem>>, vector<16xf32>,
        tpu.vector_store %arg12[%parallel_loop3A_428], %parallel_loop3A_425 {strides = array<i32>} : memref<16384xf32, #tpu.memory_space<vmem>>, vector<16xf32>,
        %parallel_loop3A_430 = arith.constant 16 : i32
        %parallel_loop3A_431 = arith.muli %parallel_loop3A_416, %parallel_loop3A_430 : i32
        %parallel_loop3A_432 = arith.constant 1 : i32
        %parallel_loop3A_433 = arith.addi %parallel_loop3A_431, %parallel_loop3A_432 : i32
        %parallel_loop3A_434 = arith.constant 17 : i32
        %parallel_loop3A_435 = arith.muli %parallel_loop3A_433, %parallel_loop3A_434 : i32
        %parallel_loop3A_436 = vector.broadcast %parallel_loop3A_435 : i32 to vector<16xi32>
        %parallel_loop3A_437 = arith.addi %iota3A, %parallel_loop3A_436 : vector<16xi32>
        %parallel_loop3A_438 = tpu.vector_load_idx %arg11[%parallel_loop3A_437] : memref<17408xf32, #tpu.memory_space<vmem>>[vector<16xi32>], vector<16xf32>,
        %parallel_loop3A_439 = arith.constant 16 : i32
        %parallel_loop3A_440 = arith.muli %parallel_loop3A_433, %parallel_loop3A_439 : i32
        %parallel_loop3A_441 = arith.index_cast %parallel_loop3A_440 : i32 to index
        %parallel_loop3A_442 = tpu.vector_load %arg12[%parallel_loop3A_441] {strides = array<i32>} : memref<16384xf32, #tpu.memory_space<vmem>>, vector<16xf32>,
        tpu.vector_store %arg12[%parallel_loop3A_441], %parallel_loop3A_438 {strides = array<i32>} : memref<16384xf32, #tpu.memory_space<vmem>>, vector<16xf32>,
        %parallel_loop3A_443 = arith.constant 16 : i32
        %parallel_loop3A_444 = arith.muli %parallel_loop3A_416, %parallel_loop3A_443 : i32
        %parallel_loop3A_445 = arith.constant 2 : i32
        %parallel_loop3A_446 = arith.addi %parallel_loop3A_444, %parallel_loop3A_445 : i32
        %parallel_loop3A_447 = arith.constant 17 : i32
        %parallel_loop3A_448 = arith.muli %parallel_loop3A_446, %parallel_loop3A_447 : i32
        %parallel_loop3A_449 = vector.broadcast %parallel_loop3A_448 : i32 to vector<16xi32>
        %parallel_loop3A_450 = arith.addi %iota3A, %parallel_loop3A_449 : vector<16xi32>
        %parallel_loop3A_451 = tpu.vector_load_idx %arg11[%parallel_loop3A_450] : memref<17408xf32, #tpu.memory_space<vmem>>[vector<16xi32>], vector<16xf32>,
        %parallel_loop3A_452 = arith.constant 16 : i32
        %parallel_loop3A_453 = arith.muli %parallel_loop3A_446, %parallel_loop3A_452 : i32
        %parallel_loop3A_454 = arith.index_cast %parallel_loop3A_453 : i32 to index
        %parallel_loop3A_455 = tpu.vector_load %arg12[%parallel_loop3A_454] {strides = array<i32>} : memref<16384xf32, #tpu.memory_space<vmem>>, vector<16xf32>,
        tpu.vector_store %arg12[%parallel_loop3A_454], %parallel_loop3A_451 {strides = array<i32>} : memref<16384xf32, #tpu.memory_space<vmem>>, vector<16xf32>,
        %parallel_loop3A_456 = arith.constant 16 : i32
        %parallel_loop3A_457 = arith.muli %parallel_loop3A_416, %parallel_loop3A_456 : i32
        %parallel_loop3A_458 = arith.constant 3 : i32
        %parallel_loop3A_459 = arith.addi %parallel_loop3A_457, %parallel_loop3A_458 : i32
        %parallel_loop3A_460 = arith.constant 17 : i32
        %parallel_loop3A_461 = arith.muli %parallel_loop3A_459, %parallel_loop3A_460 : i32
        %parallel_loop3A_462 = vector.broadcast %parallel_loop3A_461 : i32 to vector<16xi32>
        %parallel_loop3A_463 = arith.addi %iota3A, %parallel_loop3A_462 : vector<16xi32>
        %parallel_loop3A_464 = tpu.vector_load_idx %arg11[%parallel_loop3A_463] : memref<17408xf32, #tpu.memory_space<vmem>>[vector<16xi32>], vector<16xf32>,
        %parallel_loop3A_465 = arith.constant 16 : i32
        %parallel_loop3A_466 = arith.muli %parallel_loop3A_459, %parallel_loop3A_465 : i32
        %parallel_loop3A_467 = arith.index_cast %parallel_loop3A_466 : i32 to index
        %parallel_loop3A_468 = tpu.vector_load %arg12[%parallel_loop3A_467] {strides = array<i32>} : memref<16384xf32, #tpu.memory_space<vmem>>, vector<16xf32>,
        tpu.vector_store %arg12[%parallel_loop3A_467], %parallel_loop3A_464 {strides = array<i32>} : memref<16384xf32, #tpu.memory_space<vmem>>, vector<16xf32>,
        %parallel_loop3A_469 = arith.constant 16 : i32
        %parallel_loop3A_470 = arith.muli %parallel_loop3A_416, %parallel_loop3A_469 : i32
        %parallel_loop3A_471 = arith.constant 4 : i32
        %parallel_loop3A_472 = arith.addi %parallel_loop3A_470, %parallel_loop3A_471 : i32
        %parallel_loop3A_473 = arith.constant 17 : i32
        %parallel_loop3A_474 = arith.muli %parallel_loop3A_472, %parallel_loop3A_473 : i32
        %parallel_loop3A_475 = vector.broadcast %parallel_loop3A_474 : i32 to vector<16xi32>
        %parallel_loop3A_476 = arith.addi %iota3A, %parallel_loop3A_475 : vector<16xi32>
        %parallel_loop3A_477 = tpu.vector_load_idx %arg11[%parallel_loop3A_476] : memref<17408xf32, #tpu.memory_space<vmem>>[vector<16xi32>], vector<16xf32>,
        %parallel_loop3A_478 = arith.constant 16 : i32
        %parallel_loop3A_479 = arith.muli %parallel_loop3A_472, %parallel_loop3A_478 : i32
        %parallel_loop3A_480 = arith.index_cast %parallel_loop3A_479 : i32 to index
        %parallel_loop3A_481 = tpu.vector_load %arg12[%parallel_loop3A_480] {strides = array<i32>} : memref<16384xf32, #tpu.memory_space<vmem>>, vector<16xf32>,
        tpu.vector_store %arg12[%parallel_loop3A_480], %parallel_loop3A_477 {strides = array<i32>} : memref<16384xf32, #tpu.memory_space<vmem>>, vector<16xf32>,
        %parallel_loop3A_482 = arith.constant 16 : i32
        %parallel_loop3A_483 = arith.muli %parallel_loop3A_416, %parallel_loop3A_482 : i32
        %parallel_loop3A_484 = arith.constant 5 : i32
        %parallel_loop3A_485 = arith.addi %parallel_loop3A_483, %parallel_loop3A_484 : i32
        %parallel_loop3A_486 = arith.constant 17 : i32
        %parallel_loop3A_487 = arith.muli %parallel_loop3A_485, %parallel_loop3A_486 : i32
        %parallel_loop3A_488 = vector.broadcast %parallel_loop3A_487 : i32 to vector<16xi32>
        %parallel_loop3A_489 = arith.addi %iota3A, %parallel_loop3A_488 : vector<16xi32>
        %parallel_loop3A_490 = tpu.vector_load_idx %arg11[%parallel_loop3A_489] : memref<17408xf32, #tpu.memory_space<vmem>>[vector<16xi32>], vector<16xf32>,
        %parallel_loop3A_491 = arith.constant 16 : i32
        %parallel_loop3A_492 = arith.muli %parallel_loop3A_485, %parallel_loop3A_491 : i32
        %parallel_loop3A_493 = arith.index_cast %parallel_loop3A_492 : i32 to index
        %parallel_loop3A_494 = tpu.vector_load %arg12[%parallel_loop3A_493] {strides = array<i32>} : memref<16384xf32, #tpu.memory_space<vmem>>, vector<16xf32>,
        tpu.vector_store %arg12[%parallel_loop3A_493], %parallel_loop3A_490 {strides = array<i32>} : memref<16384xf32, #tpu.memory_space<vmem>>, vector<16xf32>,
        %parallel_loop3A_495 = arith.constant 16 : i32
        %parallel_loop3A_496 = arith.muli %parallel_loop3A_416, %parallel_loop3A_495 : i32
        %parallel_loop3A_497 = arith.constant 6 : i32
        %parallel_loop3A_498 = arith.addi %parallel_loop3A_496, %parallel_loop3A_497 : i32
        %parallel_loop3A_499 = arith.constant 17 : i32
        %parallel_loop3A_500 = arith.muli %parallel_loop3A_498, %parallel_loop3A_499 : i32
        %parallel_loop3A_501 = vector.broadcast %parallel_loop3A_500 : i32 to vector<16xi32>
        %parallel_loop3A_502 = arith.addi %iota3A, %parallel_loop3A_501 : vector<16xi32>
        %parallel_loop3A_503 = tpu.vector_load_idx %arg11[%parallel_loop3A_502] : memref<17408xf32, #tpu.memory_space<vmem>>[vector<16xi32>], vector<16xf32>,
        %parallel_loop3A_504 = arith.constant 16 : i32
        %parallel_loop3A_505 = arith.muli %parallel_loop3A_498, %parallel_loop3A_504 : i32
        %parallel_loop3A_506 = arith.index_cast %parallel_loop3A_505 : i32 to index
        %parallel_loop3A_507 = tpu.vector_load %arg12[%parallel_loop3A_506] {strides = array<i32>} : memref<16384xf32, #tpu.memory_space<vmem>>, vector<16xf32>,
        tpu.vector_store %arg12[%parallel_loop3A_506], %parallel_loop3A_503 {strides = array<i32>} : memref<16384xf32, #tpu.memory_space<vmem>>, vector<16xf32>,
        %parallel_loop3A_508 = arith.constant 16 : i32
        %parallel_loop3A_509 = arith.muli %parallel_loop3A_416, %parallel_loop3A_508 : i32
        %parallel_loop3A_510 = arith.constant 7 : i32
        %parallel_loop3A_511 = arith.addi %parallel_loop3A_509, %parallel_loop3A_510 : i32
        %parallel_loop3A_512 = arith.constant 17 : i32
        %parallel_loop3A_513 = arith.muli %parallel_loop3A_511, %parallel_loop3A_512 : i32
        %parallel_loop3A_514 = vector.broadcast %parallel_loop3A_513 : i32 to vector<16xi32>
        %parallel_loop3A_515 = arith.addi %iota3A, %parallel_loop3A_514 : vector<16xi32>
        %parallel_loop3A_516 = tpu.vector_load_idx %arg11[%parallel_loop3A_515] : memref<17408xf32, #tpu.memory_space<vmem>>[vector<16xi32>], vector<16xf32>,
        %parallel_loop3A_517 = arith.constant 16 : i32
        %parallel_loop3A_518 = arith.muli %parallel_loop3A_511, %parallel_loop3A_517 : i32
        %parallel_loop3A_519 = arith.index_cast %parallel_loop3A_518 : i32 to index
        %parallel_loop3A_520 = tpu.vector_load %arg12[%parallel_loop3A_519] {strides = array<i32>} : memref<16384xf32, #tpu.memory_space<vmem>>, vector<16xf32>,
        tpu.vector_store %arg12[%parallel_loop3A_519], %parallel_loop3A_516 {strides = array<i32>} : memref<16384xf32, #tpu.memory_space<vmem>>, vector<16xf32>,
        %parallel_loop3A_521 = arith.constant 16 : i32
        %parallel_loop3A_522 = arith.muli %parallel_loop3A_416, %parallel_loop3A_521 : i32
        %parallel_loop3A_523 = arith.constant 8 : i32
        %parallel_loop3A_524 = arith.addi %parallel_loop3A_522, %parallel_loop3A_523 : i32
        %parallel_loop3A_525 = arith.constant 17 : i32
        %parallel_loop3A_526 = arith.muli %parallel_loop3A_524, %parallel_loop3A_525 : i32
        %parallel_loop3A_527 = vector.broadcast %parallel_loop3A_526 : i32 to vector<16xi32>
        %parallel_loop3A_528 = arith.addi %iota3A, %parallel_loop3A_527 : vector<16xi32>
        %parallel_loop3A_529 = tpu.vector_load_idx %arg11[%parallel_loop3A_528] : memref<17408xf32, #tpu.memory_space<vmem>>[vector<16xi32>], vector<16xf32>,
        %parallel_loop3A_530 = arith.constant 16 : i32
        %parallel_loop3A_531 = arith.muli %parallel_loop3A_524, %parallel_loop3A_530 : i32
        %parallel_loop3A_532 = arith.index_cast %parallel_loop3A_531 : i32 to index
        %parallel_loop3A_533 = tpu.vector_load %arg12[%parallel_loop3A_532] {strides = array<i32>} : memref<16384xf32, #tpu.memory_space<vmem>>, vector<16xf32>,
        tpu.vector_store %arg12[%parallel_loop3A_532], %parallel_loop3A_529 {strides = array<i32>} : memref<16384xf32, #tpu.memory_space<vmem>>, vector<16xf32>,
        %parallel_loop3A_534 = arith.constant 16 : i32
        %parallel_loop3A_535 = arith.muli %parallel_loop3A_416, %parallel_loop3A_534 : i32
        %parallel_loop3A_536 = arith.constant 9 : i32
        %parallel_loop3A_537 = arith.addi %parallel_loop3A_535, %parallel_loop3A_536 : i32
        %parallel_loop3A_538 = arith.constant 17 : i32
        %parallel_loop3A_539 = arith.muli %parallel_loop3A_537, %parallel_loop3A_538 : i32
        %parallel_loop3A_540 = vector.broadcast %parallel_loop3A_539 : i32 to vector<16xi32>
        %parallel_loop3A_541 = arith.addi %iota3A, %parallel_loop3A_540 : vector<16xi32>
        %parallel_loop3A_542 = tpu.vector_load_idx %arg11[%parallel_loop3A_541] : memref<17408xf32, #tpu.memory_space<vmem>>[vector<16xi32>], vector<16xf32>,
        %parallel_loop3A_543 = arith.constant 16 : i32
        %parallel_loop3A_544 = arith.muli %parallel_loop3A_537, %parallel_loop3A_543 : i32
        %parallel_loop3A_545 = arith.index_cast %parallel_loop3A_544 : i32 to index
        %parallel_loop3A_546 = tpu.vector_load %arg12[%parallel_loop3A_545] {strides = array<i32>} : memref<16384xf32, #tpu.memory_space<vmem>>, vector<16xf32>,
        tpu.vector_store %arg12[%parallel_loop3A_545], %parallel_loop3A_542 {strides = array<i32>} : memref<16384xf32, #tpu.memory_space<vmem>>, vector<16xf32>,
        %parallel_loop3A_547 = arith.constant 16 : i32
        %parallel_loop3A_548 = arith.muli %parallel_loop3A_416, %parallel_loop3A_547 : i32
        %parallel_loop3A_549 = arith.constant 10 : i32
        %parallel_loop3A_550 = arith.addi %parallel_loop3A_548, %parallel_loop3A_549 : i32
        %parallel_loop3A_551 = arith.constant 17 : i32
        %parallel_loop3A_552 = arith.muli %parallel_loop3A_550, %parallel_loop3A_551 : i32
        %parallel_loop3A_553 = vector.broadcast %parallel_loop3A_552 : i32 to vector<16xi32>
        %parallel_loop3A_554 = arith.addi %iota3A, %parallel_loop3A_553 : vector<16xi32>
        %parallel_loop3A_555 = tpu.vector_load_idx %arg11[%parallel_loop3A_554] : memref<17408xf32, #tpu.memory_space<vmem>>[vector<16xi32>], vector<16xf32>,
        %parallel_loop3A_556 = arith.constant 16 : i32
        %parallel_loop3A_557 = arith.muli %parallel_loop3A_550, %parallel_loop3A_556 : i32
        %parallel_loop3A_558 = arith.index_cast %parallel_loop3A_557 : i32 to index
        %parallel_loop3A_559 = tpu.vector_load %arg12[%parallel_loop3A_558] {strides = array<i32>} : memref<16384xf32, #tpu.memory_space<vmem>>, vector<16xf32>,
        tpu.vector_store %arg12[%parallel_loop3A_558], %parallel_loop3A_555 {strides = array<i32>} : memref<16384xf32, #tpu.memory_space<vmem>>, vector<16xf32>,
        %parallel_loop3A_560 = arith.constant 16 : i32
        %parallel_loop3A_561 = arith.muli %parallel_loop3A_416, %parallel_loop3A_560 : i32
        %parallel_loop3A_562 = arith.constant 11 : i32
        %parallel_loop3A_563 = arith.addi %parallel_loop3A_561, %parallel_loop3A_562 : i32
        %parallel_loop3A_564 = arith.constant 17 : i32
        %parallel_loop3A_565 = arith.muli %parallel_loop3A_563, %parallel_loop3A_564 : i32
        %parallel_loop3A_566 = vector.broadcast %parallel_loop3A_565 : i32 to vector<16xi32>
        %parallel_loop3A_567 = arith.addi %iota3A, %parallel_loop3A_566 : vector<16xi32>
        %parallel_loop3A_568 = tpu.vector_load_idx %arg11[%parallel_loop3A_567] : memref<17408xf32, #tpu.memory_space<vmem>>[vector<16xi32>], vector<16xf32>,
        %parallel_loop3A_569 = arith.constant 16 : i32
        %parallel_loop3A_570 = arith.muli %parallel_loop3A_563, %parallel_loop3A_569 : i32
        %parallel_loop3A_571 = arith.index_cast %parallel_loop3A_570 : i32 to index
        %parallel_loop3A_572 = tpu.vector_load %arg12[%parallel_loop3A_571] {strides = array<i32>} : memref<16384xf32, #tpu.memory_space<vmem>>, vector<16xf32>,
        tpu.vector_store %arg12[%parallel_loop3A_571], %parallel_loop3A_568 {strides = array<i32>} : memref<16384xf32, #tpu.memory_space<vmem>>, vector<16xf32>,
        %parallel_loop3A_573 = arith.constant 16 : i32
        %parallel_loop3A_574 = arith.muli %parallel_loop3A_416, %parallel_loop3A_573 : i32
        %parallel_loop3A_575 = arith.constant 12 : i32
        %parallel_loop3A_576 = arith.addi %parallel_loop3A_574, %parallel_loop3A_575 : i32
        %parallel_loop3A_577 = arith.constant 17 : i32
        %parallel_loop3A_578 = arith.muli %parallel_loop3A_576, %parallel_loop3A_577 : i32
        %parallel_loop3A_579 = vector.broadcast %parallel_loop3A_578 : i32 to vector<16xi32>
        %parallel_loop3A_580 = arith.addi %iota3A, %parallel_loop3A_579 : vector<16xi32>
        %parallel_loop3A_581 = tpu.vector_load_idx %arg11[%parallel_loop3A_580] : memref<17408xf32, #tpu.memory_space<vmem>>[vector<16xi32>], vector<16xf32>,
        %parallel_loop3A_582 = arith.constant 16 : i32
        %parallel_loop3A_583 = arith.muli %parallel_loop3A_576, %parallel_loop3A_582 : i32
        %parallel_loop3A_584 = arith.index_cast %parallel_loop3A_583 : i32 to index
        %parallel_loop3A_585 = tpu.vector_load %arg12[%parallel_loop3A_584] {strides = array<i32>} : memref<16384xf32, #tpu.memory_space<vmem>>, vector<16xf32>,
        tpu.vector_store %arg12[%parallel_loop3A_584], %parallel_loop3A_581 {strides = array<i32>} : memref<16384xf32, #tpu.memory_space<vmem>>, vector<16xf32>,
        %parallel_loop3A_586 = arith.constant 16 : i32
        %parallel_loop3A_587 = arith.muli %parallel_loop3A_416, %parallel_loop3A_586 : i32
        %parallel_loop3A_588 = arith.constant 13 : i32
        %parallel_loop3A_589 = arith.addi %parallel_loop3A_587, %parallel_loop3A_588 : i32
        %parallel_loop3A_590 = arith.constant 17 : i32
        %parallel_loop3A_591 = arith.muli %parallel_loop3A_589, %parallel_loop3A_590 : i32
        %parallel_loop3A_592 = vector.broadcast %parallel_loop3A_591 : i32 to vector<16xi32>
        %parallel_loop3A_593 = arith.addi %iota3A, %parallel_loop3A_592 : vector<16xi32>
        %parallel_loop3A_594 = tpu.vector_load_idx %arg11[%parallel_loop3A_593] : memref<17408xf32, #tpu.memory_space<vmem>>[vector<16xi32>], vector<16xf32>,
        %parallel_loop3A_595 = arith.constant 16 : i32
        %parallel_loop3A_596 = arith.muli %parallel_loop3A_589, %parallel_loop3A_595 : i32
        %parallel_loop3A_597 = arith.index_cast %parallel_loop3A_596 : i32 to index
        %parallel_loop3A_598 = tpu.vector_load %arg12[%parallel_loop3A_597] {strides = array<i32>} : memref<16384xf32, #tpu.memory_space<vmem>>, vector<16xf32>,
        tpu.vector_store %arg12[%parallel_loop3A_597], %parallel_loop3A_594 {strides = array<i32>} : memref<16384xf32, #tpu.memory_space<vmem>>, vector<16xf32>,
        %parallel_loop3A_599 = arith.constant 16 : i32
        %parallel_loop3A_600 = arith.muli %parallel_loop3A_416, %parallel_loop3A_599 : i32
        %parallel_loop3A_601 = arith.constant 14 : i32
        %parallel_loop3A_602 = arith.addi %parallel_loop3A_600, %parallel_loop3A_601 : i32
        %parallel_loop3A_603 = arith.constant 17 : i32
        %parallel_loop3A_604 = arith.muli %parallel_loop3A_602, %parallel_loop3A_603 : i32
        %parallel_loop3A_605 = vector.broadcast %parallel_loop3A_604 : i32 to vector<16xi32>
        %parallel_loop3A_606 = arith.addi %iota3A, %parallel_loop3A_605 : vector<16xi32>
        %parallel_loop3A_607 = tpu.vector_load_idx %arg11[%parallel_loop3A_606] : memref<17408xf32, #tpu.memory_space<vmem>>[vector<16xi32>], vector<16xf32>,
        %parallel_loop3A_608 = arith.constant 16 : i32
        %parallel_loop3A_609 = arith.muli %parallel_loop3A_602, %parallel_loop3A_608 : i32
        %parallel_loop3A_610 = arith.index_cast %parallel_loop3A_609 : i32 to index
        %parallel_loop3A_611 = tpu.vector_load %arg12[%parallel_loop3A_610] {strides = array<i32>} : memref<16384xf32, #tpu.memory_space<vmem>>, vector<16xf32>,
        tpu.vector_store %arg12[%parallel_loop3A_610], %parallel_loop3A_607 {strides = array<i32>} : memref<16384xf32, #tpu.memory_space<vmem>>, vector<16xf32>,
        %parallel_loop3A_612 = arith.constant 16 : i32
        %parallel_loop3A_613 = arith.muli %parallel_loop3A_416, %parallel_loop3A_612 : i32
        %parallel_loop3A_614 = arith.constant 15 : i32
        %parallel_loop3A_615 = arith.addi %parallel_loop3A_613, %parallel_loop3A_614 : i32
        %parallel_loop3A_616 = arith.constant 17 : i32
        %parallel_loop3A_617 = arith.muli %parallel_loop3A_615, %parallel_loop3A_616 : i32
        %parallel_loop3A_618 = vector.broadcast %parallel_loop3A_617 : i32 to vector<16xi32>
        %parallel_loop3A_619 = arith.addi %iota3A, %parallel_loop3A_618 : vector<16xi32>
        %parallel_loop3A_620 = tpu.vector_load_idx %arg11[%parallel_loop3A_619] : memref<17408xf32, #tpu.memory_space<vmem>>[vector<16xi32>], vector<16xf32>,
        %parallel_loop3A_621 = arith.constant 16 : i32
        %parallel_loop3A_622 = arith.muli %parallel_loop3A_615, %parallel_loop3A_621 : i32
        %parallel_loop3A_623 = arith.index_cast %parallel_loop3A_622 : i32 to index
        %parallel_loop3A_624 = tpu.vector_load %arg12[%parallel_loop3A_623] {strides = array<i32>} : memref<16384xf32, #tpu.memory_space<vmem>>, vector<16xf32>,
        tpu.vector_store %arg12[%parallel_loop3A_623], %parallel_loop3A_620 {strides = array<i32>} : memref<16384xf32, #tpu.memory_space<vmem>>, vector<16xf32>,
      } {sc.loop_unroll_factor = 2 : i64, sc.parallel_access}
      %mul3A_408 = arith.constant 16384 : i32
      %mul3A_409 = arith.muli %scan3A_98, %mul3A_408 : i32
      %add3A_410 = arith.addi %mul3A_92, %mul3A_409 : i32
      %run_scoped3A_411 = arith.constant 1 : i32
      "tpu.region"() ({
        %run_scoped3A_416 = tpu.sem_alloc : memref<!tpu.dma_semaphore, #tpu.memory_space<semaphore_mem>>
        %dma_start3A = tpu.memref_slice %arg8[%run_scoped3A_411, %add3A_410] : memref<2x33554432xf32, #tpu.memory_space<hbm>> -> memref<1x16384xf32, #tpu.memory_space<hbm>>
        %dma_start3A_417 = tpu.memref_squeeze %dma_start3A : memref<1x16384xf32, #tpu.memory_space<hbm>> -> memref<16384xf32, #tpu.memory_space<hbm>>
        %dma_start3A_418 = tpu.memref_slice %arg8[%run_scoped3A_411, %add3A_410] : memref<2x33554432xf32, #tpu.memory_space<hbm>> -> memref<1x16384xf32, #tpu.memory_space<hbm>>
        %dma_start3A_419 = tpu.memref_squeeze %dma_start3A_418 : memref<1x16384xf32, #tpu.memory_space<hbm>> -> memref<16384xf32, #tpu.memory_space<hbm>>
        tpu.enqueue_dma source(%arg12 : memref<16384xf32, #tpu.memory_space<vmem>>) target(%dma_start3A_419 : memref<16384xf32, #tpu.memory_space<hbm>>) target_semaphore(%run_scoped3A_416 : memref<!tpu.dma_semaphore, #tpu.memory_space<semaphore_mem>>)
        %dma_wait3A = tpu.memref_slice %arg8[%run_scoped3A_411, %add3A_410] : memref<2x33554432xf32, #tpu.memory_space<hbm>> -> memref<1x16384xf32, #tpu.memory_space<hbm>>
        %dma_wait3A_420 = tpu.memref_squeeze %dma_wait3A : memref<1x16384xf32, #tpu.memory_space<hbm>> -> memref<16384xf32, #tpu.memory_space<hbm>>
        %dma_wait3A_421 = tpu.memref_slice %arg8[%run_scoped3A_411, %add3A_410] : memref<2x33554432xf32, #tpu.memory_space<hbm>> -> memref<1x16384xf32, #tpu.memory_space<hbm>>
        %dma_wait3A_422 = tpu.memref_squeeze %dma_wait3A_421 : memref<1x16384xf32, #tpu.memory_space<hbm>> -> memref<16384xf32, #tpu.memory_space<hbm>>
        tpu.wait_dma2 semaphore(%run_scoped3A_416 : memref<!tpu.dma_semaphore, #tpu.memory_space<semaphore_mem>>) src(%arg12 : memref<16384xf32, #tpu.memory_space<vmem>>) dst(%dma_wait3A_422 : memref<16384xf32, #tpu.memory_space<hbm>>)
        tpu.yield
      }) : () -> ()
      %mul3A_412 = arith.constant 16384 : i32
      %mul3A_413 = arith.muli %scan3A_98, %mul3A_412 : i32
      %add3A_414 = arith.addi %mul3A_92, %mul3A_413 : i32
      %run_scoped3A_415 = arith.constant 0 : i32
      "tpu.region"() ({
        %run_scoped3A_416 = tpu.sem_alloc : memref<!tpu.dma_semaphore, #tpu.memory_space<semaphore_mem>>
        %dma_start3A = tpu.memref_slice %arg8[%run_scoped3A_415, %add3A_414] : memref<2x33554432xf32, #tpu.memory_space<hbm>> -> memref<1x16384xf32, #tpu.memory_space<hbm>>
        %dma_start3A_417 = tpu.memref_squeeze %dma_start3A : memref<1x16384xf32, #tpu.memory_space<hbm>> -> memref<16384xf32, #tpu.memory_space<hbm>>
        %dma_start3A_418 = tpu.memref_slice %arg8[%run_scoped3A_415, %add3A_414] : memref<2x33554432xf32, #tpu.memory_space<hbm>> -> memref<1x16384xf32, #tpu.memory_space<hbm>>
        %dma_start3A_419 = tpu.memref_squeeze %dma_start3A_418 : memref<1x16384xf32, #tpu.memory_space<hbm>> -> memref<16384xf32, #tpu.memory_space<hbm>>
        tpu.enqueue_dma source(%arg13 : memref<16384xf32, #tpu.memory_space<vmem>>) target(%dma_start3A_419 : memref<16384xf32, #tpu.memory_space<hbm>>) target_semaphore(%run_scoped3A_416 : memref<!tpu.dma_semaphore, #tpu.memory_space<semaphore_mem>>)
        %dma_wait3A = tpu.memref_slice %arg8[%run_scoped3A_415, %add3A_414] : memref<2x33554432xf32, #tpu.memory_space<hbm>> -> memref<1x16384xf32, #tpu.memory_space<hbm>>
        %dma_wait3A_420 = tpu.memref_squeeze %dma_wait3A : memref<1x16384xf32, #tpu.memory_space<hbm>> -> memref<16384xf32, #tpu.memory_space<hbm>>
        %dma_wait3A_421 = tpu.memref_slice %arg8[%run_scoped3A_415, %add3A_414] : memref<2x33554432xf32, #tpu.memory_space<hbm>> -> memref<1x16384xf32, #tpu.memory_space<hbm>>
        %dma_wait3A_422 = tpu.memref_squeeze %dma_wait3A_421 : memref<1x16384xf32, #tpu.memory_space<hbm>> -> memref<16384xf32, #tpu.memory_space<hbm>>
        tpu.wait_dma2 semaphore(%run_scoped3A_416 : memref<!tpu.dma_semaphore, #tpu.memory_space<semaphore_mem>>) src(%arg13 : memref<16384xf32, #tpu.memory_space<vmem>>) dst(%dma_wait3A_422 : memref<16384xf32, #tpu.memory_space<hbm>>)
        tpu.yield
      }) : () -> ()
    }
    %scan3A_97 = arith.constant 64 : i32
    return
  }
}

</mosaic_0001>

<sc_bundles>
// kernel: kernel.3.cloned.1.call-start
scs
__scs_entry_jumppad:
0x0: {  	(pc) =	sbr.rel $0x88, $3  }
0x1: {  	(tag) =	ssettag $0x0;
	lr =	simm.s32 $0x1  }
0x2: {  	[smem:$0x3F9D] =	sst lr;
	_ =	strace $0xD0000000  }
0x3: {  	_ = 	snop  }
0x4: {  	_ = 	snop  }
0x5: {  	_ = 	snop  }
0x6: {  	_ = 	snop  }
0x7: {  	_ = 	snop  }
__scs_overlays_trampoline_lowered:
0x8: {  	[smem:$0x3FAC] =	sst s0  }
0x9: {  	[smem:$0x3FAD] =	sst s1  }
0xa: {  	[smem:$0x3FAE] =	sst s2  }
0xb: {  	[smem:$0x3FAF] =	sst s3  }
0xc: {  	[smem:$0x3FB0] =	sst s4  }
0xd: {  	[smem:$0x3FB1] =	sst s5  }
0xe: {  	[smem:$0x3FB2] =	sst s6  }
0xf: {  	[smem:$0x3FB3] =	sst s7  }
0x10: {  	[smem:$0x3FB4] =	sst s8  }
0x11: {  	[smem:$0x3FB5] =	sst s9;
	s0 =	simm.s32 @!p0 $0x0  }
0x12: {  	s1 =	sld [smem:$0x3F9B];
	s0 =	simm.s32 @p0 $0x1  }
0x13: {  	[smem:$0x3FB6] =	sst s0;
	s0 =	simm.s32 @!p1 $0x0  }
0x14: {  	s2 =	sld [smem:$0x3F9A];
	s0 =	simm.s32 @p1 $0x1  }
0x15: {  	[smem:$0x3FB7] =	sst s0;
	s0 =	simm.s32 @!p2 $0x0  }
0x16: {  	s3 =	sld [smem:$0x3FDB];
	s0 =	simm.s32 @p2 $0x1  }
0x17: {  	s4 =	simm.s32 $0x1BF5;
	[smem:$0x3FB9] =	sst s0  }
0x18: {  	s0 =	sld [smem:$0x3F9C];
	_ =	swait.ge [sflag:s4], $0x0  }
0x19: {  	s7 =	sld [smem:$0x3F9D]  }
0x1a: {  	s8 =	sadd.s32 $0xFFFFE003, lr  }
0x1b: {  	s9 =	sadd.s32 $0xFFFFFEF7, lr;
	s5 =	simm.s32 $0xFFFFFFFF;
	p2 =	slt.u32 s8, $0xFFFFF086  }
0x1c: {  	p1 =	slt.u32 s9, $0xF7A;
	s5 =	simm.s32 @!p2 $0x0  }
0x1d: {  	s5 =	simm.s32 @p1 $0x1;
	p0 =	seq.s32 s7, s2  }
0x1e: {  	s7 =	smul.u32 @!p0 $0xF7A, s2;
	p2 =	seq.s32 @!p0 s5, $0x0  }
0x1f: {  	s9 =	smul.u32 $0xF7A, s1;
	s8 =	simm.s32 @!p0 $0x1BF5;
	p2 =	por !p2, p0  }
0x20: {  	[sflag:s8] =	ssyncset.s32 @!p0 $0xFFFFF086;
	s6 =	sadd.s32 @!p0 s3, s7;
	s7 =	simm.s32 @!p0 $0x108  }
0x21: {  	s3 =	sadd.s32 s3, s9;
	s6 =	sadd.s32 @!p0 $0x88, s6;
	s7 =	simm.s32 @p2 $0x1082  }
0x22: {  	[simem:s7], [sflag:s8] =	dma.local @!p0 [hbm:s6], $0xF7A  }
0x23: {  	s9 =	sor.u32 $0xD0000000, s2;
	s6 =	simm.s32 $0x108;
	_ =	swait.ge @!p0 [sflag:s8], $0x0  }
0x24: {  	s3 =	sadd.s32 $0x88, s3;
	s6 =	simm.s32 @!p1 $0x1082;
	[sflag:s4] =	ssyncset.s32 $0xFFFFF086  }
0x25: {  	[simem:s6], [sflag:s4] =	dma.local [hbm:s3], $0xF7A  }
0x26: {  	[smem:$0x3F9D] =	sst s1;
	(tag) =	ssettag s2;
	_ =	strace s9  }
0x27: {  	s1 =	sld [smem:$0x3FAD]  }
0x28: {  	s2 =	sld [smem:$0x3FAE]  }
0x29: {  	s4 =	sld [smem:$0x3FB0]  }
0x2a: {  	p0 =	seq.s32 s5, $0x0;
	s5 =	sld [smem:$0x3FB1]  }
0x2b: {  	s6 =	sld [smem:$0x3FB2]  }
0x2c: {  	s7 =	sld [smem:$0x3FB3]  }
0x2d: {  	s3 =	simm.s32 $0x108;
	s8 =	sld [smem:$0x3FB4]  }
0x2e: {  	s3 =	simm.s32 @!p0 $0x1082;
	s9 =	sld [smem:$0x3FB5]  }
0x2f: {  	lr =	sadd.s32 s0, s3;
	s0 =	sld [smem:$0x3FAC]  }
0x30: {  	s3 =	sld [smem:$0x3FAF]  }
0x31: {  	[smem:$0x3FB8] =	sst s10  }
0x32: {  	s10 =	sld [smem:$0x3FB6];
	_ =	sdelay $0x3  }
0x33: {  	p0 =	seq.s32 s10, $0x1;
	s10 =	sld [smem:$0x3FB8];
	_ =	sdelay $0x3  }
0x34: {  	[smem:$0x3FB8] =	sst s10  }
0x35: {  	s10 =	sld [smem:$0x3FB7];
	_ =	sdelay $0x3  }
0x36: {  	p1 =	seq.s32 s10, $0x1;
	s10 =	sld [smem:$0x3FB8];
	_ =	sdelay $0x3  }
0x37: {  	[smem:$0x3FB8] =	sst s10  }
0x38: {  	s10 =	sld [smem:$0x3FB9]  }
0x39: {  	_ = 	snop;
	(pc) =	sbr.ind lr, $3  }
0x3a: {  	_ = 	snop  }
0x3b: {  	_ = 	snop  }
0x3c: {  	p2 =	seq.s32 s10, $0x1;
	s10 =	sld [smem:$0x3FB8]  }
0x3d: {  	_ =	shalt  }
0x3e: {  	_ =	shalt  }
0x3f: {  	_ =	shalt  }
0x40: {  	_ =	shalt  }
0x41: {  	_ =	shalt  }
0x42: {  	_ =	shalt  }
0x43: {  	_ =	shalt  }
0x44: {  	_ =	shalt  }
0x45: {  	_ =	shalt  }
0x46: {  	_ =	shalt  }
0x47: {  	_ =	shalt  }
0x48: {  	_ =	shalt  }
0x49: {  	_ =	shalt  }
0x4a: {  	_ =	shalt  }
0x4b: {  	_ =	shalt  }
0x4c: {  	_ =	shalt  }
0x4d: {  	_ =	shalt  }
0x4e: {  	_ =	shalt  }
0x4f: {  	_ =	shalt  }
0x50: {  	_ =	shalt  }
0x51: {  	_ =	shalt  }
0x52: {  	_ =	shalt  }
0x53: {  	_ =	shalt  }
0x54: {  	_ =	shalt  }
0x55: {  	_ =	shalt  }
0x56: {  	_ =	shalt  }
0x57: {  	_ =	shalt  }
0x58: {  	_ =	shalt  }
0x59: {  	_ =	shalt  }
0x5a: {  	_ =	shalt  }
0x5b: {  	_ =	shalt  }
0x5c: {  	_ =	shalt  }
0x5d: {  	_ =	shalt  }
0x5e: {  	_ =	shalt  }
0x5f: {  	_ =	shalt  }
0x60: {  	_ =	shalt  }
0x61: {  	_ =	shalt  }
0x62: {  	_ =	shalt  }
0x63: {  	_ =	shalt  }
0x64: {  	_ =	shalt  }
0x65: {  	_ =	shalt  }
0x66: {  	_ =	shalt  }
0x67: {  	_ =	shalt  }
0x68: {  	_ =	shalt  }
0x69: {  	_ =	shalt  }
0x6a: {  	_ =	shalt  }
0x6b: {  	_ =	shalt  }
0x6c: {  	_ =	shalt  }
0x6d: {  	_ =	shalt  }
0x6e: {  	_ =	shalt  }
0x6f: {  	_ =	shalt  }
0x70: {  	_ =	shalt  }
0x71: {  	_ =	shalt  }
0x72: {  	_ =	shalt  }
0x73: {  	_ =	shalt  }
0x74: {  	_ =	shalt  }
0x75: {  	_ =	shalt  }
0x76: {  	_ =	shalt  }
0x77: {  	_ =	shalt  }
0x78: {  	_ =	shalt  }
0x79: {  	_ =	shalt  }
0x7a: {  	_ =	shalt  }
0x7b: {  	_ =	shalt  }
0x7c: {  	_ =	shalt  }
0x7d: {  	_ =	shalt  }
0x7e: {  	_ =	shalt  }
0x7f: {  	_ =	shalt  }
0x80: {  	_ =	shalt  }
0x81: {  	_ =	shalt  }
0x82: {  	_ =	shalt  }
0x83: {  	_ =	shalt  }
0x84: {  	_ =	shalt  }
0x85: {  	_ =	shalt  }
0x86: {  	_ =	shalt  }
0x87: {  	_ =	shalt  }
.Lfunc_end0:
.L_simem_size_0:
called_computation.1_lowered:
.L_overlay_start_0:
0x88: {  	s2 =	sld [smem:$0x3FD9]  }
0x89: {  	s3 =	sld [smem:$0x3FFE];
	_ =	sdelay $0x1  }
0x8a: {  	s1 =	srdreg.scid  }
0x8b: {  	s0 =	sand.u32 $0x1, s1  }
0x8c: {  	s16 =	sshll.u32 s0, $0xA;
	s2 =	sadd.s32 s3, s2  }
0x8d: {  	s2 =	sadd.s32 s2, s16  }
0x8e: {  	[smem:$0x3FC4] =	sst s2  }
0x8f: {  	_ = 	snop  }
0x90: {  	(tm) =	ssettm $0x1  }
0x91: {  	s17 =	sld [smem:$0x3FFB];
	_ =	sdelay $0x3  }
0x92: {  	_ =	strace s17  }
0x93: {  	s2 =	sld [smem:$0x3FFC];
	_ =	sdelay $0x3  }
0x94: {  	_ =	strace s2  }
0x95: {  	s2 =	sld [smem:$0x3FFD];
	_ =	sdelay $0x3  }
0x96: {  	_ =	strace s2  }
0x97: {  	_ =	strace $0x8FFFFFFF  }
0x98: {  	s18 =	sld [smem:$0x3FDB];
	_ =	sdelay $0x1  }
0x99: {  	s19 =	simm.s32 $_scs_section_size  }
0x9a: {  	s4 =	simm.s32 $_size__tile_overlayer_lowered;
	s5 =	simm.s32 $_tile_overlayer_lowered  }
0x9b: {  	s22 =	simm.s32 $0x1BFF;
	s21 =	sshll.u32 s5, $0x1;
	s2 =	sadd.s32 s19, s18  }
0x9c: {  	s6 =	simm.s32 $0x0;
	s20 =	sshll.u32 s4, $0x1;
	s4 =	sadd.s32 s21, s2  }
0x9d: {  	[timem:s6], [sflag:s22] =	dma.local [hbm:s4], s20  }
0x9e: {  	_ =	swait.ge [sflag:s22], s20  }
0x9f: {  	s3 =	ssub.s32 $0x0, s20;
	[sflag:s22] =	ssyncset.done $0x0  }
0xa0: {  	[sflag:s22] =	ssyncadd.s32 s3;
	_ =	sdelay $0x1  }
0xa1: {  	s23 =	simm.s32 $0x1B8B  }
0xa2: {  	_ =	swait.ge [sflag:s23], $0x1  }
0xa3: {  	[sflag:s23] =	ssyncset.done $0x0  }
0xa4: {  	s25 =	simm.s32 $0x1B8E;
	s24 =	sld [smem:$0x3FFE];
	[sflag:s23] =	ssyncadd.s32 $0xFFFFFFFF  }
0xa5: {  	s26 =	simm.s32 $execute0_lowered;
	[smem:$0x3FD2] =	sst s25  }
0xa6: {  	s4 =	sshll.u32 s26, $0x1;
	_ =	strace $0x80000046;
	[dreg:$0x1] =	wrdreg $0xFFFFFFFF  }
0xa7: {  	s28 =	simm.s32 $_size_execute0_lowered;
	s2 =	sadd.s32 s2, s4;
	[dreg:$0x0] =	wrdreg $0x0  }
0xa8: {  	s4 =	sshll.u32 s28, $0x1;
	[dreg:$0x2] =	wrdreg s2  }
0xa9: {  	[dreg:$0x3] =	wrdreg s4  }
0xaa: {  	[dreg:$0x4] =	wrdreg $0xC0  }
0xab: {  	_ =	task [dreg:s6], $0x5FFFF  }
0xac: {  	[dreg:$0x1] =	wrdreg $0xFFFFFFFF  }
0xad: {  	[dreg:$0x0] =	wrdreg $0x60  }
0xae: {  	[dreg:$0x2] =	wrdreg s24  }
0xaf: {  	[dreg:$0x3] =	wrdreg $0x9  }
0xb0: {  	_ =	task.clear_ibuf [dreg:s6], $0x4FFFF;
	_ =	strace $0x90000046  }
0xb1: {  	s29 =	simm.s32 $0x9;
	_ =	strace $0x80000048  }
0xb2: {  	_ =	swait.ge [sflag:s29], $0x1  }
0xb3: {  	[sflag:s29] =	ssyncadd.s32 $0xFFFFFFFF  }
0xb4: {  	_ =	strace $0x90000048  }
0xb5: {  	_ =	sfence  }
0xb6: {  	s30 =	sld [smem:$0x0];
	_ =	sdelay $0x2  }
0xb7: {  	s31 =	sshll.u32 s1, $0xD;
	s1 =	sshrl.u32 s1, $0x2  }
0xb8: {  	s3 =	sand.u32 $0x4000, s31;
	s1 =	sadd.s32 s1, s30  }
0xb9: {  	s0 =	sor.u32 s3, s0;
	s1 =	sshll.u32 s1, $0x11  }
0xba: {  	s0 =	sor.u32 s1, s0  }
0xbb: {  	s0 =	sadd.s32 $0x8F2B, s0  }
0xbc: {  	[sflag:s0] =	ssyncadd.remote.s32 $0x1  }
0xbd: {  	_ =	sfence.sel $0xFFFF  }
0xbe: {  	[dreg:$0x0] =	wrdreg $0xFFFFFFFF;
	(pc) =	sbr.abs _section_cstart, $3  }
0xbf: {  	[dreg:$0x1] =	wrdreg $0xFFFFFFFF  }
0xc0: {  	_ =	task.clear_ibuf [dreg:s6], $0x2FFFF;
	_ =	strace $0x9FFFFFFF  }
0xc1: {  	(tm) =	ssettm $0x7FFFFFFF  }
tec
execute0_lowered:
.L_overlay_start_1:
0x0: {  	(tag) =	ssettag $0x1  }
0x1: {  	v0 =	vimm.s32 $0x76543210  }
0x2: {  	v0 =	vunpack.c.l.s4.s8 v0;
	_ =	sdelay $0x1  }
0x3: {  	v2 =	vunpack.c.0.s8.s32 v0;
	v0 =	vlaneseq.u32  }
0x4: {  	s2 =	simm.s32 $0x0;
	v3 =	vmul.u32 $0x9, v0  }
0x5: {  	[smem:$0x7FF] =	sst s2;
	v34 =	vmul.u32 $0x11, v0  }
0x6: {  	s0 =	rddreg [dreg:$0x0];
	_ =	strace $0x80000047;
	[tilespmem:$0x1FF50] =	vst v3  }
0x7: {  	v0 =	vadd.s32 $0x6, v3;
	[tilespmem:$0x1FFA0] =	vst v34  }
0x8: {  	v30 =	vadd.s32 $0x2, v3;
	[tilespmem:$0x1FF40] =	vst v0  }
0x9: {  	s1 =	srdreg.scid;
	s3 =	stileid.u32;
	v1 =	vimm.s32 $0xFEDCBA9;
	s14 =	simm.s32 $0x1;
	v31 =	vadd.s32 $0x3, v3;
	[tilespmem:$0x1FF70] =	vst v30  }
0xa: {  	s19 =	simm.s32 $0x100;
	s20 =	simm.s32 $0x2000;
	s21 =	simm.s32 $0x4400;
	v1 =	vunpack.c.l.s4.s8 v1;
	v32 =	vadd.s32 $0x4, v3;
	[tilespmem:$0x1FF80] =	vst v31  }
0xb: {  	vm0 =	vcmask $0x1F00;
	s23 =	simm.s32 $0x8800;
	s24 =	simm.s32 $0xC800;
	s30 =	sadd.s32 $0x401200, s0;
	v33 =	vadd.s32 $0x5, v3;
	[tilespmem:$0x1FF90] =	vst v32  }
0xc: {  	vm15 =	vcmask $0x3B20;
	s22 =	simm.s32 $0x80;
	s31 =	sadd.s32 $0x401800, s0;
	s5 =	sadd.s32 $0x401A00, s0;
	v1 =	vunpack.c.0.s8.s32 v1;
	v10 =	vadd.s32 $0x1, v34;
	[tilespmem:$0x1FFB0] =	vst v33  }
0xd: {  	s25 =	simm.s32 $0x0;
	s6 =	sadd.s32 $0x401400, s0;
	s7 =	sadd.s32 $0x401600, s0;
	v2 =	vand.u32 $0xF, v2;
	v11 =	vadd.s32 $0x2, v34;
	[tilespmem:$0x1FFC0] =	vst v10  }
0xe: {  	s1 =	sand.u32 $0x1, s1;
	s3 =	sshll.u32 s3, $0x1;
	s8 =	sadd.s32 $0x401C00, s0;
	v1 =	vand.u32 $0xF, v1;
	v2 =	vnsel vm0, $0x10, v2;
	v12 =	vadd.s32 $0x3, v34;
	[tilespmem:$0x1FFD0] =	vst v11  }
0xf: {  	s9 =	sor.u32 s1, s3;
	[dreg:$0x2] =	wrdreg s30;
	s1 =	ssub.s32 $0x2, s1;
	v2 =	vsel vm15, v1, v2;
	v1 =	vadd.s32 $0x1, v3;
	[tilespmem:$0x1FFE0] =	vst v12  }
0x10: {  	[dreg:$0x3] =	wrdreg s31;
	s3 =	sshll.u32 s9, $0x11;
	s11 =	sshrl.u32 s1, $0x1;
	[tilespmem:$0x1FF30] =	vst v1  }
0x11: {  	s9 =	sshll.u32 s9, $0x12;
	s10 =	sadd.s32 s3, s0;
	s1 =	ssub.s32 s1, s11;
	v1 =	vadd.s32 $0x7, v3;
	[tilespmem:$0x1FFF0] =	vst v2  }
0x12: {  	s11 =	sadd.s32 $0x401C10, s0;
	s10 =	sadd.s32 $0x1010, s10;
	s12 =	smax.u32 s1, $0x1;
	[tilespmem:$0x1FF60] =	vst v1  }
.LBB2_1:
0x13: {  	s0 =	rddreg [dreg:$0x2];
	s1 =	simm.s32 $0x10800  }
0x14: {  	[tilespmem:s1], [sflag:$0x1] =	stream.linear.gather [hbm4b:s0+s2], $0x80, $0x38;
	[tilespmem:$0x11280] =	vst v63  }
0x15: {  	_ =	swait.ge [sflag:s14], $0x80  }
0x16: {  	[sflag:s14] =	ssyncset.done $0x0  }
0x17: {  	s28 =	simm.s32 $0x10880;
	s26 =	rddreg [dreg:$0x3];
	[sflag:s14] =	ssyncadd.s32 $0xFFFFFF80  }
0x18: {  	[tilespmem:s28], [sflag:$0x1] =	stream.linear.gather [hbm4b:s26+s2], $0x80, $0x38;
	[tilespmem:$0x11280] =	vst v63  }
0x19: {  	_ =	swait.ge [sflag:s14], $0x80  }
0x1a: {  	[sflag:s14] =	ssyncset.done $0x0  }
0x1b: {  	s29 =	simm.s32 $0x10900;
	[sflag:s14] =	ssyncadd.s32 $0xFFFFFF80  }
0x1c: {  	[tilespmem:s29], [sflag:$0x1] =	stream.linear.gather [hbm4b:s5+s2], $0x80, $0x38;
	[tilespmem:$0x11280] =	vst v63  }
0x1d: {  	_ =	swait.ge [sflag:s14], $0x80  }
0x1e: {  	[sflag:s14] =	ssyncset.done $0x0  }
0x1f: {  	s30 =	simm.s32 $0x10980;
	[sflag:s14] =	ssyncadd.s32 $0xFFFFFF80  }
0x20: {  	[tilespmem:s30], [sflag:$0x1] =	stream.linear.gather [hbm4b:s6+s2], $0x800, $0x38;
	[tilespmem:$0x11280] =	vst v63  }
0x21: {  	_ =	swait.ge [sflag:s14], $0x800  }
0x22: {  	[sflag:s14] =	ssyncset.done $0x0  }
0x23: {  	s31 =	simm.s32 $0x11180;
	[sflag:s14] =	ssyncadd.s32 $0xFFFFF800  }
0x24: {  	[tilespmem:s31], [sflag:$0x1] =	stream.linear.gather [hbm4b:s7+s2], $0x100, $0x38;
	[tilespmem:$0x11280] =	vst v63  }
0x25: {  	_ =	swait.ge [sflag:s14], $0x100  }
0x26: {  	[sflag:s14] =	ssyncset.done $0x0  }
0x27: {  	[sflag:s14] =	ssyncadd.s32 $0xFFFFFF00  }
0x28: {  	v1 =	vld [tilespmem:$0x10900]  }
0x29: {  	v3 =	vld [tilespmem:$0x10880]  }
0x2a: {  	v4 =	vld [tilespmem:$0x10800]  }
0x2b: {  	v5 =	vld [tilespmem:$0x10890]  }
0x2c: {  	v6 =	vld [tilespmem:$0x10810]  }
0x2d: {  	v7 =	vld [tilespmem:$0x108A0]  }
0x2e: {  	v8 =	vld [tilespmem:$0x10820]  }
0x2f: {  	v55 =	vld [tilespmem:$0x108B0];
	v3 =	vmul.f32 v4, v3  }
0x30: {  	v9 =	vld [tilespmem:$0x10830]  }
0x31: {  	v56 =	vld [tilespmem:$0x108C0];
	v1 =	vadd.f32 v3, v1;
	v3 =	vmul.f32 v6, v5  }
0x32: {  	v57 =	vld [tilespmem:$0x10840]  }
0x33: {  	v58 =	vld [tilespmem:$0x108D0];
	v1 =	vadd.f32 v3, v1;
	v3 =	vmul.f32 v8, v7  }
0x34: {  	v59 =	vld [tilespmem:$0x10850]  }
0x35: {  	v60 =	vld [tilespmem:$0x108E0];
	v1 =	vadd.f32 v3, v1;
	v3 =	vmul.f32 v9, v55  }
0x36: {  	v61 =	vld [tilespmem:$0x10860]  }
0x37: {  	v62 =	vld [tilespmem:$0x108F0];
	v1 =	vadd.f32 v3, v1;
	v3 =	vmul.f32 v57, v56  }
0x38: {  	v63 =	vld [tilespmem:$0x10870]  }
0x39: {  	v1 =	vadd.f32 v3, v1;
	v3 =	vmul.f32 v59, v58;
	_ =	sdelay $0x1  }
0x3a: {  	v1 =	vadd.f32 v3, v1;
	v3 =	vmul.f32 v61, v60;
	_ =	sdelay $0x1  }
0x3b: {  	v1 =	vadd.f32 v3, v1;
	v3 =	vmul.f32 v63, v62;
	_ =	sdelay $0x1  }
0x3c: {  	v1 =	vadd.f32 v3, v1  }
0x3d: {  	s0 =	simm.s32 $0xC820  }
0x3e: {  	[tilespmem:s0+$0xFFFFFFE0] =	vst v1  }
0x3f: {  	[tilespmem:s0+$0x10] =	vst v1  }
0x40: {  	s1 =	simm.s32 $0x0;
	[tilespmem:s0+$0x0] =	vst v1  }
.LBB2_2:
0x41: {  	s1 =	sadd.s32 $0x4, s1  }
0x42: {  	[tilespmem:s0+$0xFFFFFFF0] =	vst v1;
	s0 =	sadd.s32 $0x40, s0;
	p0 =	slt.u32 s1, $0x3FC  }
.Ltmp0:
0x43: {  	[tilespmem:s0+$0xFFFFFFE0] =	vst v1;
	(pc) =	sbr.rel @p0 .LBB2_2-.Ltmp0, $3  }
0x44: {  	_ =	sdelay $0x1  }
0x45: {  	[tilespmem:s0+$0x10] =	vst v1  }
0x46: {  	[tilespmem:s0+$0x0] =	vst v1  }
0x47: {  	[tilespmem:s0+$0xFFFFFFF0] =	vst v1;
	s26 =	simm.s32 $0x0  }
.LBB2_4:
0x48: {  	s0 =	sshll.u32 s26, $0xB  }
0x49: {  	s13 =	simm.s32 $0x80;
	s0 =	sadd.s32 s0, s10  }
0x4a: {  	[tilespmem:s2], [sflag:$0x1] =	stream.strided.gather [hbm4b:s0+s13], $0x2000, s19, s13, $0x38;
	[tilespmem:$0x11280] =	vst v63  }
0x4b: {  	_ =	swait.ge [sflag:s14], $0x2000  }
0x4c: {  	[sflag:s14] =	ssyncset.done $0x0  }
0x4d: {  	s4 =	simm.s32 $0x90;
	[sflag:s14] =	ssyncadd.s32 $0xFFFFE000  }
0x4e: {  	s1 =	simm.s32 $0x0;
	v3 =	vadd.s32 s4, v2;
	v1 =	vld [tilespmem:s13+$0x0]  }
0x4f: {  	v5 =	vor.u32 s1, v2;
	v4 =	vld [tilespmem:s13+$0xFFFFFF80];
	_ =	sdelay $0x3  }
0x50: {  	s15 =	simm.s32 $0xA2;
	[tilespmem:v3+s20+$0x0] =	vst.idx.msk $0xffff, v1  }
0x51: {  	s16 =	simm.s32 $0x12;
	[tilespmem:v5+s20+$0x0] =	vst.idx.msk $0xffff, v4;
	v3 =	vadd.s32 s15, v2;
	v1 =	vld [tilespmem:s13+$0x10]  }
0x52: {  	v4 =	vadd.s32 s16, v2;
	v5 =	vld [tilespmem:s13+$0xFFFFFF90];
	_ =	sdelay $0x1  }
0x53: {  	s29 =	simm.s32 $0x1B0;
	s0 =	simm.s32 $0x180  }
0x54: {  	v7 =	vadd.s32 s29, v2;
	v6 =	vld [tilespmem:s0+$0x0];
	s15 =	simm.s32 $0x120  }
0x55: {  	s17 =	simm.s32 $0xB4;
	v8 =	vld [tilespmem:s0+$0xFFFFFF80];
	v9 =	vor.u32 s15, v2;
	[tilespmem:v3+s20+$0x0] =	vst.idx.msk $0xffff, v1  }
0x56: {  	s18 =	simm.s32 $0x24;
	[tilespmem:v4+s20+$0x0] =	vst.idx.msk $0xffff, v5;
	v3 =	vadd.s32 s17, v2;
	v1 =	vld [tilespmem:s13+$0x20]  }
0x57: {  	v4 =	vadd.s32 s18, v2;
	v5 =	vld [tilespmem:s13+$0xFFFFFFA0];
	_ =	sdelay $0x1  }
0x58: {  	s3 =	simm.s32 $0x1C2;
	[tilespmem:v7+s20+$0x0] =	vst.idx.msk $0xffff, v6  }
0x59: {  	s4 =	simm.s32 $0x132;
	v7 =	vadd.s32 s3, v2;
	v6 =	vld [tilespmem:s0+$0x10];
	[tilespmem:v9+s20+$0x0] =	vst.idx.msk $0xffff, v8  }
0x5a: {  	s30 =	simm.s32 $0xC6;
	v8 =	vadd.s32 s4, v2;
	v9 =	vld [tilespmem:s0+$0xFFFFFF90];
	[tilespmem:v3+s20+$0x0] =	vst.idx.msk $0xffff, v1  }
0x5b: {  	s31 =	simm.s32 $0x36;
	[tilespmem:v4+s20+$0x0] =	vst.idx.msk $0xffff, v5;
	v3 =	vadd.s32 s30, v2;
	v1 =	vld [tilespmem:s13+$0x30]  }
0x5c: {  	v4 =	vadd.s32 s31, v2;
	v5 =	vld [tilespmem:s13+$0xFFFFFFB0];
	_ =	sdelay $0x1  }
0x5d: {  	[tilespmem:v7+s20+$0x0] =	vst.idx.msk $0xffff, v6;
	s17 =	simm.s32 $0x1D4  }
0x5e: {  	s18 =	simm.s32 $0x144;
	v6 =	vld [tilespmem:s0+$0x20];
	v7 =	vadd.s32 s17, v2;
	[tilespmem:v8+s20+$0x0] =	vst.idx.msk $0xffff, v9  }
0x5f: {  	s15 =	simm.s32 $0xD8;
	v8 =	vadd.s32 s18, v2;
	v9 =	vld [tilespmem:s0+$0xFFFFFFA0];
	[tilespmem:v3+s20+$0x0] =	vst.idx.msk $0xffff, v1  }
0x60: {  	s16 =	simm.s32 $0x48;
	[tilespmem:v4+s20+$0x0] =	vst.idx.msk $0xffff, v5;
	v3 =	vadd.s32 s15, v2;
	v1 =	vld [tilespmem:s13+$0x40]  }
0x61: {  	v4 =	vadd.s32 s16, v2;
	v5 =	vld [tilespmem:s13+$0xFFFFFFC0];
	_ =	sdelay $0x1  }
0x62: {  	s3 =	simm.s32 $0x1E6;
	[tilespmem:v7+s20+$0x0] =	vst.idx.msk $0xffff, v6  }
0x63: {  	s4 =	simm.s32 $0x156;
	v7 =	vadd.s32 s3, v2;
	v6 =	vld [tilespmem:s0+$0x30];
	[tilespmem:v8+s20+$0x0] =	vst.idx.msk $0xffff, v9  }
0x64: {  	s29 =	simm.s32 $0xEA;
	v8 =	vadd.s32 s4, v2;
	v9 =	vld [tilespmem:s0+$0xFFFFFFB0];
	[tilespmem:v3+s20+$0x0] =	vst.idx.msk $0xffff, v1  }
0x65: {  	s30 =	simm.s32 $0x5A;
	[tilespmem:v4+s20+$0x0] =	vst.idx.msk $0xffff, v5;
	v3 =	vadd.s32 s29, v2;
	v1 =	vld [tilespmem:s13+$0x50]  }
0x66: {  	s1 =	simm.s32 $0x280;
	s31 =	simm.s32 $0x2D0;
	v4 =	vadd.s32 s30, v2;
	v5 =	vld [tilespmem:s13+$0xFFFFFFD0]  }
0x67: {  	v10 =	vld [tilespmem:s1+$0x0];
	v11 =	vadd.s32 s31, v2;
	s16 =	simm.s32 $0x240  }
0x68: {  	v12 =	vld [tilespmem:s1+$0xFFFFFF80];
	[tilespmem:v7+s20+$0x0] =	vst.idx.msk $0xffff, v6;
	v13 =	vor.u32 s16, v2  }
0x69: {  	s3 =	simm.s32 $0x1F8;
	[tilespmem:v8+s20+$0x0] =	vst.idx.msk $0xffff, v9  }
0x6a: {  	s17 =	simm.s32 $0xFC;
	v21 =	vadd.s32 s3, v2;
	v9 =	vld [tilespmem:s0+$0x40];
	[tilespmem:v3+s20+$0x0] =	vst.idx.msk $0xffff, v1  }
0x6b: {  	s18 =	simm.s32 $0x6C;
	[tilespmem:v4+s20+$0x0] =	vst.idx.msk $0xffff, v5;
	v3 =	vadd.s32 s17, v2;
	v1 =	vld [tilespmem:s13+$0x60]  }
0x6c: {  	[tilespmem:v11+s20+$0x0] =	vst.idx.msk $0xffff, v10;
	s29 =	simm.s32 $0x2E2;
	v4 =	vadd.s32 s18, v2;
	v5 =	vld [tilespmem:s13+$0xFFFFFFE0]  }
0x6d: {  	v10 =	vld [tilespmem:s1+$0x10];
	[tilespmem:v13+s20+$0x0] =	vst.idx.msk $0xffff, v12;
	v15 =	vadd.s32 s29, v2;
	s17 =	simm.s32 $0x252  }
0x6e: {  	s31 =	simm.s32 $0x168;
	v18 =	vld [tilespmem:s1+$0xFFFFFF90];
	v17 =	vadd.s32 s17, v2  }
0x6f: {  	s3 =	simm.s32 $0x29A;
	v20 =	vadd.s32 s31, v2;
	s29 =	simm.s32 $0x264;
	v22 =	vld [tilespmem:s0+$0xFFFFFFC0];
	[tilespmem:v21+s20+$0x0] =	vst.idx.msk $0xffff, v9  }
0x70: {  	v16 =	vadd.s32 s3, v2;
	s30 =	simm.s32 $0x7E;
	[tilespmem:v3+s20+$0x0] =	vst.idx.msk $0xffff, v1;
	v3 =	vadd.s32 s29, v2;
	s29 =	simm.s32 $0x10E  }
0x71: {  	s4 =	simm.s32 $0x17A;
	v11 =	vadd.s32 s30, v2;
	s30 =	simm.s32 $0x276;
	[tilespmem:v4+s20+$0x0] =	vst.idx.msk $0xffff, v5;
	v6 =	vld [tilespmem:s13+$0x70];
	v8 =	vadd.s32 s29, v2  }
0x72: {  	s28 =	simm.s32 $0x2BE;
	s16 =	simm.s32 $0x19E;
	v14 =	vadd.s32 s4, v2;
	[tilespmem:v15+s20+$0x0] =	vst.idx.msk $0xffff, v10;
	v4 =	vadd.s32 s30, v2;
	s30 =	simm.s32 $0x2F4;
	v7 =	vld [tilespmem:s13+$0xFFFFFFF0]  }
0x73: {  	s31 =	simm.s32 $0x288;
	s15 =	simm.s32 $0x22E;
	s4 =	simm.s32 $0x2AC;
	v12 =	vadd.s32 s16, v2;
	[tilespmem:v17+s20+$0x0] =	vst.idx.msk $0xffff, v18;
	v18 =	vld [tilespmem:s1+$0x20];
	v10 =	vadd.s32 s30, v2  }
0x74: {  	s16 =	simm.s32 $0x280;
	s18 =	simm.s32 $0x18C;
	v15 =	vadd.s32 s4, v2;
	[tilespmem:v20+s20+$0x0] =	vst.idx.msk $0xffff, v22;
	v1 =	vadd.s32 s31, v2;
	s31 =	simm.s32 $0x20A;
	v19 =	vld [tilespmem:s1+$0xFFFFFFA0]  }
0x75: {  	v9 =	vld [tilespmem:s0+$0x50];
	v13 =	vadd.s32 s18, v2;
	s17 =	simm.s32 $0x4;
	v5 =	vadd.s32 s28, v2;
	s28 =	simm.s32 $0x46E;
	s13 =	simm.s32 $0x34E;
	v17 =	vadd.s32 s31, v2  }
.LBB2_5:
0x76: {  	s18 =	sadd.s32 $0xFFFFFF82, s28;
	s17 =	sadd.s32 $0x2, s17;
	s1 =	sadd.s32 $0x100, s1;
	v20 =	vld [tilespmem:s0+$0xFFFFFFD0];
	[tilespmem:v8+s20+$0x0] =	vst.idx.msk $0xffff, v6  }
0x77: {  	s29 =	sadd.s32 $0xFFFFFEF2, s28;
	s30 =	sadd.s32 $0xFFFFFF04, s28;
	v6 =	vld [tilespmem:s1+$0x0];
	v8 =	vadd.s32 s18, v2;
	p0 =	slt.u32 s17, $0x3E;
	[tilespmem:v11+s20+$0x0] =	vst.idx.msk $0xffff, v7;
	v11 =	vmov v12;
	v12 =	vmov v5  }
0x78: {  	v21 =	vor.u32 s29, v2;
	v22 =	vadd.s32 s30, v2;
	s18 =	sadd.s32 $0xFFFFFF16, s28;
	s29 =	sadd.s32 $0xFFFFFF28, s28;
	s30 =	sadd.s32 $0xFFFFFFB8, s13;
	v7 =	vld [tilespmem:s1+$0xFFFFFF80];
	[tilespmem:v10+s20+$0x0] =	vst.idx.msk $0xffff, v18  }
0x79: {  	s31 =	sadd.s32 $0xFFFFFF3A, s28;
	s3 =	sadd.s32 $0xFFFFFF4C, s28;
	s4 =	sadd.s32 $0xFFFFFF5E, s28;
	v18 =	vadd.s32 s30, v2;
	[tilespmem:v3+s20+$0x0] =	vst.idx.msk $0xffff, v19;
	v3 =	vadd.s32 s18, v2;
	v10 =	vld [tilespmem:s16+$0x30]  }
0x7a: {  	v23 =	vadd.s32 s31, v2;
	v19 =	vadd.s32 s29, v2;
	s18 =	sadd.s32 $0xFFFFFF70, s28;
	s29 =	sadd.s32 $0xFFFFFFEE, s15;
	v24 =	vld [tilespmem:s16+$0xFFFFFFB0];
	[tilespmem:v17+s20+$0x0] =	vst.idx.msk $0xffff, v9  }
0x7b: {  	v17 =	vadd.s32 s29, v2;
	[tilespmem:v14+s20+$0x0] =	vst.idx.msk $0xffff, v20;
	v9 =	vld [tilespmem:s0+$0x60];
	v14 =	vmov v16;
	v16 =	vadd.s32 s3, v2  }
0x7c: {  	v5 =	vadd.s32 s18, v2;
	v20 =	vadd.s32 s4, v2;
	s3 =	sadd.s32 $0xFFFFFF94, s28;
	[tilespmem:v8+s20+$0x0] =	vst.idx.msk $0xffff, v6;
	v6 =	vld [tilespmem:s0+$0xFFFFFFE0]  }
0x7d: {  	[tilespmem:v21+s20+$0x0] =	vst.idx.msk $0xffff, v7;
	v7 =	vld [tilespmem:s1+$0x10];
	v21 =	vadd.s32 s3, v2  }
0x7e: {  	s3 =	sadd.s32 $0xFFFFFFCA, s13;
	v25 =	vld [tilespmem:s1+$0xFFFFFF90];
	[tilespmem:v18+s20+$0x0] =	vst.idx.msk $0xffff, v10  }
0x7f: {  	v26 =	vadd.s32 s3, v2;
	[tilespmem:v4+s20+$0x0] =	vst.idx.msk $0xffff, v24;
	v24 =	vld [tilespmem:s16+$0x40];
	v4 =	vmov v19  }
0x80: {  	v27 =	vld [tilespmem:s16+$0xFFFFFFC0];
	[tilespmem:v17+s20+$0x0] =	vst.idx.msk $0xffff, v9  }
.Ltmp1:
0x81: {  	v8 =	vadd.s32 s15, v2;
	s15 =	smov.u32 s13;
	s13 =	smov.u32 s28;
	[tilespmem:v13+s20+$0x0] =	vst.idx.msk $0xffff, v6;
	v6 =	vld [tilespmem:s0+$0x70];
	v13 =	vmov v15;
	v15 =	vmov v20;
	(pc) =	sbr.rel @p0 .LBB2_5-.Ltmp1, $4  }
0x82: {  	s3 =	sadd.s32 $0xFFFFFFA6, s28;
	[tilespmem:v21+s20+$0x0] =	vst.idx.msk $0xffff, v7;
	v7 =	vld [tilespmem:s0+$0xFFFFFFF0];
	s0 =	smov.u32 s16;
	s16 =	smov.u32 s1  }
0x83: {  	v10 =	vadd.s32 s3, v2;
	[tilespmem:v22+s20+$0x0] =	vst.idx.msk $0xffff, v25;
	v18 =	vld [tilespmem:s1+$0x20]  }
0x84: {  	s3 =	sadd.s32 $0xFFFFFFDC, s15;
	v19 =	vld [tilespmem:s1+$0xFFFFFFA0];
	[tilespmem:v26+s20+$0x0] =	vst.idx.msk $0xffff, v24  }
0x85: {  	s28 =	sadd.s32 $0x120, s28;
	v17 =	vadd.s32 s3, v2;
	[tilespmem:v1+s20+$0x0] =	vst.idx.msk $0xffff, v27;
	v9 =	vld [tilespmem:s0+$0x50];
	v1 =	vmov v23  }
0x86: {  	_ =	sdelay $0x3  }
0x87: {  	s1 =	sadd.s32 $0xFFFFFFB8, s13;
	[tilespmem:v10+s20+$0x0] =	vst.idx.msk $0xffff, v18  }
0x88: {  	v10 =	vadd.s32 s1, v2;
	[tilespmem:v3+s20+$0x0] =	vst.idx.msk $0xffff, v19;
	v3 =	vld [tilespmem:s16+$0x30]  }
0x89: {  	v18 =	vld [tilespmem:s16+$0xFFFFFFB0];
	_ =	sdelay $0x3  }
0x8a: {  	s30 =	sadd.s32 $0xFFFFFFCA, s13;
	[tilespmem:v10+s20+$0x0] =	vst.idx.msk $0xffff, v3  }
0x8b: {  	[tilespmem:v4+s20+$0x0] =	vst.idx.msk $0xffff, v18;
	v3 =	vld [tilespmem:s16+$0x40];
	v4 =	vadd.s32 s30, v2  }
0x8c: {  	v10 =	vld [tilespmem:s16+$0xFFFFFFC0];
	_ =	sdelay $0x3  }
0x8d: {  	s31 =	sadd.s32 $0xFFFFFFDC, s13;
	v18 =	vld [tilespmem:s0+$0xFFFFFFD0];
	[tilespmem:v4+s20+$0x0] =	vst.idx.msk $0xffff, v3  }
0x8e: {  	v3 =	vadd.s32 s31, v2;
	[tilespmem:v1+s20+$0x0] =	vst.idx.msk $0xffff, v10;
	v1 =	vld [tilespmem:s16+$0x50]  }
0x8f: {  	v4 =	vld [tilespmem:s16+$0xFFFFFFD0];
	_ =	sdelay $0x1  }
0x90: {  	s3 =	sadd.s32 $0xFFFFFFEE, s15;
	[tilespmem:v17+s20+$0x0] =	vst.idx.msk $0xffff, v9  }
0x91: {  	v9 =	vld [tilespmem:s0+$0x60];
	[tilespmem:v14+s20+$0x0] =	vst.idx.msk $0xffff, v18;
	v10 =	vadd.s32 s3, v2  }
0x92: {  	s4 =	sadd.s32 $0xFFFFFFEE, s13;
	v14 =	vld [tilespmem:s0+$0xFFFFFFE0];
	[tilespmem:v3+s20+$0x0] =	vst.idx.msk $0xffff, v1  }
0x93: {  	v3 =	vadd.s32 s4, v2;
	[tilespmem:v16+s20+$0x0] =	vst.idx.msk $0xffff, v4;
	v1 =	vld [tilespmem:s16+$0x60]  }
0x94: {  	v4 =	vld [tilespmem:s16+$0xFFFFFFE0];
	_ =	sdelay $0x1  }
0x95: {  	[tilespmem:v10+s20+$0x0] =	vst.idx.msk $0xffff, v9  }
0x96: {  	[tilespmem:v13+s20+$0x0] =	vst.idx.msk $0xffff, v14;
	v10 =	vadd.s32 s15, v2;
	v9 =	vld [tilespmem:s0+$0x70]  }
0x97: {  	v13 =	vld [tilespmem:s0+$0xFFFFFFF0];
	[tilespmem:v3+s20+$0x0] =	vst.idx.msk $0xffff, v1  }
0x98: {  	v3 =	vadd.s32 s13, v2;
	[tilespmem:v15+s20+$0x0] =	vst.idx.msk $0xffff, v4;
	v1 =	vld [tilespmem:s16+$0x70]  }
0x99: {  	[tilespmem:v8+s20+$0x0] =	vst.idx.msk $0xffff, v6;
	v4 =	vld [tilespmem:s16+$0xFFFFFFF0]  }
0x9a: {  	[tilespmem:v11+s20+$0x0] =	vst.idx.msk $0xffff, v7  }
0x9b: {  	[tilespmem:v10+s20+$0x0] =	vst.idx.msk $0xffff, v9  }
0x9c: {  	[tilespmem:v12+s20+$0x0] =	vst.idx.msk $0xffff, v13  }
0x9d: {  	[tilespmem:v3+s20+$0x0] =	vst.idx.msk $0xffff, v1  }
0x9e: {  	[tilespmem:v5+s20+$0x0] =	vst.idx.msk $0xffff, v4  }
0x9f: {  	v2 =	vld [tilespmem:$0x10980]  }
0xa0: {  	v49 =	vld [tilespmem:$0x10A80]  }
0xa1: {  	v41 =	vld [tilespmem:$0x10B80]  }
0xa2: {  	v25 =	vld [tilespmem:$0x10C80]  }
0xa3: {  	v17 =	vld [tilespmem:$0x10D80]  }
0xa4: {  	v15 =	vld [tilespmem:$0x10E80]  }
0xa5: {  	v27 =	vld [tilespmem:$0x10F80]  }
0xa6: {  	v26 =	vld [tilespmem:$0x11080]  }
0xa7: {  	v19 =	vld [tilespmem:$0x10990]  }
0xa8: {  	v28 =	vld [tilespmem:$0x10A90]  }
0xa9: {  	v38 =	vld [tilespmem:$0x10C90]  }
0xaa: {  	v16 =	vld [tilespmem:$0x10E90]  }
0xab: {  	v58 =	vld [tilespmem:$0x1FF50]  }
0xac: {  	v29 =	vld [tilespmem:$0x10F90]  }
0xad: {  	v0 =	vld [tilespmem:$0x11090]  }
0xae: {  	v62 =	vld [tilespmem:$0x109A0]  }
0xaf: {  	s17 =	simm.s32 $0x90;
	v22 =	vld [tilespmem:$0x109B0];
	[tilespmem:$0x1FE80] =	vst v17  }
0xb0: {  	v23 =	vld [tilespmem:$0x1FF60];
	[tilespmem:$0x1FEF0] =	vst v15;
	v1 =	vadd.s32 s17, v58  }
0xb1: {  	s18 =	simm.s32 $0x0;
	v21 =	vld [tilespmem:$0x11180];
	[tilespmem:$0x1FC60] =	vst v27  }
0xb2: {  	v5 =	vadd.s32 s18, v33;
	v14 =	vld [tilespmem:$0x1FF40];
	[tilespmem:$0x1FF00] =	vst v16  }
0xb3: {  	v6 =	vadd.s32 s18, v32;
	v24 =	vld [tilespmem:$0x11190];
	[tilespmem:$0x1FC70] =	vst v29  }
0xb4: {  	v7 =	vadd.s32 s18, v31;
	v42 =	vld [tilespmem:$0x111A0];
	[tilespmem:$0x1FC80] =	vst v0  }
0xb5: {  	v3 =	vadd.s32 s18, v23;
	v1 =	vld.idx.msk [tilespmem:v1+s20+$0x0], $0xffff  }
0xb6: {  	v57 =	vld [tilespmem:$0x1FF30]  }
0xb7: {  	v4 =	vadd.s32 s18, v14;
	v5 =	vld.idx.msk [tilespmem:v5+s20+$0x0], $0xffff  }
0xb8: {  	v8 =	vadd.s32 s18, v30;
	v6 =	vld.idx.msk [tilespmem:v6+s20+$0x0], $0xffff  }
0xb9: {  	v7 =	vld.idx.msk [tilespmem:v7+s20+$0x0], $0xffff  }
0xba: {  	v10 =	vld.idx.msk [tilespmem:v3+s20+$0x0], $0xffff;
	v3 =	vadd.s32 s18, v58;
	v35 =	vmul.f32 v1, v2;
	v36 =	vmul.f32 v1, v19  }
0xbb: {  	v37 =	vmul.f32 v1, v62;
	v53 =	vmul.f32 v1, v22;
	v1 =	vld [tilespmem:$0x1FF40]  }
0xbc: {  	v9 =	vld.idx.msk [tilespmem:v4+s20+$0x0], $0xffff;
	[tilespmem:$0x1FC90] =	vst v2  }
0xbd: {  	v11 =	vadd.s32 s18, v57;
	v4 =	vmov v2;
	v8 =	vld.idx.msk [tilespmem:v8+s20+$0x0], $0xffff;
	[tilespmem:$0x1FCA0] =	vst v19;
	v2 =	vadd.s32 s17, v33  }
0xbe: {  	v18 =	vld [tilespmem:$0x10B90];
	[tilespmem:$0x1FC30] =	vst v2  }
0xbf: {  	v54 =	vmul.f32 v10, v0;
	v0 =	vadd.s32 s17, v23;
	v40 =	vld.idx.msk [tilespmem:v3+s20+$0x0], $0xffff;
	[tilespmem:$0x1FCC0] =	vst v22  }
0xc0: {  	v20 =	vld [tilespmem:$0x10AA0];
	v48 =	vmul.f32 v5, v15;
	v59 =	vmul.f32 v5, v16;
	[tilespmem:$0x1FC50] =	vst v0;
	v1 =	vadd.s32 s17, v1  }
0xc1: {  	v13 =	vadd.s32 s17, v30;
	v14 =	vmovc v19;
	v45 =	vmul.f32 v6, v17;
	v55 =	vmul.f32 v9, v27;
	v27 =	vld [tilespmem:$0x10BA0];
	[tilespmem:$0x1FC40] =	vst v1  }
0xc2: {  	v16 =	vmovc v24;
	v44 =	vmul.f32 v7, v25;
	v46 =	vmul.f32 v7, v38;
	v15 =	vmov v42;
	v11 =	vld.idx.msk [tilespmem:v11+s20+$0x0], $0xffff  }
0xc3: {  	v56 =	vmul.f32 v9, v29;
	v43 =	vmul.f32 v8, v41;
	v3 =	vmovc v21;
	v63 =	vadd.f32 v35, v21;
	v21 =	vld [tilespmem:$0x10AB0]  }
0xc4: {  	v19 =	vmovc v22;
	v47 =	vmul.f32 v8, v18;
	v2 =	vadd.f32 v36, v24;
	v22 =	vld [tilespmem:$0x111B0];
	v39 =	vmul.f32 v40, v4  }
0xc5: {  	s28 =	simm.s32 $0x0;
	v29 =	vmovc v25;
	v60 =	vadd.f32 v37, v42;
	v0 =	vmov v41;
	[tilespmem:$0x1FCB0] =	vst v24;
	v41 =	vmul.f32 v40, v14;
	v24 =	vld [tilespmem:$0x10BB0]  }
0xc6: {  	v25 =	vmovc v38;
	v35 =	vmovc v49;
	v38 =	vmul.f32 v8, v27;
	v1 =	vadd.s32 s28, v34;
	v61 =	vmul.f32 v40, v62;
	v14 =	vld [tilespmem:$0x10D90]  }
0xc7: {  	[tilespmem:$0x1FCD0] =	vst v42;
	v42 =	vadd.f32 v39, v3;
	v37 =	vadd.f32 v41, v16;
	v41 =	vld [tilespmem:$0x10CA0];
	v49 =	vmul.f32 v11, v49  }
0xc8: {  	v12 =	vadd.s32 s17, v57;
	[tilespmem:$0x1FE20] =	vst v1;
	v16 =	vld [tilespmem:$0x10EA0];
	v39 =	vmovc v3;
	v3 =	vmul.f32 v40, v19;
	v1 =	vmul.f32 v11, v28  }
0xc9: {  	v61 =	vadd.f32 v61, v15;
	v40 =	vld [tilespmem:$0x10CB0];
	v4 =	vmul.f32 v11, v20;
	v49 =	vadd.f32 v49, v42  }
0xca: {  	v19 =	vld [tilespmem:$0x10DA0];
	v11 =	vmul.f32 v11, v21;
	v3 =	vadd.f32 v3, v22;
	v1 =	vadd.f32 v1, v37  }
0xcb: {  	v8 =	vmul.f32 v8, v24;
	v4 =	vadd.f32 v4, v61;
	v37 =	vld [tilespmem:$0x10FA0];
	v49 =	vadd.f32 v43, v49  }
0xcc: {  	v3 =	vadd.f32 v11, v3;
	v11 =	vmul.f32 v6, v14;
	v43 =	vld [tilespmem:$0x10DB0];
	v1 =	vadd.f32 v47, v1  }
0xcd: {  	v4 =	vadd.f32 v38, v4;
	v47 =	vld [tilespmem:$0x10EB0];
	v42 =	vadd.f32 v44, v49;
	v49 =	vmul.f32 v7, v41  }
0xce: {  	v3 =	vadd.f32 v8, v3;
	v1 =	vadd.f32 v46, v1;
	v46 =	vld [tilespmem:$0x1FFC0];
	v7 =	vmul.f32 v7, v40  }
0xcf: {  	v17 =	vmovc v62;
	v62 =	vadd.f32 v45, v42;
	v4 =	vadd.f32 v49, v4;
	v49 =	vmul.f32 v6, v19;
	v45 =	vld [tilespmem:$0x1FFD0]  }
0xd0: {  	v50 =	vmul.f32 v10, v26;
	v1 =	vadd.f32 v11, v1;
	v3 =	vadd.f32 v7, v3  }
0xd1: {  	v42 =	vld [tilespmem:$0x10FB0];
	v6 =	vmul.f32 v6, v43;
	v7 =	vadd.f32 v48, v62;
	v4 =	vadd.f32 v49, v4  }
0xd2: {  	[tilespmem:$0x1FCE0] =	vst v22;
	v38 =	vld [tilespmem:$0x110A0];
	v49 =	vmul.f32 v5, v16;
	v1 =	vadd.f32 v59, v1;
	v5 =	vmul.f32 v5, v47  }
0xd3: {  	[tilespmem:$0x1FCF0] =	vst v19;
	v48 =	vld [tilespmem:$0x1FFE0];
	v8 =	vadd.s32 s28, v46;
	v3 =	vadd.f32 v6, v3;
	v6 =	vadd.f32 v55, v7  }
0xd4: {  	v44 =	vld [tilespmem:$0x110B0];
	[tilespmem:$0x1FE60] =	vst v8;
	v4 =	vadd.f32 v49, v4;
	v7 =	vmul.f32 v9, v37;
	v8 =	vadd.s32 s28, v45  }
0xd5: {  	v1 =	vadd.f32 v56, v1;
	[tilespmem:$0x1FE90] =	vst v8;
	v6 =	vadd.f32 v50, v6  }
0xd6: {  	v3 =	vadd.f32 v5, v3;
	v5 =	vmul.f32 v9, v42;
	v4 =	vadd.f32 v7, v4;
	v12 =	vld.idx.msk [tilespmem:v12+s20+$0x0], $0xffff  }
0xd7: {  	v51 =	vadd.s32 s17, v31;
	v1 =	vadd.f32 v54, v1;
	v9 =	vld.idx.msk [tilespmem:v13+s20+$0x0], $0xffff;
	[tilespmem:$0x1FE30] =	vst v6;
	v6 =	vmul.f32 v10, v38  }
0xd8: {  	v7 =	vadd.s32 s28, v48  }
0xd9: {  	v3 =	vadd.f32 v5, v3;
	v5 =	vmul.f32 v10, v44;
	[tilespmem:$0x1FE70] =	vst v1;
	v1 =	vadd.f32 v6, v4  }
0xda: {  	[tilespmem:$0x1FEC0] =	vst v7  }
0xdb: {  	[tilespmem:$0x1FEA0] =	vst v1;
	v1 =	vadd.f32 v5, v3  }
0xdc: {  	v7 =	vld.idx.msk [tilespmem:v51+s20+$0x0], $0xffff  }
0xdd: {  	[tilespmem:$0x1FED0] =	vst v1;
	v1 =	vld [tilespmem:$0x1FC30]  }
0xde: {  	v52 =	vadd.s32 s17, v32;
	_ =	sdelay $0x2  }
0xdf: {  	v6 =	vmul.f32 v12, v35  }
0xe0: {  	v10 =	vadd.f32 v53, v22;
	v13 =	vmul.f32 v12, v28;
	v3 =	vmul.f32 v12, v20  }
0xe1: {  	v12 =	vmul.f32 v12, v21;
	v5 =	vadd.f32 v6, v63;
	v6 =	vld.idx.msk [tilespmem:v52+s20+$0x0], $0xffff;
	[tilespmem:$0x1FDC0] =	vst v0  }
0xe2: {  	[tilespmem:$0x1FDD0] =	vst v18  }
0xe3: {  	v10 =	vadd.f32 v12, v10;
	v12 =	vld.idx.msk [tilespmem:v1+s20+$0x0], $0xffff  }
0xe4: {  	v1 =	vld [tilespmem:$0x1FC40];
	_ =	sdelay $0x4  }
0xe5: {  	v15 =	vmovc v35;
	v11 =	vld [tilespmem:$0x1FF00];
	v35 =	vmul.f32 v9, v18;
	v63 =	vmul.f32 v9, v0;
	v13 =	vadd.f32 v13, v2  }
0xe6: {  	v8 =	vld [tilespmem:$0x1FEF0];
	v36 =	vmul.f32 v9, v27;
	v3 =	vadd.f32 v3, v60  }
0xe7: {  	v9 =	vmul.f32 v9, v24;
	v5 =	vadd.f32 v63, v5;
	v13 =	vadd.f32 v35, v13;
	v35 =	vld [tilespmem:$0x1FE80]  }
0xe8: {  	v3 =	vadd.f32 v36, v3;
	v60 =	vmul.f32 v7, v29;
	v61 =	vmul.f32 v7, v25;
	v51 =	vld.idx.msk [tilespmem:v1+s20+$0x0], $0xffff  }
0xe9: {  	v9 =	vadd.f32 v9, v10;
	v63 =	vmul.f32 v7, v41;
	v7 =	vmul.f32 v7, v40;
	v1 =	vld [tilespmem:$0x1FC50]  }
0xea: {  	v62 =	vmovc v28;
	v28 =	vmov v25;
	v13 =	vadd.f32 v61, v13;
	v25 =	vmul.f32 v6, v14  }
0xeb: {  	v3 =	vadd.f32 v63, v3;
	v7 =	vadd.f32 v7, v9;
	v9 =	vmul.f32 v6, v19  }
0xec: {  	s3 =	simm.s32 $0x120;
	v5 =	vadd.f32 v60, v5;
	v10 =	vmul.f32 v6, v35;
	v6 =	vmul.f32 v6, v43  }
0xed: {  	v13 =	vadd.f32 v25, v13;
	v3 =	vadd.f32 v9, v3;
	v9 =	vadd.s32 s3, v58  }
0xee: {  	v22 =	vmovc v27;
	v5 =	vadd.f32 v10, v5;
	v10 =	vmul.f32 v12, v8;
	v27 =	vmul.f32 v12, v11  }
0xef: {  	v25 =	vld [tilespmem:$0x1FC60];
	v6 =	vadd.f32 v6, v7  }
0xf0: {  	s30 =	simm.s32 $0x1B0;
	v36 =	vmul.f32 v12, v16;
	v5 =	vadd.f32 v10, v5;
	v10 =	vadd.f32 v27, v13;
	v27 =	vld [tilespmem:$0x1FC70]  }
0xf1: {  	v12 =	vmul.f32 v12, v47;
	v13 =	vadd.s32 s3, v57;
	v52 =	vld.idx.msk [tilespmem:v1+s20+$0x0], $0xffff;
	v1 =	vadd.s32 s30, v57  }
0xf2: {  	v59 =	vmovc v29;
	v29 =	vmov v14;
	v14 =	vld [tilespmem:$0x1FC90];
	v3 =	vadd.f32 v36, v3;
	v36 =	vmul.f32 v51, v37;
	[tilespmem:$0x1FD10] =	vst v1  }
0xf3: {  	v7 =	vadd.s32 s3, v30;
	v6 =	vadd.f32 v12, v6;
	v9 =	vld.idx.msk [tilespmem:v9+s20+$0x0], $0xffff  }
0xf4: {  	v12 =	vadd.s32 s3, v31;
	v50 =	vmul.f32 v51, v25;
	v3 =	vadd.f32 v36, v3;
	v36 =	vld [tilespmem:$0x1FC80]  }
0xf5: {  	v54 =	vmul.f32 v51, v27;
	v51 =	vmul.f32 v51, v42  }
0xf6: {  	v5 =	vadd.f32 v50, v5;
	v13 =	vld.idx.msk [tilespmem:v13+s20+$0x0], $0xffff;
	v53 =	vmul.f32 v52, v26  }
0xf7: {  	v56 =	vmov v16;
	v16 =	vld [tilespmem:$0x1FCA0];
	v6 =	vadd.f32 v51, v6;
	v51 =	vmul.f32 v52, v38  }
0xf8: {  	v19 =	vmov v39;
	v7 =	vld.idx.msk [tilespmem:v7+s20+$0x0], $0xffff;
	v53 =	vadd.f32 v53, v5;
	v5 =	vmul.f32 v9, v14  }
0xf9: {  	v10 =	vadd.f32 v54, v10;
	v63 =	vmul.f32 v52, v36;
	v51 =	vadd.f32 v51, v3;
	v3 =	vld.idx.msk [tilespmem:v12+s20+$0x0], $0xffff  }
0xfa: {  	v1 =	vmul.f32 v52, v44;
	v12 =	vmul.f32 v9, v17;
	v5 =	vadd.f32 v5, v39;
	v39 =	vmovc v17;
	v17 =	vld [tilespmem:$0x1FCB0]  }
0xfb: {  	v2 =	vld [tilespmem:$0x1FCC0];
	v52 =	vadd.f32 v63, v10;
	v10 =	vmul.f32 v13, v15  }
0xfc: {  	v54 =	vmov v15;
	v50 =	vadd.f32 v1, v6;
	v15 =	vld [tilespmem:$0x1FCD0]  }
0xfd: {  	v1 =	vmul.f32 v9, v16;
	v5 =	vadd.f32 v10, v5;
	v10 =	vmul.f32 v7, v18;
	v18 =	vld [tilespmem:$0x1FCE0]  }
0xfe: {  	v55 =	vadd.s32 s30, v58;
	v58 =	vadd.s32 s3, v33  }
0xff: {  	v60 =	vadd.s32 s3, v32;
	v63 =	vmul.f32 v13, v62;
	v1 =	vadd.f32 v1, v17  }
0x100: {  	v61 =	vld [tilespmem:$0x1FF40];
	v9 =	vmul.f32 v9, v2  }
0x101: {  	v12 =	vadd.f32 v12, v15;
	v1 =	vadd.f32 v63, v1;
	v63 =	vmul.f32 v13, v20  }
0x102: {  	v9 =	vadd.f32 v9, v18;
	v13 =	vmul.f32 v13, v21  }
0x103: {  	v58 =	vld.idx.msk [tilespmem:v58+s20+$0x0], $0xffff;
	v12 =	vadd.f32 v63, v12;
	v1 =	vadd.f32 v10, v1  }
0x104: {  	v60 =	vld.idx.msk [tilespmem:v60+s20+$0x0], $0xffff;
	v10 =	vmul.f32 v7, v22;
	v9 =	vadd.f32 v13, v9;
	v13 =	vmul.f32 v3, v28  }
0x105: {  	v57 =	vadd.s32 s3, v61;
	v6 =	vmul.f32 v7, v0  }
0x106: {  	v10 =	vadd.f32 v10, v12;
	v1 =	vadd.f32 v13, v1;
	v13 =	vmul.f32 v3, v41  }
0x107: {  	v0 =	vld [tilespmem:$0x1FD10];
	v5 =	vadd.f32 v6, v5;
	v6 =	vadd.s32 s3, v23;
	v7 =	vmul.f32 v7, v24  }
0x108: {  	v63 =	vmul.f32 v3, v59;
	v10 =	vadd.f32 v13, v10;
	v13 =	vmul.f32 v58, v8;
	v8 =	vld [tilespmem:$0x1FCF0]  }
0x109: {  	v7 =	vadd.f32 v7, v9;
	v9 =	vmul.f32 v60, v29;
	v3 =	vmul.f32 v3, v40  }
0x10a: {  	v57 =	vld.idx.msk [tilespmem:v57+s20+$0x0], $0xffff;
	v5 =	vadd.f32 v63, v5;
	v12 =	vmul.f32 v60, v35  }
0x10b: {  	v55 =	vld.idx.msk [tilespmem:v55+s20+$0x0], $0xffff;
	v1 =	vadd.f32 v9, v1;
	v3 =	vadd.f32 v3, v7;
	v7 =	vmul.f32 v58, v11  }
0x10c: {  	v6 =	vld.idx.msk [tilespmem:v6+s20+$0x0], $0xffff;
	[tilespmem:$0x1FD00] =	vst v26;
	v63 =	vadd.s32 s30, v30;
	v5 =	vadd.f32 v12, v5  }
0x10d: {  	v35 =	vmovc v29;
	v1 =	vadd.f32 v7, v1;
	v7 =	vmul.f32 v58, v56;
	v9 =	vmul.f32 v60, v8  }
0x10e: {  	v29 =	vmovc v56;
	v5 =	vadd.f32 v13, v5;
	v58 =	vmul.f32 v58, v47;
	v60 =	vmul.f32 v60, v43  }
0x10f: {  	v56 =	vld.idx.msk [tilespmem:v0+s20+$0x0], $0xffff;
	v9 =	vadd.f32 v9, v10;
	v10 =	vmul.f32 v57, v25;
	v25 =	vmul.f32 v57, v27  }
0x110: {  	[tilespmem:$0x1FD20] =	vst v37;
	v3 =	vadd.f32 v60, v3;
	v27 =	vmul.f32 v57, v37;
	v37 =	vmul.f32 v55, v16  }
0x111: {  	[tilespmem:$0x1FD30] =	vst v39;
	v5 =	vadd.f32 v10, v5;
	v7 =	vadd.f32 v7, v9;
	v9 =	vmul.f32 v6, v26  }
0x112: {  	[tilespmem:$0x1FD40] =	vst v19;
	v0 =	vld [tilespmem:$0x1FDD0];
	v57 =	vmul.f32 v57, v42;
	v1 =	vadd.f32 v25, v1;
	v3 =	vadd.f32 v58, v3  }
0x113: {  	v63 =	vld.idx.msk [tilespmem:v63+s20+$0x0], $0xffff;
	v25 =	vmul.f32 v6, v38;
	v16 =	vadd.f32 v9, v5;
	v9 =	vmul.f32 v55, v39  }
0x114: {  	v39 =	vmul.f32 v6, v36;
	v3 =	vadd.f32 v57, v3;
	v6 =	vmul.f32 v6, v44  }
0x115: {  	v12 =	vadd.s32 s30, v31;
	[tilespmem:$0x1FD50] =	vst v42  }
0x116: {  	[tilespmem:$0x1FD60] =	vst v38;
	v9 =	vadd.f32 v9, v15;
	v6 =	vadd.f32 v6, v3;
	v3 =	vmul.f32 v56, v20  }
0x117: {  	[tilespmem:$0x1FD70] =	vst v44  }
0x118: {  	v13 =	vadd.s32 s30, v32;
	[tilespmem:$0x1FD80] =	vst v54;
	v3 =	vadd.f32 v3, v9;
	v9 =	vmul.f32 v63, v0;
	v0 =	vld [tilespmem:$0x1FE20]  }
0x119: {  	[tilespmem:$0x1FD90] =	vst v62  }
0x11a: {  	v12 =	vld.idx.msk [tilespmem:v12+s20+$0x0], $0xffff;
	[tilespmem:$0x1FDA0] =	vst v20  }
0x11b: {  	[tilespmem:$0x1FDB0] =	vst v21;
	v10 =	vmul.f32 v55, v14;
	v55 =	vmul.f32 v55, v2;
	v2 =	vld [tilespmem:$0x1FE30]  }
0x11c: {  	[tilespmem:$0x1FDE0] =	vst v22  }
0x11d: {  	v13 =	vld.idx.msk [tilespmem:v13+s20+$0x0], $0xffff;
	[tilespmem:$0x1FDF0] =	vst v24  }
0x11e: {  	[tilespmem:$0x1FE00] =	vst v59  }
0x11f: {  	[tilespmem:$0x1FE10] =	vst v28  }
0x120: {  	v58 =	vadd.f32 v37, v17;
	v17 =	vadd.f32 v39, v1;
	v1 =	vld [tilespmem:$0x1FDC0];
	[tilespmem:v0+s21+$0x0] =	vst.idx.msk $0xffff, v2  }
0x121: {  	v0 =	vld [tilespmem:$0x1FE60];
	_ =	sdelay $0x1  }
0x122: {  	v37 =	vadd.s32 s30, v33  }
0x123: {  	v2 =	vld [tilespmem:$0x1FE70];
	_ =	sdelay $0x1  }
0x124: {  	v26 =	vmul.f32 v56, v54;
	v10 =	vadd.f32 v10, v19  }
0x125: {  	[tilespmem:$0x1FE40] =	vst v41  }
0x126: {  	v10 =	vadd.f32 v26, v10;
	v60 =	vld.idx.msk [tilespmem:v37+s20+$0x0], $0xffff;
	[tilespmem:$0x1FE50] =	vst v40  }
0x127: {  	v36 =	vmul.f32 v63, v1;
	v1 =	vmul.f32 v63, v22;
	[tilespmem:v0+s21+$0x0] =	vst.idx.msk $0xffff, v2  }
0x128: {  	v0 =	vld [tilespmem:$0x1FE80]  }
0x129: {  	v10 =	vadd.f32 v36, v10;
	v1 =	vadd.f32 v1, v3;
	v3 =	vmul.f32 v12, v59;
	_ =	sdelay $0x1  }
0x12a: {  	v3 =	vadd.f32 v3, v10;
	v10 =	vmul.f32 v12, v41;
	_ =	sdelay $0x1  }
0x12b: {  	v10 =	vadd.f32 v10, v1;
	v1 =	vmul.f32 v13, v0;
	v0 =	vld [tilespmem:$0x1FE90];
	_ =	sdelay $0x2  }
0x12c: {  	v2 =	vld [tilespmem:$0x1FEA0];
	_ =	sdelay $0x4  }
0x12d: {  	[tilespmem:v0+s21+$0x0] =	vst.idx.msk $0xffff, v2  }
0x12e: {  	v0 =	vld [tilespmem:$0x1FEC0]  }
0x12f: {  	s31 =	simm.s32 $0x220  }
0x130: {  	v44 =	vadd.s32 s31, v34  }
0x131: {  	v2 =	vld [tilespmem:$0x1FED0];
	_ =	sdelay $0x1  }
0x132: {  	v54 =	vadd.s32 s31, v46  }
0x133: {  	[tilespmem:$0x1FEB0] =	vst v35  }
0x134: {  	v7 =	vadd.f32 v27, v7;
	v27 =	vmul.f32 v56, v62;
	[tilespmem:v44+s21+$0x0] =	vst.idx.msk $0xffff, v16  }
0x135: {  	v55 =	vadd.f32 v55, v18;
	v56 =	vmul.f32 v56, v21;
	[tilespmem:v0+s21+$0x0] =	vst.idx.msk $0xffff, v2  }
0x136: {  	[tilespmem:$0x1FEE0] =	vst v43  }
0x137: {  	v58 =	vadd.f32 v27, v58;
	v4 =	vadd.f32 v56, v55;
	v55 =	vadd.s32 s31, v45;
	[tilespmem:v54+s21+$0x0] =	vst.idx.msk $0xffff, v17  }
0x138: {  	v38 =	vmul.f32 v63, v24;
	v0 =	vld [tilespmem:$0x1FEF0]  }
0x139: {  	v42 =	vmul.f32 v12, v28;
	v9 =	vadd.f32 v9, v58  }
0x13a: {  	v7 =	vadd.f32 v25, v7;
	v4 =	vadd.f32 v38, v4;
	v12 =	vmul.f32 v12, v40  }
0x13b: {  	v11 =	vadd.s32 s31, v48;
	v9 =	vadd.f32 v42, v9  }
0x13c: {  	v39 =	vadd.s32 s30, v61;
	v4 =	vadd.f32 v12, v4;
	v12 =	vmul.f32 v13, v35;
	[tilespmem:v55+s21+$0x0] =	vst.idx.msk $0xffff, v7  }
0x13d: {  	v5 =	vadd.f32 v1, v3;
	v3 =	vmul.f32 v13, v8;
	v8 =	vmul.f32 v60, v0;
	v0 =	vld [tilespmem:$0x1FF00]  }
0x13e: {  	v56 =	vadd.s32 s30, v23  }
0x13f: {  	s29 =	simm.s32 $0x110;
	v57 =	vadd.f32 v12, v9;
	v9 =	vmul.f32 v13, v43  }
0x140: {  	s0 =	simm.s32 $0x330;
	v49 =	vadd.s32 s29, v34;
	v14 =	vadd.s32 s29, v46;
	v15 =	vadd.s32 s29, v45  }
0x141: {  	v9 =	vadd.f32 v9, v4;
	v4 =	vadd.s32 s0, v45;
	v13 =	vadd.f32 v3, v10  }
0x142: {  	v1 =	vadd.s32 s0, v34;
	v3 =	vadd.s32 s0, v46;
	v12 =	vld.idx.msk [tilespmem:v39+s20+$0x0], $0xffff;
	[tilespmem:v11+s21+$0x0] =	vst.idx.msk $0xffff, v6;
	v7 =	vmul.f32 v60, v0  }
0x143: {  	v10 =	vmul.f32 v60, v29;
	v16 =	vadd.s32 s29, v48;
	v11 =	vld.idx.msk [tilespmem:v56+s20+$0x0], $0xffff;
	[tilespmem:$0x1FF10] =	vst v29;
	v8 =	vadd.f32 v8, v5  }
0x144: {  	s1 =	simm.s32 $0x2;
	s13 =	simm.s32 $0x2D0;
	[tilespmem:$0x1FF20] =	vst v47;
	v5 =	vadd.s32 s0, v48;
	v6 =	vadd.f32 v7, v57;
	v7 =	vmul.f32 v60, v47  }
.LBB2_7:
0x145: {  	v2 =	vld [tilespmem:$0x1FF30]  }
0x146: {  	v0 =	vld [tilespmem:$0x1FF50]  }
0x147: {  	v20 =	vld [tilespmem:$0x1FC60]  }
0x148: {  	v21 =	vld [tilespmem:$0x1FC70]  }
0x149: {  	v38 =	vld [tilespmem:$0x1FD20]  }
0x14a: {  	v54 =	vld [tilespmem:$0x1FD50]  }
0x14b: {  	v18 =	vld [tilespmem:$0x1FC80]  }
0x14c: {  	v55 =	vld [tilespmem:$0x1FD70];
	v10 =	vadd.f32 v10, v13;
	v13 =	vmov v5  }
0x14d: {  	v46 =	vld [tilespmem:$0x1FCC0];
	[tilespmem:$0x1FC00] =	vst v13  }
0x14e: {  	v43 =	vld [tilespmem:$0x1FCB0];
	[tilespmem:v49+s21+$0x0] =	vst.idx.msk $0xffff, v53;
	v13 =	vmul.f32 v12, v20  }
0x14f: {  	s3 =	sadd.s32 $0xFFFFFF70, s13;
	v47 =	vld [tilespmem:$0x1FCD0];
	[tilespmem:v14+s21+$0x0] =	vst.idx.msk $0xffff, v52  }
0x150: {  	v58 =	vadd.s32 s13, v0;
	[tilespmem:v15+s21+$0x0] =	vst.idx.msk $0xffff, v51;
	v8 =	vadd.f32 v13, v8;
	v13 =	vadd.s32 s3, v0;
	v0 =	vld [tilespmem:$0x1FD00]  }
0x151: {  	v17 =	vmov v1;
	v1 =	vadd.s32 s3, v23;
	[tilespmem:v16+s21+$0x0] =	vst.idx.msk $0xffff, v50;
	v50 =	vld [tilespmem:$0x1FD60]  }
0x152: {  	v41 =	vld [tilespmem:$0x1FE80];
	v7 =	vadd.f32 v7, v9;
	v62 =	vadd.s32 s13, v32;
	v63 =	vadd.s32 s13, v33  }
0x153: {  	v40 =	vld [tilespmem:$0x1FE00];
	v5 =	vadd.s32 s3, v32;
	v32 =	vadd.s32 s3, v30;
	v26 =	vmul.f32 v12, v21  }
0x154: {  	v39 =	vld [tilespmem:$0x1FDC0];
	v59 =	vadd.s32 s13, v2;
	v14 =	vmovc v3;
	v27 =	vmul.f32 v12, v38;
	v12 =	vmul.f32 v12, v54  }
0x155: {  	v35 =	vmul.f32 v11, v18;
	[tilespmem:$0x1FC20] =	vst v14;
	v14 =	vld [tilespmem:$0x1FF40];
	v15 =	vmovc v4;
	v4 =	vadd.s32 s3, v33;
	v33 =	vmul.f32 v11, v0  }
0x156: {  	v6 =	vadd.f32 v26, v6;
	v10 =	vadd.f32 v27, v10;
	v1 =	vld.idx.msk [tilespmem:v1+s20+$0x0], $0xffff;
	v16 =	vmul.f32 v11, v50  }
0x157: {  	v7 =	vadd.f32 v12, v7;
	v12 =	vadd.s32 s3, v2;
	v51 =	vld.idx.msk [tilespmem:v58+s20+$0x0], $0xffff;
	v2 =	vadd.f32 v33, v8  }
0x158: {  	v57 =	vadd.f32 v16, v10;
	v10 =	vld.idx.msk [tilespmem:v13+s20+$0x0], $0xffff  }
0x159: {  	[tilespmem:$0x1FBD0] =	vst v2;
	v2 =	vadd.f32 v35, v6;
	v6 =	vld.idx.msk [tilespmem:v32+s20+$0x0], $0xffff  }
0x15a: {  	v32 =	vld [tilespmem:$0x1FCA0]  }
0x15b: {  	v3 =	vadd.s32 s3, v14;
	v14 =	vadd.s32 s13, v14;
	[tilespmem:$0x1FBE0] =	vst v2;
	v2 =	vld [tilespmem:$0x1FC90]  }
0x15c: {  	v48 =	vld [tilespmem:$0x1FDD0];
	[tilespmem:$0x1FBF0] =	vst v17  }
0x15d: {  	[tilespmem:$0x1FC10] =	vst v15;
	v15 =	vadd.s32 s13, v23;
	v17 =	vmul.f32 v1, v0;
	v0 =	vld [tilespmem:$0x1FD40]  }
0x15e: {  	v11 =	vmul.f32 v11, v55;
	v19 =	vld.idx.msk [tilespmem:v12+s20+$0x0], $0xffff  }
0x15f: {  	v35 =	vld [tilespmem:$0x1FD30]  }
0x160: {  	v56 =	vadd.f32 v11, v7;
	v12 =	vld.idx.msk [tilespmem:v14+s20+$0x0], $0xffff;
	v36 =	vmul.f32 v51, v32;
	v11 =	vmul.f32 v10, v2  }
0x161: {  	v9 =	vadd.s32 s3, v31;
	v37 =	vmul.f32 v10, v32;
	v8 =	vmul.f32 v51, v2;
	v2 =	vld [tilespmem:$0x1FD80]  }
0x162: {  	v14 =	vadd.f32 v11, v0;
	v11 =	vld.idx.msk [tilespmem:v15+s20+$0x0], $0xffff  }
0x163: {  	v58 =	vadd.f32 v36, v43;
	v15 =	vadd.f32 v37, v43;
	v43 =	vld [tilespmem:$0x1FD90]  }
0x164: {  	v5 =	vld.idx.msk [tilespmem:v5+s20+$0x0], $0xffff;
	v16 =	vmul.f32 v51, v46;
	v13 =	vmul.f32 v51, v35  }
0x165: {  	v35 =	vmul.f32 v10, v35;
	v10 =	vmul.f32 v10, v46;
	v46 =	vld [tilespmem:$0x1FDA0]  }
0x166: {  	v9 =	vld.idx.msk [tilespmem:v9+s20+$0x0], $0xffff  }
0x167: {  	v7 =	vld.idx.msk [tilespmem:v63+s20+$0x0], $0xffff;
	v13 =	vadd.f32 v13, v47  }
0x168: {  	v37 =	vadd.f32 v35, v47;
	v47 =	vld [tilespmem:$0x1FDB0];
	v49 =	vmul.f32 v19, v2;
	v63 =	vmul.f32 v19, v43  }
0x169: {  	v60 =	vadd.s32 s13, v30;
	v30 =	vmul.f32 v6, v39;
	v35 =	vld [tilespmem:$0x1FDE0]  }
0x16a: {  	v14 =	vadd.f32 v49, v14;
	v49 =	vmul.f32 v19, v46;
	v15 =	vadd.f32 v63, v15;
	v63 =	vld [tilespmem:$0x1FCE0]  }
0x16b: {  	v44 =	vld [tilespmem:$0x1FE10]  }
0x16c: {  	v14 =	vadd.f32 v30, v14;
	v30 =	vadd.f32 v49, v37;
	v49 =	vld [tilespmem:$0x1FDF0]  }
0x16d: {  	v25 =	vmul.f32 v5, v41  }
0x16e: {  	v42 =	vld [tilespmem:$0x1FEF0];
	v27 =	vmul.f32 v9, v40;
	v32 =	vmul.f32 v6, v48  }
0x16f: {  	v4 =	vld.idx.msk [tilespmem:v4+s20+$0x0], $0xffff;
	v19 =	vmul.f32 v19, v47;
	v37 =	vmul.f32 v6, v35;
	v10 =	vadd.f32 v10, v63  }
0x170: {  	v28 =	vmul.f32 v9, v44;
	v36 =	vld [tilespmem:$0x1FEB0];
	v15 =	vadd.f32 v32, v15;
	v14 =	vadd.f32 v27, v14  }
0x171: {  	v6 =	vmul.f32 v6, v49;
	v10 =	vadd.f32 v19, v10;
	v19 =	vadd.f32 v37, v30;
	v37 =	vld [tilespmem:$0x1FE40]  }
0x172: {  	v15 =	vadd.f32 v28, v15;
	v28 =	vld [tilespmem:$0x1FE50]  }
0x173: {  	v6 =	vadd.f32 v6, v10;
	v10 =	vadd.f32 v25, v14;
	v25 =	vld [tilespmem:$0x1FCF0]  }
0x174: {  	v45 =	vld [tilespmem:$0x1FF00]  }
0x175: {  	v53 =	vld [tilespmem:$0x1FFD0]  }
0x176: {  	v52 =	vld [tilespmem:$0x1FFE0];
	v27 =	vmul.f32 v9, v37  }
0x177: {  	v3 =	vld.idx.msk [tilespmem:v3+s20+$0x0], $0xffff;
	v26 =	vmul.f32 v5, v36;
	v9 =	vmul.f32 v9, v28  }
0x178: {  	v22 =	vmul.f32 v4, v42;
	v51 =	vld [tilespmem:$0x1FFC0];
	v14 =	vadd.f32 v27, v19;
	v19 =	vmul.f32 v5, v25  }
0x179: {  	s0 =	sadd.s32 $0x220, s0;
	v15 =	vadd.f32 v26, v15;
	v26 =	vld [tilespmem:$0x1FEE0];
	v6 =	vadd.f32 v9, v6  }
0x17a: {  	s31 =	sadd.s32 $0xFFFFFEF0, s0;
	v9 =	vadd.f32 v22, v10;
	v10 =	vadd.f32 v19, v14;
	v19 =	vld [tilespmem:$0x1FF10]  }
0x17b: {  	v24 =	vadd.s32 s31, v34;
	v22 =	vld [tilespmem:$0x1FF20]  }
0x17c: {  	v61 =	vadd.s32 s13, v31;
	v31 =	vadd.s32 s31, v53;
	v18 =	vmul.f32 v1, v18  }
0x17d: {  	v33 =	vadd.s32 s31, v52;
	v23 =	vmul.f32 v4, v45;
	v20 =	vmul.f32 v3, v20  }
0x17e: {  	v59 =	vld.idx.msk [tilespmem:v59+s20+$0x0], $0xffff;
	v21 =	vmul.f32 v3, v21;
	v8 =	vadd.f32 v8, v0;
	v5 =	vmul.f32 v5, v26  }
0x17f: {  	v29 =	vadd.s32 s31, v51;
	v15 =	vadd.f32 v23, v15;
	v14 =	vmul.f32 v4, v19  }
0x180: {  	v5 =	vadd.f32 v5, v6;
	v6 =	vadd.f32 v20, v9;
	v4 =	vmul.f32 v4, v22  }
0x181: {  	v9 =	vadd.f32 v14, v10;
	v10 =	vmul.f32 v3, v38;
	v14 =	vadd.f32 v21, v15  }
0x182: {  	v60 =	vld.idx.msk [tilespmem:v60+s20+$0x0], $0xffff;
	v4 =	vadd.f32 v4, v5;
	v3 =	vmul.f32 v3, v54;
	v5 =	vadd.f32 v17, v6  }
0x183: {  	v15 =	vmul.f32 v59, v46;
	v6 =	vadd.f32 v10, v9;
	v9 =	vmul.f32 v1, v50  }
0x184: {  	v10 =	vadd.f32 v18, v14;
	v3 =	vadd.f32 v3, v4;
	v4 =	vmul.f32 v1, v55  }
0x185: {  	v61 =	vld.idx.msk [tilespmem:v61+s20+$0x0], $0xffff;
	[tilespmem:v24+s21+$0x0] =	vst.idx.msk $0xffff, v5;
	v14 =	vmul.f32 v59, v43;
	v13 =	vadd.f32 v15, v13  }
0x186: {  	v5 =	vadd.f32 v9, v6;
	[tilespmem:v29+s21+$0x0] =	vst.idx.msk $0xffff, v10;
	v10 =	vmul.f32 v59, v2  }
0x187: {  	v15 =	vmul.f32 v60, v48;
	v6 =	vadd.f32 v16, v63;
	v9 =	vadd.f32 v4, v3  }
0x188: {  	v62 =	vld.idx.msk [tilespmem:v62+s20+$0x0], $0xffff;
	v14 =	vadd.f32 v14, v58;
	[tilespmem:v31+s21+$0x0] =	vst.idx.msk $0xffff, v5;
	v8 =	vadd.f32 v10, v8  }
0x189: {  	v34 =	vld [tilespmem:$0x1FFA0];
	v4 =	vadd.s32 s0, v53;
	v10 =	vmul.f32 v60, v39;
	[tilespmem:v33+s21+$0x0] =	vst.idx.msk $0xffff, v9;
	v9 =	vmul.f32 v59, v47  }
0x18a: {  	v32 =	vld [tilespmem:$0x1FF90];
	v16 =	vmul.f32 v60, v35;
	v14 =	vadd.f32 v15, v14;
	v15 =	vmul.f32 v61, v44  }
0x18b: {  	v30 =	vld [tilespmem:$0x1FF70];
	v8 =	vadd.f32 v10, v8;
	v10 =	vmul.f32 v60, v49;
	v6 =	vadd.f32 v9, v6  }
0x18c: {  	v23 =	vld [tilespmem:$0x1FF60];
	v5 =	vadd.s32 s0, v52;
	v13 =	vadd.f32 v16, v13;
	v9 =	vmul.f32 v61, v40  }
0x18d: {  	v53 =	vld [tilespmem:$0x1FBD0];
	v16 =	vmul.f32 v61, v37;
	v14 =	vadd.f32 v15, v14;
	v6 =	vadd.f32 v10, v6  }
0x18e: {  	s1 =	sadd.s32 $0x2, s1;
	v31 =	vld [tilespmem:$0x1FF80];
	v10 =	vmul.f32 v61, v28;
	v8 =	vadd.f32 v9, v8;
	v9 =	vmul.f32 v62, v41  }
0x18f: {  	p0 =	slt.u32 s1, $0x3E;
	v52 =	vld [tilespmem:$0x1FBE0];
	v15 =	vmul.f32 v62, v36;
	v13 =	vadd.f32 v16, v13;
	v16 =	vmul.f32 v62, v26  }
.Ltmp2:
0x190: {  	v33 =	vld [tilespmem:$0x1FFB0];
	v6 =	vadd.f32 v10, v6;
	v8 =	vadd.f32 v9, v8;
	v9 =	vmul.f32 v62, v25;
	(pc) =	sbr.rel @p0 .LBB2_7-.Ltmp2, $4  }
0x191: {  	v49 =	vld [tilespmem:$0x1FBF0];
	v14 =	vadd.f32 v15, v14;
	v15 =	vmul.f32 v7, v45  }
0x192: {  	v17 =	vmul.f32 v7, v42;
	v13 =	vadd.f32 v9, v13;
	v9 =	vadd.f32 v16, v6;
	v16 =	vld [tilespmem:$0x1FC00]  }
0x193: {  	v50 =	vmovc v56;
	v1 =	vadd.s32 s0, v34;
	v3 =	vadd.s32 s0, v51;
	v6 =	vadd.f32 v15, v14;
	v15 =	vld [tilespmem:$0x1FC10]  }
0x194: {  	s13 =	sadd.s32 $0x120, s13;
	v51 =	vmovc v57;
	v10 =	vmul.f32 v7, v19;
	v7 =	vmul.f32 v7, v22;
	v8 =	vadd.f32 v17, v8;
	v14 =	vld [tilespmem:$0x1FC20]  }
0x195: {  	_ =	sdelay $0x6  }
0x196: {  	[tilespmem:v49+s21+$0x0] =	vst.idx.msk $0xffff, v53  }
0x197: {  	[tilespmem:v14+s21+$0x0] =	vst.idx.msk $0xffff, v52  }
0x198: {  	[tilespmem:v15+s21+$0x0] =	vst.idx.msk $0xffff, v51  }
0x199: {  	v0 =	vld [tilespmem:$0x1FC60];
	_ =	sdelay $0x3  }
0x19a: {  	[tilespmem:v16+s21+$0x0] =	vst.idx.msk $0xffff, v50  }
0x19b: {  	v10 =	vadd.f32 v10, v13;
	v13 =	vmul.f32 v12, v0;
	v0 =	vld [tilespmem:$0x1FC70];
	_ =	sdelay $0x4  }
0x19c: {  	v7 =	vadd.f32 v7, v9;
	v9 =	vmul.f32 v12, v0;
	v0 =	vld [tilespmem:$0x1FD20];
	_ =	sdelay $0x4  }
0x19d: {  	v14 =	vmul.f32 v12, v0;
	v0 =	vld [tilespmem:$0x1FD00];
	_ =	sdelay $0x4  }
0x19e: {  	v8 =	vadd.f32 v13, v8;
	v13 =	vmul.f32 v11, v0;
	v0 =	vld [tilespmem:$0x1FD50];
	_ =	sdelay $0x4  }
0x19f: {  	v12 =	vmul.f32 v12, v0;
	v0 =	vld [tilespmem:$0x1FC80];
	_ =	sdelay $0x4  }
0x1a0: {  	v6 =	vadd.f32 v9, v6;
	v9 =	vmul.f32 v11, v0;
	v0 =	vld [tilespmem:$0x1FD60];
	_ =	sdelay $0x4  }
0x1a1: {  	v10 =	vadd.f32 v14, v10;
	v14 =	vmul.f32 v11, v0;
	v0 =	vld [tilespmem:$0x1FD70];
	_ =	sdelay $0x3  }
0x1a2: {  	v8 =	vadd.f32 v13, v8  }
0x1a3: {  	v7 =	vadd.f32 v12, v7;
	v6 =	vadd.f32 v9, v6;
	v11 =	vmul.f32 v11, v0  }
0x1a4: {  	[tilespmem:v1+s21+$0x0] =	vst.idx.msk $0xffff, v8;
	v9 =	vadd.f32 v14, v10  }
0x1a5: {  	[tilespmem:v3+s21+$0x0] =	vst.idx.msk $0xffff, v6;
	v1 =	vadd.f32 v11, v7  }
0x1a6: {  	[tilespmem:v4+s21+$0x0] =	vst.idx.msk $0xffff, v9  }
0x1a7: {  	[tilespmem:v5+s21+$0x0] =	vst.idx.msk $0xffff, v1  }
0x1a8: {  	v14 =	vld [tilespmem:$0x109C0]  }
0x1a9: {  	v19 =	vld [tilespmem:$0x10AC0]  }
0x1aa: {  	v24 =	vld [tilespmem:$0x10BC0]  }
0x1ab: {  	v57 =	vld [tilespmem:$0x10CC0]  }
0x1ac: {  	v39 =	vld [tilespmem:$0x10DC0]  }
0x1ad: {  	v2 =	vld [tilespmem:$0x10EC0]  }
0x1ae: {  	v22 =	vld [tilespmem:$0x10FC0]  }
0x1af: {  	v18 =	vld [tilespmem:$0x110C0]  }
0x1b0: {  	v27 =	vld [tilespmem:$0x109D0]  }
0x1b1: {  	v62 =	vld [tilespmem:$0x10AD0]  }
0x1b2: {  	v49 =	vld [tilespmem:$0x10BD0]  }
0x1b3: {  	v13 =	vld [tilespmem:$0x10CD0]  }
0x1b4: {  	v17 =	vld [tilespmem:$0x10DD0]  }
0x1b5: {  	v16 =	vld [tilespmem:$0x10ED0]  }
0x1b6: {  	v25 =	vld [tilespmem:$0x10FD0]  }
0x1b7: {  	v35 =	vld [tilespmem:$0x110D0]  }
0x1b8: {  	v26 =	vld [tilespmem:$0x1FF50];
	[tilespmem:$0x1F810] =	vst v2  }
0x1b9: {  	s1 =	simm.s32 $0x0;
	v28 =	vld [tilespmem:$0x109E0];
	[tilespmem:$0x1F850] =	vst v22  }
0x1ba: {  	v3 =	vadd.s32 s1, v23;
	v38 =	vld [tilespmem:$0x1FF40];
	[tilespmem:$0x1F870] =	vst v18  }
0x1bb: {  	v5 =	vadd.s32 s1, v33;
	v21 =	vld [tilespmem:$0x10AE0];
	[tilespmem:$0x1F800] =	vst v17  }
0x1bc: {  	v6 =	vadd.s32 s1, v32;
	v63 =	vld [tilespmem:$0x109F0];
	[tilespmem:$0x1F820] =	vst v16  }
0x1bd: {  	s0 =	simm.s32 $0x90;
	v7 =	vadd.s32 s1, v31;
	v0 =	vld [tilespmem:$0x1FF30];
	[tilespmem:$0x1F860] =	vst v25  }
0x1be: {  	v52 =	vld [tilespmem:$0x111C0];
	[tilespmem:$0x1F880] =	vst v35;
	v1 =	vadd.s32 s0, v26  }
0x1bf: {  	v4 =	vadd.s32 s1, v38;
	v3 =	vld.idx.msk [tilespmem:v3+s20+$0x0], $0xffff  }
0x1c0: {  	v8 =	vadd.s32 s1, v26;
	v5 =	vld.idx.msk [tilespmem:v5+s20+$0x0], $0xffff  }
0x1c1: {  	v9 =	vadd.s32 s1, v30;
	v6 =	vld.idx.msk [tilespmem:v6+s20+$0x0], $0xffff  }
0x1c2: {  	v10 =	vadd.s32 s1, v0;
	v7 =	vld.idx.msk [tilespmem:v7+s20+$0x0], $0xffff  }
0x1c3: {  	v11 =	vld.idx.msk [tilespmem:v1+s20+$0x0], $0xffff  }
0x1c4: {  	v4 =	vld.idx.msk [tilespmem:v4+s20+$0x0], $0xffff;
	[tilespmem:$0x1F8E0] =	vst v14  }
0x1c5: {  	v8 =	vld.idx.msk [tilespmem:v8+s20+$0x0], $0xffff;
	v50 =	vmul.f32 v3, v18  }
0x1c6: {  	v9 =	vld.idx.msk [tilespmem:v9+s20+$0x0], $0xffff;
	[tilespmem:$0x1F890] =	vst v28;
	v56 =	vmul.f32 v5, v2;
	v58 =	vmul.f32 v5, v16  }
0x1c7: {  	v45 =	vmul.f32 v6, v39;
	v60 =	vmul.f32 v6, v17;
	v10 =	vld.idx.msk [tilespmem:v10+s20+$0x0], $0xffff  }
0x1c8: {  	v36 =	vld [tilespmem:$0x111D0];
	v12 =	vadd.s32 s0, v0;
	v44 =	vmul.f32 v7, v57;
	v29 =	vmul.f32 v11, v14  }
0x1c9: {  	v61 =	vld [tilespmem:$0x10AF0];
	v1 =	vmovc v14;
	v2 =	vadd.s32 s0, v38;
	v15 =	vmul.f32 v11, v28;
	v53 =	vmul.f32 v4, v22  }
0x1ca: {  	v37 =	vld [tilespmem:$0x111E0];
	v14 =	vadd.s32 s0, v30;
	v55 =	vmul.f32 v4, v25;
	v48 =	vmul.f32 v8, v1  }
0x1cb: {  	v18 =	vmovc v39;
	v25 =	vmovc v38;
	v38 =	vld [tilespmem:$0x111F0];
	v1 =	vadd.s32 s0, v23;
	v40 =	vmul.f32 v8, v27;
	v43 =	vmul.f32 v9, v24  }
0x1cc: {  	v59 =	vld [tilespmem:$0x10BE0];
	v16 =	vmovc v49;
	v46 =	vmul.f32 v8, v28;
	v42 =	vmul.f32 v10, v19;
	v41 =	vadd.f32 v48, v52  }
0x1cd: {  	v39 =	vld [tilespmem:$0x10BF0];
	v22 =	vmovc v63;
	v49 =	vmul.f32 v9, v49;
	v47 =	vadd.f32 v40, v36;
	v48 =	vmul.f32 v10, v62  }
0x1ce: {  	v28 =	vmovc v62;
	v8 =	vmul.f32 v8, v63;
	v63 =	vmul.f32 v10, v21;
	v40 =	vld [tilespmem:$0x10CE0];
	v62 =	vadd.f32 v42, v41  }
0x1cf: {  	[tilespmem:$0x1F840] =	vst v1;
	v1 =	vmul.f32 v7, v13;
	v46 =	vadd.f32 v46, v37;
	v41 =	vld [tilespmem:$0x10CF0];
	v47 =	vadd.f32 v48, v47  }
0x1d0: {  	v10 =	vmul.f32 v10, v61;
	v48 =	vld [tilespmem:$0x10DE0];
	v8 =	vadd.f32 v8, v38;
	v62 =	vadd.f32 v43, v62  }
0x1d1: {  	v46 =	vadd.f32 v63, v46;
	v42 =	vmul.f32 v9, v59;
	v43 =	vld [tilespmem:$0x10DF0];
	v47 =	vadd.f32 v49, v47  }
0x1d2: {  	[tilespmem:$0x1F830] =	vst v2;
	v2 =	vld [tilespmem:$0x10EE0];
	v9 =	vmul.f32 v9, v39;
	v8 =	vadd.f32 v10, v8;
	v10 =	vadd.f32 v44, v62  }
0x1d3: {  	v49 =	vld [tilespmem:$0x10EF0];
	v46 =	vadd.f32 v42, v46;
	v62 =	vmul.f32 v7, v40;
	v1 =	vadd.f32 v1, v47  }
0x1d4: {  	v17 =	vld [tilespmem:$0x110F0];
	v8 =	vadd.f32 v9, v8;
	v7 =	vmul.f32 v7, v41;
	v9 =	vadd.f32 v45, v10  }
0x1d5: {  	v44 =	vld [tilespmem:$0x10FE0];
	v42 =	vmul.f32 v6, v48;
	v10 =	vadd.f32 v62, v46;
	v1 =	vadd.f32 v60, v1  }
0x1d6: {  	v47 =	vld [tilespmem:$0x10FF0];
	v7 =	vadd.f32 v7, v8;
	v6 =	vmul.f32 v6, v43;
	v8 =	vadd.f32 v56, v9  }
0x1d7: {  	v46 =	vld [tilespmem:$0x110E0];
	v9 =	vadd.f32 v42, v10;
	v10 =	vmul.f32 v5, v2;
	v1 =	vadd.f32 v58, v1  }
0x1d8: {  	v5 =	vmul.f32 v5, v49;
	v6 =	vadd.f32 v6, v7;
	v8 =	vadd.f32 v53, v8  }
0x1d9: {  	v0 =	vmul.f32 v3, v35;
	[tilespmem:$0x1F960] =	vst v17;
	v9 =	vadd.f32 v10, v9;
	v1 =	vadd.f32 v55, v1  }
0x1da: {  	v7 =	vld.idx.msk [tilespmem:v12+s20+$0x0], $0xffff;
	v10 =	vmul.f32 v4, v44;
	v5 =	vadd.f32 v5, v6;
	v6 =	vadd.f32 v50, v8  }
0x1db: {  	v4 =	vmul.f32 v4, v47;
	v1 =	vadd.f32 v0, v1  }
0x1dc: {  	v51 =	vadd.s32 s0, v31;
	v8 =	vmul.f32 v3, v46;
	[tilespmem:$0x1F9F0] =	vst v6;
	v6 =	vadd.f32 v10, v9  }
0x1dd: {  	v54 =	vadd.s32 s0, v32;
	v3 =	vmul.f32 v3, v17;
	v9 =	vld.idx.msk [tilespmem:v14+s20+$0x0], $0xffff;
	[tilespmem:$0x1FA00] =	vst v1;
	v1 =	vadd.f32 v4, v5  }
0x1de: {  	v20 =	vmul.f32 v11, v27;
	v5 =	vadd.f32 v8, v6  }
0x1df: {  	v10 =	vmul.f32 v7, v28;
	v4 =	vmul.f32 v11, v22;
	v1 =	vadd.f32 v3, v1  }
0x1e0: {  	v11 =	vmul.f32 v7, v21;
	v3 =	vmul.f32 v7, v19;
	[tilespmem:$0x1FA40] =	vst v5;
	v5 =	vadd.f32 v29, v52  }
0x1e1: {  	v8 =	vadd.f32 v15, v37;
	v4 =	vadd.f32 v4, v38;
	v6 =	vld.idx.msk [tilespmem:v51+s20+$0x0], $0xffff;
	[tilespmem:$0x1FA70] =	vst v1  }
0x1e2: {  	v7 =	vmul.f32 v7, v61;
	v1 =	vadd.f32 v20, v36;
	v3 =	vadd.f32 v3, v5;
	v5 =	vld.idx.msk [tilespmem:v54+s20+$0x0], $0xffff  }
0x1e3: {  	v17 =	vmov v19;
	v19 =	vld [tilespmem:$0x1F800];
	v8 =	vadd.f32 v11, v8;
	v12 =	vmul.f32 v9, v24  }
0x1e4: {  	v4 =	vadd.f32 v7, v4;
	v1 =	vadd.f32 v10, v1;
	v10 =	vmul.f32 v9, v16  }
0x1e5: {  	v7 =	vmul.f32 v9, v59;
	v9 =	vmul.f32 v9, v39;
	v3 =	vadd.f32 v12, v3  }
0x1e6: {  	v1 =	vadd.f32 v10, v1;
	v11 =	vmul.f32 v6, v57;
	v10 =	vmul.f32 v6, v13  }
0x1e7: {  	v4 =	vadd.f32 v9, v4;
	v9 =	vmul.f32 v5, v18  }
0x1e8: {  	v3 =	vadd.f32 v11, v3;
	v1 =	vadd.f32 v10, v1;
	v10 =	vmul.f32 v5, v19;
	_ =	sdelay $0x1  }
0x1e9: {  	v3 =	vadd.f32 v9, v3;
	v9 =	vadd.f32 v10, v1;
	v1 =	vld [tilespmem:$0x1F830];
	_ =	sdelay $0x1  }
0x1ea: {  	v35 =	vadd.s32 s0, v33  }
0x1eb: {  	v7 =	vadd.f32 v7, v8;
	v8 =	vmul.f32 v6, v40  }
0x1ec: {  	v6 =	vmul.f32 v6, v41  }
0x1ed: {  	v7 =	vadd.f32 v8, v7  }
0x1ee: {  	v15 =	vld [tilespmem:$0x1F810];
	v8 =	vmul.f32 v5, v48;
	v4 =	vadd.f32 v6, v4;
	v5 =	vmul.f32 v5, v43  }
0x1ef: {  	v12 =	vld.idx.msk [tilespmem:v35+s20+$0x0], $0xffff  }
0x1f0: {  	v4 =	vadd.f32 v5, v4;
	v5 =	vld.idx.msk [tilespmem:v1+s20+$0x0], $0xffff  }
0x1f1: {  	v1 =	vld [tilespmem:$0x1F840]  }
0x1f2: {  	v45 =	vmov v2;
	v2 =	vld [tilespmem:$0x1F820];
	_ =	sdelay $0x1  }
0x1f3: {  	v20 =	vld [tilespmem:$0x1FF30]  }
0x1f4: {  	s15 =	simm.s32 $0x120;
	s16 =	simm.s32 $0x1B0  }
0x1f5: {  	v14 =	vadd.s32 s16, v26;
	v6 =	vmul.f32 v12, v15;
	v10 =	vadd.s32 s15, v26;
	v26 =	vld [tilespmem:$0x1F850]  }
0x1f6: {  	v63 =	vmovc v13;
	v42 =	vld [tilespmem:$0x1F860];
	v54 =	vadd.s32 s15, v25;
	v13 =	vadd.s32 s15, v30;
	v11 =	vmul.f32 v12, v2  }
0x1f7: {  	v7 =	vadd.f32 v8, v7;
	v3 =	vadd.f32 v6, v3;
	v6 =	vmul.f32 v12, v45  }
0x1f8: {  	v29 =	vmovc v28;
	v28 =	vmovc v16;
	v8 =	vadd.s32 s15, v20;
	v12 =	vmul.f32 v12, v49;
	v16 =	vld.idx.msk [tilespmem:v1+s20+$0x0], $0xffff;
	v1 =	vadd.s32 s16, v30  }
0x1f9: {  	v60 =	vmovc v24;
	v24 =	vld [tilespmem:$0x1F870];
	v6 =	vadd.f32 v6, v7;
	v62 =	vmul.f32 v5, v44;
	[tilespmem:$0x1F8A0] =	vst v1;
	v1 =	vadd.s32 s16, v31  }
0x1fa: {  	v35 =	vmovc v25;
	v25 =	vld [tilespmem:$0x1F8E0];
	v4 =	vadd.f32 v12, v4;
	v7 =	vmul.f32 v5, v26;
	[tilespmem:$0x1F8B0] =	vst v1;
	v1 =	vadd.s32 s16, v32  }
0x1fb: {  	v53 =	vmul.f32 v5, v42;
	v5 =	vmul.f32 v5, v47;
	v6 =	vadd.f32 v62, v6;
	v62 =	vld [tilespmem:$0x1F880];
	[tilespmem:$0x1F8C0] =	vst v1  }
0x1fc: {  	v10 =	vld.idx.msk [tilespmem:v10+s20+$0x0], $0xffff  }
0x1fd: {  	v1 =	vadd.f32 v5, v4;
	v8 =	vld.idx.msk [tilespmem:v8+s20+$0x0], $0xffff  }
0x1fe: {  	v9 =	vadd.f32 v11, v9;
	v58 =	vld.idx.msk [tilespmem:v13+s20+$0x0], $0xffff  }
0x1ff: {  	v12 =	vadd.s32 s15, v31;
	v3 =	vadd.f32 v7, v3;
	v7 =	vmul.f32 v16, v24;
	[tilespmem:$0x1F910] =	vst v1;
	v1 =	vld [tilespmem:$0x1F890]  }
0x200: {  	v55 =	vadd.s32 s15, v33  }
0x201: {  	v9 =	vadd.f32 v53, v9;
	v4 =	vmul.f32 v16, v62;
	v3 =	vadd.f32 v7, v3  }
0x202: {  	v0 =	vmovc v57;
	v51 =	vadd.s32 s15, v23;
	v50 =	vadd.s32 s16, v20;
	v11 =	vadd.s32 s15, v32  }
0x203: {  	v4 =	vadd.f32 v4, v9;
	v53 =	vmul.f32 v10, v25;
	[tilespmem:$0x1FB00] =	vst v3;
	v3 =	vmul.f32 v10, v27  }
0x204: {  	v20 =	vmovc v28;
	v13 =	vadd.s32 s16, v35;
	v7 =	vmul.f32 v8, v17;
	v12 =	vld.idx.msk [tilespmem:v12+s20+$0x0], $0xffff;
	v9 =	vmul.f32 v10, v1  }
0x205: {  	[tilespmem:$0x1FB10] =	vst v4;
	v5 =	vadd.f32 v53, v52;
	v3 =	vadd.f32 v3, v36;
	v53 =	vmul.f32 v8, v29  }
0x206: {  	v4 =	vmul.f32 v58, v60;
	[tilespmem:$0x1F930] =	vst v22;
	v10 =	vmul.f32 v10, v22;
	v9 =	vadd.f32 v9, v37  }
0x207: {  	v11 =	vld.idx.msk [tilespmem:v11+s20+$0x0], $0xffff;
	v5 =	vadd.f32 v7, v5;
	v3 =	vadd.f32 v53, v3;
	v53 =	vmul.f32 v8, v21  }
0x208: {  	v10 =	vadd.f32 v10, v38;
	v7 =	vmul.f32 v58, v28;
	v8 =	vmul.f32 v8, v61;
	v28 =	vmovc v35  }
0x209: {  	v35 =	vmovc v18;
	v4 =	vadd.f32 v4, v5;
	v9 =	vadd.f32 v53, v9;
	v56 =	vmul.f32 v12, v0  }
0x20a: {  	v3 =	vadd.f32 v7, v3;
	v7 =	vld.idx.msk [tilespmem:v55+s20+$0x0], $0xffff;
	v8 =	vadd.f32 v8, v10;
	v10 =	vmul.f32 v58, v59  }
0x20b: {  	v55 =	vmul.f32 v12, v63;
	[tilespmem:$0x1F8D0] =	vst v13;
	v4 =	vadd.f32 v56, v4;
	v56 =	vmul.f32 v58, v39  }
0x20c: {  	v54 =	vld.idx.msk [tilespmem:v54+s20+$0x0], $0xffff;
	v9 =	vadd.f32 v10, v9;
	v10 =	vmul.f32 v11, v18;
	v18 =	vmul.f32 v12, v40  }
0x20d: {  	v51 =	vld.idx.msk [tilespmem:v51+s20+$0x0], $0xffff;
	v3 =	vadd.f32 v55, v3;
	v12 =	vmul.f32 v12, v41;
	v8 =	vadd.f32 v56, v8  }
0x20e: {  	v13 =	vmovc v19;
	v55 =	vmul.f32 v11, v19;
	v4 =	vadd.f32 v10, v4;
	v9 =	vadd.f32 v18, v9  }
0x20f: {  	v19 =	vmovc v40;
	v40 =	vmul.f32 v7, v15;
	v8 =	vadd.f32 v12, v8;
	v12 =	vmul.f32 v11, v48  }
0x210: {  	v3 =	vadd.f32 v55, v3;
	v11 =	vmul.f32 v11, v43  }
0x211: {  	v14 =	vld.idx.msk [tilespmem:v14+s20+$0x0], $0xffff;
	v4 =	vadd.f32 v40, v4;
	v9 =	vadd.f32 v12, v9;
	v12 =	vmul.f32 v54, v26  }
0x212: {  	v18 =	vmul.f32 v7, v2;
	v55 =	vmul.f32 v51, v24;
	v8 =	vadd.f32 v11, v8  }
0x213: {  	v11 =	vmul.f32 v7, v45;
	v7 =	vmul.f32 v7, v49;
	v4 =	vadd.f32 v12, v4;
	_ =	sdelay $0x1  }
0x214: {  	v7 =	vadd.f32 v7, v8;
	v8 =	vmul.f32 v54, v47;
	v4 =	vadd.f32 v55, v4  }
0x215: {  	v10 =	vmov v15;
	v58 =	vmul.f32 v14, v25;
	v15 =	vld.idx.msk [tilespmem:v50+s20+$0x0], $0xffff  }
0x216: {  	v25 =	vmov v1;
	[tilespmem:$0x1FA80] =	vst v4;
	v4 =	vadd.f32 v8, v7;
	v8 =	vmul.f32 v14, v1;
	v1 =	vld [tilespmem:$0x1F8A0]  }
0x217: {  	v40 =	vmul.f32 v54, v42;
	_ =	sdelay $0x1  }
0x218: {  	v3 =	vadd.f32 v18, v3;
	_ =	sdelay $0x1  }
0x219: {  	v3 =	vadd.f32 v40, v3;
	v40 =	vmov v24;
	v24 =	vld [tilespmem:$0x1F960]  }
0x21a: {  	v18 =	vmul.f32 v51, v62;
	v9 =	vadd.f32 v11, v9;
	v11 =	vmul.f32 v54, v44  }
0x21b: {  	v57 =	vmov v2;
	v2 =	vmov v45  }
0x21c: {  	v45 =	vmul.f32 v51, v46;
	v9 =	vadd.f32 v11, v9;
	v50 =	vld.idx.msk [tilespmem:v1+s20+$0x0], $0xffff;
	v1 =	vadd.f32 v18, v3;
	_ =	sdelay $0x1  }
0x21d: {  	v7 =	vmul.f32 v51, v24;
	[tilespmem:$0x1FA90] =	vst v1;
	v1 =	vadd.f32 v45, v9;
	_ =	sdelay $0x1  }
0x21e: {  	[tilespmem:$0x1FAB0] =	vst v1;
	v1 =	vadd.f32 v7, v4;
	_ =	sdelay $0x1  }
0x21f: {  	[tilespmem:$0x1FAE0] =	vst v1;
	v1 =	vld [tilespmem:$0x1F8B0];
	_ =	sdelay $0x5  }
0x220: {  	v12 =	vmul.f32 v14, v27;
	_ =	sdelay $0x1  }
0x221: {  	v7 =	vadd.f32 v12, v36;
	v12 =	vld.idx.msk [tilespmem:v1+s20+$0x0], $0xffff  }
0x222: {  	v1 =	vld [tilespmem:$0x1F8C0]  }
0x223: {  	v4 =	vmul.f32 v16, v46  }
0x224: {  	v3 =	vmul.f32 v14, v22  }
0x225: {  	v14 =	vmul.f32 v15, v17;
	v9 =	vadd.f32 v58, v52;
	v4 =	vadd.f32 v4, v6  }
0x226: {  	v5 =	vadd.s32 s16, v33;
	v11 =	vmovc v0;
	v8 =	vadd.f32 v8, v37;
	v45 =	vmul.f32 v15, v21  }
0x227: {  	v6 =	vmul.f32 v50, v60;
	[tilespmem:$0x1FB20] =	vst v4;
	v4 =	vadd.f32 v14, v9;
	v56 =	vmul.f32 v12, v0;
	v0 =	vld [tilespmem:$0x1F8D0]  }
0x228: {  	v3 =	vadd.f32 v3, v38;
	v58 =	vmul.f32 v15, v29;
	v15 =	vmul.f32 v15, v61  }
0x229: {  	v8 =	vadd.f32 v45, v8;
	v4 =	vadd.f32 v6, v4;
	v6 =	vmul.f32 v50, v59  }
0x22a: {  	v3 =	vadd.f32 v15, v3;
	v7 =	vadd.f32 v58, v7;
	v14 =	vmul.f32 v50, v20;
	v9 =	vld.idx.msk [tilespmem:v1+s20+$0x0], $0xffff  }
0x22b: {  	v15 =	vmul.f32 v50, v39;
	v45 =	vmovc v19;
	v6 =	vadd.f32 v6, v8;
	v8 =	vmul.f32 v12, v19;
	v19 =	vld [tilespmem:$0x1FF50]  }
0x22c: {  	v22 =	vld [tilespmem:$0x1FF30];
	v7 =	vadd.f32 v14, v7;
	v14 =	vmul.f32 v12, v63  }
0x22d: {  	v3 =	vadd.f32 v15, v3;
	v5 =	vld.idx.msk [tilespmem:v5+s20+$0x0], $0xffff;
	v12 =	vmul.f32 v12, v41  }
0x22e: {  	v53 =	vadd.s32 s16, v23;
	v7 =	vadd.f32 v14, v7;
	v6 =	vadd.f32 v8, v6;
	[tilespmem:$0x1FB50] =	vst v35  }
0x22f: {  	s17 =	simm.s32 $0x240;
	v3 =	vadd.f32 v12, v3;
	v14 =	vmul.f32 v9, v35;
	v58 =	vmul.f32 v9, v13;
	v51 =	vld.idx.msk [tilespmem:v0+s20+$0x0], $0xffff  }
0x230: {  	v15 =	vadd.s32 s17, v19;
	v8 =	vmul.f32 v9, v48;
	v9 =	vmul.f32 v9, v43  }
0x231: {  	v55 =	vmovc v10;
	v18 =	vmovc v52;
	v52 =	vadd.s32 s17, v22;
	v4 =	vadd.f32 v56, v4;
	v1 =	vmul.f32 v16, v24  }
0x232: {  	v24 =	vmovc v2;
	v6 =	vadd.f32 v8, v6;
	v3 =	vadd.f32 v9, v3;
	v9 =	vmul.f32 v5, v2  }
0x233: {  	v4 =	vadd.f32 v14, v4;
	v14 =	vmul.f32 v5, v10;
	v7 =	vadd.f32 v58, v7;
	v58 =	vld.idx.msk [tilespmem:v53+s20+$0x0], $0xffff  }
0x234: {  	v12 =	vmovc v57;
	v10 =	vmul.f32 v5, v57;
	v2 =	vld [tilespmem:$0x1F910];
	v6 =	vadd.f32 v9, v6;
	v57 =	vmul.f32 v51, v44  }
0x235: {  	v8 =	vadd.s32 s17, v30;
	v5 =	vmul.f32 v5, v49;
	v4 =	vadd.f32 v14, v4;
	v14 =	vld.idx.msk [tilespmem:v15+s20+$0x0], $0xffff  }
0x236: {  	v9 =	vmul.f32 v51, v26;
	v50 =	vadd.f32 v57, v6;
	v6 =	vld [tilespmem:$0x1F8E0]  }
0x237: {  	v54 =	vld.idx.msk [tilespmem:v52+s20+$0x0], $0xffff;
	v3 =	vadd.f32 v5, v3;
	v15 =	vmul.f32 v51, v42;
	v51 =	vmul.f32 v51, v47  }
0x238: {  	v7 =	vadd.f32 v10, v7;
	v5 =	vadd.s32 s17, v31  }
0x239: {  	v4 =	vadd.f32 v9, v4;
	v9 =	vmul.f32 v58, v40;
	v3 =	vadd.f32 v51, v3  }
0x23a: {  	v56 =	vmov v13;
	v7 =	vadd.f32 v15, v7;
	v8 =	vld.idx.msk [tilespmem:v8+s20+$0x0], $0xffff;
	v1 =	vadd.f32 v1, v2  }
0x23b: {  	v2 =	vld [tilespmem:$0x1F930];
	[tilespmem:$0x1F8F0] =	vst v3;
	v3 =	vmul.f32 v58, v62;
	v4 =	vadd.f32 v9, v4;
	v15 =	vmul.f32 v14, v6  }
0x23c: {  	v0 =	vmovc v26;
	v13 =	vmul.f32 v54, v29;
	v10 =	vadd.s32 s17, v32;
	v26 =	vmovc v62;
	v62 =	vmul.f32 v14, v27  }
0x23d: {  	v9 =	vmul.f32 v54, v17;
	[tilespmem:$0x1F900] =	vst v4;
	v53 =	vadd.f32 v3, v7;
	v4 =	vadd.f32 v15, v18  }
0x23e: {  	v3 =	vmul.f32 v14, v25;
	v5 =	vld.idx.msk [tilespmem:v5+s20+$0x0], $0xffff;
	[tilespmem:$0x1F920] =	vst v1;
	v1 =	vadd.f32 v62, v36  }
0x23f: {  	v15 =	vadd.s32 s17, v33;
	v4 =	vadd.f32 v9, v4;
	v9 =	vmul.f32 v8, v60  }
0x240: {  	v7 =	vadd.s32 s17, v28;
	v1 =	vadd.f32 v13, v1;
	v13 =	vmul.f32 v14, v2  }
0x241: {  	v3 =	vadd.f32 v3, v37;
	v14 =	vmul.f32 v54, v21;
	v4 =	vadd.f32 v9, v4;
	v9 =	vld.idx.msk [tilespmem:v10+s20+$0x0], $0xffff  }
0x242: {  	v54 =	vmul.f32 v54, v61;
	v13 =	vadd.f32 v13, v38;
	v10 =	vmul.f32 v8, v20  }
0x243: {  	v3 =	vadd.f32 v14, v3;
	v14 =	vmul.f32 v8, v59;
	v57 =	vmul.f32 v5, v11  }
0x244: {  	v13 =	vadd.f32 v54, v13;
	v8 =	vmul.f32 v8, v39;
	v1 =	vadd.f32 v10, v1;
	v10 =	vld.idx.msk [tilespmem:v15+s20+$0x0], $0xffff  }
0x245: {  	v54 =	vmul.f32 v5, v63;
	v3 =	vadd.f32 v14, v3;
	v15 =	vadd.s32 s17, v23  }
0x246: {  	v7 =	vld.idx.msk [tilespmem:v7+s20+$0x0], $0xffff;
	v4 =	vadd.f32 v57, v4;
	v14 =	vmul.f32 v9, v35;
	v35 =	vmul.f32 v5, v45  }
0x247: {  	v8 =	vadd.f32 v8, v13;
	v1 =	vadd.f32 v54, v1;
	v13 =	vmul.f32 v9, v56  }
0x248: {  	s18 =	simm.s32 $0x2D0;
	v5 =	vmul.f32 v5, v41;
	v4 =	vadd.f32 v14, v4;
	v3 =	vadd.f32 v35, v3  }
0x249: {  	v14 =	vadd.s32 s18, v19;
	v1 =	vadd.f32 v13, v1;
	v13 =	vmul.f32 v10, v55  }
0x24a: {  	v15 =	vld.idx.msk [tilespmem:v15+s20+$0x0], $0xffff;
	v5 =	vadd.f32 v5, v8;
	v8 =	vmul.f32 v10, v12;
	v19 =	vmul.f32 v9, v48  }
0x24b: {  	v9 =	vmul.f32 v9, v43;
	v4 =	vadd.f32 v13, v4;
	v13 =	vmul.f32 v7, v0  }
0x24c: {  	v16 =	vmovc v42;
	v3 =	vadd.f32 v19, v3;
	v1 =	vadd.f32 v8, v1;
	v8 =	vmul.f32 v10, v24  }
0x24d: {  	v5 =	vadd.f32 v9, v5;
	v9 =	vmul.f32 v7, v16;
	v10 =	vmul.f32 v10, v49;
	v16 =	vld [tilespmem:$0x1F960]  }
0x24e: {  	v4 =	vadd.f32 v13, v4;
	v13 =	vadd.s32 s18, v22;
	v3 =	vadd.f32 v8, v3  }
0x24f: {  	v1 =	vadd.f32 v9, v1;
	v9 =	vmul.f32 v7, v44;
	v8 =	vld.idx.msk [tilespmem:v14+s20+$0x0], $0xffff;
	v14 =	vmul.f32 v15, v40  }
0x250: {  	v5 =	vadd.f32 v10, v5;
	v7 =	vmul.f32 v7, v47;
	[tilespmem:$0x1F940] =	vst v44;
	v10 =	vmul.f32 v15, v26  }
0x251: {  	[tilespmem:$0x1F950] =	vst v47;
	v3 =	vadd.f32 v9, v3;
	v44 =	vadd.f32 v14, v4;
	v14 =	vadd.s32 s18, v30  }
0x252: {  	[tilespmem:$0x1F970] =	vst v46;
	v9 =	vmul.f32 v15, v46;
	v5 =	vadd.f32 v7, v5;
	v7 =	vmul.f32 v15, v16  }
0x253: {  	v47 =	vadd.f32 v10, v1;
	v10 =	vmul.f32 v58, v46;
	v15 =	vld.idx.msk [tilespmem:v13+s20+$0x0], $0xffff;
	[tilespmem:$0x1F980] =	vst v27  }
0x254: {  	s28 =	simm.s32 $0x0;
	v54 =	vmov v24;
	v24 =	vadd.s32 $0x4, v34;
	[tilespmem:$0x1F990] =	vst v18  }
0x255: {  	v0 =	vld [tilespmem:$0x1F9F0];
	v26 =	vadd.f32 v10, v50;
	v10 =	vadd.s32 s28, v24;
	[tilespmem:$0x1F9A0] =	vst v36  }
0x256: {  	v14 =	vld.idx.msk [tilespmem:v14+s20+$0x0], $0xffff;
	[tilespmem:$0x1F9B0] =	vst v17  }
0x257: {  	[tilespmem:$0x1F9C0] =	vst v29  }
0x258: {  	v42 =	vmov v25;
	v25 =	vmov v21;
	[tilespmem:$0x1F9D0] =	vst v37  }
0x259: {  	v46 =	vadd.f32 v9, v3;
	[tilespmem:$0x1F9E0] =	vst v25  }
0x25a: {  	v3 =	vmul.f32 v8, v6;
	v6 =	vmul.f32 v8, v42;
	v42 =	vadd.s32 $0x5, v34;
	[tilespmem:v10+s21+$0x0] =	vst.idx.msk $0xffff, v0  }
0x25b: {  	v9 =	vadd.s32 s28, v42;
	v0 =	vld [tilespmem:$0x1FA00];
	_ =	sdelay $0x2  }
0x25c: {  	v40 =	vadd.f32 v7, v5  }
0x25d: {  	v35 =	vmovc v55;
	v5 =	vmul.f32 v8, v27;
	v55 =	vmul.f32 v8, v2;
	v8 =	vadd.s32 s18, v31  }
0x25e: {  	v62 =	vmov v28;
	v28 =	vmov v20;
	v20 =	vadd.s32 $0x6, v34;
	[tilespmem:v9+s21+$0x0] =	vst.idx.msk $0xffff, v0  }
0x25f: {  	v57 =	vmov v12;
	v12 =	vadd.s32 s28, v20;
	v0 =	vld [tilespmem:$0x1FA40];
	_ =	sdelay $0x1  }
0x260: {  	[tilespmem:$0x1FA10] =	vst v38  }
0x261: {  	v8 =	vld.idx.msk [tilespmem:v8+s20+$0x0], $0xffff;
	[tilespmem:$0x1FA20] =	vst v61  }
0x262: {  	[tilespmem:$0x1FA30] =	vst v60  }
0x263: {  	v21 =	vadd.s32 $0x7, v34;
	[tilespmem:v12+s21+$0x0] =	vst.idx.msk $0xffff, v0  }
0x264: {  	v51 =	vmov v11;
	v11 =	vadd.s32 s28, v21;
	v0 =	vld [tilespmem:$0x1FA70];
	_ =	sdelay $0x2  }
0x265: {  	[tilespmem:$0x1FA50] =	vst v28  }
0x266: {  	v7 =	vadd.f32 v3, v18;
	v5 =	vadd.f32 v5, v36;
	v3 =	vmul.f32 v15, v29;
	[tilespmem:$0x1FA60] =	vst v59  }
0x267: {  	s3 =	simm.s32 $0x220;
	[tilespmem:v11+s21+$0x0] =	vst.idx.msk $0xffff, v0  }
0x268: {  	v50 =	vadd.f32 v3, v5;
	v5 =	vadd.s32 s3, v24;
	v0 =	vld [tilespmem:$0x1FA80];
	_ =	sdelay $0x3  }
0x269: {  	v4 =	vmul.f32 v15, v17  }
0x26a: {  	[tilespmem:v5+s21+$0x0] =	vst.idx.msk $0xffff, v0  }
0x26b: {  	v4 =	vadd.f32 v4, v7;
	v7 =	vadd.s32 s3, v42;
	v0 =	vld [tilespmem:$0x1FA90];
	_ =	sdelay $0x4  }
0x26c: {  	[tilespmem:v7+s21+$0x0] =	vst.idx.msk $0xffff, v0  }
0x26d: {  	v10 =	vadd.s32 s3, v20;
	v0 =	vld [tilespmem:$0x1FAB0];
	_ =	sdelay $0x3  }
0x26e: {  	[tilespmem:$0x1FAA0] =	vst v39  }
0x26f: {  	[tilespmem:v10+s21+$0x0] =	vst.idx.msk $0xffff, v0  }
0x270: {  	v12 =	vadd.s32 s3, v21;
	v0 =	vld [tilespmem:$0x1FAE0];
	_ =	sdelay $0x1  }
0x271: {  	v6 =	vadd.f32 v6, v37;
	v1 =	vmul.f32 v15, v25  }
0x272: {  	[tilespmem:$0x1FAC0] =	vst v51  }
0x273: {  	v3 =	vadd.f32 v1, v6;
	v1 =	vmul.f32 v14, v59;
	[tilespmem:$0x1FAD0] =	vst v63  }
0x274: {  	s29 =	simm.s32 $0x110;
	[tilespmem:v12+s21+$0x0] =	vst.idx.msk $0xffff, v0  }
0x275: {  	v1 =	vadd.f32 v1, v3;
	v3 =	vadd.s32 s29, v24;
	v0 =	vld [tilespmem:$0x1FB00];
	_ =	sdelay $0x3  }
0x276: {  	[tilespmem:$0x1FAF0] =	vst v45  }
0x277: {  	[tilespmem:v3+s21+$0x0] =	vst.idx.msk $0xffff, v0  }
0x278: {  	v11 =	vadd.s32 s29, v42;
	v0 =	vld [tilespmem:$0x1FB10];
	_ =	sdelay $0x2  }
0x279: {  	v6 =	vadd.f32 v55, v38;
	v9 =	vmul.f32 v15, v61  }
0x27a: {  	v15 =	vmul.f32 v14, v60  }
0x27b: {  	v60 =	vmul.f32 v14, v28;
	v6 =	vadd.f32 v9, v6;
	[tilespmem:v11+s21+$0x0] =	vst.idx.msk $0xffff, v0  }
0x27c: {  	v9 =	vadd.s32 s18, v32;
	v7 =	vmul.f32 v14, v39;
	v14 =	vadd.s32 s29, v20;
	v0 =	vld [tilespmem:$0x1FB20]  }
0x27d: {  	s30 =	simm.s32 $0x440;
	v61 =	vmul.f32 v8, v63;
	v5 =	vadd.f32 v60, v50;
	v10 =	vadd.s32 s18, v33  }
0x27e: {  	v63 =	vadd.f32 v7, v6;
	v6 =	vadd.s32 s30, v24  }
0x27f: {  	v2 =	vadd.f32 v61, v5;
	v5 =	vadd.s32 s30, v42;
	v12 =	vmul.f32 v8, v45;
	_ =	sdelay $0x1  }
0x280: {  	v9 =	vld.idx.msk [tilespmem:v9+s20+$0x0], $0xffff;
	v17 =	vadd.f32 v12, v1;
	v12 =	vadd.s32 s30, v20;
	[tilespmem:v14+s21+$0x0] =	vst.idx.msk $0xffff, v0  }
0x281: {  	v7 =	vld.idx.msk [tilespmem:v10+s20+$0x0], $0xffff;
	[tilespmem:$0x1FB30] =	vst v41  }
0x282: {  	[tilespmem:v6+s21+$0x0] =	vst.idx.msk $0xffff, v44  }
0x283: {  	s31 =	simm.s32 $0x330;
	v11 =	vadd.s32 s30, v21;
	[tilespmem:v5+s21+$0x0] =	vst.idx.msk $0xffff, v47  }
0x284: {  	v13 =	vadd.s32 s31, v24;
	v27 =	vadd.s32 s31, v21;
	v22 =	vadd.s32 s31, v42;
	[tilespmem:$0x1FB40] =	vst v24;
	v0 =	vld [tilespmem:$0x1FB50]  }
0x285: {  	v25 =	vadd.s32 s29, v21;
	v4 =	vadd.f32 v15, v4;
	v15 =	vmul.f32 v8, v51;
	[tilespmem:v12+s21+$0x0] =	vst.idx.msk $0xffff, v46  }
0x286: {  	v28 =	vmul.f32 v58, v16;
	v3 =	vmul.f32 v8, v41;
	v6 =	vadd.s32 s18, v62;
	[tilespmem:$0x1FB60] =	vst v42  }
0x287: {  	v52 =	vmovc v56;
	v16 =	vadd.s32 s18, v23;
	v4 =	vadd.f32 v15, v4;
	v1 =	vmul.f32 v7, v35;
	[tilespmem:$0x1FB70] =	vst v48  }
0x288: {  	s0 =	simm.s32 $0x550;
	v29 =	vadd.s32 s31, v20;
	v10 =	vadd.f32 v3, v63;
	v12 =	vmul.f32 v9, v52;
	[tilespmem:v11+s21+$0x0] =	vst.idx.msk $0xffff, v40  }
0x289: {  	v3 =	vadd.s32 s0, v24;
	v11 =	vmul.f32 v9, v43;
	[tilespmem:$0x1FB80] =	vst v20;
	v8 =	vmul.f32 v9, v0  }
0x28a: {  	v14 =	vmul.f32 v9, v48;
	v5 =	vadd.s32 s0, v42;
	[tilespmem:$0x1FB90] =	vst v43;
	v9 =	vadd.f32 v12, v2  }
0x28b: {  	v12 =	vld.idx.msk [tilespmem:v6+s20+$0x0], $0xffff;
	[tilespmem:$0x1FBA0] =	vst v21;
	v6 =	vadd.s32 s0, v21;
	v10 =	vadd.f32 v11, v10;
	v15 =	vadd.f32 v8, v4  }
0x28c: {  	v11 =	vld.idx.msk [tilespmem:v16+s20+$0x0], $0xffff;
	[tilespmem:$0x1FBB0] =	vst v54;
	v8 =	vadd.s32 s0, v20;
	v4 =	vadd.f32 v14, v17;
	v14 =	vmul.f32 v7, v57  }
0x28d: {  	s13 =	simm.s32 $0x3F0;
	s1 =	simm.s32 $0x4;
	[tilespmem:$0x1FBC0] =	vst v49;
	v1 =	vadd.f32 v1, v15;
	v15 =	vmul.f32 v7, v54;
	v7 =	vmul.f32 v7, v49  }
.LBB2_9:
0x28e: {  	v0 =	vld [tilespmem:$0x1FF50]  }
0x28f: {  	v2 =	vld [tilespmem:$0x1FF30]  }
0x290: {  	v19 =	vld [tilespmem:$0x1F900]  }
0x291: {  	v47 =	vld [tilespmem:$0x1F860]  }
0x292: {  	v55 =	vld [tilespmem:$0x1F940]  }
0x293: {  	v56 =	vld [tilespmem:$0x1F950]  }
0x294: {  	v40 =	vld [tilespmem:$0x1F980]  }
0x295: {  	v43 =	vld [tilespmem:$0x1F890]  }
0x296: {  	v61 =	vld [tilespmem:$0x1F930]  }
0x297: {  	v49 =	vld [tilespmem:$0x1F810]  }
0x298: {  	v60 =	vld [tilespmem:$0x1F820];
	[tilespmem:v13+s21+$0x0] =	vst.idx.msk $0xffff, v19;
	v13 =	vmov v8  }
0x299: {  	[tilespmem:$0x1F770] =	vst v13;
	v13 =	vld [tilespmem:$0x1FF60]  }
0x29a: {  	v45 =	vld [tilespmem:$0x1FB50]  }
0x29b: {  	v59 =	vld [tilespmem:$0x1FB40]  }
0x29c: {  	s3 =	sadd.s32 $0xFFFFFF70, s13;
	v48 =	vld [tilespmem:$0x1FAC0]  }
0x29d: {  	v24 =	vmov v3;
	v54 =	vld [tilespmem:$0x1FAD0];
	v3 =	vadd.s32 s3, v23;
	v23 =	vmov v5  }
0x29e: {  	[tilespmem:$0x1F7F0] =	vst v23;
	v23 =	vadd.s32 s13, v13;
	v13 =	vld [tilespmem:$0x1F920]  }
0x29f: {  	v46 =	vld [tilespmem:$0x1FA30]  }
0x2a0: {  	[tilespmem:v22+s21+$0x0] =	vst.idx.msk $0xffff, v53;
	v22 =	vld [tilespmem:$0x1FF40]  }
0x2a1: {  	v7 =	vadd.f32 v7, v10;
	v10 =	vmovc v6;
	v38 =	vadd.s32 s13, v31;
	v6 =	vadd.s32 s3, v31;
	v31 =	vld [tilespmem:$0x1F850]  }
0x2a2: {  	[tilespmem:v29+s21+$0x0] =	vst.idx.msk $0xffff, v26;
	v26 =	vld [tilespmem:$0x1F870]  }
0x2a3: {  	v4 =	vadd.f32 v15, v4;
	v51 =	vmul.f32 v12, v55;
	[tilespmem:v25+s21+$0x0] =	vst.idx.msk $0xffff, v13;
	v25 =	vld [tilespmem:$0x1F970]  }
0x2a4: {  	v50 =	vld [tilespmem:$0x1F990];
	v9 =	vadd.f32 v14, v9;
	v16 =	vadd.s32 s13, v0;
	v15 =	vmul.f32 v12, v47  }
0x2a5: {  	v44 =	vld [tilespmem:$0x1F9B0];
	[tilespmem:$0x1F7D0] =	vst v24;
	v24 =	vadd.s32 s3, v0;
	v0 =	vadd.f32 v51, v4;
	v5 =	vadd.s32 s3, v22;
	v13 =	vmovc v27  }
0x2a6: {  	v27 =	vld [tilespmem:$0x1F880];
	[tilespmem:$0x1F780] =	vst v13;
	v13 =	vmul.f32 v12, v31  }
0x2a7: {  	v53 =	vld [tilespmem:$0x1FA10];
	v9 =	vadd.f32 v15, v9;
	[tilespmem:$0x1F7B0] =	vst v0  }
0x2a8: {  	v6 =	vld.idx.msk [tilespmem:v6+s20+$0x0], $0xffff;
	v15 =	vmul.f32 v11, v26;
	v52 =	vadd.f32 v13, v1;
	v0 =	vmul.f32 v11, v25  }
0x2a9: {  	v12 =	vmul.f32 v12, v56;
	v1 =	vld [tilespmem:$0x1F960]  }
0x2aa: {  	v5 =	vld.idx.msk [tilespmem:v5+s20+$0x0], $0xffff;
	[tilespmem:$0x1F7C0] =	vst v0;
	v0 =	vadd.f32 v15, v52  }
0x2ab: {  	[tilespmem:$0x1F790] =	vst v10;
	v10 =	vld.idx.msk [tilespmem:v16+s20+$0x0], $0xffff;
	v16 =	vadd.s32 s3, v30;
	v4 =	vadd.f32 v12, v7;
	v12 =	vmul.f32 v11, v27  }
0x2ac: {  	[tilespmem:$0x1F900] =	vst v0;
	v0 =	vld [tilespmem:$0x1F8F0]  }
0x2ad: {  	v17 =	vadd.s32 s13, v2;
	v7 =	vadd.s32 s3, v2;
	v2 =	vadd.f32 v12, v9;
	v9 =	vld.idx.msk [tilespmem:v24+s20+$0x0], $0xffff  }
0x2ae: {  	v13 =	vmul.f32 v11, v1;
	v11 =	vld [tilespmem:$0x1F8E0]  }
0x2af: {  	v18 =	vadd.s32 s13, v30;
	v21 =	vadd.s32 s13, v33;
	v30 =	vmul.f32 v5, v47;
	v47 =	vld [tilespmem:$0x1F9C0]  }
0x2b0: {  	v15 =	vld.idx.msk [tilespmem:v16+s20+$0x0], $0xffff  }
0x2b1: {  	v22 =	vadd.s32 s13, v22;
	v52 =	vld [tilespmem:$0x1F9D0];
	v28 =	vadd.f32 v28, v0  }
0x2b2: {  	v58 =	vmul.f32 v10, v40;
	v24 =	vmul.f32 v10, v43;
	[tilespmem:$0x1F7A0] =	vst v2;
	v2 =	vld [tilespmem:$0x1F9A0]  }
0x2b3: {  	v20 =	vadd.s32 s13, v32;
	v43 =	vmul.f32 v9, v43;
	v16 =	vmul.f32 v10, v11;
	[tilespmem:$0x1F920] =	vst v28;
	v28 =	vld.idx.msk [tilespmem:v7+s20+$0x0], $0xffff  }
0x2b4: {  	v10 =	vmul.f32 v10, v61;
	v11 =	vmul.f32 v9, v11;
	v7 =	vld.idx.msk [tilespmem:v21+s20+$0x0], $0xffff  }
0x2b5: {  	v21 =	vmul.f32 v9, v40;
	v9 =	vmul.f32 v9, v61;
	v61 =	vld [tilespmem:$0x1F9E0]  }
0x2b6: {  	v14 =	vadd.s32 s3, v32;
	v12 =	vld.idx.msk [tilespmem:v22+s20+$0x0], $0xffff  }
0x2b7: {  	[tilespmem:$0x1F7E0] =	vst v13;
	v13 =	vld [tilespmem:$0x1FA50]  }
0x2b8: {  	v8 =	vadd.s32 s3, v33;
	v0 =	vmovc v4;
	v4 =	vld.idx.msk [tilespmem:v20+s20+$0x0], $0xffff;
	v22 =	vadd.f32 v11, v50;
	v42 =	vmul.f32 v28, v44  }
0x2b9: {  	v20 =	vmul.f32 v15, v46;
	v11 =	vld.idx.msk [tilespmem:v23+s20+$0x0], $0xffff;
	v21 =	vadd.f32 v21, v2;
	v23 =	vmul.f32 v28, v47  }
0x2ba: {  	v51 =	vld [tilespmem:$0x1FA20];
	v22 =	vadd.f32 v42, v22;
	v42 =	vadd.f32 v43, v52;
	v43 =	vmul.f32 v28, v61  }
0x2bb: {  	v14 =	vld.idx.msk [tilespmem:v14+s20+$0x0], $0xffff;
	v21 =	vadd.f32 v23, v21  }
0x2bc: {  	v40 =	vmul.f32 v15, v13;
	v20 =	vadd.f32 v20, v22;
	v22 =	vadd.f32 v43, v42;
	v42 =	vld [tilespmem:$0x1FA60]  }
0x2bd: {  	v8 =	vld.idx.msk [tilespmem:v8+s20+$0x0], $0xffff;
	v36 =	vmul.f32 v6, v48  }
0x2be: {  	v37 =	vmul.f32 v6, v54;
	v21 =	vadd.f32 v40, v21;
	v40 =	vld [tilespmem:$0x1FAA0]  }
0x2bf: {  	v20 =	vadd.f32 v36, v20;
	v36 =	vld [tilespmem:$0x1FAF0]  }
0x2c0: {  	v21 =	vadd.f32 v37, v21;
	v37 =	vld [tilespmem:$0x1FB30]  }
0x2c1: {  	v9 =	vadd.f32 v9, v53;
	v23 =	vmul.f32 v28, v51;
	v43 =	vld [tilespmem:$0x1FB70];
	v28 =	vmul.f32 v15, v42  }
0x2c2: {  	v57 =	vld [tilespmem:$0x1F800];
	v33 =	vmul.f32 v14, v45  }
0x2c3: {  	v9 =	vadd.f32 v23, v9;
	v15 =	vmul.f32 v15, v40;
	v22 =	vadd.f32 v28, v22;
	v28 =	vld [tilespmem:$0x1FB90]  }
0x2c4: {  	v62 =	vld [tilespmem:$0x1FB60];
	v29 =	vmul.f32 v5, v31;
	v23 =	vmul.f32 v6, v36  }
0x2c5: {  	v63 =	vld [tilespmem:$0x1FB80];
	v31 =	vmul.f32 v8, v49;
	v9 =	vadd.f32 v15, v9;
	v6 =	vmul.f32 v6, v37  }
0x2c6: {  	v3 =	vld.idx.msk [tilespmem:v3+s20+$0x0], $0xffff;
	v15 =	vadd.f32 v33, v20;
	v20 =	vadd.f32 v23, v22;
	v22 =	vmul.f32 v14, v43  }
0x2c7: {  	v35 =	vmul.f32 v14, v57;
	[tilespmem:$0x1F8F0] =	vst v0;
	v0 =	vld [tilespmem:$0x1FBA0];
	v6 =	vadd.f32 v6, v9  }
0x2c8: {  	v9 =	vmul.f32 v14, v28;
	v14 =	vadd.f32 v31, v15;
	v15 =	vadd.f32 v22, v20;
	v22 =	vld [tilespmem:$0x1FBB0]  }
0x2c9: {  	s0 =	sadd.s32 $0x220, s0;
	v21 =	vadd.f32 v35, v21;
	v35 =	vld [tilespmem:$0x1FBC0]  }
0x2ca: {  	s31 =	sadd.s32 $0xFFFFFEF0, s0  }
0x2cb: {  	v34 =	vadd.s32 s31, v59;
	v39 =	vadd.s32 s31, v63  }
0x2cc: {  	v26 =	vmul.f32 v3, v26;
	v32 =	vmul.f32 v8, v60;
	v19 =	vld.idx.msk [tilespmem:v38+s20+$0x0], $0xffff;
	v38 =	vadd.s32 s31, v62  }
0x2cd: {  	v27 =	vmul.f32 v3, v27;
	v41 =	vadd.s32 s31, v0;
	v20 =	vmul.f32 v8, v22  }
0x2ce: {  	v21 =	vadd.f32 v32, v21;
	v6 =	vadd.f32 v9, v6;
	v8 =	vmul.f32 v8, v35  }
0x2cf: {  	v9 =	vadd.f32 v29, v14;
	v14 =	vadd.f32 v20, v15;
	v15 =	vmul.f32 v5, v55  }
0x2d0: {  	v20 =	vadd.f32 v30, v21;
	v6 =	vadd.f32 v8, v6;
	v5 =	vmul.f32 v5, v56  }
0x2d1: {  	v8 =	vadd.f32 v26, v9;
	v9 =	vadd.f32 v15, v14;
	v14 =	vmul.f32 v3, v25  }
0x2d2: {  	v17 =	vld.idx.msk [tilespmem:v17+s20+$0x0], $0xffff;
	v15 =	vadd.f32 v27, v20;
	v5 =	vadd.f32 v5, v6;
	v6 =	vmul.f32 v3, v1  }
0x2d3: {  	[tilespmem:v34+s21+$0x0] =	vst.idx.msk $0xffff, v8;
	v8 =	vadd.f32 v14, v9  }
0x2d4: {  	v18 =	vld.idx.msk [tilespmem:v18+s20+$0x0], $0xffff;
	[tilespmem:v38+s21+$0x0] =	vst.idx.msk $0xffff, v15;
	v6 =	vadd.f32 v6, v5  }
0x2d5: {  	v1 =	vld [tilespmem:$0x1F7C0];
	[tilespmem:v39+s21+$0x0] =	vst.idx.msk $0xffff, v8  }
0x2d6: {  	[tilespmem:v41+s21+$0x0] =	vst.idx.msk $0xffff, v6;
	v6 =	vadd.s32 s0, v0;
	v0 =	vld [tilespmem:$0x1F7B0]  }
0x2d7: {  	v10 =	vadd.f32 v10, v53;
	v21 =	vmul.f32 v17, v61;
	v61 =	vmul.f32 v19, v48  }
0x2d8: {  	v3 =	vadd.s32 s0, v59;
	v20 =	vmul.f32 v17, v47;
	v14 =	vadd.f32 v58, v2  }
0x2d9: {  	v9 =	vadd.f32 v16, v50;
	v5 =	vadd.s32 s0, v62;
	v16 =	vmul.f32 v17, v44  }
0x2da: {  	v53 =	vld [tilespmem:$0x1F7A0];
	v15 =	vadd.f32 v24, v52;
	v17 =	vmul.f32 v17, v51;
	v14 =	vadd.f32 v20, v14  }
0x2db: {  	v32 =	vld [tilespmem:$0x1FF90];
	v26 =	vadd.f32 v1, v0;
	v1 =	vadd.f32 v16, v9;
	v9 =	vmul.f32 v18, v46  }
0x2dc: {  	v33 =	vld [tilespmem:$0x1FFB0];
	v15 =	vadd.f32 v21, v15;
	v10 =	vadd.f32 v17, v10;
	v16 =	vmul.f32 v18, v13  }
0x2dd: {  	v23 =	vld [tilespmem:$0x1FF60];
	v17 =	vmul.f32 v18, v40;
	v1 =	vadd.f32 v9, v1;
	v9 =	vmul.f32 v18, v42  }
0x2de: {  	v31 =	vld [tilespmem:$0x1FF80];
	v62 =	vmul.f32 v4, v57;
	v14 =	vadd.f32 v16, v14;
	v16 =	vmul.f32 v19, v54  }
0x2df: {  	s1 =	sadd.s32 $0x2, s1;
	v29 =	vld [tilespmem:$0x1F770];
	v8 =	vadd.s32 s0, v63;
	v10 =	vadd.f32 v17, v10;
	v9 =	vadd.f32 v9, v15  }
0x2e0: {  	p0 =	slt.u32 s1, $0x3E;
	v30 =	vld [tilespmem:$0x1FF70];
	v15 =	vmul.f32 v19, v36;
	v14 =	vadd.f32 v16, v14;
	v16 =	vmul.f32 v19, v37  }
.Ltmp3:
0x2e1: {  	v25 =	vld [tilespmem:$0x1F780];
	v63 =	vmul.f32 v4, v43;
	v17 =	vmul.f32 v4, v45;
	v1 =	vadd.f32 v61, v1;
	(pc) =	sbr.rel @p0 .LBB2_9-.Ltmp3, $4  }
0x2e2: {  	v27 =	vld [tilespmem:$0x1F790];
	v15 =	vadd.f32 v15, v9;
	v10 =	vadd.f32 v16, v10;
	v16 =	vmul.f32 v4, v28  }
0x2e3: {  	v13 =	vld [tilespmem:$0x1F7D0];
	v1 =	vadd.f32 v17, v1;
	v17 =	vmul.f32 v7, v49;
	v9 =	vadd.f32 v62, v14  }
0x2e4: {  	v28 =	vld [tilespmem:$0x1F7E0];
	v14 =	vmul.f32 v7, v60;
	v4 =	vadd.f32 v63, v15;
	v10 =	vadd.f32 v16, v10  }
0x2e5: {  	s13 =	sadd.s32 $0x120, s13;
	v1 =	vadd.f32 v17, v1;
	v15 =	vmul.f32 v7, v22;
	v22 =	vld [tilespmem:$0x1F7F0];
	v7 =	vmul.f32 v7, v35  }
0x2e6: {  	_ =	sdelay $0x1  }
0x2e7: {  	v0 =	vld [tilespmem:$0x1F900];
	_ =	sdelay $0x4  }
0x2e8: {  	[tilespmem:v13+s21+$0x0] =	vst.idx.msk $0xffff, v0  }
0x2e9: {  	[tilespmem:v22+s21+$0x0] =	vst.idx.msk $0xffff, v53  }
0x2ea: {  	[tilespmem:v29+s21+$0x0] =	vst.idx.msk $0xffff, v26  }
0x2eb: {  	v0 =	vld [tilespmem:$0x1F940];
	_ =	sdelay $0x2  }
0x2ec: {  	v13 =	vld [tilespmem:$0x1F850]  }
0x2ed: {  	v7 =	vadd.f32 v7, v10;
	v10 =	vld [tilespmem:$0x1F860]  }
0x2ee: {  	v9 =	vadd.f32 v14, v9;
	v14 =	vmul.f32 v12, v0;
	v0 =	vld [tilespmem:$0x1F950];
	_ =	sdelay $0x3  }
0x2ef: {  	v13 =	vmul.f32 v12, v13  }
0x2f0: {  	v10 =	vmul.f32 v12, v10;
	v12 =	vmul.f32 v12, v0;
	v0 =	vld [tilespmem:$0x1F970];
	_ =	sdelay $0x2  }
0x2f1: {  	v4 =	vadd.f32 v15, v4;
	_ =	sdelay $0x1  }
0x2f2: {  	v4 =	vadd.f32 v14, v4;
	v14 =	vmul.f32 v11, v0;
	v0 =	vld [tilespmem:$0x1F920]  }
0x2f3: {  	v1 =	vadd.f32 v13, v1;
	v13 =	vld [tilespmem:$0x1F870];
	_ =	sdelay $0x2  }
0x2f4: {  	v9 =	vadd.f32 v10, v9;
	v10 =	vld [tilespmem:$0x1F880]  }
0x2f5: {  	[tilespmem:v25+s21+$0x0] =	vst.idx.msk $0xffff, v0  }
0x2f6: {  	v13 =	vmul.f32 v11, v13;
	v0 =	vld [tilespmem:$0x1F960];
	_ =	sdelay $0x1  }
0x2f7: {  	v1 =	vadd.f32 v13, v1  }
0x2f8: {  	v10 =	vmul.f32 v11, v10  }
0x2f9: {  	[tilespmem:v3+s21+$0x0] =	vst.idx.msk $0xffff, v1  }
0x2fa: {  	v9 =	vadd.f32 v10, v9;
	v10 =	vmul.f32 v11, v0;
	v0 =	vld [tilespmem:$0x1F8F0];
	_ =	sdelay $0x1  }
0x2fb: {  	v7 =	vadd.f32 v12, v7  }
0x2fc: {  	v4 =	vadd.f32 v14, v4  }
0x2fd: {  	[tilespmem:v5+s21+$0x0] =	vst.idx.msk $0xffff, v9;
	v3 =	vadd.f32 v10, v7  }
0x2fe: {  	[tilespmem:v8+s21+$0x0] =	vst.idx.msk $0xffff, v4;
	v1 =	vadd.f32 v28, v0  }
0x2ff: {  	[tilespmem:v6+s21+$0x0] =	vst.idx.msk $0xffff, v3  }
0x300: {  	[tilespmem:v27+s21+$0x0] =	vst.idx.msk $0xffff, v1  }
0x301: {  	v36 =	vld [tilespmem:$0x10A00]  }
0x302: {  	v42 =	vld [tilespmem:$0x10B00]  }
0x303: {  	v13 =	vld [tilespmem:$0x10C00]  }
0x304: {  	v15 =	vld [tilespmem:$0x10D00]  }
0x305: {  	v40 =	vld [tilespmem:$0x10E00]  }
0x306: {  	v2 =	vld [tilespmem:$0x10F00]  }
0x307: {  	v22 =	vld [tilespmem:$0x11000]  }
0x308: {  	v18 =	vld [tilespmem:$0x11100]  }
0x309: {  	v34 =	vld [tilespmem:$0x10A10]  }
0x30a: {  	v48 =	vld [tilespmem:$0x10B10]  }
0x30b: {  	v24 =	vld [tilespmem:$0x10C10]  }
0x30c: {  	v59 =	vld [tilespmem:$0x10D10]  }
0x30d: {  	v17 =	vld [tilespmem:$0x10E10]  }
0x30e: {  	v16 =	vld [tilespmem:$0x10F10]  }
0x30f: {  	v21 =	vld [tilespmem:$0x11010]  }
0x310: {  	v27 =	vld [tilespmem:$0x11110]  }
0x311: {  	v26 =	vld [tilespmem:$0x1FF50]  }
0x312: {  	s1 =	simm.s32 $0x0;
	v38 =	vld [tilespmem:$0x10A20];
	[tilespmem:$0x1F3C0] =	vst v2  }
0x313: {  	v3 =	vadd.s32 s1, v23;
	v37 =	vld [tilespmem:$0x1FF40];
	[tilespmem:$0x1F400] =	vst v22  }
0x314: {  	v5 =	vadd.s32 s1, v33;
	v61 =	vld [tilespmem:$0x10B20];
	[tilespmem:$0x1F420] =	vst v18  }
0x315: {  	v6 =	vadd.s32 s1, v32;
	v19 =	vld [tilespmem:$0x10A30];
	[tilespmem:$0x1F3D0] =	vst v16  }
0x316: {  	v7 =	vadd.s32 s1, v31;
	v0 =	vld [tilespmem:$0x1FF30];
	[tilespmem:$0x1F410] =	vst v21  }
0x317: {  	v9 =	vadd.s32 s1, v30;
	v20 =	vld [tilespmem:$0x11200];
	[tilespmem:$0x1F430] =	vst v27  }
0x318: {  	v4 =	vadd.s32 s1, v37;
	v3 =	vld.idx.msk [tilespmem:v3+s20+$0x0], $0xffff  }
0x319: {  	v8 =	vadd.s32 s1, v26;
	v5 =	vld.idx.msk [tilespmem:v5+s20+$0x0], $0xffff  }
0x31a: {  	v6 =	vld.idx.msk [tilespmem:v6+s20+$0x0], $0xffff  }
0x31b: {  	v10 =	vadd.s32 s1, v0;
	v7 =	vld.idx.msk [tilespmem:v7+s20+$0x0], $0xffff  }
0x31c: {  	s0 =	simm.s32 $0x90;
	v9 =	vld.idx.msk [tilespmem:v9+s20+$0x0], $0xffff  }
0x31d: {  	v1 =	vadd.s32 s0, v26;
	v4 =	vld.idx.msk [tilespmem:v4+s20+$0x0], $0xffff  }
0x31e: {  	v8 =	vld.idx.msk [tilespmem:v8+s20+$0x0], $0xffff  }
0x31f: {  	v29 =	vld [tilespmem:$0x10B30];
	v50 =	vmul.f32 v3, v18;
	v52 =	vmul.f32 v3, v27  }
0x320: {  	v10 =	vld.idx.msk [tilespmem:v10+s20+$0x0], $0xffff;
	v56 =	vmul.f32 v5, v2;
	v58 =	vmul.f32 v5, v16  }
0x321: {  	v12 =	vadd.s32 s0, v0;
	v18 =	vld [tilespmem:$0x11210];
	v45 =	vmul.f32 v6, v40;
	v60 =	vmul.f32 v6, v17  }
0x322: {  	v0 =	vadd.s32 s0, v37;
	v11 =	vld.idx.msk [tilespmem:v1+s20+$0x0], $0xffff;
	v44 =	vmul.f32 v7, v15;
	v43 =	vmul.f32 v9, v13  }
0x323: {  	[tilespmem:$0x1F3E0] =	vst v0;
	v0 =	vadd.s32 s0, v23;
	v55 =	vmul.f32 v4, v21;
	v21 =	vld [tilespmem:$0x11220];
	v39 =	vmul.f32 v8, v36  }
0x324: {  	v14 =	vadd.s32 s0, v30;
	v27 =	vld [tilespmem:$0x11230];
	[tilespmem:$0x1F3F0] =	vst v0;
	v49 =	vmul.f32 v9, v24;
	v63 =	vmul.f32 v8, v34  }
0x325: {  	v28 =	vld [tilespmem:$0x10C20];
	v16 =	vmovc v42;
	v1 =	vmul.f32 v7, v59;
	v42 =	vmul.f32 v10, v42;
	v41 =	vadd.f32 v39, v20  }
0x326: {  	v0 =	vmovc v48;
	v46 =	vmul.f32 v8, v38;
	v48 =	vmul.f32 v10, v48;
	v39 =	vld [tilespmem:$0x10C30];
	v47 =	vadd.f32 v63, v18  }
0x327: {  	v2 =	vmovc v40;
	v40 =	vld [tilespmem:$0x10D20];
	v53 =	vmul.f32 v4, v22;
	v8 =	vmul.f32 v8, v19;
	v62 =	vadd.f32 v42, v41  }
0x328: {  	v63 =	vmul.f32 v10, v61;
	v41 =	vld [tilespmem:$0x10D30];
	v47 =	vadd.f32 v48, v47;
	v46 =	vadd.f32 v46, v21  }
0x329: {  	v8 =	vadd.f32 v8, v27;
	v10 =	vmul.f32 v10, v29;
	v42 =	vld [tilespmem:$0x10E20];
	v62 =	vadd.f32 v43, v62  }
0x32a: {  	v43 =	vld [tilespmem:$0x10E30];
	v47 =	vadd.f32 v49, v47;
	v46 =	vadd.f32 v63, v46;
	v63 =	vmul.f32 v9, v28  }
0x32b: {  	v48 =	vld [tilespmem:$0x10F20];
	v8 =	vadd.f32 v10, v8;
	v9 =	vmul.f32 v9, v39;
	v10 =	vadd.f32 v44, v62  }
0x32c: {  	v49 =	vld [tilespmem:$0x10F30];
	v62 =	vmul.f32 v7, v40;
	v1 =	vadd.f32 v1, v47;
	v46 =	vadd.f32 v63, v46  }
0x32d: {  	v8 =	vadd.f32 v9, v8;
	v7 =	vmul.f32 v7, v41;
	v9 =	vadd.f32 v45, v10  }
0x32e: {  	v44 =	vld [tilespmem:$0x11020];
	v1 =	vadd.f32 v60, v1;
	v10 =	vadd.f32 v62, v46;
	v62 =	vmul.f32 v6, v42  }
0x32f: {  	v47 =	vld [tilespmem:$0x11030];
	v7 =	vadd.f32 v7, v8;
	v6 =	vmul.f32 v6, v43;
	v8 =	vadd.f32 v56, v9  }
0x330: {  	v46 =	vld [tilespmem:$0x11120];
	v1 =	vadd.f32 v58, v1;
	v9 =	vadd.f32 v62, v10;
	v10 =	vmul.f32 v5, v48  }
0x331: {  	v63 =	vld [tilespmem:$0x11130];
	v6 =	vadd.f32 v6, v7;
	v5 =	vmul.f32 v5, v49;
	v8 =	vadd.f32 v53, v8  }
0x332: {  	v1 =	vadd.f32 v55, v1;
	v9 =	vadd.f32 v10, v9  }
0x333: {  	v7 =	vld.idx.msk [tilespmem:v12+s20+$0x0], $0xffff;
	v10 =	vmul.f32 v4, v44;
	v5 =	vadd.f32 v5, v6;
	v6 =	vadd.f32 v50, v8  }
0x334: {  	v51 =	vadd.s32 s0, v31;
	v4 =	vmul.f32 v4, v47;
	v1 =	vadd.f32 v52, v1  }
0x335: {  	v25 =	vmul.f32 v11, v36;
	v8 =	vmul.f32 v3, v46;
	[tilespmem:$0x1F570] =	vst v6;
	v6 =	vadd.f32 v10, v9  }
0x336: {  	v54 =	vadd.s32 s0, v32;
	v3 =	vmul.f32 v3, v63;
	v9 =	vld.idx.msk [tilespmem:v14+s20+$0x0], $0xffff;
	[tilespmem:$0x1F580] =	vst v1;
	v1 =	vadd.f32 v4, v5  }
0x337: {  	v57 =	vmul.f32 v11, v34;
	v35 =	vmul.f32 v11, v38;
	v5 =	vadd.f32 v8, v6  }
0x338: {  	v10 =	vmul.f32 v7, v0;
	v4 =	vmul.f32 v11, v19;
	v1 =	vadd.f32 v3, v1  }
0x339: {  	v11 =	vmul.f32 v7, v61;
	v3 =	vmul.f32 v7, v16;
	[tilespmem:$0x1F5C0] =	vst v5;
	v5 =	vadd.f32 v25, v20  }
0x33a: {  	v8 =	vadd.f32 v35, v21;
	v4 =	vadd.f32 v4, v27;
	v6 =	vld.idx.msk [tilespmem:v51+s20+$0x0], $0xffff;
	[tilespmem:$0x1F5F0] =	vst v1  }
0x33b: {  	v7 =	vmul.f32 v7, v29;
	v1 =	vadd.f32 v57, v18;
	v3 =	vadd.f32 v3, v5;
	v5 =	vld.idx.msk [tilespmem:v54+s20+$0x0], $0xffff  }
0x33c: {  	v8 =	vadd.f32 v11, v8;
	v12 =	vmul.f32 v9, v13  }
0x33d: {  	v4 =	vadd.f32 v7, v4;
	v1 =	vadd.f32 v10, v1;
	v10 =	vmul.f32 v9, v24  }
0x33e: {  	v7 =	vmul.f32 v9, v28;
	v9 =	vmul.f32 v9, v39;
	v3 =	vadd.f32 v12, v3  }
0x33f: {  	v1 =	vadd.f32 v10, v1;
	v11 =	vmul.f32 v6, v15;
	v10 =	vmul.f32 v6, v59  }
0x340: {  	v4 =	vadd.f32 v9, v4;
	v9 =	vmul.f32 v5, v2  }
0x341: {  	v3 =	vadd.f32 v11, v3;
	v1 =	vadd.f32 v10, v1;
	v10 =	vmul.f32 v5, v17;
	_ =	sdelay $0x1  }
0x342: {  	v3 =	vadd.f32 v9, v3;
	v9 =	vadd.f32 v10, v1;
	v1 =	vld [tilespmem:$0x1F3E0];
	_ =	sdelay $0x2  }
0x343: {  	v7 =	vadd.f32 v7, v8;
	v8 =	vmul.f32 v6, v40  }
0x344: {  	v6 =	vmul.f32 v6, v41  }
0x345: {  	v7 =	vadd.f32 v8, v7  }
0x346: {  	v8 =	vmul.f32 v5, v42;
	v4 =	vadd.f32 v6, v4;
	v5 =	vmul.f32 v5, v43  }
0x347: {  	v22 =	vadd.s32 s0, v33  }
0x348: {  	v4 =	vadd.f32 v5, v4;
	v5 =	vld.idx.msk [tilespmem:v1+s20+$0x0], $0xffff  }
0x349: {  	v1 =	vld [tilespmem:$0x1F3F0];
	_ =	sdelay $0x1  }
0x34a: {  	v53 =	vmov v17;
	v17 =	vld [tilespmem:$0x1FF30]  }
0x34b: {  	v12 =	vld.idx.msk [tilespmem:v22+s20+$0x0], $0xffff  }
0x34c: {  	v25 =	vmov v15;
	v15 =	vmov v2;
	v2 =	vld [tilespmem:$0x1F3C0];
	_ =	sdelay $0x1  }
0x34d: {  	s15 =	simm.s32 $0x120;
	s16 =	simm.s32 $0x1B0;
	v52 =	vmov v16;
	v16 =	vmov v0;
	v0 =	vld [tilespmem:$0x1F3D0];
	v7 =	vadd.f32 v8, v7  }
0x34e: {  	v60 =	vmovc v24;
	v24 =	vld [tilespmem:$0x1F400];
	v8 =	vadd.s32 s15, v17;
	v45 =	vadd.s32 s16, v17;
	v17 =	vadd.s32 s16, v31  }
0x34f: {  	v10 =	vadd.s32 s15, v26;
	v1 =	vld.idx.msk [tilespmem:v1+s20+$0x0], $0xffff;
	[tilespmem:$0x1F440] =	vst v17;
	v17 =	vadd.s32 s16, v32  }
0x350: {  	v6 =	vmul.f32 v12, v2  }
0x351: {  	v62 =	vmov v13;
	v13 =	vadd.s32 s15, v30;
	v22 =	vld [tilespmem:$0x1F420]  }
0x352: {  	v54 =	vadd.s32 s15, v37;
	v3 =	vadd.f32 v6, v3;
	v6 =	vmul.f32 v12, v48;
	[tilespmem:$0x1F450] =	vst v17;
	v17 =	vmovc v37;
	v37 =	vld [tilespmem:$0x1F410]  }
0x353: {  	v11 =	vmul.f32 v12, v0;
	v12 =	vmul.f32 v12, v49  }
0x354: {  	v6 =	vadd.f32 v6, v7;
	v7 =	vmul.f32 v5, v24;
	v10 =	vld.idx.msk [tilespmem:v10+s20+$0x0], $0xffff  }
0x355: {  	v14 =	vadd.s32 s16, v26;
	v4 =	vadd.f32 v12, v4;
	v8 =	vld.idx.msk [tilespmem:v8+s20+$0x0], $0xffff  }
0x356: {  	v26 =	vld [tilespmem:$0x1F430];
	v35 =	vmul.f32 v5, v44;
	v3 =	vadd.f32 v7, v3;
	v7 =	vmul.f32 v1, v22  }
0x357: {  	v12 =	vadd.s32 s15, v31;
	v58 =	vld.idx.msk [tilespmem:v13+s20+$0x0], $0xffff;
	v56 =	vmul.f32 v5, v37;
	v5 =	vmul.f32 v5, v47  }
0x358: {  	v55 =	vadd.s32 s15, v33;
	v51 =	vadd.s32 s15, v23;
	v3 =	vadd.f32 v7, v3  }
0x359: {  	v9 =	vadd.f32 v11, v9;
	v11 =	vadd.s32 s15, v32;
	v4 =	vadd.f32 v5, v4  }
0x35a: {  	v13 =	vadd.f32 v35, v6;
	v35 =	vmul.f32 v10, v36;
	v7 =	vmul.f32 v8, v52;
	[tilespmem:$0x1F680] =	vst v3  }
0x35b: {  	v3 =	vmul.f32 v10, v34;
	v9 =	vadd.f32 v56, v9;
	[tilespmem:$0x1F480] =	vst v4;
	v4 =	vmul.f32 v1, v26  }
0x35c: {  	v5 =	vadd.f32 v35, v20;
	v35 =	vmul.f32 v8, v16;
	v56 =	vmul.f32 v58, v39;
	v12 =	vld.idx.msk [tilespmem:v12+s20+$0x0], $0xffff  }
0x35d: {  	v3 =	vadd.f32 v3, v18;
	v4 =	vadd.f32 v4, v9;
	v9 =	vmul.f32 v10, v38  }
0x35e: {  	v6 =	vmovc v62;
	v5 =	vadd.f32 v7, v5;
	v7 =	vmul.f32 v58, v60;
	v10 =	vmul.f32 v10, v19  }
0x35f: {  	v3 =	vadd.f32 v35, v3;
	[tilespmem:$0x1F690] =	vst v4;
	v4 =	vmul.f32 v58, v62;
	v9 =	vadd.f32 v9, v21  }
0x360: {  	v62 =	vmul.f32 v8, v61;
	v10 =	vadd.f32 v10, v27;
	v8 =	vmul.f32 v8, v29;
	v11 =	vld.idx.msk [tilespmem:v11+s20+$0x0], $0xffff  }
0x361: {  	v3 =	vadd.f32 v7, v3;
	v7 =	vld.idx.msk [tilespmem:v55+s20+$0x0], $0xffff;
	v4 =	vadd.f32 v4, v5;
	v35 =	vmul.f32 v12, v25  }
0x362: {  	v9 =	vadd.f32 v62, v9;
	v8 =	vadd.f32 v8, v10;
	v10 =	vmul.f32 v58, v28  }
0x363: {  	v50 =	vadd.s32 s16, v30;
	v55 =	vmul.f32 v12, v59;
	v4 =	vadd.f32 v35, v4  }
0x364: {  	v54 =	vld.idx.msk [tilespmem:v54+s20+$0x0], $0xffff;
	v9 =	vadd.f32 v10, v9;
	v8 =	vadd.f32 v56, v8;
	v56 =	vmul.f32 v12, v40  }
0x365: {  	v3 =	vadd.f32 v55, v3;
	v12 =	vmul.f32 v12, v41;
	v10 =	vmul.f32 v11, v15  }
0x366: {  	v51 =	vld.idx.msk [tilespmem:v51+s20+$0x0], $0xffff;
	v55 =	vmul.f32 v11, v53;
	v9 =	vadd.f32 v56, v9;
	v56 =	vmul.f32 v7, v2  }
0x367: {  	v8 =	vadd.f32 v12, v8;
	v12 =	vmul.f32 v11, v42;
	v4 =	vadd.f32 v10, v4  }
0x368: {  	v11 =	vmul.f32 v11, v43;
	v3 =	vadd.f32 v55, v3;
	v55 =	vmul.f32 v7, v0  }
0x369: {  	v9 =	vadd.f32 v12, v9;
	v12 =	vmul.f32 v54, v24;
	v4 =	vadd.f32 v56, v4  }
0x36a: {  	v8 =	vadd.f32 v11, v8;
	v11 =	vmul.f32 v7, v48;
	v7 =	vmul.f32 v7, v49  }
0x36b: {  	v3 =	vadd.f32 v55, v3;
	v55 =	vmul.f32 v51, v22;
	v4 =	vadd.f32 v12, v4  }
0x36c: {  	v62 =	vmovc v59;
	v59 =	vmul.f32 v54, v37;
	v9 =	vadd.f32 v11, v9;
	v11 =	vmul.f32 v54, v44  }
0x36d: {  	v14 =	vld.idx.msk [tilespmem:v14+s20+$0x0], $0xffff;
	v7 =	vadd.f32 v7, v8;
	v8 =	vmul.f32 v54, v47;
	v4 =	vadd.f32 v55, v4  }
0x36e: {  	v54 =	vmul.f32 v51, v26;
	v3 =	vadd.f32 v59, v3;
	v9 =	vadd.f32 v11, v9;
	v11 =	vld [tilespmem:$0x1F440]  }
0x36f: {  	v35 =	vmov v15;
	v15 =	vld.idx.msk [tilespmem:v45+s20+$0x0], $0xffff;
	[tilespmem:$0x1F600] =	vst v4;
	v4 =	vadd.f32 v8, v7;
	v7 =	vmul.f32 v51, v63  }
0x370: {  	v3 =	vadd.f32 v54, v3  }
0x371: {  	v45 =	vmul.f32 v51, v46;
	v4 =	vadd.f32 v7, v4  }
0x372: {  	v58 =	vmul.f32 v14, v36;
	v50 =	vld.idx.msk [tilespmem:v50+s20+$0x0], $0xffff;
	[tilespmem:$0x1F610] =	vst v3  }
0x373: {  	v3 =	vadd.f32 v45, v9;
	[tilespmem:$0x1F660] =	vst v4;
	v4 =	vmul.f32 v1, v46  }
0x374: {  	v12 =	vmul.f32 v14, v34;
	v8 =	vmul.f32 v14, v38;
	v9 =	vadd.f32 v58, v20  }
0x375: {  	[tilespmem:$0x1F630] =	vst v3;
	v3 =	vmul.f32 v14, v19;
	v14 =	vmul.f32 v15, v52;
	v4 =	vadd.f32 v4, v13  }
0x376: {  	v7 =	vadd.f32 v12, v18;
	v12 =	vld.idx.msk [tilespmem:v11+s20+$0x0], $0xffff  }
0x377: {  	[tilespmem:$0x1F6A0] =	vst v4;
	v4 =	vadd.f32 v14, v9;
	v9 =	vld [tilespmem:$0x1F450];
	_ =	sdelay $0x1  }
0x378: {  	v57 =	vadd.s32 s16, v17;
	v59 =	vmov v16;
	v51 =	vmul.f32 v15, v16;
	v16 =	vld [tilespmem:$0x1FF30];
	_ =	sdelay $0x1  }
0x379: {  	v45 =	vmovc v52;
	v52 =	vmul.f32 v15, v61;
	v15 =	vmul.f32 v15, v29;
	v3 =	vadd.f32 v3, v27  }
0x37a: {  	v5 =	vadd.s32 s16, v33;
	v10 =	vadd.s32 s16, v23;
	v58 =	vld [tilespmem:$0x1FF50];
	v8 =	vadd.f32 v8, v21  }
0x37b: {  	s17 =	simm.s32 $0x240;
	v7 =	vadd.f32 v51, v7;
	v3 =	vadd.f32 v15, v3;
	v15 =	vmul.f32 v50, v39  }
0x37c: {  	v56 =	vmovc v6;
	v1 =	vmul.f32 v1, v63;
	v6 =	vmul.f32 v50, v6;
	v51 =	vld.idx.msk [tilespmem:v57+s20+$0x0], $0xffff;
	v57 =	vadd.s32 s17, v16  }
0x37d: {  	v8 =	vadd.f32 v52, v8;
	v14 =	vmul.f32 v50, v60;
	v3 =	vadd.f32 v15, v3;
	v9 =	vld.idx.msk [tilespmem:v9+s20+$0x0], $0xffff  }
0x37e: {  	v4 =	vadd.f32 v6, v4;
	v6 =	vmul.f32 v50, v28;
	v55 =	vmul.f32 v12, v25  }
0x37f: {  	v5 =	vld.idx.msk [tilespmem:v5+s20+$0x0], $0xffff;
	v15 =	vadd.s32 s17, v58;
	v7 =	vadd.f32 v14, v7;
	v14 =	vmul.f32 v12, v62  }
0x380: {  	v6 =	vadd.f32 v6, v8;
	v8 =	vmul.f32 v12, v40;
	v4 =	vadd.f32 v55, v4  }
0x381: {  	v7 =	vadd.f32 v14, v7;
	v12 =	vmul.f32 v12, v41;
	v54 =	vld.idx.msk [tilespmem:v57+s20+$0x0], $0xffff;
	v57 =	vmul.f32 v51, v44  }
0x382: {  	v6 =	vadd.f32 v8, v6;
	v14 =	vmul.f32 v9, v35;
	v50 =	vmul.f32 v9, v53  }
0x383: {  	v3 =	vadd.f32 v12, v3;
	v8 =	vmul.f32 v9, v42;
	v9 =	vmul.f32 v9, v43  }
0x384: {  	v4 =	vadd.f32 v14, v4;
	v14 =	vmul.f32 v5, v2;
	v7 =	vadd.f32 v50, v7  }
0x385: {  	v11 =	vmovc v25;
	v13 =	vld [tilespmem:$0x1F480];
	v6 =	vadd.f32 v8, v6;
	v3 =	vadd.f32 v9, v3;
	v9 =	vmul.f32 v5, v48  }
0x386: {  	v25 =	vmovc v2;
	v2 =	vld.idx.msk [tilespmem:v10+s20+$0x0], $0xffff;
	v10 =	vmul.f32 v5, v0;
	v8 =	vadd.s32 s17, v30;
	v5 =	vmul.f32 v5, v49  }
0x387: {  	v4 =	vadd.f32 v14, v4;
	v6 =	vadd.f32 v9, v6;
	v9 =	vmul.f32 v51, v24  }
0x388: {  	v14 =	vld.idx.msk [tilespmem:v15+s20+$0x0], $0xffff;
	v15 =	vmul.f32 v51, v37;
	v3 =	vadd.f32 v5, v3;
	v51 =	vmul.f32 v51, v47  }
0x389: {  	v7 =	vadd.f32 v10, v7  }
0x38a: {  	v52 =	vadd.f32 v1, v13;
	v5 =	vadd.s32 s17, v31;
	v3 =	vadd.f32 v51, v3  }
0x38b: {  	v4 =	vadd.f32 v9, v4;
	v7 =	vadd.f32 v15, v7;
	v9 =	vmul.f32 v2, v22  }
0x38c: {  	v6 =	vadd.f32 v57, v6;
	v8 =	vld.idx.msk [tilespmem:v8+s20+$0x0], $0xffff;
	[tilespmem:$0x1F460] =	vst v3;
	v3 =	vmul.f32 v2, v26  }
0x38d: {  	v15 =	vmul.f32 v14, v36;
	v57 =	vmul.f32 v14, v34;
	v4 =	vadd.f32 v9, v4  }
0x38e: {  	v13 =	vmul.f32 v54, v59;
	v10 =	vadd.s32 s17, v32;
	v3 =	vadd.f32 v3, v7  }
0x38f: {  	v9 =	vmul.f32 v54, v45;
	[tilespmem:$0x1F470] =	vst v4;
	v4 =	vadd.f32 v15, v20;
	v1 =	vadd.f32 v57, v18  }
0x390: {  	v7 =	vadd.s32 s17, v17;
	v15 =	vadd.s32 s17, v33;
	v5 =	vld.idx.msk [tilespmem:v5+s20+$0x0], $0xffff;
	[tilespmem:$0x1F490] =	vst v3;
	v3 =	vmul.f32 v14, v38  }
0x391: {  	v4 =	vadd.f32 v9, v4;
	v9 =	vmul.f32 v8, v56;
	v1 =	vadd.f32 v13, v1  }
0x392: {  	v13 =	vmul.f32 v14, v19;
	v14 =	vmul.f32 v54, v61;
	v3 =	vadd.f32 v3, v21  }
0x393: {  	v54 =	vmul.f32 v54, v29;
	v4 =	vadd.f32 v9, v4;
	v9 =	vld.idx.msk [tilespmem:v10+s20+$0x0], $0xffff;
	v10 =	vmul.f32 v8, v60  }
0x394: {  	v13 =	vadd.f32 v13, v27;
	v3 =	vadd.f32 v14, v3;
	v14 =	vmul.f32 v8, v28  }
0x395: {  	v12 =	vmovc v0;
	v0 =	vmov v45;
	v8 =	vmul.f32 v8, v39;
	v45 =	vmul.f32 v5, v11  }
0x396: {  	v1 =	vadd.f32 v10, v1;
	v10 =	vld.idx.msk [tilespmem:v15+s20+$0x0], $0xffff;
	v13 =	vadd.f32 v54, v13;
	v15 =	vadd.s32 s17, v23  }
0x397: {  	v54 =	vmul.f32 v5, v62;
	v3 =	vadd.f32 v14, v3;
	v4 =	vadd.f32 v45, v4  }
0x398: {  	v55 =	vmovc v53;
	v45 =	vmul.f32 v5, v40;
	v8 =	vadd.f32 v8, v13;
	v5 =	vmul.f32 v5, v41  }
0x399: {  	v7 =	vld.idx.msk [tilespmem:v7+s20+$0x0], $0xffff;
	v1 =	vadd.f32 v54, v1;
	v14 =	vmul.f32 v9, v35;
	v13 =	vmul.f32 v9, v55  }
0x39a: {  	v3 =	vadd.f32 v45, v3;
	v5 =	vadd.f32 v5, v8  }
0x39b: {  	s18 =	simm.s32 $0x2D0;
	v4 =	vadd.f32 v14, v4;
	v1 =	vadd.f32 v13, v1;
	v13 =	vmul.f32 v10, v25  }
0x39c: {  	v14 =	vadd.s32 s18, v58;
	v8 =	vmul.f32 v10, v12;
	v58 =	vmul.f32 v9, v42  }
0x39d: {  	v9 =	vmul.f32 v9, v43;
	v4 =	vadd.f32 v13, v4  }
0x39e: {  	v15 =	vld.idx.msk [tilespmem:v15+s20+$0x0], $0xffff;
	v13 =	vmul.f32 v7, v24;
	v3 =	vadd.f32 v58, v3;
	v1 =	vadd.f32 v8, v1  }
0x39f: {  	v8 =	vmul.f32 v10, v48;
	v5 =	vadd.f32 v9, v5;
	v9 =	vmul.f32 v7, v37  }
0x3a0: {  	v10 =	vmul.f32 v10, v49;
	v4 =	vadd.f32 v13, v4;
	v13 =	vadd.s32 s18, v16  }
0x3a1: {  	v3 =	vadd.f32 v8, v3;
	v1 =	vadd.f32 v9, v1;
	v8 =	vld.idx.msk [tilespmem:v14+s20+$0x0], $0xffff;
	[tilespmem:$0x1F4A0] =	vst v44  }
0x3a2: {  	v9 =	vmul.f32 v7, v44;
	v5 =	vadd.f32 v10, v5;
	v7 =	vmul.f32 v7, v47;
	[tilespmem:$0x1F4B0] =	vst v47  }
0x3a3: {  	v51 =	vmov v11;
	v14 =	vmul.f32 v15, v22;
	v10 =	vmul.f32 v15, v26;
	[tilespmem:$0x1F4C0] =	vst v46  }
0x3a4: {  	v11 =	vld [tilespmem:$0x1FFA0];
	[tilespmem:$0x1F4D0] =	vst v36;
	v3 =	vadd.f32 v9, v3;
	v9 =	vmul.f32 v15, v46;
	v5 =	vadd.f32 v7, v5  }
0x3a5: {  	v7 =	vmul.f32 v15, v63;
	v37 =	vadd.f32 v14, v4;
	v14 =	vadd.s32 s18, v30;
	v15 =	vld.idx.msk [tilespmem:v13+s20+$0x0], $0xffff;
	[tilespmem:$0x1F4E0] =	vst v34  }
0x3a6: {  	[tilespmem:$0x1F4F0] =	vst v38  }
0x3a7: {  	[tilespmem:$0x1F500] =	vst v19  }
0x3a8: {  	[tilespmem:$0x1F510] =	vst v20  }
0x3a9: {  	v45 =	vadd.f32 v10, v1;
	v10 =	vmul.f32 v2, v46;
	[tilespmem:$0x1F520] =	vst v18  }
0x3aa: {  	s28 =	simm.s32 $0x0;
	v22 =	vadd.s32 $0x8, v11;
	v14 =	vld.idx.msk [tilespmem:v14+s20+$0x0], $0xffff  }
0x3ab: {  	v24 =	vadd.f32 v10, v6;
	v10 =	vadd.s32 s28, v22;
	[tilespmem:$0x1F530] =	vst v0;
	v4 =	vmul.f32 v15, v0;
	v0 =	vld [tilespmem:$0x1F570];
	_ =	sdelay $0x1  }
0x3ac: {  	[tilespmem:$0x1F540] =	vst v59  }
0x3ad: {  	[tilespmem:$0x1F550] =	vst v21  }
0x3ae: {  	[tilespmem:$0x1F560] =	vst v61  }
0x3af: {  	v46 =	vadd.s32 $0x9, v11;
	[tilespmem:v10+s21+$0x0] =	vst.idx.msk $0xffff, v0  }
0x3b0: {  	v44 =	vadd.f32 v9, v3;
	v9 =	vadd.s32 s28, v46;
	v0 =	vld [tilespmem:$0x1F580];
	_ =	sdelay $0x2  }
0x3b1: {  	v16 =	vadd.f32 v7, v5;
	v3 =	vmul.f32 v8, v36;
	v5 =	vmul.f32 v8, v34  }
0x3b2: {  	v6 =	vmul.f32 v8, v38;
	v38 =	vmul.f32 v8, v19;
	v8 =	vadd.s32 s18, v31  }
0x3b3: {  	v7 =	vadd.f32 v3, v20;
	v20 =	vadd.s32 $0xA, v11;
	[tilespmem:v9+s21+$0x0] =	vst.idx.msk $0xffff, v0  }
0x3b4: {  	v57 =	vmov v12;
	v12 =	vadd.s32 s28, v20;
	v0 =	vld [tilespmem:$0x1F5C0];
	_ =	sdelay $0x1  }
0x3b5: {  	[tilespmem:$0x1F590] =	vst v27  }
0x3b6: {  	v53 =	vmov v56;
	v8 =	vld.idx.msk [tilespmem:v8+s20+$0x0], $0xffff;
	[tilespmem:$0x1F5A0] =	vst v29  }
0x3b7: {  	[tilespmem:$0x1F5B0] =	vst v53  }
0x3b8: {  	v13 =	vadd.s32 $0xB, v11;
	[tilespmem:v12+s21+$0x0] =	vst.idx.msk $0xffff, v0  }
0x3b9: {  	v11 =	vadd.s32 s28, v13;
	v0 =	vld [tilespmem:$0x1F5F0];
	_ =	sdelay $0x2  }
0x3ba: {  	[tilespmem:$0x1F5D0] =	vst v60  }
0x3bb: {  	v5 =	vadd.f32 v5, v18;
	v3 =	vmul.f32 v15, v59;
	[tilespmem:$0x1F5E0] =	vst v28  }
0x3bc: {  	s3 =	simm.s32 $0x220;
	[tilespmem:v11+s21+$0x0] =	vst.idx.msk $0xffff, v0  }
0x3bd: {  	v47 =	vadd.f32 v3, v5;
	v5 =	vadd.s32 s3, v22;
	v0 =	vld [tilespmem:$0x1F600];
	_ =	sdelay $0x4  }
0x3be: {  	[tilespmem:v5+s21+$0x0] =	vst.idx.msk $0xffff, v0  }
0x3bf: {  	v4 =	vadd.f32 v4, v7;
	v7 =	vadd.s32 s3, v46;
	v0 =	vld [tilespmem:$0x1F610];
	_ =	sdelay $0x4  }
0x3c0: {  	[tilespmem:v7+s21+$0x0] =	vst.idx.msk $0xffff, v0  }
0x3c1: {  	v10 =	vadd.s32 s3, v20;
	v0 =	vld [tilespmem:$0x1F630];
	_ =	sdelay $0x3  }
0x3c2: {  	[tilespmem:$0x1F620] =	vst v39  }
0x3c3: {  	[tilespmem:v10+s21+$0x0] =	vst.idx.msk $0xffff, v0  }
0x3c4: {  	v12 =	vadd.s32 s3, v13;
	v0 =	vld [tilespmem:$0x1F660];
	_ =	sdelay $0x1  }
0x3c5: {  	v6 =	vadd.f32 v6, v21;
	v1 =	vmul.f32 v15, v61  }
0x3c6: {  	[tilespmem:$0x1F640] =	vst v51  }
0x3c7: {  	v3 =	vadd.f32 v1, v6;
	v1 =	vmul.f32 v14, v28;
	[tilespmem:$0x1F650] =	vst v62  }
0x3c8: {  	s29 =	simm.s32 $0x110;
	[tilespmem:v12+s21+$0x0] =	vst.idx.msk $0xffff, v0  }
0x3c9: {  	v1 =	vadd.f32 v1, v3;
	v3 =	vadd.s32 s29, v22;
	v0 =	vld [tilespmem:$0x1F680];
	_ =	sdelay $0x3  }
0x3ca: {  	[tilespmem:$0x1F670] =	vst v40  }
0x3cb: {  	[tilespmem:v3+s21+$0x0] =	vst.idx.msk $0xffff, v0  }
0x3cc: {  	v11 =	vadd.s32 s29, v46;
	v0 =	vld [tilespmem:$0x1F690];
	_ =	sdelay $0x2  }
0x3cd: {  	v6 =	vadd.f32 v38, v27;
	v9 =	vmul.f32 v15, v29  }
0x3ce: {  	v58 =	vmul.f32 v14, v60  }
0x3cf: {  	v15 =	vmul.f32 v14, v53;
	v6 =	vadd.f32 v9, v6;
	[tilespmem:v11+s21+$0x0] =	vst.idx.msk $0xffff, v0  }
0x3d0: {  	v9 =	vadd.s32 s18, v32;
	v7 =	vmul.f32 v14, v39;
	v14 =	vadd.s32 s29, v20;
	v0 =	vld [tilespmem:$0x1F6A0]  }
0x3d1: {  	s30 =	simm.s32 $0x440;
	v59 =	vmul.f32 v8, v62;
	v10 =	vadd.s32 s18, v33  }
0x3d2: {  	v5 =	vadd.f32 v58, v47;
	v60 =	vadd.f32 v7, v6;
	v6 =	vadd.s32 s30, v22;
	_ =	sdelay $0x1  }
0x3d3: {  	v61 =	vadd.f32 v59, v5;
	v5 =	vadd.s32 s30, v46  }
0x3d4: {  	v12 =	vmul.f32 v8, v40;
	v9 =	vld.idx.msk [tilespmem:v9+s20+$0x0], $0xffff;
	[tilespmem:v14+s21+$0x0] =	vst.idx.msk $0xffff, v0  }
0x3d5: {  	v7 =	vld.idx.msk [tilespmem:v10+s20+$0x0], $0xffff;
	[tilespmem:$0x1F6B0] =	vst v41  }
0x3d6: {  	v62 =	vadd.f32 v12, v1;
	v12 =	vadd.s32 s30, v20;
	[tilespmem:v6+s21+$0x0] =	vst.idx.msk $0xffff, v37  }
0x3d7: {  	[tilespmem:$0x1F6C0] =	vst v63  }
0x3d8: {  	[tilespmem:v5+s21+$0x0] =	vst.idx.msk $0xffff, v45  }
0x3d9: {  	v50 =	vmov v35;
	[tilespmem:$0x1F6D0] =	vst v22  }
0x3da: {  	v4 =	vadd.f32 v15, v4;
	v15 =	vmul.f32 v8, v51;
	v11 =	vadd.s32 s30, v13;
	[tilespmem:$0x1F6E0] =	vst v50  }
0x3db: {  	s31 =	simm.s32 $0x330;
	v26 =	vadd.s32 s29, v13;
	[tilespmem:v12+s21+$0x0] =	vst.idx.msk $0xffff, v44  }
0x3dc: {  	v35 =	vmovc v55;
	v21 =	vadd.s32 s31, v22;
	v34 =	vadd.s32 s31, v20;
	v4 =	vadd.f32 v15, v4;
	[tilespmem:$0x1F6F0] =	vst v46  }
0x3dd: {  	v3 =	vmul.f32 v8, v41;
	v8 =	vmul.f32 v9, v50;
	v6 =	vadd.s32 s18, v17;
	[tilespmem:$0x1F700] =	vst v35  }
0x3de: {  	v27 =	vadd.s32 s31, v13;
	v28 =	vmul.f32 v2, v63;
	v2 =	vadd.s32 s18, v23;
	[tilespmem:$0x1F710] =	vst v42  }
0x3df: {  	v29 =	vadd.s32 s31, v46;
	v1 =	vmul.f32 v7, v25;
	v15 =	vadd.f32 v8, v4;
	[tilespmem:v11+s21+$0x0] =	vst.idx.msk $0xffff, v16  }
0x3e0: {  	v10 =	vadd.f32 v3, v60;
	v14 =	vmul.f32 v9, v42;
	v12 =	vmul.f32 v9, v35;
	[tilespmem:$0x1F720] =	vst v20  }
0x3e1: {  	s0 =	simm.s32 $0x550;
	v1 =	vadd.f32 v1, v15;
	v15 =	vmul.f32 v7, v48;
	v11 =	vmul.f32 v9, v43;
	[tilespmem:$0x1F730] =	vst v43  }
0x3e2: {  	v3 =	vadd.s32 s0, v22;
	v4 =	vadd.f32 v14, v62;
	v9 =	vadd.f32 v12, v61;
	v12 =	vld.idx.msk [tilespmem:v6+s20+$0x0], $0xffff;
	[tilespmem:$0x1F740] =	vst v13  }
0x3e3: {  	v8 =	vadd.s32 s0, v20;
	v14 =	vmul.f32 v7, v57;
	v10 =	vadd.f32 v11, v10;
	v11 =	vld.idx.msk [tilespmem:v2+s20+$0x0], $0xffff;
	[tilespmem:$0x1F750] =	vst v48  }
0x3e4: {  	s13 =	simm.s32 $0x3F0;
	s1 =	simm.s32 $0x4;
	v7 =	vmul.f32 v7, v49;
	v5 =	vadd.s32 s0, v46;
	v6 =	vadd.s32 s0, v13;
	[tilespmem:$0x1F760] =	vst v49  }
.LBB2_11:
0x3e5: {  	v0 =	vld [tilespmem:$0x1FF50]  }
0x3e6: {  	v2 =	vld [tilespmem:$0x1FF30]  }
0x3e7: {  	v19 =	vld [tilespmem:$0x1F470]  }
0x3e8: {  	v22 =	vld [tilespmem:$0x1FF40]  }
0x3e9: {  	v47 =	vld [tilespmem:$0x1F410]  }
0x3ea: {  	v55 =	vld [tilespmem:$0x1F4A0]  }
0x3eb: {  	v59 =	vld [tilespmem:$0x1F4B0]  }
0x3ec: {  	v58 =	vld [tilespmem:$0x1F4C0]  }
0x3ed: {  	v56 =	vld [tilespmem:$0x1F6C0]  }
0x3ee: {  	v40 =	vld [tilespmem:$0x1F4E0]  }
0x3ef: {  	v49 =	vld [tilespmem:$0x1F3C0]  }
0x3f0: {  	v57 =	vld [tilespmem:$0x1F3D0]  }
0x3f1: {  	v45 =	vld [tilespmem:$0x1F6E0]  }
0x3f2: {  	v62 =	vld [tilespmem:$0x1F6D0]  }
0x3f3: {  	[tilespmem:v21+s21+$0x0] =	vst.idx.msk $0xffff, v19;
	v21 =	vld [tilespmem:$0x1F490]  }
0x3f4: {  	v48 =	vld [tilespmem:$0x1F640]  }
0x3f5: {  	v46 =	vld [tilespmem:$0x1F5B0]  }
0x3f6: {  	v13 =	vmov v8;
	v61 =	vld [tilespmem:$0x1F510]  }
0x3f7: {  	s3 =	sadd.s32 $0xFFFFFF70, s13;
	[tilespmem:$0x1F360] =	vst v13;
	v13 =	vld [tilespmem:$0x1FF60]  }
0x3f8: {  	v7 =	vadd.f32 v7, v10;
	v10 =	vmovc v6;
	v38 =	vadd.s32 s13, v31;
	v6 =	vadd.s32 s3, v31;
	v31 =	vld [tilespmem:$0x1F400];
	[tilespmem:v29+s21+$0x0] =	vst.idx.msk $0xffff, v21  }
0x3f9: {  	v25 =	vmovc v3;
	v44 =	vld [tilespmem:$0x1F530];
	v3 =	vadd.s32 s3, v23;
	v23 =	vmov v5;
	v5 =	vadd.s32 s3, v22;
	[tilespmem:v34+s21+$0x0] =	vst.idx.msk $0xffff, v24  }
0x3fa: {  	[tilespmem:v26+s21+$0x0] =	vst.idx.msk $0xffff, v52;
	v26 =	vld [tilespmem:$0x1F420]  }
0x3fb: {  	v50 =	vld [tilespmem:$0x1F520];
	v9 =	vadd.f32 v14, v9;
	v4 =	vadd.f32 v15, v4;
	v51 =	vmul.f32 v12, v55  }
0x3fc: {  	v16 =	vadd.s32 s13, v0;
	[tilespmem:$0x1F330] =	vst v23;
	v15 =	vmul.f32 v12, v47;
	v23 =	vadd.s32 s13, v13;
	v13 =	vmovc v27;
	v27 =	vld [tilespmem:$0x1F430]  }
0x3fd: {  	[tilespmem:$0x1F340] =	vst v13;
	v13 =	vmul.f32 v12, v31;
	v6 =	vld.idx.msk [tilespmem:v6+s20+$0x0], $0xffff;
	v24 =	vadd.s32 s3, v0;
	v0 =	vadd.f32 v51, v4  }
0x3fe: {  	v9 =	vadd.f32 v15, v9;
	v12 =	vmul.f32 v12, v59;
	v5 =	vld.idx.msk [tilespmem:v5+s20+$0x0], $0xffff  }
0x3ff: {  	v53 =	vld [tilespmem:$0x1F590];
	v60 =	vadd.f32 v13, v1;
	[tilespmem:$0x1F380] =	vst v0;
	v0 =	vmul.f32 v11, v58;
	v15 =	vmul.f32 v11, v26  }
0x400: {  	v17 =	vadd.s32 s13, v2;
	v4 =	vadd.f32 v12, v7;
	v7 =	vadd.s32 s3, v2;
	v2 =	vld [tilespmem:$0x1F4F0]  }
0x401: {  	v52 =	vld [tilespmem:$0x1F550];
	[tilespmem:$0x1F390] =	vst v0;
	v0 =	vadd.f32 v15, v60  }
0x402: {  	[tilespmem:$0x1F350] =	vst v10;
	v12 =	vmul.f32 v11, v27;
	v10 =	vld.idx.msk [tilespmem:v16+s20+$0x0], $0xffff  }
0x403: {  	v16 =	vadd.s32 s3, v30;
	[tilespmem:$0x1F470] =	vst v0;
	v0 =	vld [tilespmem:$0x1F460]  }
0x404: {  	v1 =	vadd.f32 v12, v9;
	v9 =	vld.idx.msk [tilespmem:v24+s20+$0x0], $0xffff  }
0x405: {  	v13 =	vmul.f32 v11, v56;
	v11 =	vld [tilespmem:$0x1F4D0]  }
0x406: {  	v21 =	vadd.s32 s13, v33;
	v60 =	vld [tilespmem:$0x1F500]  }
0x407: {  	[tilespmem:$0x1F3B0] =	vst v13;
	v13 =	vld [tilespmem:$0x1F650]  }
0x408: {  	v22 =	vadd.s32 s13, v22;
	v15 =	vld.idx.msk [tilespmem:v16+s20+$0x0], $0xffff;
	v28 =	vadd.f32 v28, v0  }
0x409: {  	[tilespmem:$0x1F3A0] =	vst v25;
	v24 =	vmul.f32 v10, v2;
	v43 =	vmul.f32 v9, v2;
	v2 =	vld [tilespmem:$0x1F540]  }
0x40a: {  	v25 =	vmul.f32 v10, v40;
	v16 =	vmul.f32 v10, v11;
	[tilespmem:$0x1F370] =	vst v28;
	v28 =	vld.idx.msk [tilespmem:v7+s20+$0x0], $0xffff  }
0x40b: {  	v20 =	vadd.s32 s13, v32;
	v11 =	vmul.f32 v9, v11;
	v10 =	vmul.f32 v10, v60;
	v7 =	vld.idx.msk [tilespmem:v21+s20+$0x0], $0xffff  }
0x40c: {  	v8 =	vadd.s32 s3, v33;
	v21 =	vmul.f32 v9, v40;
	v9 =	vmul.f32 v9, v60;
	v60 =	vld [tilespmem:$0x1F560]  }
0x40d: {  	v12 =	vld.idx.msk [tilespmem:v22+s20+$0x0], $0xffff  }
0x40e: {  	v18 =	vadd.s32 s13, v30;
	v30 =	vmul.f32 v5, v47;
	v47 =	vld [tilespmem:$0x1F5D0]  }
0x40f: {  	v14 =	vadd.s32 s3, v32;
	v22 =	vadd.f32 v11, v61;
	v11 =	vld.idx.msk [tilespmem:v23+s20+$0x0], $0xffff;
	v0 =	vmovc v4;
	v42 =	vmul.f32 v28, v44  }
0x410: {  	v4 =	vld.idx.msk [tilespmem:v20+s20+$0x0], $0xffff;
	v20 =	vmul.f32 v15, v46;
	v21 =	vadd.f32 v21, v50;
	v23 =	vmul.f32 v28, v2  }
0x411: {  	v8 =	vld.idx.msk [tilespmem:v8+s20+$0x0], $0xffff;
	v22 =	vadd.f32 v42, v22;
	v42 =	vadd.f32 v43, v52;
	v43 =	vmul.f32 v28, v60  }
0x412: {  	v51 =	vld [tilespmem:$0x1F5A0];
	v21 =	vadd.f32 v23, v21  }
0x413: {  	v40 =	vmul.f32 v15, v47;
	v20 =	vadd.f32 v20, v22;
	v22 =	vadd.f32 v43, v42;
	v42 =	vld [tilespmem:$0x1F5E0]  }
0x414: {  	v14 =	vld.idx.msk [tilespmem:v14+s20+$0x0], $0xffff;
	v36 =	vmul.f32 v6, v48  }
0x415: {  	v37 =	vmul.f32 v6, v13;
	v21 =	vadd.f32 v40, v21;
	v40 =	vld [tilespmem:$0x1F620]  }
0x416: {  	v20 =	vadd.f32 v36, v20;
	v36 =	vld [tilespmem:$0x1F670]  }
0x417: {  	v21 =	vadd.f32 v37, v21;
	v37 =	vld [tilespmem:$0x1F6B0]  }
0x418: {  	v9 =	vadd.f32 v9, v53;
	v23 =	vmul.f32 v28, v51;
	v43 =	vld [tilespmem:$0x1F710];
	v28 =	vmul.f32 v15, v42  }
0x419: {  	v54 =	vld [tilespmem:$0x1F700];
	v33 =	vmul.f32 v14, v45  }
0x41a: {  	v9 =	vadd.f32 v23, v9;
	v15 =	vmul.f32 v15, v40;
	v22 =	vadd.f32 v28, v22;
	v28 =	vld [tilespmem:$0x1F730]  }
0x41b: {  	v63 =	vld [tilespmem:$0x1F6F0];
	v29 =	vmul.f32 v5, v31;
	v23 =	vmul.f32 v6, v36  }
0x41c: {  	v3 =	vld.idx.msk [tilespmem:v3+s20+$0x0], $0xffff;
	v31 =	vmul.f32 v8, v49;
	v9 =	vadd.f32 v15, v9;
	v6 =	vmul.f32 v6, v37  }
0x41d: {  	[tilespmem:$0x1F490] =	vst v1;
	v1 =	vld [tilespmem:$0x1F740];
	v15 =	vadd.f32 v33, v20;
	v20 =	vadd.f32 v23, v22;
	v22 =	vmul.f32 v14, v43  }
0x41e: {  	v35 =	vmul.f32 v14, v54;
	[tilespmem:$0x1F460] =	vst v0;
	v0 =	vld [tilespmem:$0x1F720];
	v6 =	vadd.f32 v6, v9  }
0x41f: {  	v9 =	vmul.f32 v14, v28;
	v14 =	vadd.f32 v31, v15;
	v15 =	vadd.f32 v22, v20;
	v22 =	vld [tilespmem:$0x1F750]  }
0x420: {  	s0 =	sadd.s32 $0x220, s0;
	v21 =	vadd.f32 v35, v21;
	v35 =	vld [tilespmem:$0x1F760]  }
0x421: {  	s31 =	sadd.s32 $0xFFFFFEF0, s0  }
0x422: {  	v34 =	vadd.s32 s31, v62;
	v27 =	vmul.f32 v3, v27  }
0x423: {  	v19 =	vld.idx.msk [tilespmem:v38+s20+$0x0], $0xffff;
	v38 =	vadd.s32 s31, v63;
	v32 =	vmul.f32 v8, v57;
	v26 =	vmul.f32 v3, v26  }
0x424: {  	v41 =	vadd.s32 s31, v1;
	v39 =	vadd.s32 s31, v0;
	v20 =	vmul.f32 v8, v22  }
0x425: {  	v21 =	vadd.f32 v32, v21;
	v6 =	vadd.f32 v9, v6;
	v8 =	vmul.f32 v8, v35  }
0x426: {  	v9 =	vadd.f32 v29, v14;
	v14 =	vadd.f32 v20, v15;
	v15 =	vmul.f32 v5, v55  }
0x427: {  	v20 =	vadd.f32 v30, v21;
	v6 =	vadd.f32 v8, v6;
	v5 =	vmul.f32 v5, v59  }
0x428: {  	v8 =	vadd.f32 v26, v9;
	v9 =	vadd.f32 v15, v14;
	v14 =	vmul.f32 v3, v58  }
0x429: {  	v17 =	vld.idx.msk [tilespmem:v17+s20+$0x0], $0xffff;
	v15 =	vadd.f32 v27, v20;
	v5 =	vadd.f32 v5, v6;
	v6 =	vmul.f32 v3, v56  }
0x42a: {  	[tilespmem:v34+s21+$0x0] =	vst.idx.msk $0xffff, v8;
	v8 =	vadd.f32 v14, v9  }
0x42b: {  	v18 =	vld.idx.msk [tilespmem:v18+s20+$0x0], $0xffff;
	[tilespmem:v38+s21+$0x0] =	vst.idx.msk $0xffff, v15;
	v6 =	vadd.f32 v6, v5  }
0x42c: {  	[tilespmem:v39+s21+$0x0] =	vst.idx.msk $0xffff, v8;
	v8 =	vadd.s32 s0, v0;
	v0 =	vld [tilespmem:$0x1F380]  }
0x42d: {  	[tilespmem:v41+s21+$0x0] =	vst.idx.msk $0xffff, v6;
	v6 =	vadd.s32 s0, v1;
	v1 =	vld [tilespmem:$0x1F390]  }
0x42e: {  	v10 =	vadd.f32 v10, v53;
	v21 =	vmul.f32 v17, v60  }
0x42f: {  	v3 =	vadd.s32 s0, v62;
	v20 =	vmul.f32 v17, v2;
	v14 =	vadd.f32 v25, v50  }
0x430: {  	v62 =	vmul.f32 v4, v54;
	v9 =	vadd.f32 v16, v61;
	v16 =	vmul.f32 v17, v44  }
0x431: {  	v32 =	vld [tilespmem:$0x1FF90];
	v15 =	vadd.f32 v24, v52;
	v17 =	vmul.f32 v17, v51;
	v14 =	vadd.f32 v20, v14  }
0x432: {  	v33 =	vld [tilespmem:$0x1FFB0];
	v24 =	vadd.f32 v1, v0;
	v1 =	vadd.f32 v16, v9;
	v9 =	vmul.f32 v18, v46  }
0x433: {  	v23 =	vld [tilespmem:$0x1FF60];
	v15 =	vadd.f32 v21, v15;
	v10 =	vadd.f32 v17, v10;
	v16 =	vmul.f32 v18, v47  }
0x434: {  	v31 =	vld [tilespmem:$0x1FF80];
	v17 =	vmul.f32 v18, v40;
	v1 =	vadd.f32 v9, v1;
	v9 =	vmul.f32 v18, v42  }
0x435: {  	v29 =	vld [tilespmem:$0x1F330];
	v5 =	vadd.s32 s0, v63;
	v14 =	vadd.f32 v16, v14;
	v16 =	vmul.f32 v19, v13  }
0x436: {  	s1 =	sadd.s32 $0x2, s1;
	v30 =	vld [tilespmem:$0x1FF70];
	v61 =	vmul.f32 v19, v48;
	v10 =	vadd.f32 v17, v10;
	v9 =	vadd.f32 v9, v15  }
0x437: {  	p0 =	slt.u32 s1, $0x3E;
	v26 =	vld [tilespmem:$0x1F340];
	v15 =	vmul.f32 v19, v36;
	v14 =	vadd.f32 v16, v14;
	v16 =	vmul.f32 v19, v37  }
.Ltmp4:
0x438: {  	v27 =	vld [tilespmem:$0x1F350];
	v63 =	vmul.f32 v4, v43;
	v17 =	vmul.f32 v4, v45;
	v1 =	vadd.f32 v61, v1;
	(pc) =	sbr.rel @p0 .LBB2_11-.Ltmp4, $4  }
0x439: {  	v34 =	vld [tilespmem:$0x1F360];
	v15 =	vadd.f32 v15, v9;
	v10 =	vadd.f32 v16, v10;
	v16 =	vmul.f32 v4, v28  }
0x43a: {  	v52 =	vld [tilespmem:$0x1F370];
	v1 =	vadd.f32 v17, v1;
	v17 =	vmul.f32 v7, v49;
	v9 =	vadd.f32 v62, v14  }
0x43b: {  	v21 =	vld [tilespmem:$0x1F3A0];
	v14 =	vmul.f32 v7, v57;
	v4 =	vadd.f32 v63, v15;
	v10 =	vadd.f32 v16, v10  }
0x43c: {  	s13 =	sadd.s32 $0x120, s13;
	v28 =	vld [tilespmem:$0x1F3B0];
	v1 =	vadd.f32 v17, v1;
	v15 =	vmul.f32 v7, v22;
	v7 =	vmul.f32 v7, v35  }
0x43d: {  	_ =	sdelay $0x1  }
0x43e: {  	v0 =	vld [tilespmem:$0x1F470];
	_ =	sdelay $0x4  }
0x43f: {  	[tilespmem:v21+s21+$0x0] =	vst.idx.msk $0xffff, v0  }
0x440: {  	v0 =	vld [tilespmem:$0x1F490];
	_ =	sdelay $0x4  }
0x441: {  	[tilespmem:v29+s21+$0x0] =	vst.idx.msk $0xffff, v0  }
0x442: {  	[tilespmem:v34+s21+$0x0] =	vst.idx.msk $0xffff, v24  }
0x443: {  	v0 =	vld [tilespmem:$0x1F4A0];
	_ =	sdelay $0x1  }
0x444: {  	v13 =	vld [tilespmem:$0x1F400];
	_ =	sdelay $0x1  }
0x445: {  	v7 =	vadd.f32 v7, v10;
	v10 =	vld [tilespmem:$0x1F410]  }
0x446: {  	v9 =	vadd.f32 v14, v9;
	v14 =	vmul.f32 v12, v0;
	v0 =	vld [tilespmem:$0x1F4B0];
	_ =	sdelay $0x1  }
0x447: {  	v13 =	vmul.f32 v12, v13;
	_ =	sdelay $0x1  }
0x448: {  	v1 =	vadd.f32 v13, v1;
	v13 =	vld [tilespmem:$0x1F420]  }
0x449: {  	v10 =	vmul.f32 v12, v10;
	v12 =	vmul.f32 v12, v0;
	v0 =	vld [tilespmem:$0x1F4C0];
	_ =	sdelay $0x2  }
0x44a: {  	v4 =	vadd.f32 v15, v4;
	v9 =	vadd.f32 v10, v9;
	v10 =	vld [tilespmem:$0x1F430]  }
0x44b: {  	[tilespmem:v26+s21+$0x0] =	vst.idx.msk $0xffff, v52  }
0x44c: {  	v4 =	vadd.f32 v14, v4;
	v13 =	vmul.f32 v11, v13;
	v14 =	vmul.f32 v11, v0;
	v0 =	vld [tilespmem:$0x1F6C0];
	_ =	sdelay $0x1  }
0x44d: {  	v1 =	vadd.f32 v13, v1  }
0x44e: {  	v10 =	vmul.f32 v11, v10  }
0x44f: {  	[tilespmem:v3+s21+$0x0] =	vst.idx.msk $0xffff, v1  }
0x450: {  	v9 =	vadd.f32 v10, v9;
	v10 =	vmul.f32 v11, v0;
	v0 =	vld [tilespmem:$0x1F460];
	_ =	sdelay $0x1  }
0x451: {  	v7 =	vadd.f32 v12, v7  }
0x452: {  	v4 =	vadd.f32 v14, v4  }
0x453: {  	[tilespmem:v5+s21+$0x0] =	vst.idx.msk $0xffff, v9;
	v3 =	vadd.f32 v10, v7  }
0x454: {  	[tilespmem:v8+s21+$0x0] =	vst.idx.msk $0xffff, v4;
	v1 =	vadd.f32 v28, v0  }
0x455: {  	[tilespmem:v6+s21+$0x0] =	vst.idx.msk $0xffff, v3  }
0x456: {  	[tilespmem:v27+s21+$0x0] =	vst.idx.msk $0xffff, v1  }
0x457: {  	v34 =	vld [tilespmem:$0x10A40]  }
0x458: {  	v42 =	vld [tilespmem:$0x10B40]  }
0x459: {  	v13 =	vld [tilespmem:$0x10C40]  }
0x45a: {  	v24 =	vld [tilespmem:$0x10D40]  }
0x45b: {  	v37 =	vld [tilespmem:$0x10E40]  }
0x45c: {  	v2 =	vld [tilespmem:$0x10F40]  }
0x45d: {  	v22 =	vld [tilespmem:$0x11040]  }
0x45e: {  	v18 =	vld [tilespmem:$0x11140]  }
0x45f: {  	v29 =	vld [tilespmem:$0x10A50]  }
0x460: {  	v48 =	vld [tilespmem:$0x10B50]  }
0x461: {  	v26 =	vld [tilespmem:$0x10C50]  }
0x462: {  	v57 =	vld [tilespmem:$0x10D50]  }
0x463: {  	v17 =	vld [tilespmem:$0x10E50]  }
0x464: {  	v16 =	vld [tilespmem:$0x10F50]  }
0x465: {  	v21 =	vld [tilespmem:$0x11050]  }
0x466: {  	v27 =	vld [tilespmem:$0x11150]  }
0x467: {  	v61 =	vld [tilespmem:$0x1FF50]  }
0x468: {  	s1 =	simm.s32 $0x0;
	v38 =	vld [tilespmem:$0x10A60];
	[tilespmem:$0x1EF80] =	vst v2  }
0x469: {  	v3 =	vadd.s32 s1, v23;
	v35 =	vld [tilespmem:$0x1FF40];
	[tilespmem:$0x1EFC0] =	vst v22  }
0x46a: {  	v5 =	vadd.s32 s1, v33;
	v36 =	vld [tilespmem:$0x10B60];
	[tilespmem:$0x1EFE0] =	vst v18  }
0x46b: {  	v6 =	vadd.s32 s1, v32;
	v19 =	vld [tilespmem:$0x10A70];
	[tilespmem:$0x1EF90] =	vst v16  }
0x46c: {  	v7 =	vadd.s32 s1, v31;
	v0 =	vld [tilespmem:$0x1FF30];
	[tilespmem:$0x1EFD0] =	vst v21  }
0x46d: {  	v9 =	vadd.s32 s1, v30;
	v20 =	vld [tilespmem:$0x11240];
	[tilespmem:$0x1EFF0] =	vst v27  }
0x46e: {  	v4 =	vadd.s32 s1, v35;
	v3 =	vld.idx.msk [tilespmem:v3+s20+$0x0], $0xffff  }
0x46f: {  	v8 =	vadd.s32 s1, v61;
	v5 =	vld.idx.msk [tilespmem:v5+s20+$0x0], $0xffff  }
0x470: {  	v6 =	vld.idx.msk [tilespmem:v6+s20+$0x0], $0xffff  }
0x471: {  	v10 =	vadd.s32 s1, v0;
	v7 =	vld.idx.msk [tilespmem:v7+s20+$0x0], $0xffff  }
0x472: {  	s0 =	simm.s32 $0x90;
	v9 =	vld.idx.msk [tilespmem:v9+s20+$0x0], $0xffff  }
0x473: {  	v1 =	vadd.s32 s0, v61;
	v4 =	vld.idx.msk [tilespmem:v4+s20+$0x0], $0xffff  }
0x474: {  	v8 =	vld.idx.msk [tilespmem:v8+s20+$0x0], $0xffff  }
0x475: {  	v28 =	vld [tilespmem:$0x10B70];
	v50 =	vmul.f32 v3, v18;
	v52 =	vmul.f32 v3, v27  }
0x476: {  	v12 =	vadd.s32 s0, v0;
	v10 =	vld.idx.msk [tilespmem:v10+s20+$0x0], $0xffff;
	v56 =	vmul.f32 v5, v2;
	v58 =	vmul.f32 v5, v16  }
0x477: {  	v0 =	vadd.s32 s0, v35;
	v18 =	vld [tilespmem:$0x11250];
	v44 =	vmul.f32 v6, v37;
	v60 =	vmul.f32 v6, v17  }
0x478: {  	v11 =	vld.idx.msk [tilespmem:v1+s20+$0x0], $0xffff;
	[tilespmem:$0x1EFA0] =	vst v0;
	v0 =	vadd.s32 s0, v23;
	v45 =	vmul.f32 v7, v24;
	v43 =	vmul.f32 v9, v13  }
0x479: {  	v55 =	vmul.f32 v4, v21;
	v21 =	vld [tilespmem:$0x11260];
	v39 =	vmul.f32 v8, v34  }
0x47a: {  	v16 =	vmov v17;
	v17 =	vld [tilespmem:$0x11270];
	[tilespmem:$0x1EFB0] =	vst v0;
	v49 =	vmul.f32 v9, v26;
	v40 =	vmul.f32 v8, v29  }
0x47b: {  	v27 =	vld [tilespmem:$0x10C60];
	v1 =	vmul.f32 v7, v57;
	v0 =	vmovc v42;
	v42 =	vmul.f32 v10, v42;
	v41 =	vadd.f32 v39, v20  }
0x47c: {  	v2 =	vmovc v48;
	v46 =	vmul.f32 v8, v38;
	v48 =	vmul.f32 v10, v48;
	v39 =	vld [tilespmem:$0x10C70];
	v47 =	vadd.f32 v40, v18  }
0x47d: {  	v53 =	vmul.f32 v4, v22;
	v8 =	vmul.f32 v8, v19;
	v40 =	vld [tilespmem:$0x10D60];
	v62 =	vadd.f32 v42, v41  }
0x47e: {  	v63 =	vmul.f32 v10, v36;
	v41 =	vld [tilespmem:$0x10D70];
	v47 =	vadd.f32 v48, v47;
	v46 =	vadd.f32 v46, v21  }
0x47f: {  	v10 =	vmul.f32 v10, v28;
	v8 =	vadd.f32 v8, v17;
	v42 =	vld [tilespmem:$0x10E60];
	v62 =	vadd.f32 v43, v62  }
0x480: {  	v43 =	vld [tilespmem:$0x10E70];
	v47 =	vadd.f32 v49, v47;
	v46 =	vadd.f32 v63, v46;
	v63 =	vmul.f32 v9, v27  }
0x481: {  	v48 =	vld [tilespmem:$0x10F60];
	v8 =	vadd.f32 v10, v8;
	v9 =	vmul.f32 v9, v39;
	v10 =	vadd.f32 v45, v62  }
0x482: {  	v49 =	vld [tilespmem:$0x10F70];
	v62 =	vmul.f32 v7, v40;
	v1 =	vadd.f32 v1, v47;
	v46 =	vadd.f32 v63, v46  }
0x483: {  	v8 =	vadd.f32 v9, v8;
	v7 =	vmul.f32 v7, v41;
	v9 =	vadd.f32 v44, v10  }
0x484: {  	v45 =	vld [tilespmem:$0x11060];
	v1 =	vadd.f32 v60, v1;
	v10 =	vadd.f32 v62, v46;
	v62 =	vmul.f32 v6, v42  }
0x485: {  	v47 =	vld [tilespmem:$0x11070];
	v7 =	vadd.f32 v7, v8;
	v6 =	vmul.f32 v6, v43;
	v8 =	vadd.f32 v56, v9  }
0x486: {  	v46 =	vld [tilespmem:$0x11160];
	v1 =	vadd.f32 v58, v1;
	v9 =	vadd.f32 v62, v10;
	v10 =	vmul.f32 v5, v48  }
0x487: {  	v63 =	vld [tilespmem:$0x11170];
	v6 =	vadd.f32 v6, v7;
	v5 =	vmul.f32 v5, v49;
	v8 =	vadd.f32 v53, v8  }
0x488: {  	v14 =	vadd.s32 s0, v30;
	v1 =	vadd.f32 v55, v1;
	v9 =	vadd.f32 v10, v9  }
0x489: {  	v10 =	vmul.f32 v4, v45;
	v5 =	vadd.f32 v5, v6;
	v6 =	vadd.f32 v50, v8  }
0x48a: {  	v51 =	vadd.s32 s0, v31;
	v7 =	vld.idx.msk [tilespmem:v12+s20+$0x0], $0xffff;
	v4 =	vmul.f32 v4, v47  }
0x48b: {  	v8 =	vmul.f32 v3, v46;
	v1 =	vadd.f32 v52, v1;
	[tilespmem:$0x1F130] =	vst v6;
	v6 =	vadd.f32 v10, v9  }
0x48c: {  	v15 =	vmul.f32 v11, v34;
	v3 =	vmul.f32 v3, v63  }
0x48d: {  	v54 =	vadd.s32 s0, v32;
	v9 =	vld.idx.msk [tilespmem:v14+s20+$0x0], $0xffff;
	[tilespmem:$0x1F140] =	vst v1;
	v1 =	vadd.f32 v4, v5;
	v5 =	vadd.f32 v8, v6  }
0x48e: {  	v59 =	vmul.f32 v11, v29;
	v25 =	vmul.f32 v11, v38  }
0x48f: {  	v10 =	vmul.f32 v7, v2;
	v4 =	vmul.f32 v11, v19;
	v1 =	vadd.f32 v3, v1;
	[tilespmem:$0x1F180] =	vst v5  }
0x490: {  	v11 =	vmul.f32 v7, v36;
	v3 =	vmul.f32 v7, v0;
	v5 =	vadd.f32 v15, v20;
	v6 =	vld.idx.msk [tilespmem:v51+s20+$0x0], $0xffff  }
0x491: {  	v8 =	vadd.f32 v25, v21;
	v4 =	vadd.f32 v4, v17;
	v7 =	vmul.f32 v7, v28;
	[tilespmem:$0x1F1B0] =	vst v1  }
0x492: {  	v22 =	vadd.s32 s0, v33;
	v1 =	vadd.f32 v59, v18;
	v3 =	vadd.f32 v3, v5;
	v5 =	vld.idx.msk [tilespmem:v54+s20+$0x0], $0xffff  }
0x493: {  	v8 =	vadd.f32 v11, v8;
	v4 =	vadd.f32 v7, v4;
	v7 =	vmul.f32 v9, v27  }
0x494: {  	v12 =	vmul.f32 v9, v13;
	v1 =	vadd.f32 v10, v1;
	v10 =	vmul.f32 v9, v26  }
0x495: {  	v9 =	vmul.f32 v9, v39;
	v7 =	vadd.f32 v7, v8;
	v11 =	vmul.f32 v6, v24  }
0x496: {  	v1 =	vadd.f32 v10, v1;
	v10 =	vmul.f32 v6, v57;
	v8 =	vmul.f32 v6, v40  }
0x497: {  	v4 =	vadd.f32 v9, v4;
	v6 =	vmul.f32 v6, v41;
	v9 =	vmul.f32 v5, v37  }
0x498: {  	v1 =	vadd.f32 v10, v1;
	v10 =	vmul.f32 v5, v16;
	v7 =	vadd.f32 v8, v7  }
0x499: {  	v8 =	vmul.f32 v5, v42;
	v4 =	vadd.f32 v6, v4;
	v5 =	vmul.f32 v5, v43  }
0x49a: {  	v59 =	vmov v2;
	v2 =	vld [tilespmem:$0x1EF80]  }
0x49b: {  	v4 =	vadd.f32 v5, v4;
	v5 =	vld [tilespmem:$0x1EFA0]  }
0x49c: {  	v3 =	vadd.f32 v12, v3;
	v12 =	vld.idx.msk [tilespmem:v22+s20+$0x0], $0xffff  }
0x49d: {  	v53 =	vmov v16;
	v16 =	vld [tilespmem:$0x1EFB0]  }
0x49e: {  	v22 =	vld [tilespmem:$0x1FF30];
	_ =	sdelay $0x1  }
0x49f: {  	v60 =	vmov v26;
	v26 =	vld [tilespmem:$0x1EFC0];
	v3 =	vadd.f32 v11, v3  }
0x4a0: {  	v15 =	vmov v37;
	v37 =	vld [tilespmem:$0x1EFD0]  }
0x4a1: {  	s15 =	simm.s32 $0x120;
	s16 =	simm.s32 $0x1B0;
	v3 =	vadd.f32 v9, v3;
	v9 =	vadd.f32 v10, v1;
	v1 =	vld [tilespmem:$0x1EF90]  }
0x4a2: {  	v6 =	vmul.f32 v12, v2;
	v44 =	vadd.s32 s16, v22;
	v10 =	vadd.s32 s15, v61;
	v5 =	vld.idx.msk [tilespmem:v5+s20+$0x0], $0xffff  }
0x4a3: {  	v7 =	vadd.f32 v8, v7;
	v8 =	vadd.s32 s15, v22;
	v22 =	vadd.s32 s16, v31  }
0x4a4: {  	v16 =	vld.idx.msk [tilespmem:v16+s20+$0x0], $0xffff;
	[tilespmem:$0x1F000] =	vst v22;
	v22 =	vadd.s32 s16, v32  }
0x4a5: {  	v3 =	vadd.f32 v6, v3;
	v6 =	vmul.f32 v12, v48;
	[tilespmem:$0x1F010] =	vst v22;
	v22 =	vld [tilespmem:$0x1EFE0]  }
0x4a6: {  	v62 =	vmovc v13;
	v52 =	vmovc v0;
	v13 =	vadd.s32 s15, v30;
	v11 =	vmul.f32 v12, v1;
	v12 =	vmul.f32 v12, v49  }
0x4a7: {  	v25 =	vld [tilespmem:$0x1EFF0];
	v0 =	vmovc v57;
	v6 =	vadd.f32 v6, v7;
	v7 =	vmul.f32 v5, v26;
	v56 =	vmul.f32 v5, v37  }
0x4a8: {  	v4 =	vadd.f32 v12, v4;
	v10 =	vld.idx.msk [tilespmem:v10+s20+$0x0], $0xffff;
	v57 =	vmul.f32 v5, v45;
	v5 =	vmul.f32 v5, v47  }
0x4a9: {  	v9 =	vadd.f32 v11, v9;
	v12 =	vadd.s32 s15, v31  }
0x4aa: {  	v8 =	vld.idx.msk [tilespmem:v8+s20+$0x0], $0xffff;
	v3 =	vadd.f32 v7, v3;
	v7 =	vmul.f32 v16, v22;
	v4 =	vadd.f32 v5, v4  }
0x4ab: {  	v55 =	vadd.s32 s15, v33;
	v51 =	vadd.s32 s15, v23;
	v58 =	vld.idx.msk [tilespmem:v13+s20+$0x0], $0xffff  }
0x4ac: {  	v9 =	vadd.f32 v56, v9;
	[tilespmem:$0x1F030] =	vst v4;
	v4 =	vmul.f32 v16, v25;
	v3 =	vadd.f32 v7, v3  }
0x4ad: {  	v11 =	vadd.s32 s15, v32;
	v13 =	vadd.f32 v57, v6;
	v56 =	vmul.f32 v10, v34  }
0x4ae: {  	v54 =	vadd.s32 s15, v35;
	v6 =	vmovc v62;
	[tilespmem:$0x1F240] =	vst v3;
	v3 =	vmul.f32 v10, v29;
	v4 =	vadd.f32 v4, v9  }
0x4af: {  	v5 =	vadd.f32 v56, v20;
	v7 =	vmul.f32 v8, v52;
	v9 =	vmul.f32 v10, v38;
	v12 =	vld.idx.msk [tilespmem:v12+s20+$0x0], $0xffff  }
0x4b0: {  	[tilespmem:$0x1F250] =	vst v4;
	v4 =	vmul.f32 v58, v62;
	v3 =	vadd.f32 v3, v18;
	v62 =	vmul.f32 v8, v59  }
0x4b1: {  	v5 =	vadd.f32 v7, v5;
	v7 =	vmul.f32 v58, v60;
	v10 =	vmul.f32 v10, v19  }
0x4b2: {  	v9 =	vadd.f32 v9, v21;
	v11 =	vld.idx.msk [tilespmem:v11+s20+$0x0], $0xffff;
	v3 =	vadd.f32 v62, v3;
	v62 =	vmul.f32 v8, v36  }
0x4b3: {  	v10 =	vadd.f32 v10, v17;
	v4 =	vadd.f32 v4, v5;
	v8 =	vmul.f32 v8, v28  }
0x4b4: {  	v9 =	vadd.f32 v62, v9;
	v56 =	vmul.f32 v12, v24;
	v3 =	vadd.f32 v7, v3  }
0x4b5: {  	v7 =	vld.idx.msk [tilespmem:v55+s20+$0x0], $0xffff;
	v55 =	vmul.f32 v12, v0;
	v8 =	vadd.f32 v8, v10;
	v10 =	vmul.f32 v58, v27  }
0x4b6: {  	v50 =	vadd.s32 s16, v30;
	v4 =	vadd.f32 v56, v4;
	v56 =	vmul.f32 v58, v39  }
0x4b7: {  	v54 =	vld.idx.msk [tilespmem:v54+s20+$0x0], $0xffff;
	v9 =	vadd.f32 v10, v9;
	v10 =	vmul.f32 v11, v15;
	v3 =	vadd.f32 v55, v3  }
0x4b8: {  	v55 =	vmul.f32 v11, v53;
	v8 =	vadd.f32 v56, v8;
	v56 =	vmul.f32 v12, v40  }
0x4b9: {  	v14 =	vadd.s32 s16, v61;
	v4 =	vadd.f32 v10, v4;
	v12 =	vmul.f32 v12, v41  }
0x4ba: {  	v51 =	vld.idx.msk [tilespmem:v51+s20+$0x0], $0xffff;
	v3 =	vadd.f32 v55, v3;
	v55 =	vmul.f32 v7, v1;
	v9 =	vadd.f32 v56, v9  }
0x4bb: {  	v56 =	vmul.f32 v7, v2;
	v8 =	vadd.f32 v12, v8;
	v12 =	vmul.f32 v11, v42  }
0x4bc: {  	v11 =	vmul.f32 v11, v43;
	v3 =	vadd.f32 v55, v3;
	v55 =	vmul.f32 v54, v37  }
0x4bd: {  	v4 =	vadd.f32 v56, v4;
	v9 =	vadd.f32 v12, v9;
	v12 =	vmul.f32 v54, v26  }
0x4be: {  	v8 =	vadd.f32 v11, v8;
	v11 =	vmul.f32 v7, v48;
	v7 =	vmul.f32 v7, v49  }
0x4bf: {  	v14 =	vld.idx.msk [tilespmem:v14+s20+$0x0], $0xffff;
	v3 =	vadd.f32 v55, v3;
	v55 =	vmul.f32 v51, v22;
	v4 =	vadd.f32 v12, v4  }
0x4c0: {  	v62 =	vmovc v0;
	v9 =	vadd.f32 v11, v9;
	v11 =	vmul.f32 v54, v45;
	v7 =	vadd.f32 v7, v8  }
0x4c1: {  	v0 =	vmovc v1;
	v8 =	vmul.f32 v54, v47;
	v54 =	vmul.f32 v51, v25;
	v1 =	vadd.f32 v55, v4  }
0x4c2: {  	v57 =	vadd.s32 s16, v35;
	v35 =	vmov v15;
	v15 =	vld.idx.msk [tilespmem:v44+s20+$0x0], $0xffff  }
0x4c3: {  	v44 =	vmul.f32 v51, v46;
	v9 =	vadd.f32 v11, v9;
	[tilespmem:$0x1F1C0] =	vst v1;
	v1 =	vadd.f32 v54, v3  }
0x4c4: {  	v4 =	vadd.f32 v8, v7  }
0x4c5: {  	v7 =	vmul.f32 v51, v63;
	v50 =	vld.idx.msk [tilespmem:v50+s20+$0x0], $0xffff;
	[tilespmem:$0x1F1D0] =	vst v1;
	v1 =	vadd.f32 v44, v9;
	_ =	sdelay $0x1  }
0x4c6: {  	[tilespmem:$0x1F1F0] =	vst v1;
	v1 =	vadd.f32 v7, v4;
	_ =	sdelay $0x1  }
0x4c7: {  	[tilespmem:$0x1F220] =	vst v1;
	v1 =	vld [tilespmem:$0x1F000];
	_ =	sdelay $0x5  }
0x4c8: {  	v12 =	vmul.f32 v14, v29;
	v4 =	vmul.f32 v16, v46;
	_ =	sdelay $0x1  }
0x4c9: {  	v7 =	vadd.f32 v12, v18;
	v12 =	vld.idx.msk [tilespmem:v1+s20+$0x0], $0xffff;
	v1 =	vadd.f32 v4, v13;
	_ =	sdelay $0x1  }
0x4ca: {  	[tilespmem:$0x1F260] =	vst v1;
	v1 =	vld [tilespmem:$0x1F010]  }
0x4cb: {  	v58 =	vmul.f32 v14, v34  }
0x4cc: {  	v8 =	vmul.f32 v14, v38;
	v3 =	vmul.f32 v14, v19  }
0x4cd: {  	v51 =	vmul.f32 v15, v59;
	v14 =	vmul.f32 v15, v52  }
0x4ce: {  	v3 =	vadd.f32 v3, v17;
	v44 =	vmovc v52;
	v52 =	vmul.f32 v15, v36;
	v15 =	vmul.f32 v15, v28  }
0x4cf: {  	v5 =	vadd.s32 s16, v33;
	v10 =	vadd.s32 s16, v23;
	v9 =	vadd.f32 v58, v20  }
0x4d0: {  	v56 =	vmovc v6;
	v8 =	vadd.f32 v8, v21;
	v3 =	vadd.f32 v15, v3;
	v15 =	vmul.f32 v50, v39  }
0x4d1: {  	v6 =	vmul.f32 v50, v6;
	v7 =	vadd.f32 v51, v7;
	v4 =	vadd.f32 v14, v9;
	v51 =	vld.idx.msk [tilespmem:v57+s20+$0x0], $0xffff  }
0x4d2: {  	v8 =	vadd.f32 v52, v8;
	v3 =	vadd.f32 v15, v3;
	v14 =	vmul.f32 v50, v60;
	v9 =	vld.idx.msk [tilespmem:v1+s20+$0x0], $0xffff  }
0x4d3: {  	v4 =	vadd.f32 v6, v4;
	v6 =	vmul.f32 v50, v27;
	v55 =	vmul.f32 v12, v24  }
0x4d4: {  	s17 =	simm.s32 $0x240;
	v7 =	vadd.f32 v14, v7;
	v14 =	vmul.f32 v12, v62;
	v1 =	vmul.f32 v16, v63;
	v16 =	vld [tilespmem:$0x1FF30]  }
0x4d5: {  	v15 =	vadd.s32 s17, v61;
	v5 =	vld.idx.msk [tilespmem:v5+s20+$0x0], $0xffff;
	v6 =	vadd.f32 v6, v8;
	v8 =	vmul.f32 v12, v40  }
0x4d6: {  	v12 =	vmul.f32 v12, v41;
	v4 =	vadd.f32 v55, v4;
	v7 =	vadd.f32 v14, v7  }
0x4d7: {  	v6 =	vadd.f32 v8, v6;
	v57 =	vmul.f32 v51, v45;
	v14 =	vmul.f32 v9, v35  }
0x4d8: {  	v3 =	vadd.f32 v12, v3;
	v58 =	vmul.f32 v9, v53;
	v8 =	vmul.f32 v9, v42  }
0x4d9: {  	v9 =	vmul.f32 v9, v43;
	v52 =	vadd.s32 s17, v16;
	v4 =	vadd.f32 v14, v4  }
0x4da: {  	v14 =	vmul.f32 v5, v2;
	v7 =	vadd.f32 v58, v7;
	v58 =	vld.idx.msk [tilespmem:v10+s20+$0x0], $0xffff;
	v10 =	vmul.f32 v5, v0  }
0x4db: {  	v6 =	vadd.f32 v8, v6;
	v3 =	vadd.f32 v9, v3;
	v9 =	vmul.f32 v5, v48  }
0x4dc: {  	v8 =	vadd.s32 s17, v30;
	v5 =	vmul.f32 v5, v49;
	v4 =	vadd.f32 v14, v4;
	v14 =	vld.idx.msk [tilespmem:v15+s20+$0x0], $0xffff  }
0x4dd: {  	v12 =	vmovc v0;
	v0 =	vld [tilespmem:$0x1F030];
	v7 =	vadd.f32 v10, v7;
	v6 =	vadd.f32 v9, v6;
	v9 =	vmul.f32 v51, v26  }
0x4de: {  	v15 =	vmul.f32 v51, v37;
	v3 =	vadd.f32 v5, v3;
	v51 =	vmul.f32 v51, v47;
	v54 =	vld.idx.msk [tilespmem:v52+s20+$0x0], $0xffff  }
0x4df: {  	v5 =	vadd.s32 s17, v31;
	v4 =	vadd.f32 v9, v4;
	v9 =	vmul.f32 v58, v22  }
0x4e0: {  	v11 =	vmovc v24;
	v24 =	vmovc v2;
	v10 =	vadd.s32 s17, v32;
	v7 =	vadd.f32 v15, v7;
	v52 =	vadd.f32 v51, v3  }
0x4e1: {  	v8 =	vld.idx.msk [tilespmem:v8+s20+$0x0], $0xffff;
	v3 =	vmul.f32 v58, v25;
	v15 =	vmul.f32 v14, v34;
	v4 =	vadd.f32 v9, v4  }
0x4e2: {  	v2 =	vmovc v44;
	v6 =	vadd.f32 v57, v6;
	v1 =	vadd.f32 v1, v0;
	v57 =	vmul.f32 v14, v29  }
0x4e3: {  	v3 =	vadd.f32 v3, v7;
	v9 =	vmul.f32 v54, v44;
	v44 =	vld [tilespmem:$0x1FF40];
	[tilespmem:$0x1F020] =	vst v4;
	v4 =	vadd.f32 v15, v20  }
0x4e4: {  	v13 =	vmul.f32 v54, v59;
	v5 =	vld.idx.msk [tilespmem:v5+s20+$0x0], $0xffff;
	[tilespmem:$0x1F040] =	vst v1;
	v1 =	vadd.f32 v57, v18  }
0x4e5: {  	v15 =	vadd.s32 s17, v33;
	[tilespmem:$0x1F050] =	vst v3;
	v3 =	vmul.f32 v14, v38;
	v4 =	vadd.f32 v9, v4  }
0x4e6: {  	v9 =	vmul.f32 v8, v56;
	v1 =	vadd.f32 v13, v1;
	v13 =	vmul.f32 v14, v19  }
0x4e7: {  	v3 =	vadd.f32 v3, v21;
	v14 =	vmul.f32 v54, v36;
	v54 =	vmul.f32 v54, v28  }
0x4e8: {  	v7 =	vadd.s32 s17, v44;
	v4 =	vadd.f32 v9, v4;
	v9 =	vld.idx.msk [tilespmem:v10+s20+$0x0], $0xffff;
	v10 =	vmul.f32 v8, v60  }
0x4e9: {  	v13 =	vadd.f32 v13, v17;
	v3 =	vadd.f32 v14, v3;
	v14 =	vmul.f32 v8, v27  }
0x4ea: {  	v8 =	vmul.f32 v8, v39;
	v57 =	vmul.f32 v5, v11  }
0x4eb: {  	v1 =	vadd.f32 v10, v1;
	v10 =	vld.idx.msk [tilespmem:v15+s20+$0x0], $0xffff;
	v15 =	vadd.s32 s17, v23;
	v13 =	vadd.f32 v54, v13  }
0x4ec: {  	v55 =	vmovc v53;
	v54 =	vmul.f32 v5, v62;
	v4 =	vadd.f32 v57, v4;
	v57 =	vmul.f32 v5, v40  }
0x4ed: {  	v3 =	vadd.f32 v14, v3;
	v5 =	vmul.f32 v5, v41;
	v7 =	vld.idx.msk [tilespmem:v7+s20+$0x0], $0xffff;
	v14 =	vmul.f32 v9, v35  }
0x4ee: {  	s18 =	simm.s32 $0x2D0;
	v1 =	vadd.f32 v54, v1;
	v8 =	vadd.f32 v8, v13;
	v13 =	vmul.f32 v9, v55  }
0x4ef: {  	v3 =	vadd.f32 v57, v3;
	v4 =	vadd.f32 v14, v4;
	v14 =	vadd.s32 s18, v61  }
0x4f0: {  	v1 =	vadd.f32 v13, v1;
	v13 =	vmul.f32 v10, v24;
	v61 =	vmul.f32 v9, v42  }
0x4f1: {  	v15 =	vld.idx.msk [tilespmem:v15+s20+$0x0], $0xffff;
	v5 =	vadd.f32 v5, v8;
	v8 =	vmul.f32 v10, v12;
	v9 =	vmul.f32 v9, v43  }
0x4f2: {  	v4 =	vadd.f32 v13, v4;
	v3 =	vadd.f32 v61, v3;
	v13 =	vmul.f32 v7, v26  }
0x4f3: {  	v1 =	vadd.f32 v8, v1;
	v8 =	vmul.f32 v10, v48;
	v5 =	vadd.f32 v9, v5  }
0x4f4: {  	v9 =	vmul.f32 v7, v37;
	v4 =	vadd.f32 v13, v4;
	v13 =	vadd.s32 s18, v16  }
0x4f5: {  	v51 =	vmov v11;
	v10 =	vmul.f32 v10, v49;
	v3 =	vadd.f32 v8, v3;
	v8 =	vld.idx.msk [tilespmem:v14+s20+$0x0], $0xffff;
	[tilespmem:$0x1F060] =	vst v45  }
0x4f6: {  	v14 =	vmul.f32 v15, v22;
	v1 =	vadd.f32 v9, v1;
	v9 =	vmul.f32 v7, v45;
	[tilespmem:$0x1F070] =	vst v47  }
0x4f7: {  	v11 =	vld [tilespmem:$0x1FFA0];
	v5 =	vadd.f32 v10, v5;
	v7 =	vmul.f32 v7, v47;
	v10 =	vmul.f32 v15, v25;
	[tilespmem:$0x1F080] =	vst v46  }
0x4f8: {  	[tilespmem:$0x1F090] =	vst v34;
	v37 =	vadd.f32 v14, v4;
	v3 =	vadd.f32 v9, v3;
	v9 =	vmul.f32 v15, v46  }
0x4f9: {  	v5 =	vadd.f32 v7, v5;
	v7 =	vmul.f32 v15, v63;
	v14 =	vadd.s32 s18, v30;
	v15 =	vld.idx.msk [tilespmem:v13+s20+$0x0], $0xffff;
	[tilespmem:$0x1F0A0] =	vst v29  }
0x4fa: {  	[tilespmem:$0x1F0B0] =	vst v38  }
0x4fb: {  	v47 =	vadd.f32 v10, v1;
	v10 =	vmul.f32 v58, v46;
	[tilespmem:$0x1F0C0] =	vst v19  }
0x4fc: {  	s28 =	simm.s32 $0x0;
	v22 =	vadd.s32 $0xC, v11;
	[tilespmem:$0x1F0D0] =	vst v20  }
0x4fd: {  	v0 =	vld [tilespmem:$0x1F130];
	v25 =	vadd.f32 v10, v6;
	v10 =	vadd.s32 s28, v22;
	[tilespmem:$0x1F0E0] =	vst v18  }
0x4fe: {  	v14 =	vld.idx.msk [tilespmem:v14+s20+$0x0], $0xffff;
	[tilespmem:$0x1F0F0] =	vst v2  }
0x4ff: {  	[tilespmem:$0x1F100] =	vst v59  }
0x500: {  	[tilespmem:$0x1F110] =	vst v21  }
0x501: {  	v45 =	vadd.f32 v9, v3;
	v16 =	vadd.f32 v7, v5;
	[tilespmem:$0x1F120] =	vst v36  }
0x502: {  	v9 =	vmul.f32 v8, v34;
	v6 =	vmul.f32 v8, v38;
	v38 =	vadd.s32 $0xD, v11;
	[tilespmem:v10+s21+$0x0] =	vst.idx.msk $0xffff, v0  }
0x503: {  	v7 =	vmul.f32 v8, v29;
	v34 =	vmul.f32 v8, v19;
	v8 =	vadd.s32 s28, v38;
	v0 =	vld [tilespmem:$0x1F140];
	_ =	sdelay $0x3  }
0x504: {  	v5 =	vadd.s32 s18, v31  }
0x505: {  	v9 =	vadd.f32 v9, v20;
	v20 =	vadd.s32 $0xE, v11;
	[tilespmem:v8+s21+$0x0] =	vst.idx.msk $0xffff, v0  }
0x506: {  	v57 =	vmov v12;
	v12 =	vadd.s32 s28, v20;
	v0 =	vld [tilespmem:$0x1F180];
	_ =	sdelay $0x1  }
0x507: {  	[tilespmem:$0x1F150] =	vst v17  }
0x508: {  	v53 =	vmov v56;
	v5 =	vld.idx.msk [tilespmem:v5+s20+$0x0], $0xffff;
	[tilespmem:$0x1F160] =	vst v28  }
0x509: {  	[tilespmem:$0x1F170] =	vst v53  }
0x50a: {  	v13 =	vadd.s32 $0xF, v11;
	[tilespmem:v12+s21+$0x0] =	vst.idx.msk $0xffff, v0  }
0x50b: {  	v11 =	vadd.s32 s28, v13;
	v0 =	vld [tilespmem:$0x1F1B0];
	_ =	sdelay $0x2  }
0x50c: {  	[tilespmem:$0x1F190] =	vst v60  }
0x50d: {  	v7 =	vadd.f32 v7, v18;
	v3 =	vmul.f32 v15, v59;
	[tilespmem:$0x1F1A0] =	vst v27  }
0x50e: {  	s3 =	simm.s32 $0x220;
	[tilespmem:v11+s21+$0x0] =	vst.idx.msk $0xffff, v0  }
0x50f: {  	v46 =	vadd.f32 v3, v7;
	v7 =	vadd.s32 s3, v22;
	v0 =	vld [tilespmem:$0x1F1C0];
	_ =	sdelay $0x4  }
0x510: {  	[tilespmem:v7+s21+$0x0] =	vst.idx.msk $0xffff, v0  }
0x511: {  	v8 =	vadd.s32 s3, v38;
	v0 =	vld [tilespmem:$0x1F1D0];
	_ =	sdelay $0x4  }
0x512: {  	[tilespmem:v8+s21+$0x0] =	vst.idx.msk $0xffff, v0  }
0x513: {  	v10 =	vadd.s32 s3, v20;
	v0 =	vld [tilespmem:$0x1F1F0];
	_ =	sdelay $0x3  }
0x514: {  	[tilespmem:$0x1F1E0] =	vst v39  }
0x515: {  	[tilespmem:v10+s21+$0x0] =	vst.idx.msk $0xffff, v0  }
0x516: {  	v12 =	vadd.s32 s3, v13;
	v0 =	vld [tilespmem:$0x1F220];
	_ =	sdelay $0x1  }
0x517: {  	v6 =	vadd.f32 v6, v21;
	v1 =	vmul.f32 v15, v36  }
0x518: {  	[tilespmem:$0x1F200] =	vst v51  }
0x519: {  	v3 =	vadd.f32 v1, v6;
	v1 =	vmul.f32 v14, v27;
	[tilespmem:$0x1F210] =	vst v62  }
0x51a: {  	s29 =	simm.s32 $0x110;
	[tilespmem:v12+s21+$0x0] =	vst.idx.msk $0xffff, v0  }
0x51b: {  	v1 =	vadd.f32 v1, v3;
	v3 =	vadd.s32 s29, v22;
	v0 =	vld [tilespmem:$0x1F240];
	_ =	sdelay $0x3  }
0x51c: {  	[tilespmem:$0x1F230] =	vst v40  }
0x51d: {  	[tilespmem:v3+s21+$0x0] =	vst.idx.msk $0xffff, v0  }
0x51e: {  	v11 =	vadd.s32 s29, v38;
	v0 =	vld [tilespmem:$0x1F250]  }
0x51f: {  	v4 =	vmul.f32 v15, v2;
	_ =	sdelay $0x1  }
0x520: {  	v4 =	vadd.f32 v4, v9;
	v6 =	vadd.f32 v34, v17;
	v9 =	vmul.f32 v15, v28;
	_ =	sdelay $0x1  }
0x521: {  	v15 =	vmul.f32 v14, v53;
	v6 =	vadd.f32 v9, v6;
	v9 =	vadd.s32 s18, v32;
	[tilespmem:v11+s21+$0x0] =	vst.idx.msk $0xffff, v0  }
0x522: {  	v61 =	vmul.f32 v14, v60;
	v8 =	vmul.f32 v14, v39;
	v14 =	vadd.s32 s29, v20;
	v0 =	vld [tilespmem:$0x1F260]  }
0x523: {  	s30 =	simm.s32 $0x440;
	v4 =	vadd.f32 v15, v4;
	v10 =	vadd.s32 s18, v33  }
0x524: {  	v15 =	vmul.f32 v5, v51;
	v6 =	vadd.f32 v8, v6;
	v8 =	vadd.s32 s30, v22;
	_ =	sdelay $0x1  }
0x525: {  	v2 =	vadd.f32 v15, v4;
	v12 =	vmul.f32 v5, v40;
	v15 =	vld.idx.msk [tilespmem:v9+s20+$0x0], $0xffff;
	v9 =	vadd.s32 s30, v38  }
0x526: {  	[tilespmem:v14+s21+$0x0] =	vst.idx.msk $0xffff, v0  }
0x527: {  	v12 =	vadd.f32 v12, v1;
	v1 =	vld.idx.msk [tilespmem:v10+s20+$0x0], $0xffff;
	[tilespmem:$0x1F270] =	vst v41  }
0x528: {  	v3 =	vadd.s32 s30, v20;
	[tilespmem:v8+s21+$0x0] =	vst.idx.msk $0xffff, v37  }
0x529: {  	[tilespmem:$0x1F280] =	vst v63  }
0x52a: {  	[tilespmem:v9+s21+$0x0] =	vst.idx.msk $0xffff, v47  }
0x52b: {  	v50 =	vmov v35;
	[tilespmem:$0x1F290] =	vst v22  }
0x52c: {  	s31 =	simm.s32 $0x330;
	v11 =	vadd.s32 s30, v13;
	[tilespmem:$0x1F2A0] =	vst v50  }
0x52d: {  	v29 =	vmul.f32 v58, v63;
	v26 =	vadd.s32 s29, v13;
	v21 =	vadd.s32 s31, v22;
	[tilespmem:v3+s21+$0x0] =	vst.idx.msk $0xffff, v45  }
0x52e: {  	v35 =	vmovc v55;
	v34 =	vadd.s32 s31, v20;
	v62 =	vmul.f32 v5, v62;
	v5 =	vmul.f32 v5, v41;
	[tilespmem:$0x1F2B0] =	vst v38  }
0x52f: {  	v17 =	vadd.s32 s18, v23;
	v7 =	vadd.f32 v61, v46;
	v10 =	vadd.s32 s18, v44;
	[tilespmem:$0x1F2C0] =	vst v35  }
0x530: {  	v28 =	vadd.s32 s31, v38;
	v14 =	vadd.f32 v5, v6;
	v5 =	vmul.f32 v15, v50;
	[tilespmem:$0x1F2D0] =	vst v42  }
0x531: {  	s0 =	simm.s32 $0x550;
	v27 =	vadd.s32 s31, v13;
	v7 =	vadd.f32 v62, v7;
	v4 =	vmul.f32 v15, v42;
	[tilespmem:v11+s21+$0x0] =	vst.idx.msk $0xffff, v16  }
0x532: {  	v6 =	vadd.s32 s0, v38;
	v2 =	vadd.f32 v5, v2;
	v3 =	vmul.f32 v15, v35;
	[tilespmem:$0x1F2E0] =	vst v20  }
0x533: {  	v8 =	vadd.s32 s0, v20;
	v5 =	vadd.f32 v4, v12;
	v11 =	vmul.f32 v15, v43;
	[tilespmem:$0x1F2F0] =	vst v43  }
0x534: {  	v9 =	vadd.s32 s0, v22;
	v7 =	vadd.f32 v3, v7;
	v15 =	vmul.f32 v1, v24;
	v12 =	vld.idx.msk [tilespmem:v10+s20+$0x0], $0xffff;
	[tilespmem:$0x1F300] =	vst v13  }
0x535: {  	v3 =	vadd.s32 s0, v13;
	v10 =	vadd.f32 v11, v14;
	v14 =	vmul.f32 v1, v57;
	v11 =	vld.idx.msk [tilespmem:v17+s20+$0x0], $0xffff;
	[tilespmem:$0x1F310] =	vst v48  }
0x536: {  	s13 =	simm.s32 $0x3F0;
	s1 =	simm.s32 $0x4;
	v4 =	vadd.f32 v15, v2;
	v15 =	vmul.f32 v1, v48;
	v1 =	vmul.f32 v1, v49;
	[tilespmem:$0x1F320] =	vst v49  }
.LBB2_13:
0x537: {  	v0 =	vld [tilespmem:$0x1FF50]  }
0x538: {  	v2 =	vld [tilespmem:$0x1FF30]  }
0x539: {  	v19 =	vld [tilespmem:$0x1F020]  }
0x53a: {  	v22 =	vld [tilespmem:$0x1FF40]  }
0x53b: {  	v47 =	vld [tilespmem:$0x1EFD0]  }
0x53c: {  	v56 =	vld [tilespmem:$0x1F060]  }
0x53d: {  	v59 =	vld [tilespmem:$0x1F070]  }
0x53e: {  	v58 =	vld [tilespmem:$0x1F080]  }
0x53f: {  	v55 =	vld [tilespmem:$0x1F280]  }
0x540: {  	v40 =	vld [tilespmem:$0x1F0A0]  }
0x541: {  	v13 =	vmov v8;
	v43 =	vld [tilespmem:$0x1F0B0]  }
0x542: {  	[tilespmem:$0x1EF60] =	vst v13;
	v13 =	vld [tilespmem:$0x1FF60]  }
0x543: {  	v60 =	vld [tilespmem:$0x1F0C0]  }
0x544: {  	v49 =	vld [tilespmem:$0x1EF80]  }
0x545: {  	s3 =	sadd.s32 $0xFFFFFF70, s13;
	[tilespmem:v21+s21+$0x0] =	vst.idx.msk $0xffff, v19;
	v21 =	vld [tilespmem:$0x1F050]  }
0x546: {  	v24 =	vmov v9;
	v57 =	vld [tilespmem:$0x1EF90];
	v9 =	vadd.s32 s3, v23;
	v23 =	vmov v6  }
0x547: {  	[tilespmem:$0x1EF00] =	vst v23;
	v23 =	vadd.s32 s13, v13;
	v13 =	vld [tilespmem:$0x1F040]  }
0x548: {  	v45 =	vld [tilespmem:$0x1F2A0];
	v1 =	vadd.f32 v1, v10;
	v10 =	vmov v3  }
0x549: {  	v62 =	vld [tilespmem:$0x1F290];
	[tilespmem:$0x1EEF0] =	vst v10  }
0x54a: {  	v10 =	vadd.s32 s3, v31;
	v19 =	vadd.s32 s13, v31;
	v31 =	vld [tilespmem:$0x1EFC0];
	[tilespmem:v28+s21+$0x0] =	vst.idx.msk $0xffff, v21  }
0x54b: {  	v48 =	vld [tilespmem:$0x1F200];
	[tilespmem:v34+s21+$0x0] =	vst.idx.msk $0xffff, v25  }
0x54c: {  	[tilespmem:v26+s21+$0x0] =	vst.idx.msk $0xffff, v13;
	v13 =	vmov v27;
	v27 =	vld [tilespmem:$0x1EFE0]  }
0x54d: {  	v5 =	vadd.f32 v15, v5;
	v3 =	vld.idx.msk [tilespmem:v9+s20+$0x0], $0xffff;
	v9 =	vmul.f32 v12, v56  }
0x54e: {  	v46 =	vld [tilespmem:$0x1F170];
	[tilespmem:$0x1EF50] =	vst v24;
	v16 =	vadd.s32 s13, v0;
	v6 =	vadd.s32 s3, v22  }
0x54f: {  	v61 =	vld [tilespmem:$0x1F0D0];
	v24 =	vadd.s32 s3, v0;
	v0 =	vadd.f32 v9, v5;
	[tilespmem:$0x1EF10] =	vst v13;
	v13 =	vmul.f32 v12, v31  }
0x550: {  	v7 =	vadd.f32 v14, v7;
	v14 =	vadd.s32 s3, v32;
	v53 =	vadd.s32 s3, v30;
	v10 =	vld.idx.msk [tilespmem:v10+s20+$0x0], $0xffff  }
0x551: {  	v44 =	vld [tilespmem:$0x1F0F0];
	[tilespmem:$0x1EF30] =	vst v0;
	v0 =	vmul.f32 v11, v58;
	v4 =	vadd.f32 v13, v4;
	v51 =	vmul.f32 v11, v27  }
0x552: {  	v28 =	vld [tilespmem:$0x1EFF0]  }
0x553: {  	v6 =	vld.idx.msk [tilespmem:v6+s20+$0x0], $0xffff;
	[tilespmem:$0x1EF40] =	vst v0;
	v0 =	vadd.f32 v51, v4  }
0x554: {  	v15 =	vld.idx.msk [tilespmem:v16+s20+$0x0], $0xffff;
	v16 =	vmul.f32 v12, v47  }
0x555: {  	v9 =	vld.idx.msk [tilespmem:v14+s20+$0x0], $0xffff;
	v12 =	vmul.f32 v12, v59;
	[tilespmem:$0x1F020] =	vst v0;
	v0 =	vadd.f32 v29, v52  }
0x556: {  	v21 =	vadd.s32 s13, v33;
	v14 =	vld.idx.msk [tilespmem:v53+s20+$0x0], $0xffff;
	v16 =	vadd.f32 v16, v7  }
0x557: {  	v50 =	vld [tilespmem:$0x1F0E0];
	v1 =	vadd.f32 v12, v1;
	v12 =	vmul.f32 v11, v28;
	[tilespmem:$0x1F040] =	vst v0;
	v0 =	vmul.f32 v11, v55  }
0x558: {  	v5 =	vadd.s32 s3, v2;
	v11 =	vld [tilespmem:$0x1F090]  }
0x559: {  	[tilespmem:$0x1EF70] =	vst v0;
	v0 =	vadd.f32 v12, v16;
	v16 =	vld.idx.msk [tilespmem:v24+s20+$0x0], $0xffff  }
0x55a: {  	v18 =	vadd.s32 s13, v30;
	v53 =	vld [tilespmem:$0x1F150]  }
0x55b: {  	v20 =	vadd.s32 s13, v32;
	v30 =	vmul.f32 v6, v31;
	v31 =	vmul.f32 v6, v47;
	v47 =	vld [tilespmem:$0x1F100]  }
0x55c: {  	v7 =	vmov v1;
	v1 =	vld.idx.msk [tilespmem:v21+s20+$0x0], $0xffff;
	v26 =	vmul.f32 v15, v40;
	[tilespmem:$0x1F050] =	vst v0;
	v0 =	vmul.f32 v15, v43  }
0x55d: {  	v22 =	vadd.s32 s13, v22;
	v29 =	vld.idx.msk [tilespmem:v5+s20+$0x0], $0xffff;
	v25 =	vmul.f32 v15, v11;
	v15 =	vmul.f32 v15, v60  }
0x55e: {  	v52 =	vld [tilespmem:$0x1F110];
	v11 =	vmul.f32 v16, v11;
	v21 =	vmul.f32 v16, v40  }
0x55f: {  	v43 =	vmul.f32 v16, v43;
	v16 =	vmul.f32 v16, v60;
	v60 =	vld [tilespmem:$0x1F120]  }
0x560: {  	v13 =	vld [tilespmem:$0x1F190]  }
0x561: {  	v4 =	vld.idx.msk [tilespmem:v20+s20+$0x0], $0xffff  }
0x562: {  	v12 =	vld.idx.msk [tilespmem:v22+s20+$0x0], $0xffff;
	v42 =	vmul.f32 v29, v44;
	v22 =	vadd.f32 v11, v61  }
0x563: {  	v20 =	vmul.f32 v14, v46;
	v11 =	vld.idx.msk [tilespmem:v23+s20+$0x0], $0xffff;
	v21 =	vadd.f32 v21, v50;
	v23 =	vmul.f32 v29, v47  }
0x564: {  	v51 =	vld [tilespmem:$0x1F160];
	v22 =	vadd.f32 v42, v22;
	v42 =	vadd.f32 v43, v52;
	v43 =	vmul.f32 v29, v60  }
0x565: {  	v24 =	vld [tilespmem:$0x1F210];
	v40 =	vmul.f32 v14, v13;
	v21 =	vadd.f32 v23, v21  }
0x566: {  	v20 =	vadd.f32 v20, v22;
	v22 =	vadd.f32 v43, v42;
	v42 =	vld [tilespmem:$0x1F1A0]  }
0x567: {  	v8 =	vadd.s32 s3, v33;
	v21 =	vadd.f32 v40, v21;
	v40 =	vld [tilespmem:$0x1F1E0]  }
0x568: {  	v43 =	vld [tilespmem:$0x1F230]  }
0x569: {  	v54 =	vld [tilespmem:$0x1F2C0]  }
0x56a: {  	v63 =	vld [tilespmem:$0x1F2B0];
	v34 =	vmul.f32 v9, v45;
	v16 =	vadd.f32 v16, v53;
	v23 =	vmul.f32 v29, v51  }
0x56b: {  	v5 =	vld.idx.msk [tilespmem:v19+s20+$0x0], $0xffff;
	v19 =	vmul.f32 v10, v48;
	v29 =	vmul.f32 v14, v42  }
0x56c: {  	v8 =	vld.idx.msk [tilespmem:v8+s20+$0x0], $0xffff;
	v37 =	vmul.f32 v10, v24;
	v16 =	vadd.f32 v23, v16;
	v14 =	vmul.f32 v14, v40  }
0x56d: {  	[tilespmem:$0x1EF20] =	vst v0;
	v0 =	vld [tilespmem:$0x1F2E0];
	v19 =	vadd.f32 v19, v20;
	v20 =	vadd.f32 v29, v22;
	v22 =	vmul.f32 v10, v43  }
0x56e: {  	v21 =	vadd.f32 v37, v21;
	v37 =	vld [tilespmem:$0x1F270];
	v14 =	vadd.f32 v14, v16  }
0x56f: {  	v36 =	vmul.f32 v9, v54;
	v16 =	vadd.f32 v34, v19;
	v19 =	vadd.f32 v22, v20;
	v22 =	vld [tilespmem:$0x1F2D0]  }
0x570: {  	v34 =	vld [tilespmem:$0x1F2F0]  }
0x571: {  	s0 =	sadd.s32 $0x220, s0;
	v21 =	vadd.f32 v36, v21;
	v36 =	vld [tilespmem:$0x1F310]  }
0x572: {  	s30 =	sadd.s32 $0xFFFFFEF0, s0;
	v17 =	vadd.s32 s13, v2;
	v32 =	vmul.f32 v8, v49;
	v33 =	vmul.f32 v8, v57;
	v29 =	vld [tilespmem:$0x1F320]  }
0x573: {  	v35 =	vadd.s32 s30, v62;
	v28 =	vmul.f32 v3, v28;
	v10 =	vmul.f32 v10, v37  }
0x574: {  	v38 =	vadd.s32 s30, v63;
	v27 =	vmul.f32 v3, v27;
	v20 =	vmul.f32 v9, v22  }
0x575: {  	v39 =	vadd.s32 s30, v0;
	v10 =	vadd.f32 v10, v14;
	v9 =	vmul.f32 v9, v34  }
0x576: {  	v14 =	vadd.f32 v32, v16;
	v16 =	vadd.f32 v20, v19;
	v19 =	vmul.f32 v8, v36  }
0x577: {  	v2 =	vld [tilespmem:$0x1F300];
	v20 =	vadd.f32 v33, v21;
	v9 =	vadd.f32 v9, v10;
	v8 =	vmul.f32 v8, v29  }
0x578: {  	v17 =	vld.idx.msk [tilespmem:v17+s20+$0x0], $0xffff;
	v10 =	vadd.f32 v30, v14;
	v14 =	vadd.f32 v19, v16;
	v16 =	vmul.f32 v6, v56  }
0x579: {  	v56 =	vadd.f32 v31, v20;
	v8 =	vadd.f32 v8, v9;
	v6 =	vmul.f32 v6, v59  }
0x57a: {  	v18 =	vld.idx.msk [tilespmem:v18+s20+$0x0], $0xffff;
	v9 =	vadd.f32 v27, v10;
	v10 =	vadd.f32 v16, v14;
	v14 =	vmul.f32 v3, v58  }
0x57b: {  	v16 =	vadd.f32 v28, v56  }
0x57c: {  	v6 =	vadd.f32 v6, v8;
	[tilespmem:v35+s21+$0x0] =	vst.idx.msk $0xffff, v9;
	v8 =	vadd.f32 v14, v10  }
0x57d: {  	v41 =	vadd.s32 s30, v2;
	v21 =	vmul.f32 v17, v60;
	[tilespmem:v38+s21+$0x0] =	vst.idx.msk $0xffff, v16  }
0x57e: {  	v60 =	vmul.f32 v5, v48;
	v3 =	vmul.f32 v3, v55;
	[tilespmem:v39+s21+$0x0] =	vst.idx.msk $0xffff, v8;
	v8 =	vld [tilespmem:$0x1EF20]  }
0x57f: {  	v15 =	vadd.f32 v15, v53;
	v20 =	vmul.f32 v17, v47;
	v59 =	vmul.f32 v18, v13  }
0x580: {  	v58 =	vmul.f32 v17, v44;
	v17 =	vmul.f32 v17, v51;
	v3 =	vadd.f32 v3, v6  }
0x581: {  	v23 =	vld [tilespmem:$0x1FF60];
	v9 =	vadd.s32 s0, v62;
	v62 =	vmul.f32 v4, v54;
	v10 =	vadd.f32 v25, v61  }
0x582: {  	v32 =	vld [tilespmem:$0x1FF90];
	v14 =	vadd.f32 v26, v50;
	v15 =	vadd.f32 v17, v15;
	[tilespmem:v41+s21+$0x0] =	vst.idx.msk $0xffff, v3;
	v3 =	vadd.s32 s0, v2  }
0x583: {  	v2 =	vld [tilespmem:$0x1EF40];
	v16 =	vadd.f32 v8, v52;
	v52 =	vmovc v7;
	v7 =	vadd.f32 v58, v10;
	v10 =	vmul.f32 v18, v46  }
0x584: {  	v17 =	vmul.f32 v18, v40;
	v14 =	vadd.f32 v20, v14;
	v8 =	vadd.s32 s0, v0;
	v0 =	vld [tilespmem:$0x1EF30]  }
0x585: {  	v33 =	vld [tilespmem:$0x1FFB0];
	v16 =	vadd.f32 v21, v16;
	v7 =	vadd.f32 v10, v7;
	v10 =	vmul.f32 v18, v42  }
0x586: {  	v30 =	vld [tilespmem:$0x1FF70];
	v6 =	vadd.s32 s0, v63;
	v61 =	vmul.f32 v5, v24;
	v14 =	vadd.f32 v59, v14  }
0x587: {  	s1 =	sadd.s32 $0x2, s1;
	v31 =	vld [tilespmem:$0x1FF80];
	v15 =	vadd.f32 v17, v15;
	v10 =	vadd.f32 v10, v16;
	v16 =	vmul.f32 v5, v43  }
0x588: {  	p0 =	slt.u32 s1, $0x3E;
	v27 =	vld [tilespmem:$0x1EEF0];
	v14 =	vadd.f32 v61, v14;
	v7 =	vadd.f32 v60, v7;
	v5 =	vmul.f32 v5, v37  }
.Ltmp5:
0x589: {  	v28 =	vld [tilespmem:$0x1EF00];
	v17 =	vmul.f32 v4, v45;
	v25 =	vadd.f32 v2, v0;
	v10 =	vadd.f32 v16, v10;
	(pc) =	sbr.rel @p0 .LBB2_13-.Ltmp5, $4  }
0x58a: {  	v26 =	vld [tilespmem:$0x1EF10];
	v16 =	vmul.f32 v4, v22;
	v15 =	vadd.f32 v5, v15;
	v4 =	vmul.f32 v4, v34  }
0x58b: {  	v63 =	vmul.f32 v1, v49;
	v21 =	vld [tilespmem:$0x1EF50];
	v17 =	vadd.f32 v17, v7;
	v7 =	vadd.f32 v62, v14  }
0x58c: {  	v34 =	vld [tilespmem:$0x1EF60];
	v14 =	vmul.f32 v1, v57;
	v5 =	vadd.f32 v16, v10;
	v10 =	vadd.f32 v4, v15  }
0x58d: {  	s31 =	simm.s32 $0x20F;
	s28 =	simm.s32 $0x8900;
	s13 =	sadd.s32 $0x120, s13;
	v4 =	vadd.f32 v63, v17;
	v15 =	vmul.f32 v1, v36;
	v1 =	vmul.f32 v1, v29;
	v29 =	vld [tilespmem:$0x1EF70]  }
0x58e: {  	_ = 	snop  }
0x58f: {  	v0 =	vld [tilespmem:$0x1F020];
	_ =	sdelay $0x4  }
0x590: {  	[tilespmem:v21+s21+$0x0] =	vst.idx.msk $0xffff, v0  }
0x591: {  	v0 =	vld [tilespmem:$0x1F050];
	_ =	sdelay $0x4  }
0x592: {  	[tilespmem:v28+s21+$0x0] =	vst.idx.msk $0xffff, v0  }
0x593: {  	[tilespmem:v34+s21+$0x0] =	vst.idx.msk $0xffff, v25  }
0x594: {  	v0 =	vld [tilespmem:$0x1F060];
	_ =	sdelay $0x2  }
0x595: {  	v13 =	vld [tilespmem:$0x1EFC0]  }
0x596: {  	v1 =	vadd.f32 v1, v10;
	v10 =	vld [tilespmem:$0x1EFD0]  }
0x597: {  	v7 =	vadd.f32 v14, v7;
	v14 =	vmul.f32 v12, v0;
	v0 =	vld [tilespmem:$0x1F070];
	_ =	sdelay $0x3  }
0x598: {  	v13 =	vmul.f32 v12, v13  }
0x599: {  	v10 =	vmul.f32 v12, v10;
	v12 =	vmul.f32 v12, v0;
	v0 =	vld [tilespmem:$0x1F080];
	_ =	sdelay $0x2  }
0x59a: {  	v5 =	vadd.f32 v15, v5;
	_ =	sdelay $0x1  }
0x59b: {  	v5 =	vadd.f32 v14, v5;
	v14 =	vmul.f32 v11, v0;
	v0 =	vld [tilespmem:$0x1F040];
	_ =	sdelay $0x2  }
0x59c: {  	v4 =	vadd.f32 v13, v4;
	v13 =	vld [tilespmem:$0x1EFE0]  }
0x59d: {  	v7 =	vadd.f32 v10, v7;
	v10 =	vld [tilespmem:$0x1EFF0]  }
0x59e: {  	[tilespmem:v26+s21+$0x0] =	vst.idx.msk $0xffff, v0  }
0x59f: {  	v0 =	vld [tilespmem:$0x1F280];
	_ =	sdelay $0x1  }
0x5a0: {  	v13 =	vmul.f32 v11, v13  }
0x5a1: {  	v10 =	vmul.f32 v11, v10  }
0x5a2: {  	v4 =	vadd.f32 v13, v4  }
0x5a3: {  	s0 =	simm.s32 $0x0;
	v7 =	vadd.f32 v10, v7;
	v10 =	vmul.f32 v11, v0;
	v0 =	vlaneseq.u32  }
0x5a4: {  	s1 =	simm.s32 $0x110;
	v1 =	vadd.f32 v12, v1;
	v5 =	vadd.f32 v14, v5;
	[tilespmem:v9+s21+$0x0] =	vst.idx.msk $0xffff, v4;
	v4 =	vor.u32 s0, v0  }
0x5a5: {  	v9 =	vadd.f32 v29, v52;
	[tilespmem:v6+s21+$0x0] =	vst.idx.msk $0xffff, v7;
	v6 =	vor.u32 s1, v0  }
0x5a6: {  	[tilespmem:v8+s21+$0x0] =	vst.idx.msk $0xffff, v5;
	v1 =	vadd.f32 v10, v1  }
0x5a7: {  	[tilespmem:v27+s21+$0x0] =	vst.idx.msk $0xffff, v9  }
0x5a8: {  	[tilespmem:v3+s21+$0x0] =	vst.idx.msk $0xffff, v1  }
0x5a9: {  	s3 =	simm.s32 $0x11;
	v1 =	vld.idx.msk [tilespmem:v4+s21+$0x0], $0xffff  }
0x5aa: {  	s4 =	simm.s32 $0x121;
	v3 =	vadd.s32 s3, v0;
	v4 =	vld.idx.msk [tilespmem:v6+s21+$0x0], $0xffff  }
0x5ab: {  	v5 =	vadd.s32 s4, v0;
	_ =	sdelay $0x2  }
0x5ac: {  	[tilespmem:s28+$0xFFFFFF00] =	vst v1  }
0x5ad: {  	s13 =	simm.s32 $0x22;
	[tilespmem:s28+$0x0] =	vst v4;
	v1 =	vld.idx.msk [tilespmem:v3+s21+$0x0], $0xffff  }
0x5ae: {  	s15 =	simm.s32 $0x132;
	v3 =	vadd.s32 s13, v0;
	v4 =	vld.idx.msk [tilespmem:v5+s21+$0x0], $0xffff  }
0x5af: {  	v5 =	vadd.s32 s15, v0;
	_ =	sdelay $0x2  }
0x5b0: {  	[tilespmem:s28+$0xFFFFFF10] =	vst v1  }
0x5b1: {  	s16 =	simm.s32 $0x33;
	[tilespmem:s28+$0x10] =	vst v4;
	v1 =	vld.idx.msk [tilespmem:v3+s21+$0x0], $0xffff  }
0x5b2: {  	s17 =	simm.s32 $0x143;
	v3 =	vadd.s32 s16, v0;
	v4 =	vld.idx.msk [tilespmem:v5+s21+$0x0], $0xffff  }
0x5b3: {  	v5 =	vadd.s32 s17, v0;
	_ =	sdelay $0x2  }
0x5b4: {  	s18 =	simm.s32 $0x220;
	[tilespmem:s28+$0xFFFFFF20] =	vst v1  }
0x5b5: {  	s1 =	simm.s32 $0x44;
	[tilespmem:s28+$0x20] =	vst v4;
	v1 =	vld.idx.msk [tilespmem:v3+s21+$0x0], $0xffff;
	v3 =	vor.u32 s18, v0  }
0x5b6: {  	v4 =	vadd.s32 s1, v0;
	s1 =	simm.s32 $0x154;
	v5 =	vld.idx.msk [tilespmem:v5+s21+$0x0], $0xffff  }
0x5b7: {  	v6 =	vadd.s32 s1, v0  }
0x5b8: {  	s3 =	simm.s32 $0x330  }
0x5b9: {  	v7 =	vor.u32 s3, v0  }
0x5ba: {  	s4 =	simm.s32 $0x231;
	[tilespmem:s28+$0xFFFFFF30] =	vst v1;
	v1 =	vld.idx.msk [tilespmem:v3+s21+$0x0], $0xffff  }
0x5bb: {  	s13 =	simm.s32 $0x55;
	[tilespmem:s28+$0x30] =	vst v5;
	v3 =	vld.idx.msk [tilespmem:v4+s21+$0x0], $0xffff;
	v4 =	vadd.s32 s4, v0  }
0x5bc: {  	s15 =	simm.s32 $0x165;
	v5 =	vadd.s32 s13, v0;
	v6 =	vld.idx.msk [tilespmem:v6+s21+$0x0], $0xffff  }
0x5bd: {  	v8 =	vadd.s32 s15, v0  }
0x5be: {  	s29 =	simm.s32 $0x8B00;
	v7 =	vld.idx.msk [tilespmem:v7+s21+$0x0], $0xffff;
	s16 =	simm.s32 $0x341  }
0x5bf: {  	v9 =	vadd.s32 s16, v0;
	[tilespmem:s29+$0xFFFFFF00] =	vst v1  }
0x5c0: {  	s17 =	simm.s32 $0x242;
	[tilespmem:s28+$0xFFFFFF40] =	vst v3;
	v1 =	vld.idx.msk [tilespmem:v4+s21+$0x0], $0xffff  }
0x5c1: {  	s18 =	simm.s32 $0x66;
	[tilespmem:s28+$0x40] =	vst v6;
	v4 =	vadd.s32 s17, v0;
	v3 =	vld.idx.msk [tilespmem:v5+s21+$0x0], $0xffff  }
0x5c2: {  	s1 =	simm.s32 $0x176;
	v5 =	vadd.s32 s18, v0;
	v6 =	vld.idx.msk [tilespmem:v8+s21+$0x0], $0xffff  }
0x5c3: {  	[tilespmem:s29+$0x0] =	vst v7;
	v8 =	vadd.s32 s1, v0  }
0x5c4: {  	s3 =	simm.s32 $0x352;
	v7 =	vld.idx.msk [tilespmem:v9+s21+$0x0], $0xffff  }
0x5c5: {  	v9 =	vadd.s32 s3, v0;
	[tilespmem:s29+$0xFFFFFF10] =	vst v1  }
0x5c6: {  	s4 =	simm.s32 $0x253;
	[tilespmem:s28+$0xFFFFFF50] =	vst v3;
	v1 =	vld.idx.msk [tilespmem:v4+s21+$0x0], $0xffff  }
0x5c7: {  	s13 =	simm.s32 $0x77;
	[tilespmem:s28+$0x50] =	vst v6;
	v4 =	vadd.s32 s4, v0;
	v3 =	vld.idx.msk [tilespmem:v5+s21+$0x0], $0xffff  }
0x5c8: {  	s15 =	simm.s32 $0x187;
	v5 =	vadd.s32 s13, v0;
	v6 =	vld.idx.msk [tilespmem:v8+s21+$0x0], $0xffff  }
0x5c9: {  	[tilespmem:s29+$0x10] =	vst v7;
	v7 =	vadd.s32 s15, v0  }
0x5ca: {  	s16 =	simm.s32 $0x363;
	v8 =	vld.idx.msk [tilespmem:v9+s21+$0x0], $0xffff  }
0x5cb: {  	v9 =	vadd.s32 s16, v0;
	[tilespmem:s29+$0xFFFFFF20] =	vst v1  }
0x5cc: {  	s17 =	simm.s32 $0x264;
	[tilespmem:s28+$0xFFFFFF60] =	vst v3;
	v1 =	vld.idx.msk [tilespmem:v4+s21+$0x0], $0xffff  }
0x5cd: {  	s18 =	simm.s32 $0x88;
	[tilespmem:s28+$0x60] =	vst v6;
	v4 =	vadd.s32 s17, v0;
	v3 =	vld.idx.msk [tilespmem:v5+s21+$0x0], $0xffff  }
0x5ce: {  	s3 =	simm.s32 $0x198;
	v5 =	vadd.s32 s18, v0;
	v6 =	vld.idx.msk [tilespmem:v7+s21+$0x0], $0xffff  }
0x5cf: {  	s4 =	simm.s32 $0x440;
	[tilespmem:s29+$0x20] =	vst v8;
	v7 =	vadd.s32 s3, v0  }
0x5d0: {  	s13 =	simm.s32 $0x374;
	v8 =	vld.idx.msk [tilespmem:v9+s21+$0x0], $0xffff;
	v9 =	vor.u32 s4, v0  }
0x5d1: {  	s15 =	simm.s32 $0x550;
	v10 =	vadd.s32 s13, v0;
	[tilespmem:s29+$0xFFFFFF30] =	vst v1  }
0x5d2: {  	s16 =	simm.s32 $0x275;
	v1 =	vor.u32 s15, v0;
	[tilespmem:s28+$0xFFFFFF70] =	vst v3;
	v3 =	vld.idx.msk [tilespmem:v4+s21+$0x0], $0xffff  }
0x5d3: {  	s17 =	simm.s32 $0x99;
	[tilespmem:s28+$0x70] =	vst v6;
	v4 =	vld.idx.msk [tilespmem:v5+s21+$0x0], $0xffff;
	v5 =	vadd.s32 s16, v0  }
0x5d4: {  	s18 =	simm.s32 $0x1A9;
	v6 =	vadd.s32 s17, v0;
	v7 =	vld.idx.msk [tilespmem:v7+s21+$0x0], $0xffff  }
0x5d5: {  	s1 =	simm.s32 $0x451;
	[tilespmem:s29+$0x30] =	vst v8;
	v8 =	vadd.s32 s18, v0;
	v9 =	vld.idx.msk [tilespmem:v9+s21+$0x0], $0xffff  }
0x5d6: {  	v11 =	vadd.s32 s1, v0;
	s3 =	simm.s32 $0x385;
	v10 =	vld.idx.msk [tilespmem:v10+s21+$0x0], $0xffff  }
0x5d7: {  	s4 =	simm.s32 $0x561;
	v12 =	vadd.s32 s3, v0;
	v1 =	vld.idx.msk [tilespmem:v1+s21+$0x0], $0xffff;
	[tilespmem:s29+$0xFFFFFF40] =	vst v3  }
0x5d8: {  	s13 =	simm.s32 $0x286;
	v3 =	vadd.s32 s4, v0;
	[tilespmem:s28+$0xFFFFFF80] =	vst v4;
	v4 =	vld.idx.msk [tilespmem:v5+s21+$0x0], $0xffff  }
0x5d9: {  	s30 =	simm.s32 $0x8D00;
	s15 =	simm.s32 $0xAA;
	[tilespmem:s28+$0x80] =	vst v7;
	v5 =	vld.idx.msk [tilespmem:v6+s21+$0x0], $0xffff;
	v6 =	vadd.s32 s13, v0  }
0x5da: {  	s16 =	simm.s32 $0x1BA;
	[tilespmem:s30+$0xFFFFFF00] =	vst v9;
	v7 =	vadd.s32 s15, v0;
	v8 =	vld.idx.msk [tilespmem:v8+s21+$0x0], $0xffff  }
0x5db: {  	s17 =	simm.s32 $0x462;
	v9 =	vadd.s32 s16, v0;
	[tilespmem:s29+$0x40] =	vst v10;
	v10 =	vld.idx.msk [tilespmem:v11+s21+$0x0], $0xffff  }
0x5dc: {  	s18 =	simm.s32 $0x396;
	v11 =	vld.idx.msk [tilespmem:v12+s21+$0x0], $0xffff;
	[tilespmem:s30+$0x0] =	vst v1;
	v1 =	vadd.s32 s17, v0  }
0x5dd: {  	s3 =	simm.s32 $0x572;
	v12 =	vadd.s32 s18, v0;
	v3 =	vld.idx.msk [tilespmem:v3+s21+$0x0], $0xffff;
	[tilespmem:s29+$0xFFFFFF50] =	vst v4  }
0x5de: {  	s4 =	simm.s32 $0x297;
	[tilespmem:s28+$0xFFFFFF90] =	vst v5;
	v4 =	vld.idx.msk [tilespmem:v6+s21+$0x0], $0xffff;
	v5 =	vadd.s32 s3, v0  }
0x5df: {  	s13 =	simm.s32 $0xBB;
	[tilespmem:s28+$0x90] =	vst v8;
	v6 =	vld.idx.msk [tilespmem:v7+s21+$0x0], $0xffff;
	v7 =	vadd.s32 s4, v0  }
0x5e0: {  	s15 =	simm.s32 $0x1CB;
	[tilespmem:s30+$0xFFFFFF10] =	vst v10;
	v8 =	vadd.s32 s13, v0;
	v9 =	vld.idx.msk [tilespmem:v9+s21+$0x0], $0xffff  }
0x5e1: {  	s16 =	simm.s32 $0x473;
	v10 =	vadd.s32 s15, v0;
	[tilespmem:s29+$0x50] =	vst v11;
	v1 =	vld.idx.msk [tilespmem:v1+s21+$0x0], $0xffff  }
0x5e2: {  	s17 =	simm.s32 $0x3A7;
	v11 =	vld.idx.msk [tilespmem:v12+s21+$0x0], $0xffff;
	[tilespmem:s30+$0x10] =	vst v3;
	v3 =	vadd.s32 s16, v0  }
0x5e3: {  	s18 =	simm.s32 $0x583;
	v5 =	vld.idx.msk [tilespmem:v5+s21+$0x0], $0xffff;
	[tilespmem:s29+$0xFFFFFF60] =	vst v4;
	v4 =	vadd.s32 s17, v0  }
0x5e4: {  	s1 =	simm.s32 $0x2A8;
	[tilespmem:s28+$0xFFFFFFA0] =	vst v6;
	v6 =	vld.idx.msk [tilespmem:v7+s21+$0x0], $0xffff;
	v7 =	vadd.s32 s18, v0  }
0x5e5: {  	s3 =	simm.s32 $0xCC;
	[tilespmem:s28+$0xA0] =	vst v9;
	v9 =	vadd.s32 s1, v0;
	v8 =	vld.idx.msk [tilespmem:v8+s21+$0x0], $0xffff  }
0x5e6: {  	v12 =	vadd.s32 s3, v0;
	s4 =	simm.s32 $0x1DC;
	v10 =	vld.idx.msk [tilespmem:v10+s21+$0x0], $0xffff;
	[tilespmem:s30+$0xFFFFFF20] =	vst v1  }
0x5e7: {  	s13 =	simm.s32 $0x484;
	[tilespmem:s29+$0x60] =	vst v11;
	v1 =	vadd.s32 s4, v0;
	v3 =	vld.idx.msk [tilespmem:v3+s21+$0x0], $0xffff  }
0x5e8: {  	s15 =	simm.s32 $0x3B8;
	[tilespmem:s30+$0x20] =	vst v5;
	v4 =	vld.idx.msk [tilespmem:v4+s21+$0x0], $0xffff;
	v5 =	vadd.s32 s13, v0  }
0x5e9: {  	s16 =	simm.s32 $0x594;
	v7 =	vld.idx.msk [tilespmem:v7+s21+$0x0], $0xffff;
	[tilespmem:s29+$0xFFFFFF70] =	vst v6;
	v6 =	vadd.s32 s15, v0  }
0x5ea: {  	s17 =	simm.s32 $0x2B9;
	[tilespmem:s28+$0xFFFFFFB0] =	vst v8;
	v8 =	vld.idx.msk [tilespmem:v9+s21+$0x0], $0xffff;
	v9 =	vadd.s32 s16, v0  }
0x5eb: {  	s18 =	simm.s32 $0x660;
	[tilespmem:s28+$0xB0] =	vst v10;
	v10 =	vadd.s32 s17, v0;
	v11 =	vld.idx.msk [tilespmem:v12+s21+$0x0], $0xffff  }
0x5ec: {  	s1 =	simm.s32 $0x770;
	v1 =	vld.idx.msk [tilespmem:v1+s21+$0x0], $0xffff;
	v12 =	vor.u32 s18, v0;
	[tilespmem:s30+$0xFFFFFF30] =	vst v3  }
0x5ed: {  	s3 =	simm.s32 $0x495;
	v3 =	vor.u32 s1, v0;
	v5 =	vld.idx.msk [tilespmem:v5+s21+$0x0], $0xffff;
	[tilespmem:s29+$0x70] =	vst v4  }
0x5ee: {  	s4 =	simm.s32 $0x3C9;
	[tilespmem:s30+$0x30] =	vst v7;
	v4 =	vld.idx.msk [tilespmem:v6+s21+$0x0], $0xffff;
	v6 =	vadd.s32 s3, v0  }
0x5ef: {  	s13 =	simm.s32 $0x5A5;
	v7 =	vld.idx.msk [tilespmem:v9+s21+$0x0], $0xffff;
	[tilespmem:s29+$0xFFFFFF80] =	vst v8;
	v8 =	vadd.s32 s4, v0  }
0x5f0: {  	s15 =	simm.s32 $0x2CA;
	v9 =	vld.idx.msk [tilespmem:v10+s21+$0x0], $0xffff;
	v10 =	vadd.s32 s13, v0  }
0x5f1: {  	s16 =	simm.s32 $0x671;
	[tilespmem:s28+$0xFFFFFFC0] =	vst v11;
	v11 =	vld.idx.msk [tilespmem:v12+s21+$0x0], $0xffff;
	v12 =	vadd.s32 s15, v0  }
0x5f2: {  	s17 =	simm.s32 $0x1ED;
	v13 =	vadd.s32 s16, v0;
	v3 =	vld.idx.msk [tilespmem:v3+s21+$0x0], $0xffff;
	[tilespmem:s30+$0xFFFFFF40] =	vst v5  }
0x5f3: {  	s18 =	simm.s32 $0x781;
	v5 =	vld.idx.msk [tilespmem:v6+s21+$0x0], $0xffff;
	[tilespmem:s29+$0x80] =	vst v4;
	v4 =	vadd.s32 s17, v0  }
0x5f4: {  	s1 =	simm.s32 $0x4A6;
	v6 =	vadd.s32 s18, v0;
	[tilespmem:s30+$0x40] =	vst v7;
	v7 =	vld.idx.msk [tilespmem:v8+s21+$0x0], $0xffff  }
0x5f5: {  	s3 =	simm.s32 $0x3DA;
	s15 =	simm.s32 $0x8F00;
	v8 =	vadd.s32 s1, v0;
	v10 =	vld.idx.msk [tilespmem:v10+s21+$0x0], $0xffff;
	[tilespmem:s29+$0xFFFFFF90] =	vst v9  }
0x5f6: {  	s4 =	simm.s32 $0x5B6;
	[tilespmem:s15+$0xFFFFFF00] =	vst v11;
	v11 =	vadd.s32 s3, v0;
	v9 =	vld.idx.msk [tilespmem:v12+s21+$0x0], $0xffff  }
0x5f7: {  	[tilespmem:s28+$0xC0] =	vst v1;
	s13 =	simm.s32 $0x2DB;
	v1 =	vld.idx.msk [tilespmem:v13+s21+$0x0], $0xffff;
	v12 =	vadd.s32 s4, v0  }
0x5f8: {  	s16 =	simm.s32 $0x682;
	[tilespmem:s15+$0x0] =	vst v3;
	v3 =	vadd.s32 s13, v0;
	v4 =	vld.idx.msk [tilespmem:v4+s21+$0x0], $0xffff  }
0x5f9: {  	s17 =	simm.s32 $0x1FE;
	v13 =	vadd.s32 s16, v0;
	v6 =	vld.idx.msk [tilespmem:v6+s21+$0x0], $0xffff;
	[tilespmem:s30+$0xFFFFFF50] =	vst v5  }
0x5fa: {  	s18 =	simm.s32 $0x792;
	v5 =	vld.idx.msk [tilespmem:v8+s21+$0x0], $0xffff;
	[tilespmem:s29+$0x90] =	vst v7;
	v7 =	vadd.s32 s17, v0  }
0x5fb: {  	s1 =	simm.s32 $0x4B7;
	v8 =	vadd.s32 s18, v0;
	[tilespmem:s30+$0x50] =	vst v10;
	v10 =	vld.idx.msk [tilespmem:v11+s21+$0x0], $0xffff  }
0x5fc: {  	s4 =	simm.s32 $0xDD;
	v11 =	vadd.s32 s1, v0;
	v12 =	vld.idx.msk [tilespmem:v12+s21+$0x0], $0xffff;
	[tilespmem:s29+$0xFFFFFFA0] =	vst v9  }
0x5fd: {  	s3 =	simm.s32 $0x3EB;
	[tilespmem:s15+$0xFFFFFF10] =	vst v1;
	v9 =	vadd.s32 s4, v0;
	v1 =	vld.idx.msk [tilespmem:v3+s21+$0x0], $0xffff  }
0x5fe: {  	s13 =	simm.s32 $0x2EC;
	v3 =	vadd.s32 s3, v0;
	v13 =	vld.idx.msk [tilespmem:v13+s21+$0x0], $0xffff;
	[tilespmem:s28+$0xD0] =	vst v4  }
0x5ff: {  	s16 =	simm.s32 $0x693;
	[tilespmem:s15+$0x10] =	vst v6;
	v4 =	vadd.s32 s13, v0;
	v7 =	vld.idx.msk [tilespmem:v7+s21+$0x0], $0xffff  }
0x600: {  	s17 =	simm.s32 $0x5C7;
	v6 =	vadd.s32 s16, v0;
	v8 =	vld.idx.msk [tilespmem:v8+s21+$0x0], $0xffff;
	[tilespmem:s30+$0xFFFFFF60] =	vst v5  }
0x601: {  	s18 =	simm.s32 $0x7A3;
	v5 =	vld.idx.msk [tilespmem:v11+s21+$0x0], $0xffff;
	v11 =	vadd.s32 s17, v0;
	[tilespmem:s29+$0xA0] =	vst v10  }
0x602: {  	s1 =	simm.s32 $0x4C8;
	v10 =	vadd.s32 s18, v0;
	[tilespmem:s30+$0x60] =	vst v12;
	v17 =	vld.idx.msk [tilespmem:v9+s21+$0x0], $0xffff  }
0x603: {  	v16 =	vadd.s32 s1, v0;
	s3 =	simm.s32 $0x3FC;
	v15 =	vld.idx.msk [tilespmem:v3+s21+$0x0], $0xffff;
	[tilespmem:s29+$0xFFFFFFB0] =	vst v1  }
0x604: {  	[tilespmem:s15+$0xFFFFFF20] =	vst v13;
	v1 =	vadd.s32 s3, v0;
	s3 =	simm.s32 $0xEE;
	v13 =	vld.idx.msk [tilespmem:v4+s21+$0x0], $0xffff  }
0x605: {  	s4 =	simm.s32 $0xFF;
	v6 =	vld.idx.msk [tilespmem:v6+s21+$0x0], $0xffff;
	v12 =	vadd.s32 s3, v0;
	[tilespmem:s28+$0xE0] =	vst v7  }
0x606: {  	v14 =	vadd.s32 s31, v0;
	[tilespmem:s15+$0x20] =	vst v8;
	v3 =	vld.idx.msk [tilespmem:v11+s21+$0x0], $0xffff;
	v11 =	vadd.s32 s4, v0;
	s4 =	simm.s32 $0x6A4  }
0x607: {  	s0 =	simm.s32 $0x86F;
	s31 =	simm.s32 $0x8F00;
	s17 =	simm.s32 $0x5D8;
	v7 =	vld.idx.msk [tilespmem:v10+s21+$0x0], $0xffff;
	[tilespmem:s30+$0xFFFFFF70] =	vst v5;
	v8 =	vadd.s32 s4, v0  }
0x608: {  	s1 =	simm.s32 $0x64F;
	s13 =	simm.s32 $0x42F;
	s18 =	simm.s32 $0x7B4;
	v5 =	vadd.s32 s17, v0;
	v4 =	vld.idx.msk [tilespmem:v16+s21+$0x0], $0xffff;
	[tilespmem:s29+$0xB0] =	vst v15  }
0x609: {  	s16 =	simm.s32 $0x6;
	v9 =	vadd.s32 s18, v0;
	s18 =	simm.s32 $0x4D9;
	s17 =	simm.s32 $0xA8F;
	[tilespmem:s28+$0xFFFFFFD0] =	vst v17;
	v1 =	vld.idx.msk [tilespmem:v1+s21+$0x0], $0xffff  }
.LBB2_15:
0x60a: {  	s3 =	sadd.s32 $0xFFFFFDF1, s17;
	s16 =	sadd.s32 $0x2, s16;
	v10 =	vadd.s32 s18, v0;
	[tilespmem:s29+$0xFFFFFFC0] =	vst v13;
	v12 =	vld.idx.msk [tilespmem:v12+s21+$0x0], $0xffff  }
0x60b: {  	v13 =	vor.u32 s3, v0;
	s3 =	sadd.s32 $0xFFFFFF01, s17;
	p0 =	slt.u32 s16, $0x3E;
	[tilespmem:s15+$0xFFFFFF30] =	vst v6;
	v6 =	vld.idx.msk [tilespmem:v14+s21+$0x0], $0xffff  }
0x60c: {  	v14 =	vor.u32 s3, v0;
	v8 =	vld.idx.msk [tilespmem:v8+s21+$0x0], $0xffff;
	[tilespmem:s30+$0x70] =	vst v3  }
0x60d: {  	s3 =	sadd.s32 $0xFFFFFE46, s0;
	[tilespmem:s15+$0x30] =	vst v7;
	v3 =	vld.idx.msk [tilespmem:v5+s21+$0x0], $0xffff  }
0x60e: {  	v5 =	vadd.s32 s3, v0;
	s3 =	sadd.s32 $0xFFFFFF9A, s1;
	v7 =	vld.idx.msk [tilespmem:v9+s21+$0x0], $0xffff;
	[tilespmem:s30+$0xFFFFFF80] =	vst v4  }
0x60f: {  	s4 =	sadd.s32 $0xFFFFFF56, s0;
	v9 =	vadd.s32 s3, v0;
	v4 =	vld.idx.msk [tilespmem:v10+s21+$0x0], $0xffff;
	[tilespmem:s29+$0xC0] =	vst v1  }
0x610: {  	s3 =	sadd.s32 $0xFFFFFE9B, s1;
	v10 =	vadd.s32 s4, v0;
	v1 =	vld.idx.msk [tilespmem:v13+s21+$0x0], $0xffff;
	[tilespmem:s28+$0xFFFFFFE0] =	vst v12  }
0x611: {  	s4 =	sadd.s32 $0xFFFFFE02, s17;
	v12 =	vadd.s32 s3, v0;
	v11 =	vld.idx.msk [tilespmem:v11+s21+$0x0], $0xffff;
	[tilespmem:s28+$0xF0] =	vst v6  }
0x612: {  	s3 =	sadd.s32 $0xFFFFFF12, s17;
	v6 =	vadd.s32 s4, v0;
	s4 =	sadd.s32 $0xFFFFFFDE, s13;
	v13 =	vld.idx.msk [tilespmem:v14+s21+$0x0], $0xffff;
	[tilespmem:s15+$0xFFFFFF40] =	vst v8  }
0x613: {  	v8 =	vadd.s32 s3, v0;
	v5 =	vld.idx.msk [tilespmem:v5+s21+$0x0], $0xffff;
	[tilespmem:s30+$0x80] =	vst v3;
	v3 =	vadd.s32 s4, v0  }
0x614: {  	s3 =	sadd.s32 $0xFFFFFE57, s0;
	[tilespmem:s15+$0x40] =	vst v7;
	v7 =	vld.idx.msk [tilespmem:v9+s21+$0x0], $0xffff  }
0x615: {  	v9 =	vadd.s32 s3, v0;
	s15 =	sadd.s32 $0x200, s15;
	s3 =	sadd.s32 $0xFFFFFFAB, s1;
	v10 =	vld.idx.msk [tilespmem:v10+s21+$0x0], $0xffff;
	[tilespmem:s30+$0xFFFFFF90] =	vst v4  }
0x616: {  	s4 =	sadd.s32 $0xFFFFFF67, s0;
	v4 =	vadd.s32 s3, v0;
	[tilespmem:s15+$0xFFFFFF00] =	vst v1;
	v1 =	vld.idx.msk [tilespmem:v12+s21+$0x0], $0xffff  }
0x617: {  	s3 =	sadd.s32 $0xFFFFFEAC, s1;
	v12 =	vadd.s32 s4, v0;
	v6 =	vld.idx.msk [tilespmem:v6+s21+$0x0], $0xffff;
	[tilespmem:s28+$0xFFFFFFF0] =	vst v11;
	s28 =	smov.u32 s29;
	s29 =	smov.u32 s30  }
0x618: {  	s4 =	sadd.s32 $0xFFFFFE13, s17;
	v11 =	vadd.s32 s3, v0;
	s30 =	smov.u32 s31;
	s31 =	smov.u32 s15;
	[tilespmem:s15+$0x0] =	vst v13;
	v3 =	vld.idx.msk [tilespmem:v3+s21+$0x0], $0xffff  }
0x619: {  	s3 =	sadd.s32 $0xFFFFFFEF, s13;
	v13 =	vadd.s32 s4, v0;
	v8 =	vld.idx.msk [tilespmem:v8+s21+$0x0], $0xffff;
	[tilespmem:s30+$0xFFFFFF50] =	vst v5  }
0x61a: {  	s4 =	sadd.s32 $0xFFFFFF23, s17;
	v5 =	vld.idx.msk [tilespmem:v9+s21+$0x0], $0xffff;
	[tilespmem:s29+$0x90] =	vst v7;
	v7 =	vadd.s32 s3, v0  }
0x61b: {  	v9 =	vadd.s32 s4, v0;
	s3 =	sadd.s32 $0xFFFFFE68, s0;
	[tilespmem:s30+$0x50] =	vst v10;
	v4 =	vld.idx.msk [tilespmem:v4+s21+$0x0], $0xffff  }
0x61c: {  	s4 =	sadd.s32 $0xFFFFFECE, s13;
	v10 =	vadd.s32 s3, v0;
	s3 =	sadd.s32 $0xFFFFFFBC, s1;
	v14 =	vld.idx.msk [tilespmem:v12+s21+$0x0], $0xffff;
	[tilespmem:s29+$0xFFFFFFA0] =	vst v1  }
0x61d: {  	[tilespmem:s15+$0xFFFFFF10] =	vst v6;
	v1 =	vld.idx.msk [tilespmem:v11+s21+$0x0], $0xffff;
	v6 =	vadd.s32 s3, v0;
	v11 =	vadd.s32 s4, v0;
	s3 =	sadd.s32 $0xFFFFFEDF, s13  }
0x61e: {  	s4 =	sadd.s32 $0xFFFFFEBD, s1;
	v13 =	vld.idx.msk [tilespmem:v13+s21+$0x0], $0xffff;
	v12 =	vadd.s32 s3, v0;
	[tilespmem:s28+$0xD0] =	vst v3  }
0x61f: {  	s3 =	sadd.s32 $0xFFFFFE24, s17;
	v3 =	vadd.s32 s4, v0;
	[tilespmem:s15+$0x10] =	vst v8;
	v7 =	vld.idx.msk [tilespmem:v7+s21+$0x0], $0xffff  }
0x620: {  	v8 =	vadd.s32 s3, v0;
	s3 =	sadd.s32 $0xFFFFFF78, s0;
	v9 =	vld.idx.msk [tilespmem:v9+s21+$0x0], $0xffff;
	[tilespmem:s30+$0xFFFFFF60] =	vst v5  }
0x621: {  	s4 =	sadd.s32 $0xFFFFFF34, s17;
	v5 =	vld.idx.msk [tilespmem:v10+s21+$0x0], $0xffff;
	v10 =	vadd.s32 s3, v0;
	[tilespmem:s29+$0xA0] =	vst v4  }
0x622: {  	v4 =	vadd.s32 s4, v0;
	s3 =	sadd.s32 $0xFFFFFE79, s0;
	[tilespmem:s30+$0x60] =	vst v14;
	v15 =	vld.idx.msk [tilespmem:v6+s21+$0x0], $0xffff  }
0x623: {  	v16 =	vadd.s32 s3, v0;
	s3 =	sadd.s32 $0xFFFFFFCD, s1;
	[tilespmem:s29+$0xFFFFFFB0] =	vst v1;
	v17 =	vld.idx.msk [tilespmem:v11+s21+$0x0], $0xffff  }
0x624: {  	v1 =	vadd.s32 s3, v0;
	s3 =	sadd.s32 $0xFFFFFEF0, s13;
	[tilespmem:s15+$0xFFFFFF20] =	vst v13;
	v13 =	vld.idx.msk [tilespmem:v3+s21+$0x0], $0xffff  }
.Ltmp6:
0x625: {  	v11 =	vadd.s32 s3, v0;
	v6 =	vld.idx.msk [tilespmem:v8+s21+$0x0], $0xffff;
	[tilespmem:s28+$0xE0] =	vst v7;
	(pc) =	sbr.rel @p0 .LBB2_15-.Ltmp6, $4  }
0x626: {  	v14 =	vadd.s32 s13, v0;
	s13 =	smov.u32 s1;
	s1 =	smov.u32 s0;
	s3 =	sadd.s32 $0xFFFFFE35, s17;
	[tilespmem:s15+$0x20] =	vst v9;
	v3 =	vld.idx.msk [tilespmem:v10+s21+$0x0], $0xffff  }
0x627: {  	s0 =	smov.u32 s17;
	v8 =	vadd.s32 s3, v0;
	s3 =	sadd.s32 $0xFFFFFF89, s1;
	v7 =	vld.idx.msk [tilespmem:v4+s21+$0x0], $0xffff;
	[tilespmem:s30+$0xFFFFFF70] =	vst v5  }
0x628: {  	s4 =	sadd.s32 $0xFFFFFF45, s17;
	v5 =	vadd.s32 s3, v0;
	v4 =	vld.idx.msk [tilespmem:v16+s21+$0x0], $0xffff;
	[tilespmem:s29+$0xB0] =	vst v15  }
0x629: {  	s17 =	sadd.s32 $0x220, s17;
	s18 =	sadd.s32 $0xFFFFFE8A, s1;
	v9 =	vadd.s32 s4, v0;
	v1 =	vld.idx.msk [tilespmem:v1+s21+$0x0], $0xffff;
	[tilespmem:s28+$0xFFFFFFD0] =	vst v17  }
0x62a: {  	_ =	sdelay $0x2  }
0x62b: {  	[tilespmem:s15+$0xFFFFFF30] =	vst v6  }
0x62c: {  	s16 =	sadd.s32 $0xFFFFFE46, s0;
	v56 =	vld.idx.msk [tilespmem:v8+s21+$0x0], $0xffff;
	[tilespmem:s15+$0x30] =	vst v7  }
0x62d: {  	s3 =	sadd.s32 $0xFFFFFF56, s0;
	v58 =	vadd.s32 s16, v0;
	v55 =	vld.idx.msk [tilespmem:v9+s21+$0x0], $0xffff  }
0x62e: {  	v57 =	vadd.s32 s3, v0;
	_ =	sdelay $0x2  }
0x62f: {  	[tilespmem:s15+$0xFFFFFF40] =	vst v56  }
0x630: {  	s4 =	sadd.s32 $0xFFFFFE57, s0;
	v7 =	vld.idx.msk [tilespmem:v58+s21+$0x0], $0xffff;
	[tilespmem:s15+$0x40] =	vst v55  }
0x631: {  	s17 =	sadd.s32 $0xFFFFFF67, s0;
	v60 =	vadd.s32 s4, v0;
	v6 =	vld.idx.msk [tilespmem:v57+s21+$0x0], $0xffff  }
0x632: {  	v59 =	vadd.s32 s17, v0;
	_ =	sdelay $0x2  }
0x633: {  	[tilespmem:s31+$0xFFFFFF50] =	vst v7  }
0x634: {  	s15 =	sadd.s32 $0xFFFFFE68, s0;
	v7 =	vld.idx.msk [tilespmem:v60+s21+$0x0], $0xffff;
	[tilespmem:s31+$0x50] =	vst v6  }
0x635: {  	s4 =	sadd.s32 $0xFFFFFF78, s0;
	v62 =	vadd.s32 s15, v0;
	v6 =	vld.idx.msk [tilespmem:v59+s21+$0x0], $0xffff  }
0x636: {  	v61 =	vadd.s32 s4, v0;
	_ =	sdelay $0x2  }
0x637: {  	[tilespmem:s31+$0xFFFFFF60] =	vst v7  }
0x638: {  	s17 =	sadd.s32 $0xFFFFFE79, s0;
	v7 =	vld.idx.msk [tilespmem:v62+s21+$0x0], $0xffff;
	[tilespmem:s31+$0x60] =	vst v6  }
0x639: {  	s16 =	sadd.s32 $0xFFFFFF89, s0;
	v15 =	vadd.s32 s17, v0;
	v6 =	vld.idx.msk [tilespmem:v61+s21+$0x0], $0xffff  }
0x63a: {  	v63 =	vadd.s32 s16, v0  }
0x63b: {  	[tilespmem:s30+$0x70] =	vst v3  }
0x63c: {  	v3 =	vld.idx.msk [tilespmem:v5+s21+$0x0], $0xffff;
	s4 =	sadd.s32 $0xFFFFFF9A, s1  }
0x63d: {  	v16 =	vadd.s32 s4, v0;
	[tilespmem:s31+$0xFFFFFF70] =	vst v7  }
0x63e: {  	v17 =	vadd.s32 s18, v0;
	s16 =	sadd.s32 $0xFFFFFE8A, s0;
	v19 =	vld.idx.msk [tilespmem:v15+s21+$0x0], $0xffff;
	[tilespmem:s31+$0x70] =	vst v6  }
0x63f: {  	v10 =	vadd.s32 s16, v0;
	s15 =	sadd.s32 $0xFFFFFF9A, s0;
	v18 =	vld.idx.msk [tilespmem:v63+s21+$0x0], $0xffff  }
0x640: {  	v20 =	vadd.s32 s15, v0  }
0x641: {  	[tilespmem:s30+$0x80] =	vst v3  }
0x642: {  	s17 =	sadd.s32 $0xFFFFFFAB, s1;
	[tilespmem:s30+$0xFFFFFF80] =	vst v4;
	v3 =	vld.idx.msk [tilespmem:v16+s21+$0x0], $0xffff  }
0x643: {  	s18 =	sadd.s32 $0xFFFFFE9B, s1;
	v21 =	vadd.s32 s17, v0;
	v4 =	vld.idx.msk [tilespmem:v17+s21+$0x0], $0xffff;
	[tilespmem:s31+$0xFFFFFF80] =	vst v19  }
0x644: {  	v22 =	vadd.s32 s18, v0;
	s16 =	sadd.s32 $0xFFFFFE9B, s0;
	v8 =	vld.idx.msk [tilespmem:v10+s21+$0x0], $0xffff;
	[tilespmem:s31+$0x80] =	vst v18  }
0x645: {  	v24 =	vadd.s32 s16, v0;
	s15 =	sadd.s32 $0xFFFFFFAB, s0;
	v7 =	vld.idx.msk [tilespmem:v20+s21+$0x0], $0xffff  }
0x646: {  	v23 =	vadd.s32 s15, v0  }
0x647: {  	[tilespmem:s30+$0x90] =	vst v3  }
0x648: {  	s17 =	sadd.s32 $0xFFFFFFBC, s1;
	[tilespmem:s30+$0xFFFFFF90] =	vst v4;
	v3 =	vld.idx.msk [tilespmem:v21+s21+$0x0], $0xffff  }
0x649: {  	s18 =	sadd.s32 $0xFFFFFEAC, s1;
	v25 =	vadd.s32 s17, v0;
	v4 =	vld.idx.msk [tilespmem:v22+s21+$0x0], $0xffff;
	[tilespmem:s31+$0xFFFFFF90] =	vst v8  }
0x64a: {  	v26 =	vadd.s32 s18, v0;
	s16 =	sadd.s32 $0xFFFFFEAC, s0;
	v8 =	vld.idx.msk [tilespmem:v24+s21+$0x0], $0xffff;
	[tilespmem:s31+$0x90] =	vst v7  }
0x64b: {  	[tilespmem:s29+$0xFFFFFFC0] =	vst v13;
	v34 =	vadd.s32 s16, v0;
	s15 =	sadd.s32 $0xFFFFFFBC, s0;
	v7 =	vld.idx.msk [tilespmem:v23+s21+$0x0], $0xffff  }
0x64c: {  	v12 =	vld.idx.msk [tilespmem:v12+s21+$0x0], $0xffff;
	[tilespmem:s29+$0xC0] =	vst v1;
	v27 =	vadd.s32 s15, v0  }
0x64d: {  	v38 =	vld.idx.msk [tilespmem:v14+s21+$0x0], $0xffff;
	s16 =	sadd.s32 $0xFFFFFFDE, s13;
	[tilespmem:s30+$0xA0] =	vst v3  }
0x64e: {  	s17 =	sadd.s32 $0xFFFFFFCD, s1;
	v40 =	vadd.s32 s16, v0;
	[tilespmem:s30+$0xFFFFFFA0] =	vst v4;
	v3 =	vld.idx.msk [tilespmem:v25+s21+$0x0], $0xffff  }
0x64f: {  	s18 =	sadd.s32 $0xFFFFFEBD, s1;
	v35 =	vadd.s32 s17, v0;
	v4 =	vld.idx.msk [tilespmem:v26+s21+$0x0], $0xffff;
	[tilespmem:s31+$0xFFFFFFA0] =	vst v8  }
0x650: {  	v36 =	vadd.s32 s18, v0;
	s15 =	sadd.s32 $0xFFFFFEBD, s0;
	v1 =	vld.idx.msk [tilespmem:v34+s21+$0x0], $0xffff;
	[tilespmem:s31+$0xA0] =	vst v7  }
0x651: {  	s4 =	sadd.s32 $0xFFFFFFCD, s0;
	[tilespmem:s28+$0xFFFFFFE0] =	vst v12;
	v39 =	vadd.s32 s15, v0;
	v7 =	vld.idx.msk [tilespmem:v27+s21+$0x0], $0xffff  }
0x652: {  	v37 =	vadd.s32 s4, v0;
	s17 =	sadd.s32 $0xFFFFFECE, s13;
	[tilespmem:s28+$0xF0] =	vst v38;
	v11 =	vld.idx.msk [tilespmem:v11+s21+$0x0], $0xffff  }
0x653: {  	v47 =	vld.idx.msk [tilespmem:v40+s21+$0x0], $0xffff;
	[tilespmem:s30+$0xB0] =	vst v3;
	v3 =	vadd.s32 s17, v0  }
0x654: {  	s18 =	sadd.s32 $0xFFFFFFDE, s1;
	[tilespmem:s30+$0xFFFFFFB0] =	vst v4;
	v41 =	vld.idx.msk [tilespmem:v35+s21+$0x0], $0xffff  }
0x655: {  	v43 =	vadd.s32 s18, v0;
	s4 =	sadd.s32 $0xFFFFFECE, s1;
	v42 =	vld.idx.msk [tilespmem:v36+s21+$0x0], $0xffff;
	[tilespmem:s31+$0xFFFFFFB0] =	vst v1  }
0x656: {  	v44 =	vadd.s32 s4, v0;
	s16 =	sadd.s32 $0xFFFFFECE, s0;
	v45 =	vld.idx.msk [tilespmem:v39+s21+$0x0], $0xffff;
	[tilespmem:s31+$0xB0] =	vst v7  }
0x657: {  	v48 =	vadd.s32 s16, v0;
	[tilespmem:s28+$0xFFFFFFF0] =	vst v11;
	s15 =	sadd.s32 $0xFFFFFFDE, s0;
	v1 =	vld.idx.msk [tilespmem:v37+s21+$0x0], $0xffff  }
0x658: {  	v46 =	vadd.s32 s15, v0;
	[tilespmem:s29+$0xD0] =	vst v47;
	s17 =	sadd.s32 $0xFFFFFFEF, s13;
	v3 =	vld.idx.msk [tilespmem:v3+s21+$0x0], $0xffff  }
0x659: {  	s18 =	sadd.s32 $0xFFFFFEDF, s13;
	v49 =	vadd.s32 s17, v0;
	[tilespmem:s30+$0xC0] =	vst v41  }
0x65a: {  	v50 =	vadd.s32 s18, v0;
	s28 =	sadd.s32 $0xFFFFFFEF, s1;
	[tilespmem:s30+$0xFFFFFFC0] =	vst v42;
	v51 =	vld.idx.msk [tilespmem:v43+s21+$0x0], $0xffff  }
0x65b: {  	s4 =	sadd.s32 $0xFFFFFEDF, s1;
	v52 =	vadd.s32 s28, v0;
	v7 =	vld.idx.msk [tilespmem:v44+s21+$0x0], $0xffff;
	[tilespmem:s31+$0xFFFFFFC0] =	vst v45  }
0x65c: {  	s16 =	sadd.s32 $0xFFFFFEDF, s0;
	v55 =	vld.idx.msk [tilespmem:v48+s21+$0x0], $0xffff;
	[tilespmem:s31+$0xC0] =	vst v1;
	v1 =	vadd.s32 s4, v0  }
0x65d: {  	s15 =	sadd.s32 $0xFFFFFFEF, s0;
	[tilespmem:s29+$0xFFFFFFD0] =	vst v3;
	v3 =	vadd.s32 s16, v0;
	v53 =	vld.idx.msk [tilespmem:v46+s21+$0x0], $0xffff  }
0x65e: {  	v54 =	vadd.s32 s15, v0;
	v56 =	vld.idx.msk [tilespmem:v49+s21+$0x0], $0xffff  }
0x65f: {  	v57 =	vadd.s32 s13, v0;
	s17 =	sadd.s32 $0xFFFFFEF0, s13;
	v4 =	vld.idx.msk [tilespmem:v50+s21+$0x0], $0xffff;
	[tilespmem:s30+$0xD0] =	vst v51  }
0x660: {  	v58 =	vadd.s32 s17, v0;
	v6 =	vld.idx.msk [tilespmem:v52+s21+$0x0], $0xffff;
	[tilespmem:s30+$0xFFFFFFD0] =	vst v7  }
0x661: {  	s18 =	sadd.s32 $0xFFFFFEF0, s1;
	v59 =	vadd.s32 s1, v0;
	[tilespmem:s31+$0xFFFFFFD0] =	vst v55;
	v1 =	vld.idx.msk [tilespmem:v1+s21+$0x0], $0xffff  }
0x662: {  	s28 =	sadd.s32 $0xFFFFFEF0, s0;
	v60 =	vadd.s32 s18, v0;
	v3 =	vld.idx.msk [tilespmem:v3+s21+$0x0], $0xffff;
	[tilespmem:s31+$0xD0] =	vst v53  }
0x663: {  	v62 =	vadd.s32 s28, v0;
	[tilespmem:s29+$0xE0] =	vst v56;
	v9 =	vld.idx.msk [tilespmem:v54+s21+$0x0], $0xffff  }
0x664: {  	v61 =	vadd.s32 s0, v0;
	v11 =	vld.idx.msk [tilespmem:v57+s21+$0x0], $0xffff;
	[tilespmem:s29+$0xFFFFFFE0] =	vst v4  }
0x665: {  	v5 =	vld.idx.msk [tilespmem:v58+s21+$0x0], $0xffff;
	[tilespmem:s30+$0xE0] =	vst v6  }
0x666: {  	v6 =	vld.idx.msk [tilespmem:v59+s21+$0x0], $0xffff;
	[tilespmem:s30+$0xFFFFFFE0] =	vst v1  }
0x667: {  	[tilespmem:s31+$0xFFFFFFE0] =	vst v3;
	v1 =	vld.idx.msk [tilespmem:v60+s21+$0x0], $0xffff  }
0x668: {  	v3 =	vld.idx.msk [tilespmem:v62+s21+$0x0], $0xffff;
	[tilespmem:s31+$0xE0] =	vst v9  }
0x669: {  	[tilespmem:s29+$0xF0] =	vst v11;
	v63 =	vld.idx.msk [tilespmem:v61+s21+$0x0], $0xffff  }
0x66a: {  	[tilespmem:s29+$0xFFFFFFF0] =	vst v5  }
0x66b: {  	[tilespmem:s30+$0xF0] =	vst v6  }
0x66c: {  	[tilespmem:s30+$0xFFFFFFF0] =	vst v1;
	s30 =	sshll.u32 s26, $0xC  }
0x66d: {  	[tilespmem:s31+$0xFFFFFFF0] =	vst v3;
	s0 =	sadd.s32 s9, s30  }
0x66e: {  	[tilespmem:s31+$0xF0] =	vst v63;
	s31 =	sadd.s32 s0, s11  }
0x66f: {  	[hbm4b:s31+s22] =	stream.strided.scatter [tilespmem:s23], [sflag:$0x1], $0x4000, s19, s22, $0x38;
	[tilespmem:$0x11280] =	vst v63  }
0x670: {  	_ =	swait.ge [sflag:s14], $0x4000  }
0x671: {  	s26 =	sadd.s32 $0x1, s26;
	[sflag:s14] =	ssyncset.done $0x0  }
0x672: {  	p0 =	sne.s32 s26, $0x40;
	s0 =	sadd.s32 s8, s0;
	[sflag:s14] =	ssyncadd.s32 $0xFFFFC000  }
0x673: {  	[hbm4b:s0+s22] =	stream.strided.scatter [tilespmem:s24], [sflag:$0x1], $0x4000, s19, s22, $0x38;
	[tilespmem:$0x11280] =	vst v63  }
.Ltmp7:
0x674: {  	_ =	swait.ge [sflag:s14], $0x4000;
	(pc) =	sbr.rel @p0 .LBB2_4-.Ltmp7, $3  }
0x675: {  	v2 =	vld [tilespmem:$0x1FFF0];
	_ =	sdelay $0x1  }
0x676: {  	[sflag:s14] =	ssyncset.done $0x0  }
0x677: {  	v34 =	vld [tilespmem:$0x1FFA0];
	[sflag:s14] =	ssyncadd.s32 $0xFFFFC000  }
0x678: {  	s25 =	sadd.s32 $0x1, s25  }
0x679: {  	p0 =	sne.s32 s25, s12  }
.Ltmp8:
0x67a: {  	_ = 	snop;
	(pc) =	sbr.rel @p0 .LBB2_1-.Ltmp8, $1  }
0x67b: {  	_ =	sdelay $0x3  }
0x67c: {  	_ =	sfence.sel $0x180000  }
0x67d: {  	[bflag:$0x0] =	sbarrier.arrive $0xFFFF  }
0x67e: {  	_ =	strace $0x90000047  }
0x67f: {  	s0 =	stileid.u32;
	[bflag:$0x2] =	sbarrier.arrive $0xFFFF  }
0x680: {  	p0 =	sne.s32 s0, $0x0;
	s0 =	rddreg [dreg:$0x1]  }
0x681: {  	s0 =	sadd.s32 @!p0 $0x100000, s0  }
0x682: {  	[sflag:s0] =	ssyncadd.tile.s32 @!p0 $0x1;
	_ =	shalt  }
.Lfunc_end2:
_tile_overlayer_lowered:
.L_overlay_start_2:
0x683: {  	(tag) =	ssettag $0x2  }
0x684: {  	s0 =	rddreg [dreg:$0x0];
	s2 =	stileid.u32  }
0x685: {  	s1 =	rddreg [dreg:$0x1];
	p0 =	sne.s32 s2, $0x0  }
0x686: {  	s3 =	rddreg [dreg:$0x2];
	[bflag:$0x3] =	sbarrier.arrive $0xFFFF;
	s2 =	simm.s32 @!p0 $0x1C01  }
0x687: {  	[timem:s3], [sflag:s2] =	dma.local @!p0 [hbm:s0], s1  }
0x688: {  	s0 =	simm.s32 @!p0 $0x1  }
0x689: {  	_ =	swait.ge @!p0 [sflag:s0], s1  }
0x68a: {  	s1 =	ssub.s32 @!p0 $0x0, s1;
	[sflag:s0] =	ssyncset.done @!p0 $0x0  }
0x68b: {  	[sflag:s0] =	ssyncadd.s32 @!p0 s1  }
0x68c: {  	[bflag:$0x3] =	sbarrier.arrive $0xFFFF  }
0x68d: {  	_ =	shalt  }

// kernel: sparse-core-data-format-call.cloned.1.call-start
scs
called_computation_lowered:
.L_overlay_start_0:
0x0: {  	s2 =	sld [smem:$0x3FD9]  }
0x1: {  	s3 =	sld [smem:$0x3FFE];
	_ =	sdelay $0x1  }
0x2: {  	s1 =	srdreg.scid  }
0x3: {  	s0 =	sand.u32 $0x1, s1  }
0x4: {  	s18 =	sshll.u32 s0, $0xA;
	s2 =	sadd.s32 s3, s2  }
0x5: {  	s2 =	sadd.s32 s2, s18  }
0x6: {  	[smem:$0x3FC4] =	sst s2  }
0x7: {  	_ = 	snop  }
0x8: {  	s2 =	sld [smem:$0x3FD0];
	(tm) =	ssettm $0x1  }
0x9: {  	s19 =	sld [smem:$0x3FFB];
	_ =	sdelay $0x3  }
0xa: {  	_ =	strace s19  }
0xb: {  	s3 =	sld [smem:$0x3FFC];
	_ =	sdelay $0x3  }
0xc: {  	_ =	strace s3  }
0xd: {  	s3 =	sld [smem:$0x3FFD];
	_ =	sdelay $0x3  }
0xe: {  	_ =	strace s3  }
0xf: {  	_ =	strace $0x8FFFFFFF  }
0x10: {  	s20 =	sld [smem:$0x3FDB];
	_ =	sdelay $0x1  }
0x11: {  	s4 =	simm.s32 $_scs_section_size  }
0x12: {  	s5 =	simm.s32 $_size__tile_overlayer_lowered;
	s6 =	simm.s32 $_tile_overlayer_lowered  }
0x13: {  	s23 =	simm.s32 $0x1BFF;
	s22 =	sshll.u32 s6, $0x1;
	s3 =	sadd.s32 s4, s20  }
0x14: {  	s7 =	simm.s32 $0x0;
	s21 =	sshll.u32 s5, $0x1;
	s5 =	sadd.s32 s22, s3  }
0x15: {  	[timem:s7], [sflag:s23] =	dma.local [hbm:s5], s21  }
0x16: {  	_ =	swait.ge [sflag:s23], s21  }
0x17: {  	s4 =	ssub.s32 $0x0, s21;
	[sflag:s23] =	ssyncset.done $0x0  }
0x18: {  	[sflag:s23] =	ssyncadd.s32 s4;
	_ =	sdelay $0x1  }
0x19: {  	s24 =	simm.s32 $0x1B8B  }
0x1a: {  	_ =	swait.ge [sflag:s24], $0x1  }
0x1b: {  	[sflag:s24] =	ssyncset.done $0x0  }
0x1c: {  	s26 =	simm.s32 $0x1B8E;
	s25 =	sld [smem:$0x3FFE];
	[sflag:s24] =	ssyncadd.s32 $0xFFFFFFFF  }
0x1d: {  	s27 =	simm.s32 $execute0_lowered;
	[smem:$0x3FD2] =	sst s26  }
0x1e: {  	s5 =	sshll.u32 s27, $0x1;
	_ =	strace $0x80000049;
	[dreg:$0x1] =	wrdreg $0xFFFFFFFF  }
0x1f: {  	s28 =	simm.s32 $_size_execute0_lowered;
	s3 =	sadd.s32 s3, s5;
	[dreg:$0x0] =	wrdreg $0x0  }
0x20: {  	s5 =	sshll.u32 s28, $0x1;
	[dreg:$0x2] =	wrdreg s3  }
0x21: {  	[dreg:$0x3] =	wrdreg s5  }
0x22: {  	[dreg:$0x4] =	wrdreg $0xC0  }
0x23: {  	_ =	task [dreg:s7], $0x5FFFF  }
0x24: {  	[dreg:$0x1] =	wrdreg $0xFFFFFFFF  }
0x25: {  	[dreg:$0x0] =	wrdreg $0x60  }
0x26: {  	[dreg:$0x2] =	wrdreg s25  }
0x27: {  	[dreg:$0x3] =	wrdreg s2  }
0x28: {  	[dreg:$0x4] =	wrdreg $0x9  }
0x29: {  	_ =	task.clear_ibuf [dreg:s7], $0x5FFFF;
	_ =	strace $0x90000049  }
0x2a: {  	s29 =	simm.s32 $0x9;
	_ =	strace $0x8000004B  }
0x2b: {  	_ =	swait.ge [sflag:s29], $0x1  }
0x2c: {  	[sflag:s29] =	ssyncadd.s32 $0xFFFFFFFF  }
0x2d: {  	_ =	strace $0x9000004B  }
0x2e: {  	_ =	sfence  }
0x2f: {  	s30 =	sld [smem:$0x0];
	_ =	sdelay $0x2  }
0x30: {  	s31 =	sshll.u32 s1, $0xD;
	s1 =	sshrl.u32 s1, $0x2  }
0x31: {  	s3 =	sand.u32 $0x4000, s31;
	s1 =	sadd.s32 s1, s30  }
0x32: {  	s0 =	sor.u32 s3, s0;
	s1 =	sshll.u32 s1, $0x11  }
0x33: {  	s0 =	sor.u32 s1, s0  }
0x34: {  	s0 =	sadd.s32 $0x8F2B, s0  }
0x35: {  	[sflag:s0] =	ssyncadd.remote.s32 $0x1  }
0x36: {  	_ =	sfence.sel $0xFFFF  }
0x37: {  	[dreg:$0x0] =	wrdreg $0xFFFFFFFF;
	(pc) =	sbr.abs _section_cstart, $3  }
0x38: {  	[dreg:$0x1] =	wrdreg $0xFFFFFFFF  }
0x39: {  	_ =	task.clear_ibuf [dreg:s7], $0x2FFFF;
	_ =	strace $0x9FFFFFFF  }
0x3a: {  	(tm) =	ssettm $0x7FFFFFFF  }
0x3b: {  	_ =	shalt  }
tec
execute0_lowered:
.L_overlay_start_1:
0x0: {  	(tag) =	ssettag $0x1  }
0x1: {  	s0 =	srdreg.scid;
	s7 =	rddreg [dreg:$0x0]  }
0x2: {  	s2 =	rddreg [dreg:$0x1];
	s8 =	simm.s32 $0x1;
	s1 =	sshll.u32 s0, $0x4  }
0x3: {  	s9 =	simm.s32 $0x2;
	s0 =	stileid.u32;
	s1 =	sand.u32 $0x10, s1  }
0x4: {  	s13 =	simm.s32 $0x0;
	s14 =	simm.s32 $0x0;
	s1 =	sor.u32 s0, s1  }
0x5: {  	s11 =	simm.s32 $0x0;
	s12 =	simm.s32 $0x0;
	s3 =	sshll.u32 s1, $0x7  }
0x6: {  	s4 =	sadd.s32 $0x1000, s7;
	s7 =	sadd.s32 $0x2001000, s7;
	s6 =	ssub.s32 $0x200000, s3  }
.Ltmp0:
0x7: {  	s1 =	rddreg [dreg:$0x2];
	s5 =	sand.u32 $0xF80, s6;
	(pc) =	sbr.rel .LBB1_1-.Ltmp0, $4  }
0x8: {  	_ =	strace $0x8000004A;
	s10 =	smov.u32 s3;
	p0 =	sne.s32 s5, $0x0  }
0x9: {  	s6 =	sshrl.u32 s6, $0xC;
	s5 =	simm.s32 $0x1;
	s8 =	simm.s32 @!p0 $0x0  }
0xa: {  	[sflag:s5] =	ssyncpa.u1 $0x0;
	p0 =	por $0x0, $0x0;
	s6 =	sadd.s32 s8, s6  }
0xb: {  	[sflag:s9] =	ssyncpa.u1 $0x0;
	s9 =	simm.s32 $0x1000000;
	s8 =	sadd.s32 $0x1, s6  }
.LBB1_7:
0xc: {  	s15 =	sadd.s32 $0x1000, s10  }
0xd: {  	s13 =	sadd.s32 $0x2, s11;
	s17 =	smov.u32 s11;
	p2 =	sgt.s32 s15, $0x1FFFFF  }
0xe: {  	s17 =	smov.u32 @p2 s13  }
0xf: {  	s15 =	smov.u32 @p2 s3;
	p2 =	sgt.s32 s17, $0x1  }
0x10: {  	s17 =	simm.s32 @p2 $0x0;
	p2 =	sne.s32 s12, s8  }
.Ltmp1:
0x11: {  	p1 =	slt.u32 s12, $0x2;
	(pc) =	sbr.rel @!p2 .LBB1_8-.Ltmp1, $4  }
0x12: {  	s16 =	simm.s32 @!p1 $0x2  }
0x13: {  	s14 =	smov.u32 s11;
	p0 =	por !p0, !p0;
	_ =	swait.ge @!p1 [sflag:s16], $0x1000  }
0x14: {  	s13 =	smov.u32 s10;
	[sflag:s16] =	ssyncset.done @!p1 $0x0;
	s10 =	smov.u32 s15  }
0x15: {  	s12 =	sadd.s32 $0x1, s12;
	[sflag:s16] =	ssyncadd.s32 @!p1 $0xFFFFF000;
	s11 =	smov.u32 s17  }
.LBB1_1:
0x16: {  	p1 =	sge.u32 s12, s6  }
0x17: {  	s15 =	sxor.u32 @!p1 $0xFFFFFFFF, s12;
	s16 =	sshll.u32 @!p1 s11, $0x19  }
0x18: {  	s17 =	sshll.u32 @!p1 s10, $0x4;
	s19 =	simm.s32 @!p1 $0x10;
	s20 =	simm.s32 @!p1 $0x80  }
0x19: {  	s15 =	sshll.u32 @!p1 s15, $0xC;
	s17 =	sand.u32 @!p1 $0x1FFFFF0, s17;
	s18 =	sadd.s32 @!p1 s4, s16  }
0x1a: {  	s16 =	sadd.s32 @!p1 s16, s7;
	s15 =	sand.u32 @!p1 $0x1000, s15;
	s18 =	sadd.s32 @!p1 s17, s18  }
0x1b: {  	[tilespmem:s15], [sflag:$0x1] =	stream.strided.gather @!p1 [hbm4b:s18+s19], $0x800, s20, s19, $0x38;
	[tilespmem:$0x4040] =	vst v63  }
0x1c: {  	s31 =	sadd.s32 $0xFFFFFFFF, s12;
	s16 =	sadd.s32 @!p1 s17, s16;
	s15 =	sor.u32 @!p1 $0x800, s15  }
0x1d: {  	[tilespmem:s15], [sflag:$0x1] =	stream.strided.gather @!p1 [hbm4b:s16+s19], $0x800, s20, s19, $0x38;
	[tilespmem:$0x4040] =	vst v63  }
0x1e: {  	p1 =	sge.u32 s31, s6  }
.Ltmp2:
0x1f: {  	_ = 	snop;
	(pc) =	sbr.rel @p1 .LBB1_7-.Ltmp2, $1  }
0x20: {  	_ =	sdelay $0x3  }
0x21: {  	s15 =	simm.s32 $0x1;
	s17 =	sand.u32 $0x1, s12  }
0x22: {  	_ =	swait.ge [sflag:s5], $0x1000;
	s15 =	simm.s32 @!p0 $0x0;
	s17 =	smul.u32 $0x4080, s17  }
0x23: {  	p2 =	por $0x1, $0x1;
	[sflag:s5] =	ssyncset.done $0x0;
	s16 =	smul.u32 $0x4080, s15  }
0x24: {  	s18 =	sshll.u32 s15, $0xE;
	[sflag:s5] =	ssyncadd.s32 $0xFFFFF000;
	s30 =	sshrl.u32 s17, $0x2  }
0x25: {  	s31 =	sshrl.u32 s18, $0x2;
	s18 =	simm.s32 $0x0;
	s16 =	sshrl.u32 s16, $0x2  }
0x26: {  	s15 =	sor.u32 $0x2000, s30;
	s17 =	sadd.s32 $0x40, s31;
	s16 =	sadd.s32 $0x2007, s16  }
.LBB1_3:
0x27: {  	s19 =	sshll.u32 s18, $0xB  }
0x28: {  	s19 =	sand.u32 $0x3FFFF800, s19  }
0x29: {  	s20 =	sadd.s32 s19, s17  }
0x2a: {  	v3 =	vld [tilespmem:s20+$0x30]  }
0x2b: {  	s31 =	smul.u32 $0x2040, s18;
	v4 =	vld [tilespmem:s20+$0xFFFFFFD0]  }
0x2c: {  	v5 =	vld [tilespmem:s20+$0xFFFFFFE0]  }
0x2d: {  	s18 =	sshra.s32 s31, $0x2;
	v0 =	vld [tilespmem:s20+$0xFFFFFFF0]  }
0x2e: {  	s18 =	sadd.s32 s18, s16;
	v1 =	vld [tilespmem:s20+$0x0]  }
0x2f: {  	v2 =	vld [tilespmem:s20+$0x10];
	[tilespmem:s18+$0x0 ss:$0x81] =	vst.msk $0xffff, v3  }
0x30: {  	[tilespmem:s18+$0xFFFFFFFA ss:$0x81] =	vst.msk $0xffff, v4;
	v3 =	vld [tilespmem:s20+$0x20]  }
0x31: {  	p1 =	por p2, p2;
	s19 =	simm.s32 $0x0;
	v4 =	vld [tilespmem:s20+$0xFFFFFFC0];
	[tilespmem:s18+$0xFFFFFFFB ss:$0x81] =	vst.msk $0xffff, v5;
	s20 =	sadd.s32 $0x80, s20  }
.LBB1_4:
0x32: {  	v5 =	vld [tilespmem:s20+$0x30];
	s19 =	sadd.s32 $0x8, s19;
	[tilespmem:s18+$0xFFFFFFFC ss:$0x81] =	vst.msk $0xffff, v0  }
0x33: {  	v6 =	vld [tilespmem:s20+$0xFFFFFFD0];
	p2 =	slt.u32 s19, $0x78;
	[tilespmem:s18+$0xFFFFFFFD ss:$0x81] =	vst.msk $0xffff, v1  }
0x34: {  	v7 =	vld [tilespmem:s20+$0xFFFFFFE0];
	[tilespmem:s18+$0xFFFFFFFE ss:$0x81] =	vst.msk $0xffff, v2  }
.Ltmp3:
0x35: {  	v0 =	vld [tilespmem:s20+$0xFFFFFFF0];
	[tilespmem:s18+$0xFFFFFFFF ss:$0x81] =	vst.msk $0xffff, v3;
	(pc) =	sbr.rel @p2 .LBB1_4-.Ltmp3, $4  }
0x36: {  	v1 =	vld [tilespmem:s20+$0x0];
	[tilespmem:s18+$0xFFFFFFF9 ss:$0x81] =	vst.msk $0xffff, v4;
	s18 =	sadd.s32 $0x8, s18  }
0x37: {  	v2 =	vld [tilespmem:s20+$0x10];
	[tilespmem:s18+$0x0 ss:$0x81] =	vst.msk $0xffff, v5  }
0x38: {  	[tilespmem:s18+$0xFFFFFFFA ss:$0x81] =	vst.msk $0xffff, v6;
	v3 =	vld [tilespmem:s20+$0x20]  }
0x39: {  	v4 =	vld [tilespmem:s20+$0xFFFFFFC0];
	[tilespmem:s18+$0xFFFFFFFB ss:$0x81] =	vst.msk $0xffff, v7;
	s20 =	sadd.s32 $0x80, s20  }
.Ltmp4:
0x3a: {  	[tilespmem:s18+$0xFFFFFFFC ss:$0x81] =	vst.msk $0xffff, v0;
	(pc) =	sbr.rel @p1 .LBB1_3-.Ltmp4, $4  }
0x3b: {  	[tilespmem:s18+$0xFFFFFFFD ss:$0x81] =	vst.msk $0xffff, v1  }
0x3c: {  	[tilespmem:s18+$0xFFFFFFFE ss:$0x81] =	vst.msk $0xffff, v2  }
0x3d: {  	[tilespmem:s18+$0xFFFFFFFF ss:$0x81] =	vst.msk $0xffff, v3  }
0x3e: {  	p2 =	por $0x0, $0x0;
	[tilespmem:s18+$0xFFFFFFF9 ss:$0x81] =	vst.msk $0xffff, v4;
	s18 =	simm.s32 $0x1  }
0x3f: {  	s16 =	sshll.u32 s13, $0x3;
	s17 =	sand.u32 $0x78, s13;
	s14 =	sshll.u32 s14, $0x16  }
.Ltmp5:
0x40: {  	s30 =	sand.u32 $0x3C0000, s13;
	s16 =	sand.u32 $0x1FFC00, s16;
	(pc) =	sbr.rel .LBB1_7-.Ltmp5, $4  }
0x41: {  	s31 =	sand.u32 $0x7, s13;
	s14 =	sadd.s32 s2, s14;
	s16 =	sor.u32 s17, s16  }
0x42: {  	s13 =	sshll.u32 s31, $0x12;
	s14 =	sadd.s32 s30, s14;
	s16 =	sshrl.u32 s16, $0x3  }
0x43: {  	s13 =	sor.u32 $0x400, s13;
	s14 =	sadd.s32 s16, s14  }
0x44: {  	[hbm4b:s14+s13] =	stream.strided.scatter [tilespmem:s15], [sflag:$0x2], $0x1000, s9, s13, $0x20;
	[tilespmem:$0x4040] =	vst v63  }
.LBB1_8:
0x45: {  	_ =	sfence.sel $0x180000  }
0x46: {  	s2 =	simm.s32 $0x1;
	[bflag:$0x0] =	sbarrier.arrive $0xFFFF  }
0x47: {  	s31 =	simm.s32 $0x2;
	[sflag:s2] =	ssyncpa.u1 $0x1  }
0x48: {  	[sflag:s31] =	ssyncpa.u1 $0x1  }
0x49: {  	p0 =	sne.s32 s0, $0x0;
	_ =	strace $0x9000004A  }
0x4a: {  	s0 =	sadd.s32 @!p0 $0x100000, s1;
	[bflag:$0x2] =	sbarrier.arrive $0xFFFF  }
0x4b: {  	[sflag:s0] =	ssyncadd.tile.s32 @!p0 $0x1;
	_ =	shalt  }
.Lfunc_end1:
_tile_overlayer_lowered:
.L_overlay_start_2:
0x4c: {  	(tag) =	ssettag $0x2  }
0x4d: {  	s0 =	rddreg [dreg:$0x0];
	s2 =	stileid.u32  }
0x4e: {  	s1 =	rddreg [dreg:$0x1];
	p0 =	sne.s32 s2, $0x0  }
0x4f: {  	s3 =	rddreg [dreg:$0x2];
	[bflag:$0x3] =	sbarrier.arrive $0xFFFF;
	s2 =	simm.s32 @!p0 $0x1C01  }
0x50: {  	[timem:s3], [sflag:s2] =	dma.local @!p0 [hbm:s0], s1  }
0x51: {  	s0 =	simm.s32 @!p0 $0x1  }
0x52: {  	_ =	swait.ge @!p0 [sflag:s0], s1  }
0x53: {  	s1 =	ssub.s32 @!p0 $0x0, s1;
	[sflag:s0] =	ssyncset.done @!p0 $0x0  }
0x54: {  	[sflag:s0] =	ssyncadd.s32 @!p0 s1  }
0x55: {  	[bflag:$0x3] =	sbarrier.arrive $0xFFFF  }
0x56: {  	_ =	shalt  }

</sc_bundles>
